<compile_context>
chip_gen: v7x
topology: tpu7x:2x2x1
jax: 0.10.2.dev20260603
libtpu: 0.0.44.dev20260713+nightly
codegen_flags: <defaults>
</compile_context>

<pallas_src>
import dataclasses

import jax
import jax.numpy as jnp
from jax import lax
from jax.experimental import pallas as pl
from jax.experimental.pallas import tpu as pltpu
from jax.experimental.pallas import tpu_sc as plsc

N = 320000
D = 128
L = 16
NW = 32
ROWS_PER_W = N // NW
CHUNK = 128
NCH_MAX = (ROWS_PER_W + CHUNK - 1) // CHUNK
SBLK = 400
SFLT = SBLK * 4
NSB = ROWS_PER_W // SBLK
GRP_PER_SB = SBLK // L


def _compiler_params():
    cp = pltpu.CompilerParams()
    if "needs_layout_passes" in pltpu.CompilerParams.__dataclass_fields__:
        cp = dataclasses.replace(cp, needs_layout_passes=False)
    return cp


def _sc_mask_rows(score_flat, y):
    mesh = plsc.VectorSubcoreMesh(core_axis_name="core", subcore_axis_name="subcore")

    @pl.kernel(
        out_type=jax.ShapeDtypeStruct((N, D), jnp.float32),
        mesh=mesh,
        scratch_types=[
            pltpu.VMEM((NCH_MAX, CHUNK), jnp.int32),
            pltpu.VMEM((NCH_MAX, CHUNK), jnp.int32),
            pltpu.VMEM((CHUNK, D), jnp.float32),
            pltpu.VMEM((CHUNK, D), jnp.float32),
            pltpu.VMEM((CHUNK, D), jnp.float32),
            pltpu.VMEM((SFLT,), jnp.float32),
            pltpu.VMEM((SFLT,), jnp.float32),
            pltpu.SemaphoreType.DMA,
            pltpu.SemaphoreType.DMA,
            pltpu.SemaphoreType.DMA,
            pltpu.SemaphoreType.DMA,
            pltpu.SemaphoreType.DMA,
            pltpu.SemaphoreType.DMA,
            pltpu.SemaphoreType.DMA,
        ],
        compiler_params=_compiler_params(),
    )
    def sc_kernel(
        score_hbm, y_hbm, o_hbm,
        kidx, didx, gb0, gb1, zbuf, sb0, sb1,
        gs0, gs1, ss0, ss1, zsem, si0, si1,
    ):
        wid = lax.axis_index("subcore") * 2 + lax.axis_index("core")
        base = wid * ROWS_PER_W
        sfbase = base * 4
        iota = lax.iota(jnp.int32, L)
        iota4 = iota * 4
        zero_v = jnp.zeros((L,), jnp.float32)

        @pl.loop(0, CHUNK)
        def _(r):
            for c in range(D // L):
                zbuf[r, pl.ds(c * L, L)] = zero_v

        sbufs = (sb0, sb1)
        sins = (si0, si1)

        def start_sin(i, b):
            cp = pltpu.make_async_copy(
                score_hbm.at[pl.ds(sfbase + i * SFLT, SFLT)], sbufs[b], sins[b]
            )
            cp.start()
            return cp

        pending = [start_sin(0, 0), None]
        nk = jnp.zeros((L,), jnp.int32)
        nd = jnp.zeros((L,), jnp.int32)
        for i in range(NSB):
            b = i % 2
            nb = (i + 1) % 2
            if i + 1 < NSB:
                pending[nb] = start_sin(i + 1, nb)
            pending[b].wait()
            sbuf = sbufs[b]
            row0 = base + i * SBLK

            def grp_body(g, carry, sbuf=sbuf, row0=row0):
                nk, nd = carry
                gbase = jnp.full((L,), g * (L * 4), jnp.int32) + iota4
                c0 = plsc.load_gather(sbuf, [gbase])
                c1 = plsc.load_gather(sbuf, [gbase + 1])
                c2 = plsc.load_gather(sbuf, [gbase + 2])
                c3 = plsc.load_gather(sbuf, [gbase + 3])
                ss = c0 * c0 + c1 * c1 + c2 * c2 + c3 * c3
                keep = ss >= 4.0
                drop = jnp.logical_not(keep)
                rowg = jnp.full((L,), row0, jnp.int32) + g * L + iota
                kpos = nk + plsc.cumsum(keep.astype(jnp.int32)) - 1
                plsc.store_scatter(
                    kidx, [kpos >> 7, kpos & 127], rowg, mask=keep
                )
                dpos = nd + plsc.cumsum(drop.astype(jnp.int32)) - 1
                plsc.store_scatter(
                    didx, [dpos >> 7, dpos & 127], rowg, mask=drop
                )
                nk = nk + plsc.all_reduce_population_count(keep)
                nd = nd + plsc.all_reduce_population_count(drop)
                return (nk, nd)

            nk, nd = lax.fori_loop(0, GRP_PER_SB, grp_body, (nk, nd))

        nk_s = jnp.max(nk)
        nd_s = jnp.max(nd)
        nchk = lax.shift_right_logical(nk_s + (CHUNK - 1), 7)
        nchd = lax.shift_right_logical(nd_s + (CHUNK - 1), 7)
        zi = jnp.zeros((L,), jnp.int32)
        k0 = plsc.load_gather(kidx, [zi, zi])
        d0 = plsc.load_gather(didx, [zi, zi])
        kend = lax.shift_left(nchk, 7)
        dend = lax.shift_left(nchd, 7)
        for t in range(CHUNK // L):
            kposs = nk + iota + t * L
            plsc.store_scatter(
                kidx, [kposs >> 7, kposs & 127], k0, mask=kposs < kend
            )
            dposs = nd + iota + t * L
            plsc.store_scatter(
                didx, [dposs >> 7, dposs & 127], d0, mask=dposs < dend
            )

        def zfire(i, c):
            pltpu.make_async_copy(zbuf, o_hbm.at[didx.at[i]], zsem).start()
            return c

        lax.fori_loop(0, nchd, zfire, 0)

        gbufs = (gb0, gb1)
        gsems = (gs0, gs1)
        ssems = (ss0, ss1)

        def g_copy(i, b):
            return pltpu.make_async_copy(y_hbm.at[kidx.at[i]], gbufs[b], gsems[b])

        def s_copy(i, b):
            return pltpu.make_async_copy(gbufs[b], o_hbm.at[kidx.at[i]], ssems[b])

        @pl.when(nchk >= 1)
        def _():
            g_copy(0, 0).start()

        def b_body(i, c):
            @pl.when(i + 1 < nchk)
            def _():
                @pl.when(i % 2 == 0)
                def _():
                    @pl.when(i >= 1)
                    def _():
                        s_copy(i - 1, 1).wait()

                    g_copy(i + 1, 1).start()

                @pl.when(i % 2 == 1)
                def _():
                    s_copy(i - 1, 0).wait()
                    g_copy(i + 1, 0).start()

            @pl.when(i % 2 == 0)
            def _():
                g_copy(i, 0).wait()
                s_copy(i, 0).start()

            @pl.when(i % 2 == 1)
            def _():
                g_copy(i, 1).wait()
                s_copy(i, 1).start()

            return c

        lax.fori_loop(0, nchk, b_body, 0)

        @pl.when(nchk >= 2)
        def _():
            @pl.when(nchk % 2 == 0)
            def _():
                s_copy(nchk - 2, 0).wait()

            @pl.when(nchk % 2 == 1)
            def _():
                s_copy(nchk - 2, 1).wait()

        @pl.when(nchk >= 1)
        def _():
            @pl.when(nchk % 2 == 1)
            def _():
                s_copy(nchk - 1, 0).wait()

            @pl.when(nchk % 2 == 0)
            def _():
                s_copy(nchk - 1, 1).wait()

        def zdrain(i, c):
            pltpu.make_async_copy(zbuf, o_hbm.at[didx.at[0]], zsem).wait()
            return c

        lax.fori_loop(0, nchd, zdrain, 0)

    return sc_kernel(score_flat, y)


def kernel(edge_index, score, y):
    del edge_index
    score_flat = score.reshape(N * 4)
    return _sc_mask_rows(score_flat, y)

# --- scband reference (transcript-rebuilt; emitter-appended) ---
"""Pipeline reference for scband-dynamic-connection-69475390980550 (READ-ONLY COPY).

The authoritative reference and input builder live on the scoring server;
editing this copy changes nothing except your own understanding.
"""

import jax, jax.numpy as jnp
import numpy as np

THRESHOLD = 2.0
T = 1.0

def setup_inputs(seed: int = 0) -> dict:
    key = jax.random.key(seed)
    k1, k2, k3 = jax.random.split(key, 3)
    edge_index = jax.random.randint(k1, (2, 320000), 0, 10000, dtype=jnp.int64)
    score = jax.random.normal(k2, (320000, 4), dtype=jnp.float32)
    y = jax.random.normal(k3, (320000, 128), dtype=jnp.float32)
    return {"edge_index": edge_index, "score": score, "y": y}

def reference(edge_index, score, y):
    # DGL filter_edges(edge_norm_lt_th) + remove_edges: edges whose
    # norm(score)/T < threshold are dropped. To keep static shapes we
    # materialize the keep-mask and zero out dropped edges' features
    # (kept edges carry identical values to the original gather).
    norm = jnp.linalg.norm(score, axis=-1)
    keep_mask = (norm / T) >= THRESHOLD  # complement of edge_norm_lt_th
    y_out = jnp.where(keep_mask[:, None], y, jnp.zeros_like(y))
    return y_out

if __name__ == "__main__":
    import jax
    _d = setup_inputs()
    print(jax.jit(kernel)(*tuple(_d.values())))

</pallas_src>

<mosaic_0001>
#map = affine_map<(d0, d1) -> (0)>
#map1 = affine_map<(d0, d1) -> (0, 0)>
module attributes {stable_mosaic.version = 14 : i64} {
  func.func @sc_kernel(%arg0: i32, %arg1: i32, %arg2: memref<1280000xf32, #tpu.memory_space<hbm>>, %arg3: memref<320000x128xf32, #tpu.memory_space<hbm>>, %arg4: memref<320000x128xf32, #tpu.memory_space<hbm>>, %arg5: memref<79x128xi32, #tpu.memory_space<vmem>>, %arg6: memref<79x128xi32, #tpu.memory_space<vmem>>, %arg7: memref<128x128xf32, #tpu.memory_space<vmem>>, %arg8: memref<128x128xf32, #tpu.memory_space<vmem>>, %arg9: memref<128x128xf32, #tpu.memory_space<vmem>>, %arg10: memref<1600xf32, #tpu.memory_space<vmem>>, %arg11: memref<1600xf32, #tpu.memory_space<vmem>>, %arg12: memref<!tpu.dma_semaphore, #tpu.memory_space<semaphore_mem>>, %arg13: memref<!tpu.dma_semaphore, #tpu.memory_space<semaphore_mem>>, %arg14: memref<!tpu.dma_semaphore, #tpu.memory_space<semaphore_mem>>, %arg15: memref<!tpu.dma_semaphore, #tpu.memory_space<semaphore_mem>>, %arg16: memref<!tpu.dma_semaphore, #tpu.memory_space<semaphore_mem>>, %arg17: memref<!tpu.dma_semaphore, #tpu.memory_space<semaphore_mem>>, %arg18: memref<!tpu.dma_semaphore, #tpu.memory_space<semaphore_mem>>) attributes {dimension_semantics = [#tpu.dimension_semantics<core_parallel>, #tpu.dimension_semantics<subcore_parallel>], iteration_bounds = array<i64: 2, 16>, scalar_prefetch = 0 : i64, scratch_operands = 14 : i64, tpu.core_type = #tpu.core_type<sc_vector_subcore>, window_params = [{transform_indices = #map}, {transform_indices = #map1}, {transform_indices = #map1}]} {
    %mul3A = arith.constant 2 : i32
    %mul3A_0 = arith.muli %arg1, %mul3A : i32
    %add3A = arith.addi %mul3A_0, %arg0 : i32
    %mul3A_1 = arith.constant 10000 : i32
    %mul3A_2 = arith.muli %add3A, %mul3A_1 : i32
    %mul3A_3 = arith.constant 4 : i32
    %mul3A_4 = arith.muli %mul3A_2, %mul3A_3 : i32
    %iota3A = tpu.iota {dimensions = array<i32: 0>} : vector<16xi32>
    %mul3A_5 = arith.constant 4 : i32
    %mul3A_6 = vector.broadcast %mul3A_5 : i32 to vector<16xi32>
    %mul3A_7 = arith.muli %iota3A, %mul3A_6 : vector<16xi32>
    %broadcast_in_dim3A = arith.constant 0.000000e+00 : f32
    %broadcast_in_dim3A_8 = vector.broadcast %broadcast_in_dim3A : f32 to vector<16xf32>
    %scan3A = arith.constant 0 : i32
    %scan3A_9 = arith.constant 128 : i32
    %scan3A_10 = arith.addi %scan3A, %scan3A_9 : i32
    %scan3A_11 = arith.constant 1 : i32
    scf.for %scan3A_623 = %scan3A to %scan3A_10 step %scan3A_11  : i32 {
      %mul3A_624 = arith.constant 1 : i32
      %mul3A_625 = arith.muli %scan3A_623, %mul3A_624 : i32
      %add3A_626 = arith.constant 0 : i32
      %add3A_627 = arith.addi %add3A_626, %mul3A_625 : i32
      %swap3A = arith.index_cast %add3A_627 : i32 to index
      %swap3A_628 = arith.constant 0 : index
      %swap3A_629 = tpu.vector_load %arg9[%swap3A, %swap3A_628] {strides = array<i32>} : memref<128x128xf32, #tpu.memory_space<vmem>>, vector<16xf32>,
      tpu.vector_store %arg9[%swap3A, %swap3A_628], %broadcast_in_dim3A_8 {strides = array<i32>} : memref<128x128xf32, #tpu.memory_space<vmem>>, vector<16xf32>,
      %swap3A_630 = arith.index_cast %add3A_627 : i32 to index
      %swap3A_631 = arith.constant 16 : index
      %swap3A_632 = tpu.vector_load %arg9[%swap3A_630, %swap3A_631] {strides = array<i32>} : memref<128x128xf32, #tpu.memory_space<vmem>>, vector<16xf32>,
      tpu.vector_store %arg9[%swap3A_630, %swap3A_631], %broadcast_in_dim3A_8 {strides = array<i32>} : memref<128x128xf32, #tpu.memory_space<vmem>>, vector<16xf32>,
      %swap3A_633 = arith.index_cast %add3A_627 : i32 to index
      %swap3A_634 = arith.constant 32 : index
      %swap3A_635 = tpu.vector_load %arg9[%swap3A_633, %swap3A_634] {strides = array<i32>} : memref<128x128xf32, #tpu.memory_space<vmem>>, vector<16xf32>,
      tpu.vector_store %arg9[%swap3A_633, %swap3A_634], %broadcast_in_dim3A_8 {strides = array<i32>} : memref<128x128xf32, #tpu.memory_space<vmem>>, vector<16xf32>,
      %swap3A_636 = arith.index_cast %add3A_627 : i32 to index
      %swap3A_637 = arith.constant 48 : index
      %swap3A_638 = tpu.vector_load %arg9[%swap3A_636, %swap3A_637] {strides = array<i32>} : memref<128x128xf32, #tpu.memory_space<vmem>>, vector<16xf32>,
      tpu.vector_store %arg9[%swap3A_636, %swap3A_637], %broadcast_in_dim3A_8 {strides = array<i32>} : memref<128x128xf32, #tpu.memory_space<vmem>>, vector<16xf32>,
      %swap3A_639 = arith.index_cast %add3A_627 : i32 to index
      %swap3A_640 = arith.constant 64 : index
      %swap3A_641 = tpu.vector_load %arg9[%swap3A_639, %swap3A_640] {strides = array<i32>} : memref<128x128xf32, #tpu.memory_space<vmem>>, vector<16xf32>,
      tpu.vector_store %arg9[%swap3A_639, %swap3A_640], %broadcast_in_dim3A_8 {strides = array<i32>} : memref<128x128xf32, #tpu.memory_space<vmem>>, vector<16xf32>,
      %swap3A_642 = arith.index_cast %add3A_627 : i32 to index
      %swap3A_643 = arith.constant 80 : index
      %swap3A_644 = tpu.vector_load %arg9[%swap3A_642, %swap3A_643] {strides = array<i32>} : memref<128x128xf32, #tpu.memory_space<vmem>>, vector<16xf32>,
      tpu.vector_store %arg9[%swap3A_642, %swap3A_643], %broadcast_in_dim3A_8 {strides = array<i32>} : memref<128x128xf32, #tpu.memory_space<vmem>>, vector<16xf32>,
      %swap3A_645 = arith.index_cast %add3A_627 : i32 to index
      %swap3A_646 = arith.constant 96 : index
      %swap3A_647 = tpu.vector_load %arg9[%swap3A_645, %swap3A_646] {strides = array<i32>} : memref<128x128xf32, #tpu.memory_space<vmem>>, vector<16xf32>,
      tpu.vector_store %arg9[%swap3A_645, %swap3A_646], %broadcast_in_dim3A_8 {strides = array<i32>} : memref<128x128xf32, #tpu.memory_space<vmem>>, vector<16xf32>,
      %swap3A_648 = arith.index_cast %add3A_627 : i32 to index
      %swap3A_649 = arith.constant 112 : index
      %swap3A_650 = tpu.vector_load %arg9[%swap3A_648, %swap3A_649] {strides = array<i32>} : memref<128x128xf32, #tpu.memory_space<vmem>>, vector<16xf32>,
      tpu.vector_store %arg9[%swap3A_648, %swap3A_649], %broadcast_in_dim3A_8 {strides = array<i32>} : memref<128x128xf32, #tpu.memory_space<vmem>>, vector<16xf32>,
    }
    %scan3A_12 = arith.constant 128 : i32
    %add3A_13 = arith.constant 0 : i32
    %add3A_14 = arith.addi %mul3A_4, %add3A_13 : i32
    %dma_start3A = tpu.memref_slice %arg2[%add3A_14] : memref<1280000xf32, #tpu.memory_space<hbm>> -> memref<1600xf32, #tpu.memory_space<hbm>>
    %dma_start3A_15 = tpu.memref_slice %arg2[%add3A_14] : memref<1280000xf32, #tpu.memory_space<hbm>> -> memref<1600xf32, #tpu.memory_space<hbm>>
    tpu.enqueue_dma source(%dma_start3A_15 : memref<1600xf32, #tpu.memory_space<hbm>>) target(%arg10 : memref<1600xf32, #tpu.memory_space<vmem>>) target_semaphore(%arg17 : memref<!tpu.dma_semaphore, #tpu.memory_space<semaphore_mem>>)
    %broadcast_in_dim3A_16 = arith.constant 0 : i32
    %broadcast_in_dim3A_17 = vector.broadcast %broadcast_in_dim3A_16 : i32 to vector<16xi32>
    %broadcast_in_dim3A_18 = arith.constant 0 : i32
    %broadcast_in_dim3A_19 = vector.broadcast %broadcast_in_dim3A_18 : i32 to vector<16xi32>
    %add3A_20 = arith.constant 1600 : i32
    %add3A_21 = arith.addi %mul3A_4, %add3A_20 : i32
    %dma_start3A_22 = tpu.memref_slice %arg2[%add3A_21] : memref<1280000xf32, #tpu.memory_space<hbm>> -> memref<1600xf32, #tpu.memory_space<hbm>>
    %dma_start3A_23 = tpu.memref_slice %arg2[%add3A_21] : memref<1280000xf32, #tpu.memory_space<hbm>> -> memref<1600xf32, #tpu.memory_space<hbm>>
    tpu.enqueue_dma source(%dma_start3A_23 : memref<1600xf32, #tpu.memory_space<hbm>>) target(%arg11 : memref<1600xf32, #tpu.memory_space<vmem>>) target_semaphore(%arg18 : memref<!tpu.dma_semaphore, #tpu.memory_space<semaphore_mem>>)
    %dma_wait3A = tpu.memref_slice %arg2[%add3A_14] : memref<1280000xf32, #tpu.memory_space<hbm>> -> memref<1600xf32, #tpu.memory_space<hbm>>
    %dma_wait3A_24 = tpu.memref_slice %arg2[%add3A_14] : memref<1280000xf32, #tpu.memory_space<hbm>> -> memref<1600xf32, #tpu.memory_space<hbm>>
    tpu.wait_dma2 semaphore(%arg17 : memref<!tpu.dma_semaphore, #tpu.memory_space<semaphore_mem>>) src(%dma_wait3A_24 : memref<1600xf32, #tpu.memory_space<hbm>>) dst(%arg10 : memref<1600xf32, #tpu.memory_space<vmem>>)
    %add3A_25 = arith.constant 0 : i32
    %add3A_26 = arith.addi %mul3A_2, %add3A_25 : i32
    %scan3A_27 = arith.constant 0 : i32
    %scan3A_28 = arith.constant 25 : i32
    %scan3A_29 = arith.addi %scan3A_27, %scan3A_28 : i32
    %scan3A_30 = arith.constant 1 : i32
    %scan3A_31:2 = scf.for %scan3A_623 = %scan3A_27 to %scan3A_29 step %scan3A_30 iter_args(%scan3A_624 = %broadcast_in_dim3A_17, %scan3A_625 = %broadcast_in_dim3A_19) -> (vector<16xi32>, vector<16xi32>)  : i32 {
      %mul3A_626 = arith.constant 64 : i32
      %mul3A_627 = arith.muli %scan3A_623, %mul3A_626 : i32
      %broadcast_in_dim3A_628 = vector.broadcast %mul3A_627 : i32 to vector<16xi32>
      %add3A_629 = arith.addi %broadcast_in_dim3A_628, %mul3A_7 : vector<16xi32>
      %gather3A_630 = tpu.vector_load_idx %arg10[%add3A_629] : memref<1600xf32, #tpu.memory_space<vmem>>[vector<16xi32>], vector<16xf32>,
      %add3A_631 = arith.constant 1 : i32
      %add3A_632 = vector.broadcast %add3A_631 : i32 to vector<16xi32>
      %add3A_633 = arith.addi %add3A_629, %add3A_632 : vector<16xi32>
      %gather3A_634 = tpu.vector_load_idx %arg10[%add3A_633] : memref<1600xf32, #tpu.memory_space<vmem>>[vector<16xi32>], vector<16xf32>,
      %add3A_635 = arith.constant 2 : i32
      %add3A_636 = vector.broadcast %add3A_635 : i32 to vector<16xi32>
      %add3A_637 = arith.addi %add3A_629, %add3A_636 : vector<16xi32>
      %gather3A_638 = tpu.vector_load_idx %arg10[%add3A_637] : memref<1600xf32, #tpu.memory_space<vmem>>[vector<16xi32>], vector<16xf32>,
      %add3A_639 = arith.constant 3 : i32
      %add3A_640 = vector.broadcast %add3A_639 : i32 to vector<16xi32>
      %add3A_641 = arith.addi %add3A_629, %add3A_640 : vector<16xi32>
      %gather3A_642 = tpu.vector_load_idx %arg10[%add3A_641] : memref<1600xf32, #tpu.memory_space<vmem>>[vector<16xi32>], vector<16xf32>,
      %mul3A_643 = arith.mulf %gather3A_630, %gather3A_630 : vector<16xf32>
      %mul3A_644 = arith.mulf %gather3A_634, %gather3A_634 : vector<16xf32>
      %add3A_645 = arith.addf %mul3A_643, %mul3A_644 : vector<16xf32>
      %mul3A_646 = arith.mulf %gather3A_638, %gather3A_638 : vector<16xf32>
      %add3A_647 = arith.addf %add3A_645, %mul3A_646 : vector<16xf32>
      %mul3A_648 = arith.mulf %gather3A_642, %gather3A_642 : vector<16xf32>
      %add3A_649 = arith.addf %add3A_647, %mul3A_648 : vector<16xf32>
      %ge3A_650 = arith.constant 4.000000e+00 : f32
      %ge3A_651 = vector.broadcast %ge3A_650 : f32 to vector<16xf32>
      %ge3A_652 = arith.cmpf oge, %add3A_649, %ge3A_651 : vector<16xf32>
      %not3A = arith.constant dense<true> : vector<16xi1>
      %not3A_653 = arith.xori %ge3A_652, %not3A : vector<16xi1>
      %broadcast_in_dim3A_654 = vector.broadcast %add3A_26 : i32 to vector<16xi32>
      %mul3A_655 = arith.constant 16 : i32
      %mul3A_656 = arith.muli %scan3A_623, %mul3A_655 : i32
      %add3A_657 = vector.broadcast %mul3A_656 : i32 to vector<16xi32>
      %add3A_658 = arith.addi %broadcast_in_dim3A_654, %add3A_657 : vector<16xi32>
      %add3A_659 = arith.addi %add3A_658, %iota3A : vector<16xi32>
      %convert_element_type3A_660 = arith.extui %ge3A_652 : vector<16xi1> to vector<16xi32>
      %broadcast_in_dim3A_661 = arith.constant true
      %broadcast_in_dim3A_662 = vector.broadcast %broadcast_in_dim3A_661 : i1 to vector<16xi1>
      %masked_cumsum3A = tpu.scan <sum>, %convert_element_type3A_660 masked %broadcast_in_dim3A_662 : vector<16xi32>, vector<16xi1> -> vector<16xi32>
      %add3A_663 = arith.addi %scan3A_624, %masked_cumsum3A : vector<16xi32>
      %sub3A = arith.constant 1 : i32
      %sub3A_664 = vector.broadcast %sub3A : i32 to vector<16xi32>
      %sub3A_665 = arith.subi %add3A_663, %sub3A_664 : vector<16xi32>
      %shift_right_arithmetic3A_666 = arith.constant 7 : i32
      %shift_right_arithmetic3A_667 = vector.broadcast %shift_right_arithmetic3A_666 : i32 to vector<16xi32>
      %shift_right_arithmetic3A_668 = arith.shrsi %sub3A_665, %shift_right_arithmetic3A_667 : vector<16xi32>
      %and3A_669 = arith.constant 127 : i32
      %and3A_670 = vector.broadcast %and3A_669 : i32 to vector<16xi32>
      %and3A_671 = arith.andi %sub3A_665, %and3A_670 : vector<16xi32>
      tpu.vector_store_idx %arg5[%shift_right_arithmetic3A_668, %and3A_671], %add3A_659 masked %ge3A_652 : memref<79x128xi32, #tpu.memory_space<vmem>>[vector<16xi32>, vector<16xi32>], vector<16xi32>, vector<16xi1>
      %convert_element_type3A_672 = arith.extui %not3A_653 : vector<16xi1> to vector<16xi32>
      %broadcast_in_dim3A_673 = arith.constant true
      %broadcast_in_dim3A_674 = vector.broadcast %broadcast_in_dim3A_673 : i1 to vector<16xi1>
      %masked_cumsum3A_675 = tpu.scan <sum>, %convert_element_type3A_672 masked %broadcast_in_dim3A_674 : vector<16xi32>, vector<16xi1> -> vector<16xi32>
      %add3A_676 = arith.addi %scan3A_625, %masked_cumsum3A_675 : vector<16xi32>
      %sub3A_677 = arith.constant 1 : i32
      %sub3A_678 = vector.broadcast %sub3A_677 : i32 to vector<16xi32>
      %sub3A_679 = arith.subi %add3A_676, %sub3A_678 : vector<16xi32>
      %shift_right_arithmetic3A_680 = arith.constant 7 : i32
      %shift_right_arithmetic3A_681 = vector.broadcast %shift_right_arithmetic3A_680 : i32 to vector<16xi32>
      %shift_right_arithmetic3A_682 = arith.shrsi %sub3A_679, %shift_right_arithmetic3A_681 : vector<16xi32>
      %and3A_683 = arith.constant 127 : i32
      %and3A_684 = vector.broadcast %and3A_683 : i32 to vector<16xi32>
      %and3A_685 = arith.andi %sub3A_679, %and3A_684 : vector<16xi32>
      tpu.vector_store_idx %arg6[%shift_right_arithmetic3A_682, %and3A_685], %add3A_659 masked %not3A_653 : memref<79x128xi32, #tpu.memory_space<vmem>>[vector<16xi32>, vector<16xi32>], vector<16xi32>, vector<16xi1>
      %all_reduce_population_count3A = tpu.all_reduce %ge3A_652 {dim = 0 : i64, kind = #tpu.reduction_kind<sum>} : vector<16xi1> -> vector<16xi32>
      %add3A_686 = arith.addi %scan3A_624, %all_reduce_population_count3A : vector<16xi32>
      %all_reduce_population_count3A_687 = tpu.all_reduce %not3A_653 {dim = 0 : i64, kind = #tpu.reduction_kind<sum>} : vector<16xi1> -> vector<16xi32>
      %add3A_688 = arith.addi %scan3A_625, %all_reduce_population_count3A_687 : vector<16xi32>
      scf.yield %add3A_686, %add3A_688 : vector<16xi32>, vector<16xi32>
    }
    %scan3A_32 = arith.constant 25 : i32
    %add3A_33 = arith.constant 3200 : i32
    %add3A_34 = arith.addi %mul3A_4, %add3A_33 : i32
    %dma_start3A_35 = tpu.memref_slice %arg2[%add3A_34] : memref<1280000xf32, #tpu.memory_space<hbm>> -> memref<1600xf32, #tpu.memory_space<hbm>>
    %dma_start3A_36 = tpu.memref_slice %arg2[%add3A_34] : memref<1280000xf32, #tpu.memory_space<hbm>> -> memref<1600xf32, #tpu.memory_space<hbm>>
    tpu.enqueue_dma source(%dma_start3A_36 : memref<1600xf32, #tpu.memory_space<hbm>>) target(%arg10 : memref<1600xf32, #tpu.memory_space<vmem>>) target_semaphore(%arg17 : memref<!tpu.dma_semaphore, #tpu.memory_space<semaphore_mem>>)
    %dma_wait3A_37 = tpu.memref_slice %arg2[%add3A_21] : memref<1280000xf32, #tpu.memory_space<hbm>> -> memref<1600xf32, #tpu.memory_space<hbm>>
    %dma_wait3A_38 = tpu.memref_slice %arg2[%add3A_21] : memref<1280000xf32, #tpu.memory_space<hbm>> -> memref<1600xf32, #tpu.memory_space<hbm>>
    tpu.wait_dma2 semaphore(%arg18 : memref<!tpu.dma_semaphore, #tpu.memory_space<semaphore_mem>>) src(%dma_wait3A_38 : memref<1600xf32, #tpu.memory_space<hbm>>) dst(%arg11 : memref<1600xf32, #tpu.memory_space<vmem>>)
    %add3A_39 = arith.constant 400 : i32
    %add3A_40 = arith.addi %mul3A_2, %add3A_39 : i32
    %scan3A_41 = arith.constant 0 : i32
    %scan3A_42 = arith.constant 25 : i32
    %scan3A_43 = arith.addi %scan3A_41, %scan3A_42 : i32
    %scan3A_44 = arith.constant 1 : i32
    %scan3A_45:2 = scf.for %scan3A_623 = %scan3A_41 to %scan3A_43 step %scan3A_44 iter_args(%scan3A_624 = %scan3A_31#0, %scan3A_625 = %scan3A_31#1) -> (vector<16xi32>, vector<16xi32>)  : i32 {
      %mul3A_626 = arith.constant 64 : i32
      %mul3A_627 = arith.muli %scan3A_623, %mul3A_626 : i32
      %broadcast_in_dim3A_628 = vector.broadcast %mul3A_627 : i32 to vector<16xi32>
      %add3A_629 = arith.addi %broadcast_in_dim3A_628, %mul3A_7 : vector<16xi32>
      %gather3A_630 = tpu.vector_load_idx %arg11[%add3A_629] : memref<1600xf32, #tpu.memory_space<vmem>>[vector<16xi32>], vector<16xf32>,
      %add3A_631 = arith.constant 1 : i32
      %add3A_632 = vector.broadcast %add3A_631 : i32 to vector<16xi32>
      %add3A_633 = arith.addi %add3A_629, %add3A_632 : vector<16xi32>
      %gather3A_634 = tpu.vector_load_idx %arg11[%add3A_633] : memref<1600xf32, #tpu.memory_space<vmem>>[vector<16xi32>], vector<16xf32>,
      %add3A_635 = arith.constant 2 : i32
      %add3A_636 = vector.broadcast %add3A_635 : i32 to vector<16xi32>
      %add3A_637 = arith.addi %add3A_629, %add3A_636 : vector<16xi32>
      %gather3A_638 = tpu.vector_load_idx %arg11[%add3A_637] : memref<1600xf32, #tpu.memory_space<vmem>>[vector<16xi32>], vector<16xf32>,
      %add3A_639 = arith.constant 3 : i32
      %add3A_640 = vector.broadcast %add3A_639 : i32 to vector<16xi32>
      %add3A_641 = arith.addi %add3A_629, %add3A_640 : vector<16xi32>
      %gather3A_642 = tpu.vector_load_idx %arg11[%add3A_641] : memref<1600xf32, #tpu.memory_space<vmem>>[vector<16xi32>], vector<16xf32>,
      %mul3A_643 = arith.mulf %gather3A_630, %gather3A_630 : vector<16xf32>
      %mul3A_644 = arith.mulf %gather3A_634, %gather3A_634 : vector<16xf32>
      %add3A_645 = arith.addf %mul3A_643, %mul3A_644 : vector<16xf32>
      %mul3A_646 = arith.mulf %gather3A_638, %gather3A_638 : vector<16xf32>
      %add3A_647 = arith.addf %add3A_645, %mul3A_646 : vector<16xf32>
      %mul3A_648 = arith.mulf %gather3A_642, %gather3A_642 : vector<16xf32>
      %add3A_649 = arith.addf %add3A_647, %mul3A_648 : vector<16xf32>
      %ge3A_650 = arith.constant 4.000000e+00 : f32
      %ge3A_651 = vector.broadcast %ge3A_650 : f32 to vector<16xf32>
      %ge3A_652 = arith.cmpf oge, %add3A_649, %ge3A_651 : vector<16xf32>
      %not3A = arith.constant dense<true> : vector<16xi1>
      %not3A_653 = arith.xori %ge3A_652, %not3A : vector<16xi1>
      %broadcast_in_dim3A_654 = vector.broadcast %add3A_40 : i32 to vector<16xi32>
      %mul3A_655 = arith.constant 16 : i32
      %mul3A_656 = arith.muli %scan3A_623, %mul3A_655 : i32
      %add3A_657 = vector.broadcast %mul3A_656 : i32 to vector<16xi32>
      %add3A_658 = arith.addi %broadcast_in_dim3A_654, %add3A_657 : vector<16xi32>
      %add3A_659 = arith.addi %add3A_658, %iota3A : vector<16xi32>
      %convert_element_type3A_660 = arith.extui %ge3A_652 : vector<16xi1> to vector<16xi32>
      %broadcast_in_dim3A_661 = arith.constant true
      %broadcast_in_dim3A_662 = vector.broadcast %broadcast_in_dim3A_661 : i1 to vector<16xi1>
      %masked_cumsum3A = tpu.scan <sum>, %convert_element_type3A_660 masked %broadcast_in_dim3A_662 : vector<16xi32>, vector<16xi1> -> vector<16xi32>
      %add3A_663 = arith.addi %scan3A_624, %masked_cumsum3A : vector<16xi32>
      %sub3A = arith.constant 1 : i32
      %sub3A_664 = vector.broadcast %sub3A : i32 to vector<16xi32>
      %sub3A_665 = arith.subi %add3A_663, %sub3A_664 : vector<16xi32>
      %shift_right_arithmetic3A_666 = arith.constant 7 : i32
      %shift_right_arithmetic3A_667 = vector.broadcast %shift_right_arithmetic3A_666 : i32 to vector<16xi32>
      %shift_right_arithmetic3A_668 = arith.shrsi %sub3A_665, %shift_right_arithmetic3A_667 : vector<16xi32>
      %and3A_669 = arith.constant 127 : i32
      %and3A_670 = vector.broadcast %and3A_669 : i32 to vector<16xi32>
      %and3A_671 = arith.andi %sub3A_665, %and3A_670 : vector<16xi32>
      tpu.vector_store_idx %arg5[%shift_right_arithmetic3A_668, %and3A_671], %add3A_659 masked %ge3A_652 : memref<79x128xi32, #tpu.memory_space<vmem>>[vector<16xi32>, vector<16xi32>], vector<16xi32>, vector<16xi1>
      %convert_element_type3A_672 = arith.extui %not3A_653 : vector<16xi1> to vector<16xi32>
      %broadcast_in_dim3A_673 = arith.constant true
      %broadcast_in_dim3A_674 = vector.broadcast %broadcast_in_dim3A_673 : i1 to vector<16xi1>
      %masked_cumsum3A_675 = tpu.scan <sum>, %convert_element_type3A_672 masked %broadcast_in_dim3A_674 : vector<16xi32>, vector<16xi1> -> vector<16xi32>
      %add3A_676 = arith.addi %scan3A_625, %masked_cumsum3A_675 : vector<16xi32>
      %sub3A_677 = arith.constant 1 : i32
      %sub3A_678 = vector.broadcast %sub3A_677 : i32 to vector<16xi32>
      %sub3A_679 = arith.subi %add3A_676, %sub3A_678 : vector<16xi32>
      %shift_right_arithmetic3A_680 = arith.constant 7 : i32
      %shift_right_arithmetic3A_681 = vector.broadcast %shift_right_arithmetic3A_680 : i32 to vector<16xi32>
      %shift_right_arithmetic3A_682 = arith.shrsi %sub3A_679, %shift_right_arithmetic3A_681 : vector<16xi32>
      %and3A_683 = arith.constant 127 : i32
      %and3A_684 = vector.broadcast %and3A_683 : i32 to vector<16xi32>
      %and3A_685 = arith.andi %sub3A_679, %and3A_684 : vector<16xi32>
      tpu.vector_store_idx %arg6[%shift_right_arithmetic3A_682, %and3A_685], %add3A_659 masked %not3A_653 : memref<79x128xi32, #tpu.memory_space<vmem>>[vector<16xi32>, vector<16xi32>], vector<16xi32>, vector<16xi1>
      %all_reduce_population_count3A = tpu.all_reduce %ge3A_652 {dim = 0 : i64, kind = #tpu.reduction_kind<sum>} : vector<16xi1> -> vector<16xi32>
      %add3A_686 = arith.addi %scan3A_624, %all_reduce_population_count3A : vector<16xi32>
      %all_reduce_population_count3A_687 = tpu.all_reduce %not3A_653 {dim = 0 : i64, kind = #tpu.reduction_kind<sum>} : vector<16xi1> -> vector<16xi32>
      %add3A_688 = arith.addi %scan3A_625, %all_reduce_population_count3A_687 : vector<16xi32>
      scf.yield %add3A_686, %add3A_688 : vector<16xi32>, vector<16xi32>
    }
    %scan3A_46 = arith.constant 25 : i32
    %add3A_47 = arith.constant 4800 : i32
    %add3A_48 = arith.addi %mul3A_4, %add3A_47 : i32
    %dma_start3A_49 = tpu.memref_slice %arg2[%add3A_48] : memref<1280000xf32, #tpu.memory_space<hbm>> -> memref<1600xf32, #tpu.memory_space<hbm>>
    %dma_start3A_50 = tpu.memref_slice %arg2[%add3A_48] : memref<1280000xf32, #tpu.memory_space<hbm>> -> memref<1600xf32, #tpu.memory_space<hbm>>
    tpu.enqueue_dma source(%dma_start3A_50 : memref<1600xf32, #tpu.memory_space<hbm>>) target(%arg11 : memref<1600xf32, #tpu.memory_space<vmem>>) target_semaphore(%arg18 : memref<!tpu.dma_semaphore, #tpu.memory_space<semaphore_mem>>)
    %dma_wait3A_51 = tpu.memref_slice %arg2[%add3A_34] : memref<1280000xf32, #tpu.memory_space<hbm>> -> memref<1600xf32, #tpu.memory_space<hbm>>
    %dma_wait3A_52 = tpu.memref_slice %arg2[%add3A_34] : memref<1280000xf32, #tpu.memory_space<hbm>> -> memref<1600xf32, #tpu.memory_space<hbm>>
    tpu.wait_dma2 semaphore(%arg17 : memref<!tpu.dma_semaphore, #tpu.memory_space<semaphore_mem>>) src(%dma_wait3A_52 : memref<1600xf32, #tpu.memory_space<hbm>>) dst(%arg10 : memref<1600xf32, #tpu.memory_space<vmem>>)
    %add3A_53 = arith.constant 800 : i32
    %add3A_54 = arith.addi %mul3A_2, %add3A_53 : i32
    %scan3A_55 = arith.constant 0 : i32
    %scan3A_56 = arith.constant 25 : i32
    %scan3A_57 = arith.addi %scan3A_55, %scan3A_56 : i32
    %scan3A_58 = arith.constant 1 : i32
    %scan3A_59:2 = scf.for %scan3A_623 = %scan3A_55 to %scan3A_57 step %scan3A_58 iter_args(%scan3A_624 = %scan3A_45#0, %scan3A_625 = %scan3A_45#1) -> (vector<16xi32>, vector<16xi32>)  : i32 {
      %mul3A_626 = arith.constant 64 : i32
      %mul3A_627 = arith.muli %scan3A_623, %mul3A_626 : i32
      %broadcast_in_dim3A_628 = vector.broadcast %mul3A_627 : i32 to vector<16xi32>
      %add3A_629 = arith.addi %broadcast_in_dim3A_628, %mul3A_7 : vector<16xi32>
      %gather3A_630 = tpu.vector_load_idx %arg10[%add3A_629] : memref<1600xf32, #tpu.memory_space<vmem>>[vector<16xi32>], vector<16xf32>,
      %add3A_631 = arith.constant 1 : i32
      %add3A_632 = vector.broadcast %add3A_631 : i32 to vector<16xi32>
      %add3A_633 = arith.addi %add3A_629, %add3A_632 : vector<16xi32>
      %gather3A_634 = tpu.vector_load_idx %arg10[%add3A_633] : memref<1600xf32, #tpu.memory_space<vmem>>[vector<16xi32>], vector<16xf32>,
      %add3A_635 = arith.constant 2 : i32
      %add3A_636 = vector.broadcast %add3A_635 : i32 to vector<16xi32>
      %add3A_637 = arith.addi %add3A_629, %add3A_636 : vector<16xi32>
      %gather3A_638 = tpu.vector_load_idx %arg10[%add3A_637] : memref<1600xf32, #tpu.memory_space<vmem>>[vector<16xi32>], vector<16xf32>,
      %add3A_639 = arith.constant 3 : i32
      %add3A_640 = vector.broadcast %add3A_639 : i32 to vector<16xi32>
      %add3A_641 = arith.addi %add3A_629, %add3A_640 : vector<16xi32>
      %gather3A_642 = tpu.vector_load_idx %arg10[%add3A_641] : memref<1600xf32, #tpu.memory_space<vmem>>[vector<16xi32>], vector<16xf32>,
      %mul3A_643 = arith.mulf %gather3A_630, %gather3A_630 : vector<16xf32>
      %mul3A_644 = arith.mulf %gather3A_634, %gather3A_634 : vector<16xf32>
      %add3A_645 = arith.addf %mul3A_643, %mul3A_644 : vector<16xf32>
      %mul3A_646 = arith.mulf %gather3A_638, %gather3A_638 : vector<16xf32>
      %add3A_647 = arith.addf %add3A_645, %mul3A_646 : vector<16xf32>
      %mul3A_648 = arith.mulf %gather3A_642, %gather3A_642 : vector<16xf32>
      %add3A_649 = arith.addf %add3A_647, %mul3A_648 : vector<16xf32>
      %ge3A_650 = arith.constant 4.000000e+00 : f32
      %ge3A_651 = vector.broadcast %ge3A_650 : f32 to vector<16xf32>
      %ge3A_652 = arith.cmpf oge, %add3A_649, %ge3A_651 : vector<16xf32>
      %not3A = arith.constant dense<true> : vector<16xi1>
      %not3A_653 = arith.xori %ge3A_652, %not3A : vector<16xi1>
      %broadcast_in_dim3A_654 = vector.broadcast %add3A_54 : i32 to vector<16xi32>
      %mul3A_655 = arith.constant 16 : i32
      %mul3A_656 = arith.muli %scan3A_623, %mul3A_655 : i32
      %add3A_657 = vector.broadcast %mul3A_656 : i32 to vector<16xi32>
      %add3A_658 = arith.addi %broadcast_in_dim3A_654, %add3A_657 : vector<16xi32>
      %add3A_659 = arith.addi %add3A_658, %iota3A : vector<16xi32>
      %convert_element_type3A_660 = arith.extui %ge3A_652 : vector<16xi1> to vector<16xi32>
      %broadcast_in_dim3A_661 = arith.constant true
      %broadcast_in_dim3A_662 = vector.broadcast %broadcast_in_dim3A_661 : i1 to vector<16xi1>
      %masked_cumsum3A = tpu.scan <sum>, %convert_element_type3A_660 masked %broadcast_in_dim3A_662 : vector<16xi32>, vector<16xi1> -> vector<16xi32>
      %add3A_663 = arith.addi %scan3A_624, %masked_cumsum3A : vector<16xi32>
      %sub3A = arith.constant 1 : i32
      %sub3A_664 = vector.broadcast %sub3A : i32 to vector<16xi32>
      %sub3A_665 = arith.subi %add3A_663, %sub3A_664 : vector<16xi32>
      %shift_right_arithmetic3A_666 = arith.constant 7 : i32
      %shift_right_arithmetic3A_667 = vector.broadcast %shift_right_arithmetic3A_666 : i32 to vector<16xi32>
      %shift_right_arithmetic3A_668 = arith.shrsi %sub3A_665, %shift_right_arithmetic3A_667 : vector<16xi32>
      %and3A_669 = arith.constant 127 : i32
      %and3A_670 = vector.broadcast %and3A_669 : i32 to vector<16xi32>
      %and3A_671 = arith.andi %sub3A_665, %and3A_670 : vector<16xi32>
      tpu.vector_store_idx %arg5[%shift_right_arithmetic3A_668, %and3A_671], %add3A_659 masked %ge3A_652 : memref<79x128xi32, #tpu.memory_space<vmem>>[vector<16xi32>, vector<16xi32>], vector<16xi32>, vector<16xi1>
      %convert_element_type3A_672 = arith.extui %not3A_653 : vector<16xi1> to vector<16xi32>
      %broadcast_in_dim3A_673 = arith.constant true
      %broadcast_in_dim3A_674 = vector.broadcast %broadcast_in_dim3A_673 : i1 to vector<16xi1>
      %masked_cumsum3A_675 = tpu.scan <sum>, %convert_element_type3A_672 masked %broadcast_in_dim3A_674 : vector<16xi32>, vector<16xi1> -> vector<16xi32>
      %add3A_676 = arith.addi %scan3A_625, %masked_cumsum3A_675 : vector<16xi32>
      %sub3A_677 = arith.constant 1 : i32
      %sub3A_678 = vector.broadcast %sub3A_677 : i32 to vector<16xi32>
      %sub3A_679 = arith.subi %add3A_676, %sub3A_678 : vector<16xi32>
      %shift_right_arithmetic3A_680 = arith.constant 7 : i32
      %shift_right_arithmetic3A_681 = vector.broadcast %shift_right_arithmetic3A_680 : i32 to vector<16xi32>
      %shift_right_arithmetic3A_682 = arith.shrsi %sub3A_679, %shift_right_arithmetic3A_681 : vector<16xi32>
      %and3A_683 = arith.constant 127 : i32
      %and3A_684 = vector.broadcast %and3A_683 : i32 to vector<16xi32>
      %and3A_685 = arith.andi %sub3A_679, %and3A_684 : vector<16xi32>
      tpu.vector_store_idx %arg6[%shift_right_arithmetic3A_682, %and3A_685], %add3A_659 masked %not3A_653 : memref<79x128xi32, #tpu.memory_space<vmem>>[vector<16xi32>, vector<16xi32>], vector<16xi32>, vector<16xi1>
      %all_reduce_population_count3A = tpu.all_reduce %ge3A_652 {dim = 0 : i64, kind = #tpu.reduction_kind<sum>} : vector<16xi1> -> vector<16xi32>
      %add3A_686 = arith.addi %scan3A_624, %all_reduce_population_count3A : vector<16xi32>
      %all_reduce_population_count3A_687 = tpu.all_reduce %not3A_653 {dim = 0 : i64, kind = #tpu.reduction_kind<sum>} : vector<16xi1> -> vector<16xi32>
      %add3A_688 = arith.addi %scan3A_625, %all_reduce_population_count3A_687 : vector<16xi32>
      scf.yield %add3A_686, %add3A_688 : vector<16xi32>, vector<16xi32>
    }
    %scan3A_60 = arith.constant 25 : i32
    %add3A_61 = arith.constant 6400 : i32
    %add3A_62 = arith.addi %mul3A_4, %add3A_61 : i32
    %dma_start3A_63 = tpu.memref_slice %arg2[%add3A_62] : memref<1280000xf32, #tpu.memory_space<hbm>> -> memref<1600xf32, #tpu.memory_space<hbm>>
    %dma_start3A_64 = tpu.memref_slice %arg2[%add3A_62] : memref<1280000xf32, #tpu.memory_space<hbm>> -> memref<1600xf32, #tpu.memory_space<hbm>>
    tpu.enqueue_dma source(%dma_start3A_64 : memref<1600xf32, #tpu.memory_space<hbm>>) target(%arg10 : memref<1600xf32, #tpu.memory_space<vmem>>) target_semaphore(%arg17 : memref<!tpu.dma_semaphore, #tpu.memory_space<semaphore_mem>>)
    %dma_wait3A_65 = tpu.memref_slice %arg2[%add3A_48] : memref<1280000xf32, #tpu.memory_space<hbm>> -> memref<1600xf32, #tpu.memory_space<hbm>>
    %dma_wait3A_66 = tpu.memref_slice %arg2[%add3A_48] : memref<1280000xf32, #tpu.memory_space<hbm>> -> memref<1600xf32, #tpu.memory_space<hbm>>
    tpu.wait_dma2 semaphore(%arg18 : memref<!tpu.dma_semaphore, #tpu.memory_space<semaphore_mem>>) src(%dma_wait3A_66 : memref<1600xf32, #tpu.memory_space<hbm>>) dst(%arg11 : memref<1600xf32, #tpu.memory_space<vmem>>)
    %add3A_67 = arith.constant 1200 : i32
    %add3A_68 = arith.addi %mul3A_2, %add3A_67 : i32
    %scan3A_69 = arith.constant 0 : i32
    %scan3A_70 = arith.constant 25 : i32
    %scan3A_71 = arith.addi %scan3A_69, %scan3A_70 : i32
    %scan3A_72 = arith.constant 1 : i32
    %scan3A_73:2 = scf.for %scan3A_623 = %scan3A_69 to %scan3A_71 step %scan3A_72 iter_args(%scan3A_624 = %scan3A_59#0, %scan3A_625 = %scan3A_59#1) -> (vector<16xi32>, vector<16xi32>)  : i32 {
      %mul3A_626 = arith.constant 64 : i32
      %mul3A_627 = arith.muli %scan3A_623, %mul3A_626 : i32
      %broadcast_in_dim3A_628 = vector.broadcast %mul3A_627 : i32 to vector<16xi32>
      %add3A_629 = arith.addi %broadcast_in_dim3A_628, %mul3A_7 : vector<16xi32>
      %gather3A_630 = tpu.vector_load_idx %arg11[%add3A_629] : memref<1600xf32, #tpu.memory_space<vmem>>[vector<16xi32>], vector<16xf32>,
      %add3A_631 = arith.constant 1 : i32
      %add3A_632 = vector.broadcast %add3A_631 : i32 to vector<16xi32>
      %add3A_633 = arith.addi %add3A_629, %add3A_632 : vector<16xi32>
      %gather3A_634 = tpu.vector_load_idx %arg11[%add3A_633] : memref<1600xf32, #tpu.memory_space<vmem>>[vector<16xi32>], vector<16xf32>,
      %add3A_635 = arith.constant 2 : i32
      %add3A_636 = vector.broadcast %add3A_635 : i32 to vector<16xi32>
      %add3A_637 = arith.addi %add3A_629, %add3A_636 : vector<16xi32>
      %gather3A_638 = tpu.vector_load_idx %arg11[%add3A_637] : memref<1600xf32, #tpu.memory_space<vmem>>[vector<16xi32>], vector<16xf32>,
      %add3A_639 = arith.constant 3 : i32
      %add3A_640 = vector.broadcast %add3A_639 : i32 to vector<16xi32>
      %add3A_641 = arith.addi %add3A_629, %add3A_640 : vector<16xi32>
      %gather3A_642 = tpu.vector_load_idx %arg11[%add3A_641] : memref<1600xf32, #tpu.memory_space<vmem>>[vector<16xi32>], vector<16xf32>,
      %mul3A_643 = arith.mulf %gather3A_630, %gather3A_630 : vector<16xf32>
      %mul3A_644 = arith.mulf %gather3A_634, %gather3A_634 : vector<16xf32>
      %add3A_645 = arith.addf %mul3A_643, %mul3A_644 : vector<16xf32>
      %mul3A_646 = arith.mulf %gather3A_638, %gather3A_638 : vector<16xf32>
      %add3A_647 = arith.addf %add3A_645, %mul3A_646 : vector<16xf32>
      %mul3A_648 = arith.mulf %gather3A_642, %gather3A_642 : vector<16xf32>
      %add3A_649 = arith.addf %add3A_647, %mul3A_648 : vector<16xf32>
      %ge3A_650 = arith.constant 4.000000e+00 : f32
      %ge3A_651 = vector.broadcast %ge3A_650 : f32 to vector<16xf32>
      %ge3A_652 = arith.cmpf oge, %add3A_649, %ge3A_651 : vector<16xf32>
      %not3A = arith.constant dense<true> : vector<16xi1>
      %not3A_653 = arith.xori %ge3A_652, %not3A : vector<16xi1>
      %broadcast_in_dim3A_654 = vector.broadcast %add3A_68 : i32 to vector<16xi32>
      %mul3A_655 = arith.constant 16 : i32
      %mul3A_656 = arith.muli %scan3A_623, %mul3A_655 : i32
      %add3A_657 = vector.broadcast %mul3A_656 : i32 to vector<16xi32>
      %add3A_658 = arith.addi %broadcast_in_dim3A_654, %add3A_657 : vector<16xi32>
      %add3A_659 = arith.addi %add3A_658, %iota3A : vector<16xi32>
      %convert_element_type3A_660 = arith.extui %ge3A_652 : vector<16xi1> to vector<16xi32>
      %broadcast_in_dim3A_661 = arith.constant true
      %broadcast_in_dim3A_662 = vector.broadcast %broadcast_in_dim3A_661 : i1 to vector<16xi1>
      %masked_cumsum3A = tpu.scan <sum>, %convert_element_type3A_660 masked %broadcast_in_dim3A_662 : vector<16xi32>, vector<16xi1> -> vector<16xi32>
      %add3A_663 = arith.addi %scan3A_624, %masked_cumsum3A : vector<16xi32>
      %sub3A = arith.constant 1 : i32
      %sub3A_664 = vector.broadcast %sub3A : i32 to vector<16xi32>
      %sub3A_665 = arith.subi %add3A_663, %sub3A_664 : vector<16xi32>
      %shift_right_arithmetic3A_666 = arith.constant 7 : i32
      %shift_right_arithmetic3A_667 = vector.broadcast %shift_right_arithmetic3A_666 : i32 to vector<16xi32>
      %shift_right_arithmetic3A_668 = arith.shrsi %sub3A_665, %shift_right_arithmetic3A_667 : vector<16xi32>
      %and3A_669 = arith.constant 127 : i32
      %and3A_670 = vector.broadcast %and3A_669 : i32 to vector<16xi32>
      %and3A_671 = arith.andi %sub3A_665, %and3A_670 : vector<16xi32>
      tpu.vector_store_idx %arg5[%shift_right_arithmetic3A_668, %and3A_671], %add3A_659 masked %ge3A_652 : memref<79x128xi32, #tpu.memory_space<vmem>>[vector<16xi32>, vector<16xi32>], vector<16xi32>, vector<16xi1>
      %convert_element_type3A_672 = arith.extui %not3A_653 : vector<16xi1> to vector<16xi32>
      %broadcast_in_dim3A_673 = arith.constant true
      %broadcast_in_dim3A_674 = vector.broadcast %broadcast_in_dim3A_673 : i1 to vector<16xi1>
      %masked_cumsum3A_675 = tpu.scan <sum>, %convert_element_type3A_672 masked %broadcast_in_dim3A_674 : vector<16xi32>, vector<16xi1> -> vector<16xi32>
      %add3A_676 = arith.addi %scan3A_625, %masked_cumsum3A_675 : vector<16xi32>
      %sub3A_677 = arith.constant 1 : i32
      %sub3A_678 = vector.broadcast %sub3A_677 : i32 to vector<16xi32>
      %sub3A_679 = arith.subi %add3A_676, %sub3A_678 : vector<16xi32>
      %shift_right_arithmetic3A_680 = arith.constant 7 : i32
      %shift_right_arithmetic3A_681 = vector.broadcast %shift_right_arithmetic3A_680 : i32 to vector<16xi32>
      %shift_right_arithmetic3A_682 = arith.shrsi %sub3A_679, %shift_right_arithmetic3A_681 : vector<16xi32>
      %and3A_683 = arith.constant 127 : i32
      %and3A_684 = vector.broadcast %and3A_683 : i32 to vector<16xi32>
      %and3A_685 = arith.andi %sub3A_679, %and3A_684 : vector<16xi32>
      tpu.vector_store_idx %arg6[%shift_right_arithmetic3A_682, %and3A_685], %add3A_659 masked %not3A_653 : memref<79x128xi32, #tpu.memory_space<vmem>>[vector<16xi32>, vector<16xi32>], vector<16xi32>, vector<16xi1>
      %all_reduce_population_count3A = tpu.all_reduce %ge3A_652 {dim = 0 : i64, kind = #tpu.reduction_kind<sum>} : vector<16xi1> -> vector<16xi32>
      %add3A_686 = arith.addi %scan3A_624, %all_reduce_population_count3A : vector<16xi32>
      %all_reduce_population_count3A_687 = tpu.all_reduce %not3A_653 {dim = 0 : i64, kind = #tpu.reduction_kind<sum>} : vector<16xi1> -> vector<16xi32>
      %add3A_688 = arith.addi %scan3A_625, %all_reduce_population_count3A_687 : vector<16xi32>
      scf.yield %add3A_686, %add3A_688 : vector<16xi32>, vector<16xi32>
    }
    %scan3A_74 = arith.constant 25 : i32
    %add3A_75 = arith.constant 8000 : i32
    %add3A_76 = arith.addi %mul3A_4, %add3A_75 : i32
    %dma_start3A_77 = tpu.memref_slice %arg2[%add3A_76] : memref<1280000xf32, #tpu.memory_space<hbm>> -> memref<1600xf32, #tpu.memory_space<hbm>>
    %dma_start3A_78 = tpu.memref_slice %arg2[%add3A_76] : memref<1280000xf32, #tpu.memory_space<hbm>> -> memref<1600xf32, #tpu.memory_space<hbm>>
    tpu.enqueue_dma source(%dma_start3A_78 : memref<1600xf32, #tpu.memory_space<hbm>>) target(%arg11 : memref<1600xf32, #tpu.memory_space<vmem>>) target_semaphore(%arg18 : memref<!tpu.dma_semaphore, #tpu.memory_space<semaphore_mem>>)
    %dma_wait3A_79 = tpu.memref_slice %arg2[%add3A_62] : memref<1280000xf32, #tpu.memory_space<hbm>> -> memref<1600xf32, #tpu.memory_space<hbm>>
    %dma_wait3A_80 = tpu.memref_slice %arg2[%add3A_62] : memref<1280000xf32, #tpu.memory_space<hbm>> -> memref<1600xf32, #tpu.memory_space<hbm>>
    tpu.wait_dma2 semaphore(%arg17 : memref<!tpu.dma_semaphore, #tpu.memory_space<semaphore_mem>>) src(%dma_wait3A_80 : memref<1600xf32, #tpu.memory_space<hbm>>) dst(%arg10 : memref<1600xf32, #tpu.memory_space<vmem>>)
    %add3A_81 = arith.constant 1600 : i32
    %add3A_82 = arith.addi %mul3A_2, %add3A_81 : i32
    %scan3A_83 = arith.constant 0 : i32
    %scan3A_84 = arith.constant 25 : i32
    %scan3A_85 = arith.addi %scan3A_83, %scan3A_84 : i32
    %scan3A_86 = arith.constant 1 : i32
    %scan3A_87:2 = scf.for %scan3A_623 = %scan3A_83 to %scan3A_85 step %scan3A_86 iter_args(%scan3A_624 = %scan3A_73#0, %scan3A_625 = %scan3A_73#1) -> (vector<16xi32>, vector<16xi32>)  : i32 {
      %mul3A_626 = arith.constant 64 : i32
      %mul3A_627 = arith.muli %scan3A_623, %mul3A_626 : i32
      %broadcast_in_dim3A_628 = vector.broadcast %mul3A_627 : i32 to vector<16xi32>
      %add3A_629 = arith.addi %broadcast_in_dim3A_628, %mul3A_7 : vector<16xi32>
      %gather3A_630 = tpu.vector_load_idx %arg10[%add3A_629] : memref<1600xf32, #tpu.memory_space<vmem>>[vector<16xi32>], vector<16xf32>,
      %add3A_631 = arith.constant 1 : i32
      %add3A_632 = vector.broadcast %add3A_631 : i32 to vector<16xi32>
      %add3A_633 = arith.addi %add3A_629, %add3A_632 : vector<16xi32>
      %gather3A_634 = tpu.vector_load_idx %arg10[%add3A_633] : memref<1600xf32, #tpu.memory_space<vmem>>[vector<16xi32>], vector<16xf32>,
      %add3A_635 = arith.constant 2 : i32
      %add3A_636 = vector.broadcast %add3A_635 : i32 to vector<16xi32>
      %add3A_637 = arith.addi %add3A_629, %add3A_636 : vector<16xi32>
      %gather3A_638 = tpu.vector_load_idx %arg10[%add3A_637] : memref<1600xf32, #tpu.memory_space<vmem>>[vector<16xi32>], vector<16xf32>,
      %add3A_639 = arith.constant 3 : i32
      %add3A_640 = vector.broadcast %add3A_639 : i32 to vector<16xi32>
      %add3A_641 = arith.addi %add3A_629, %add3A_640 : vector<16xi32>
      %gather3A_642 = tpu.vector_load_idx %arg10[%add3A_641] : memref<1600xf32, #tpu.memory_space<vmem>>[vector<16xi32>], vector<16xf32>,
      %mul3A_643 = arith.mulf %gather3A_630, %gather3A_630 : vector<16xf32>
      %mul3A_644 = arith.mulf %gather3A_634, %gather3A_634 : vector<16xf32>
      %add3A_645 = arith.addf %mul3A_643, %mul3A_644 : vector<16xf32>
      %mul3A_646 = arith.mulf %gather3A_638, %gather3A_638 : vector<16xf32>
      %add3A_647 = arith.addf %add3A_645, %mul3A_646 : vector<16xf32>
      %mul3A_648 = arith.mulf %gather3A_642, %gather3A_642 : vector<16xf32>
      %add3A_649 = arith.addf %add3A_647, %mul3A_648 : vector<16xf32>
      %ge3A_650 = arith.constant 4.000000e+00 : f32
      %ge3A_651 = vector.broadcast %ge3A_650 : f32 to vector<16xf32>
      %ge3A_652 = arith.cmpf oge, %add3A_649, %ge3A_651 : vector<16xf32>
      %not3A = arith.constant dense<true> : vector<16xi1>
      %not3A_653 = arith.xori %ge3A_652, %not3A : vector<16xi1>
      %broadcast_in_dim3A_654 = vector.broadcast %add3A_82 : i32 to vector<16xi32>
      %mul3A_655 = arith.constant 16 : i32
      %mul3A_656 = arith.muli %scan3A_623, %mul3A_655 : i32
      %add3A_657 = vector.broadcast %mul3A_656 : i32 to vector<16xi32>
      %add3A_658 = arith.addi %broadcast_in_dim3A_654, %add3A_657 : vector<16xi32>
      %add3A_659 = arith.addi %add3A_658, %iota3A : vector<16xi32>
      %convert_element_type3A_660 = arith.extui %ge3A_652 : vector<16xi1> to vector<16xi32>
      %broadcast_in_dim3A_661 = arith.constant true
      %broadcast_in_dim3A_662 = vector.broadcast %broadcast_in_dim3A_661 : i1 to vector<16xi1>
      %masked_cumsum3A = tpu.scan <sum>, %convert_element_type3A_660 masked %broadcast_in_dim3A_662 : vector<16xi32>, vector<16xi1> -> vector<16xi32>
      %add3A_663 = arith.addi %scan3A_624, %masked_cumsum3A : vector<16xi32>
      %sub3A = arith.constant 1 : i32
      %sub3A_664 = vector.broadcast %sub3A : i32 to vector<16xi32>
      %sub3A_665 = arith.subi %add3A_663, %sub3A_664 : vector<16xi32>
      %shift_right_arithmetic3A_666 = arith.constant 7 : i32
      %shift_right_arithmetic3A_667 = vector.broadcast %shift_right_arithmetic3A_666 : i32 to vector<16xi32>
      %shift_right_arithmetic3A_668 = arith.shrsi %sub3A_665, %shift_right_arithmetic3A_667 : vector<16xi32>
      %and3A_669 = arith.constant 127 : i32
      %and3A_670 = vector.broadcast %and3A_669 : i32 to vector<16xi32>
      %and3A_671 = arith.andi %sub3A_665, %and3A_670 : vector<16xi32>
      tpu.vector_store_idx %arg5[%shift_right_arithmetic3A_668, %and3A_671], %add3A_659 masked %ge3A_652 : memref<79x128xi32, #tpu.memory_space<vmem>>[vector<16xi32>, vector<16xi32>], vector<16xi32>, vector<16xi1>
      %convert_element_type3A_672 = arith.extui %not3A_653 : vector<16xi1> to vector<16xi32>
      %broadcast_in_dim3A_673 = arith.constant true
      %broadcast_in_dim3A_674 = vector.broadcast %broadcast_in_dim3A_673 : i1 to vector<16xi1>
      %masked_cumsum3A_675 = tpu.scan <sum>, %convert_element_type3A_672 masked %broadcast_in_dim3A_674 : vector<16xi32>, vector<16xi1> -> vector<16xi32>
      %add3A_676 = arith.addi %scan3A_625, %masked_cumsum3A_675 : vector<16xi32>
      %sub3A_677 = arith.constant 1 : i32
      %sub3A_678 = vector.broadcast %sub3A_677 : i32 to vector<16xi32>
      %sub3A_679 = arith.subi %add3A_676, %sub3A_678 : vector<16xi32>
      %shift_right_arithmetic3A_680 = arith.constant 7 : i32
      %shift_right_arithmetic3A_681 = vector.broadcast %shift_right_arithmetic3A_680 : i32 to vector<16xi32>
      %shift_right_arithmetic3A_682 = arith.shrsi %sub3A_679, %shift_right_arithmetic3A_681 : vector<16xi32>
      %and3A_683 = arith.constant 127 : i32
      %and3A_684 = vector.broadcast %and3A_683 : i32 to vector<16xi32>
      %and3A_685 = arith.andi %sub3A_679, %and3A_684 : vector<16xi32>
      tpu.vector_store_idx %arg6[%shift_right_arithmetic3A_682, %and3A_685], %add3A_659 masked %not3A_653 : memref<79x128xi32, #tpu.memory_space<vmem>>[vector<16xi32>, vector<16xi32>], vector<16xi32>, vector<16xi1>
      %all_reduce_population_count3A = tpu.all_reduce %ge3A_652 {dim = 0 : i64, kind = #tpu.reduction_kind<sum>} : vector<16xi1> -> vector<16xi32>
      %add3A_686 = arith.addi %scan3A_624, %all_reduce_population_count3A : vector<16xi32>
      %all_reduce_population_count3A_687 = tpu.all_reduce %not3A_653 {dim = 0 : i64, kind = #tpu.reduction_kind<sum>} : vector<16xi1> -> vector<16xi32>
      %add3A_688 = arith.addi %scan3A_625, %all_reduce_population_count3A_687 : vector<16xi32>
      scf.yield %add3A_686, %add3A_688 : vector<16xi32>, vector<16xi32>
    }
    %scan3A_88 = arith.constant 25 : i32
    %add3A_89 = arith.constant 9600 : i32
    %add3A_90 = arith.addi %mul3A_4, %add3A_89 : i32
    %dma_start3A_91 = tpu.memref_slice %arg2[%add3A_90] : memref<1280000xf32, #tpu.memory_space<hbm>> -> memref<1600xf32, #tpu.memory_space<hbm>>
    %dma_start3A_92 = tpu.memref_slice %arg2[%add3A_90] : memref<1280000xf32, #tpu.memory_space<hbm>> -> memref<1600xf32, #tpu.memory_space<hbm>>
    tpu.enqueue_dma source(%dma_start3A_92 : memref<1600xf32, #tpu.memory_space<hbm>>) target(%arg10 : memref<1600xf32, #tpu.memory_space<vmem>>) target_semaphore(%arg17 : memref<!tpu.dma_semaphore, #tpu.memory_space<semaphore_mem>>)
    %dma_wait3A_93 = tpu.memref_slice %arg2[%add3A_76] : memref<1280000xf32, #tpu.memory_space<hbm>> -> memref<1600xf32, #tpu.memory_space<hbm>>
    %dma_wait3A_94 = tpu.memref_slice %arg2[%add3A_76] : memref<1280000xf32, #tpu.memory_space<hbm>> -> memref<1600xf32, #tpu.memory_space<hbm>>
    tpu.wait_dma2 semaphore(%arg18 : memref<!tpu.dma_semaphore, #tpu.memory_space<semaphore_mem>>) src(%dma_wait3A_94 : memref<1600xf32, #tpu.memory_space<hbm>>) dst(%arg11 : memref<1600xf32, #tpu.memory_space<vmem>>)
    %add3A_95 = arith.constant 2000 : i32
    %add3A_96 = arith.addi %mul3A_2, %add3A_95 : i32
    %scan3A_97 = arith.constant 0 : i32
    %scan3A_98 = arith.constant 25 : i32
    %scan3A_99 = arith.addi %scan3A_97, %scan3A_98 : i32
    %scan3A_100 = arith.constant 1 : i32
    %scan3A_101:2 = scf.for %scan3A_623 = %scan3A_97 to %scan3A_99 step %scan3A_100 iter_args(%scan3A_624 = %scan3A_87#0, %scan3A_625 = %scan3A_87#1) -> (vector<16xi32>, vector<16xi32>)  : i32 {
      %mul3A_626 = arith.constant 64 : i32
      %mul3A_627 = arith.muli %scan3A_623, %mul3A_626 : i32
      %broadcast_in_dim3A_628 = vector.broadcast %mul3A_627 : i32 to vector<16xi32>
      %add3A_629 = arith.addi %broadcast_in_dim3A_628, %mul3A_7 : vector<16xi32>
      %gather3A_630 = tpu.vector_load_idx %arg11[%add3A_629] : memref<1600xf32, #tpu.memory_space<vmem>>[vector<16xi32>], vector<16xf32>,
      %add3A_631 = arith.constant 1 : i32
      %add3A_632 = vector.broadcast %add3A_631 : i32 to vector<16xi32>
      %add3A_633 = arith.addi %add3A_629, %add3A_632 : vector<16xi32>
      %gather3A_634 = tpu.vector_load_idx %arg11[%add3A_633] : memref<1600xf32, #tpu.memory_space<vmem>>[vector<16xi32>], vector<16xf32>,
      %add3A_635 = arith.constant 2 : i32
      %add3A_636 = vector.broadcast %add3A_635 : i32 to vector<16xi32>
      %add3A_637 = arith.addi %add3A_629, %add3A_636 : vector<16xi32>
      %gather3A_638 = tpu.vector_load_idx %arg11[%add3A_637] : memref<1600xf32, #tpu.memory_space<vmem>>[vector<16xi32>], vector<16xf32>,
      %add3A_639 = arith.constant 3 : i32
      %add3A_640 = vector.broadcast %add3A_639 : i32 to vector<16xi32>
      %add3A_641 = arith.addi %add3A_629, %add3A_640 : vector<16xi32>
      %gather3A_642 = tpu.vector_load_idx %arg11[%add3A_641] : memref<1600xf32, #tpu.memory_space<vmem>>[vector<16xi32>], vector<16xf32>,
      %mul3A_643 = arith.mulf %gather3A_630, %gather3A_630 : vector<16xf32>
      %mul3A_644 = arith.mulf %gather3A_634, %gather3A_634 : vector<16xf32>
      %add3A_645 = arith.addf %mul3A_643, %mul3A_644 : vector<16xf32>
      %mul3A_646 = arith.mulf %gather3A_638, %gather3A_638 : vector<16xf32>
      %add3A_647 = arith.addf %add3A_645, %mul3A_646 : vector<16xf32>
      %mul3A_648 = arith.mulf %gather3A_642, %gather3A_642 : vector<16xf32>
      %add3A_649 = arith.addf %add3A_647, %mul3A_648 : vector<16xf32>
      %ge3A_650 = arith.constant 4.000000e+00 : f32
      %ge3A_651 = vector.broadcast %ge3A_650 : f32 to vector<16xf32>
      %ge3A_652 = arith.cmpf oge, %add3A_649, %ge3A_651 : vector<16xf32>
      %not3A = arith.constant dense<true> : vector<16xi1>
      %not3A_653 = arith.xori %ge3A_652, %not3A : vector<16xi1>
      %broadcast_in_dim3A_654 = vector.broadcast %add3A_96 : i32 to vector<16xi32>
      %mul3A_655 = arith.constant 16 : i32
      %mul3A_656 = arith.muli %scan3A_623, %mul3A_655 : i32
      %add3A_657 = vector.broadcast %mul3A_656 : i32 to vector<16xi32>
      %add3A_658 = arith.addi %broadcast_in_dim3A_654, %add3A_657 : vector<16xi32>
      %add3A_659 = arith.addi %add3A_658, %iota3A : vector<16xi32>
      %convert_element_type3A_660 = arith.extui %ge3A_652 : vector<16xi1> to vector<16xi32>
      %broadcast_in_dim3A_661 = arith.constant true
      %broadcast_in_dim3A_662 = vector.broadcast %broadcast_in_dim3A_661 : i1 to vector<16xi1>
      %masked_cumsum3A = tpu.scan <sum>, %convert_element_type3A_660 masked %broadcast_in_dim3A_662 : vector<16xi32>, vector<16xi1> -> vector<16xi32>
      %add3A_663 = arith.addi %scan3A_624, %masked_cumsum3A : vector<16xi32>
      %sub3A = arith.constant 1 : i32
      %sub3A_664 = vector.broadcast %sub3A : i32 to vector<16xi32>
      %sub3A_665 = arith.subi %add3A_663, %sub3A_664 : vector<16xi32>
      %shift_right_arithmetic3A_666 = arith.constant 7 : i32
      %shift_right_arithmetic3A_667 = vector.broadcast %shift_right_arithmetic3A_666 : i32 to vector<16xi32>
      %shift_right_arithmetic3A_668 = arith.shrsi %sub3A_665, %shift_right_arithmetic3A_667 : vector<16xi32>
      %and3A_669 = arith.constant 127 : i32
      %and3A_670 = vector.broadcast %and3A_669 : i32 to vector<16xi32>
      %and3A_671 = arith.andi %sub3A_665, %and3A_670 : vector<16xi32>
      tpu.vector_store_idx %arg5[%shift_right_arithmetic3A_668, %and3A_671], %add3A_659 masked %ge3A_652 : memref<79x128xi32, #tpu.memory_space<vmem>>[vector<16xi32>, vector<16xi32>], vector<16xi32>, vector<16xi1>
      %convert_element_type3A_672 = arith.extui %not3A_653 : vector<16xi1> to vector<16xi32>
      %broadcast_in_dim3A_673 = arith.constant true
      %broadcast_in_dim3A_674 = vector.broadcast %broadcast_in_dim3A_673 : i1 to vector<16xi1>
      %masked_cumsum3A_675 = tpu.scan <sum>, %convert_element_type3A_672 masked %broadcast_in_dim3A_674 : vector<16xi32>, vector<16xi1> -> vector<16xi32>
      %add3A_676 = arith.addi %scan3A_625, %masked_cumsum3A_675 : vector<16xi32>
      %sub3A_677 = arith.constant 1 : i32
      %sub3A_678 = vector.broadcast %sub3A_677 : i32 to vector<16xi32>
      %sub3A_679 = arith.subi %add3A_676, %sub3A_678 : vector<16xi32>
      %shift_right_arithmetic3A_680 = arith.constant 7 : i32
      %shift_right_arithmetic3A_681 = vector.broadcast %shift_right_arithmetic3A_680 : i32 to vector<16xi32>
      %shift_right_arithmetic3A_682 = arith.shrsi %sub3A_679, %shift_right_arithmetic3A_681 : vector<16xi32>
      %and3A_683 = arith.constant 127 : i32
      %and3A_684 = vector.broadcast %and3A_683 : i32 to vector<16xi32>
      %and3A_685 = arith.andi %sub3A_679, %and3A_684 : vector<16xi32>
      tpu.vector_store_idx %arg6[%shift_right_arithmetic3A_682, %and3A_685], %add3A_659 masked %not3A_653 : memref<79x128xi32, #tpu.memory_space<vmem>>[vector<16xi32>, vector<16xi32>], vector<16xi32>, vector<16xi1>
      %all_reduce_population_count3A = tpu.all_reduce %ge3A_652 {dim = 0 : i64, kind = #tpu.reduction_kind<sum>} : vector<16xi1> -> vector<16xi32>
      %add3A_686 = arith.addi %scan3A_624, %all_reduce_population_count3A : vector<16xi32>
      %all_reduce_population_count3A_687 = tpu.all_reduce %not3A_653 {dim = 0 : i64, kind = #tpu.reduction_kind<sum>} : vector<16xi1> -> vector<16xi32>
      %add3A_688 = arith.addi %scan3A_625, %all_reduce_population_count3A_687 : vector<16xi32>
      scf.yield %add3A_686, %add3A_688 : vector<16xi32>, vector<16xi32>
    }
    %scan3A_102 = arith.constant 25 : i32
    %add3A_103 = arith.constant 11200 : i32
    %add3A_104 = arith.addi %mul3A_4, %add3A_103 : i32
    %dma_start3A_105 = tpu.memref_slice %arg2[%add3A_104] : memref<1280000xf32, #tpu.memory_space<hbm>> -> memref<1600xf32, #tpu.memory_space<hbm>>
    %dma_start3A_106 = tpu.memref_slice %arg2[%add3A_104] : memref<1280000xf32, #tpu.memory_space<hbm>> -> memref<1600xf32, #tpu.memory_space<hbm>>
    tpu.enqueue_dma source(%dma_start3A_106 : memref<1600xf32, #tpu.memory_space<hbm>>) target(%arg11 : memref<1600xf32, #tpu.memory_space<vmem>>) target_semaphore(%arg18 : memref<!tpu.dma_semaphore, #tpu.memory_space<semaphore_mem>>)
    %dma_wait3A_107 = tpu.memref_slice %arg2[%add3A_90] : memref<1280000xf32, #tpu.memory_space<hbm>> -> memref<1600xf32, #tpu.memory_space<hbm>>
    %dma_wait3A_108 = tpu.memref_slice %arg2[%add3A_90] : memref<1280000xf32, #tpu.memory_space<hbm>> -> memref<1600xf32, #tpu.memory_space<hbm>>
    tpu.wait_dma2 semaphore(%arg17 : memref<!tpu.dma_semaphore, #tpu.memory_space<semaphore_mem>>) src(%dma_wait3A_108 : memref<1600xf32, #tpu.memory_space<hbm>>) dst(%arg10 : memref<1600xf32, #tpu.memory_space<vmem>>)
    %add3A_109 = arith.constant 2400 : i32
    %add3A_110 = arith.addi %mul3A_2, %add3A_109 : i32
    %scan3A_111 = arith.constant 0 : i32
    %scan3A_112 = arith.constant 25 : i32
    %scan3A_113 = arith.addi %scan3A_111, %scan3A_112 : i32
    %scan3A_114 = arith.constant 1 : i32
    %scan3A_115:2 = scf.for %scan3A_623 = %scan3A_111 to %scan3A_113 step %scan3A_114 iter_args(%scan3A_624 = %scan3A_101#0, %scan3A_625 = %scan3A_101#1) -> (vector<16xi32>, vector<16xi32>)  : i32 {
      %mul3A_626 = arith.constant 64 : i32
      %mul3A_627 = arith.muli %scan3A_623, %mul3A_626 : i32
      %broadcast_in_dim3A_628 = vector.broadcast %mul3A_627 : i32 to vector<16xi32>
      %add3A_629 = arith.addi %broadcast_in_dim3A_628, %mul3A_7 : vector<16xi32>
      %gather3A_630 = tpu.vector_load_idx %arg10[%add3A_629] : memref<1600xf32, #tpu.memory_space<vmem>>[vector<16xi32>], vector<16xf32>,
      %add3A_631 = arith.constant 1 : i32
      %add3A_632 = vector.broadcast %add3A_631 : i32 to vector<16xi32>
      %add3A_633 = arith.addi %add3A_629, %add3A_632 : vector<16xi32>
      %gather3A_634 = tpu.vector_load_idx %arg10[%add3A_633] : memref<1600xf32, #tpu.memory_space<vmem>>[vector<16xi32>], vector<16xf32>,
      %add3A_635 = arith.constant 2 : i32
      %add3A_636 = vector.broadcast %add3A_635 : i32 to vector<16xi32>
      %add3A_637 = arith.addi %add3A_629, %add3A_636 : vector<16xi32>
      %gather3A_638 = tpu.vector_load_idx %arg10[%add3A_637] : memref<1600xf32, #tpu.memory_space<vmem>>[vector<16xi32>], vector<16xf32>,
      %add3A_639 = arith.constant 3 : i32
      %add3A_640 = vector.broadcast %add3A_639 : i32 to vector<16xi32>
      %add3A_641 = arith.addi %add3A_629, %add3A_640 : vector<16xi32>
      %gather3A_642 = tpu.vector_load_idx %arg10[%add3A_641] : memref<1600xf32, #tpu.memory_space<vmem>>[vector<16xi32>], vector<16xf32>,
      %mul3A_643 = arith.mulf %gather3A_630, %gather3A_630 : vector<16xf32>
      %mul3A_644 = arith.mulf %gather3A_634, %gather3A_634 : vector<16xf32>
      %add3A_645 = arith.addf %mul3A_643, %mul3A_644 : vector<16xf32>
      %mul3A_646 = arith.mulf %gather3A_638, %gather3A_638 : vector<16xf32>
      %add3A_647 = arith.addf %add3A_645, %mul3A_646 : vector<16xf32>
      %mul3A_648 = arith.mulf %gather3A_642, %gather3A_642 : vector<16xf32>
      %add3A_649 = arith.addf %add3A_647, %mul3A_648 : vector<16xf32>
      %ge3A_650 = arith.constant 4.000000e+00 : f32
      %ge3A_651 = vector.broadcast %ge3A_650 : f32 to vector<16xf32>
      %ge3A_652 = arith.cmpf oge, %add3A_649, %ge3A_651 : vector<16xf32>
      %not3A = arith.constant dense<true> : vector<16xi1>
      %not3A_653 = arith.xori %ge3A_652, %not3A : vector<16xi1>
      %broadcast_in_dim3A_654 = vector.broadcast %add3A_110 : i32 to vector<16xi32>
      %mul3A_655 = arith.constant 16 : i32
      %mul3A_656 = arith.muli %scan3A_623, %mul3A_655 : i32
      %add3A_657 = vector.broadcast %mul3A_656 : i32 to vector<16xi32>
      %add3A_658 = arith.addi %broadcast_in_dim3A_654, %add3A_657 : vector<16xi32>
      %add3A_659 = arith.addi %add3A_658, %iota3A : vector<16xi32>
      %convert_element_type3A_660 = arith.extui %ge3A_652 : vector<16xi1> to vector<16xi32>
      %broadcast_in_dim3A_661 = arith.constant true
      %broadcast_in_dim3A_662 = vector.broadcast %broadcast_in_dim3A_661 : i1 to vector<16xi1>
      %masked_cumsum3A = tpu.scan <sum>, %convert_element_type3A_660 masked %broadcast_in_dim3A_662 : vector<16xi32>, vector<16xi1> -> vector<16xi32>
      %add3A_663 = arith.addi %scan3A_624, %masked_cumsum3A : vector<16xi32>
      %sub3A = arith.constant 1 : i32
      %sub3A_664 = vector.broadcast %sub3A : i32 to vector<16xi32>
      %sub3A_665 = arith.subi %add3A_663, %sub3A_664 : vector<16xi32>
      %shift_right_arithmetic3A_666 = arith.constant 7 : i32
      %shift_right_arithmetic3A_667 = vector.broadcast %shift_right_arithmetic3A_666 : i32 to vector<16xi32>
      %shift_right_arithmetic3A_668 = arith.shrsi %sub3A_665, %shift_right_arithmetic3A_667 : vector<16xi32>
      %and3A_669 = arith.constant 127 : i32
      %and3A_670 = vector.broadcast %and3A_669 : i32 to vector<16xi32>
      %and3A_671 = arith.andi %sub3A_665, %and3A_670 : vector<16xi32>
      tpu.vector_store_idx %arg5[%shift_right_arithmetic3A_668, %and3A_671], %add3A_659 masked %ge3A_652 : memref<79x128xi32, #tpu.memory_space<vmem>>[vector<16xi32>, vector<16xi32>], vector<16xi32>, vector<16xi1>
      %convert_element_type3A_672 = arith.extui %not3A_653 : vector<16xi1> to vector<16xi32>
      %broadcast_in_dim3A_673 = arith.constant true
      %broadcast_in_dim3A_674 = vector.broadcast %broadcast_in_dim3A_673 : i1 to vector<16xi1>
      %masked_cumsum3A_675 = tpu.scan <sum>, %convert_element_type3A_672 masked %broadcast_in_dim3A_674 : vector<16xi32>, vector<16xi1> -> vector<16xi32>
      %add3A_676 = arith.addi %scan3A_625, %masked_cumsum3A_675 : vector<16xi32>
      %sub3A_677 = arith.constant 1 : i32
      %sub3A_678 = vector.broadcast %sub3A_677 : i32 to vector<16xi32>
      %sub3A_679 = arith.subi %add3A_676, %sub3A_678 : vector<16xi32>
      %shift_right_arithmetic3A_680 = arith.constant 7 : i32
      %shift_right_arithmetic3A_681 = vector.broadcast %shift_right_arithmetic3A_680 : i32 to vector<16xi32>
      %shift_right_arithmetic3A_682 = arith.shrsi %sub3A_679, %shift_right_arithmetic3A_681 : vector<16xi32>
      %and3A_683 = arith.constant 127 : i32
      %and3A_684 = vector.broadcast %and3A_683 : i32 to vector<16xi32>
      %and3A_685 = arith.andi %sub3A_679, %and3A_684 : vector<16xi32>
      tpu.vector_store_idx %arg6[%shift_right_arithmetic3A_682, %and3A_685], %add3A_659 masked %not3A_653 : memref<79x128xi32, #tpu.memory_space<vmem>>[vector<16xi32>, vector<16xi32>], vector<16xi32>, vector<16xi1>
      %all_reduce_population_count3A = tpu.all_reduce %ge3A_652 {dim = 0 : i64, kind = #tpu.reduction_kind<sum>} : vector<16xi1> -> vector<16xi32>
      %add3A_686 = arith.addi %scan3A_624, %all_reduce_population_count3A : vector<16xi32>
      %all_reduce_population_count3A_687 = tpu.all_reduce %not3A_653 {dim = 0 : i64, kind = #tpu.reduction_kind<sum>} : vector<16xi1> -> vector<16xi32>
      %add3A_688 = arith.addi %scan3A_625, %all_reduce_population_count3A_687 : vector<16xi32>
      scf.yield %add3A_686, %add3A_688 : vector<16xi32>, vector<16xi32>
    }
    %scan3A_116 = arith.constant 25 : i32
    %add3A_117 = arith.constant 12800 : i32
    %add3A_118 = arith.addi %mul3A_4, %add3A_117 : i32
    %dma_start3A_119 = tpu.memref_slice %arg2[%add3A_118] : memref<1280000xf32, #tpu.memory_space<hbm>> -> memref<1600xf32, #tpu.memory_space<hbm>>
    %dma_start3A_120 = tpu.memref_slice %arg2[%add3A_118] : memref<1280000xf32, #tpu.memory_space<hbm>> -> memref<1600xf32, #tpu.memory_space<hbm>>
    tpu.enqueue_dma source(%dma_start3A_120 : memref<1600xf32, #tpu.memory_space<hbm>>) target(%arg10 : memref<1600xf32, #tpu.memory_space<vmem>>) target_semaphore(%arg17 : memref<!tpu.dma_semaphore, #tpu.memory_space<semaphore_mem>>)
    %dma_wait3A_121 = tpu.memref_slice %arg2[%add3A_104] : memref<1280000xf32, #tpu.memory_space<hbm>> -> memref<1600xf32, #tpu.memory_space<hbm>>
    %dma_wait3A_122 = tpu.memref_slice %arg2[%add3A_104] : memref<1280000xf32, #tpu.memory_space<hbm>> -> memref<1600xf32, #tpu.memory_space<hbm>>
    tpu.wait_dma2 semaphore(%arg18 : memref<!tpu.dma_semaphore, #tpu.memory_space<semaphore_mem>>) src(%dma_wait3A_122 : memref<1600xf32, #tpu.memory_space<hbm>>) dst(%arg11 : memref<1600xf32, #tpu.memory_space<vmem>>)
    %add3A_123 = arith.constant 2800 : i32
    %add3A_124 = arith.addi %mul3A_2, %add3A_123 : i32
    %scan3A_125 = arith.constant 0 : i32
    %scan3A_126 = arith.constant 25 : i32
    %scan3A_127 = arith.addi %scan3A_125, %scan3A_126 : i32
    %scan3A_128 = arith.constant 1 : i32
    %scan3A_129:2 = scf.for %scan3A_623 = %scan3A_125 to %scan3A_127 step %scan3A_128 iter_args(%scan3A_624 = %scan3A_115#0, %scan3A_625 = %scan3A_115#1) -> (vector<16xi32>, vector<16xi32>)  : i32 {
      %mul3A_626 = arith.constant 64 : i32
      %mul3A_627 = arith.muli %scan3A_623, %mul3A_626 : i32
      %broadcast_in_dim3A_628 = vector.broadcast %mul3A_627 : i32 to vector<16xi32>
      %add3A_629 = arith.addi %broadcast_in_dim3A_628, %mul3A_7 : vector<16xi32>
      %gather3A_630 = tpu.vector_load_idx %arg11[%add3A_629] : memref<1600xf32, #tpu.memory_space<vmem>>[vector<16xi32>], vector<16xf32>,
      %add3A_631 = arith.constant 1 : i32
      %add3A_632 = vector.broadcast %add3A_631 : i32 to vector<16xi32>
      %add3A_633 = arith.addi %add3A_629, %add3A_632 : vector<16xi32>
      %gather3A_634 = tpu.vector_load_idx %arg11[%add3A_633] : memref<1600xf32, #tpu.memory_space<vmem>>[vector<16xi32>], vector<16xf32>,
      %add3A_635 = arith.constant 2 : i32
      %add3A_636 = vector.broadcast %add3A_635 : i32 to vector<16xi32>
      %add3A_637 = arith.addi %add3A_629, %add3A_636 : vector<16xi32>
      %gather3A_638 = tpu.vector_load_idx %arg11[%add3A_637] : memref<1600xf32, #tpu.memory_space<vmem>>[vector<16xi32>], vector<16xf32>,
      %add3A_639 = arith.constant 3 : i32
      %add3A_640 = vector.broadcast %add3A_639 : i32 to vector<16xi32>
      %add3A_641 = arith.addi %add3A_629, %add3A_640 : vector<16xi32>
      %gather3A_642 = tpu.vector_load_idx %arg11[%add3A_641] : memref<1600xf32, #tpu.memory_space<vmem>>[vector<16xi32>], vector<16xf32>,
      %mul3A_643 = arith.mulf %gather3A_630, %gather3A_630 : vector<16xf32>
      %mul3A_644 = arith.mulf %gather3A_634, %gather3A_634 : vector<16xf32>
      %add3A_645 = arith.addf %mul3A_643, %mul3A_644 : vector<16xf32>
      %mul3A_646 = arith.mulf %gather3A_638, %gather3A_638 : vector<16xf32>
      %add3A_647 = arith.addf %add3A_645, %mul3A_646 : vector<16xf32>
      %mul3A_648 = arith.mulf %gather3A_642, %gather3A_642 : vector<16xf32>
      %add3A_649 = arith.addf %add3A_647, %mul3A_648 : vector<16xf32>
      %ge3A_650 = arith.constant 4.000000e+00 : f32
      %ge3A_651 = vector.broadcast %ge3A_650 : f32 to vector<16xf32>
      %ge3A_652 = arith.cmpf oge, %add3A_649, %ge3A_651 : vector<16xf32>
      %not3A = arith.constant dense<true> : vector<16xi1>
      %not3A_653 = arith.xori %ge3A_652, %not3A : vector<16xi1>
      %broadcast_in_dim3A_654 = vector.broadcast %add3A_124 : i32 to vector<16xi32>
      %mul3A_655 = arith.constant 16 : i32
      %mul3A_656 = arith.muli %scan3A_623, %mul3A_655 : i32
      %add3A_657 = vector.broadcast %mul3A_656 : i32 to vector<16xi32>
      %add3A_658 = arith.addi %broadcast_in_dim3A_654, %add3A_657 : vector<16xi32>
      %add3A_659 = arith.addi %add3A_658, %iota3A : vector<16xi32>
      %convert_element_type3A_660 = arith.extui %ge3A_652 : vector<16xi1> to vector<16xi32>
      %broadcast_in_dim3A_661 = arith.constant true
      %broadcast_in_dim3A_662 = vector.broadcast %broadcast_in_dim3A_661 : i1 to vector<16xi1>
      %masked_cumsum3A = tpu.scan <sum>, %convert_element_type3A_660 masked %broadcast_in_dim3A_662 : vector<16xi32>, vector<16xi1> -> vector<16xi32>
      %add3A_663 = arith.addi %scan3A_624, %masked_cumsum3A : vector<16xi32>
      %sub3A = arith.constant 1 : i32
      %sub3A_664 = vector.broadcast %sub3A : i32 to vector<16xi32>
      %sub3A_665 = arith.subi %add3A_663, %sub3A_664 : vector<16xi32>
      %shift_right_arithmetic3A_666 = arith.constant 7 : i32
      %shift_right_arithmetic3A_667 = vector.broadcast %shift_right_arithmetic3A_666 : i32 to vector<16xi32>
      %shift_right_arithmetic3A_668 = arith.shrsi %sub3A_665, %shift_right_arithmetic3A_667 : vector<16xi32>
      %and3A_669 = arith.constant 127 : i32
      %and3A_670 = vector.broadcast %and3A_669 : i32 to vector<16xi32>
      %and3A_671 = arith.andi %sub3A_665, %and3A_670 : vector<16xi32>
      tpu.vector_store_idx %arg5[%shift_right_arithmetic3A_668, %and3A_671], %add3A_659 masked %ge3A_652 : memref<79x128xi32, #tpu.memory_space<vmem>>[vector<16xi32>, vector<16xi32>], vector<16xi32>, vector<16xi1>
      %convert_element_type3A_672 = arith.extui %not3A_653 : vector<16xi1> to vector<16xi32>
      %broadcast_in_dim3A_673 = arith.constant true
      %broadcast_in_dim3A_674 = vector.broadcast %broadcast_in_dim3A_673 : i1 to vector<16xi1>
      %masked_cumsum3A_675 = tpu.scan <sum>, %convert_element_type3A_672 masked %broadcast_in_dim3A_674 : vector<16xi32>, vector<16xi1> -> vector<16xi32>
      %add3A_676 = arith.addi %scan3A_625, %masked_cumsum3A_675 : vector<16xi32>
      %sub3A_677 = arith.constant 1 : i32
      %sub3A_678 = vector.broadcast %sub3A_677 : i32 to vector<16xi32>
      %sub3A_679 = arith.subi %add3A_676, %sub3A_678 : vector<16xi32>
      %shift_right_arithmetic3A_680 = arith.constant 7 : i32
      %shift_right_arithmetic3A_681 = vector.broadcast %shift_right_arithmetic3A_680 : i32 to vector<16xi32>
      %shift_right_arithmetic3A_682 = arith.shrsi %sub3A_679, %shift_right_arithmetic3A_681 : vector<16xi32>
      %and3A_683 = arith.constant 127 : i32
      %and3A_684 = vector.broadcast %and3A_683 : i32 to vector<16xi32>
      %and3A_685 = arith.andi %sub3A_679, %and3A_684 : vector<16xi32>
      tpu.vector_store_idx %arg6[%shift_right_arithmetic3A_682, %and3A_685], %add3A_659 masked %not3A_653 : memref<79x128xi32, #tpu.memory_space<vmem>>[vector<16xi32>, vector<16xi32>], vector<16xi32>, vector<16xi1>
      %all_reduce_population_count3A = tpu.all_reduce %ge3A_652 {dim = 0 : i64, kind = #tpu.reduction_kind<sum>} : vector<16xi1> -> vector<16xi32>
      %add3A_686 = arith.addi %scan3A_624, %all_reduce_population_count3A : vector<16xi32>
      %all_reduce_population_count3A_687 = tpu.all_reduce %not3A_653 {dim = 0 : i64, kind = #tpu.reduction_kind<sum>} : vector<16xi1> -> vector<16xi32>
      %add3A_688 = arith.addi %scan3A_625, %all_reduce_population_count3A_687 : vector<16xi32>
      scf.yield %add3A_686, %add3A_688 : vector<16xi32>, vector<16xi32>
    }
    %scan3A_130 = arith.constant 25 : i32
    %add3A_131 = arith.constant 14400 : i32
    %add3A_132 = arith.addi %mul3A_4, %add3A_131 : i32
    %dma_start3A_133 = tpu.memref_slice %arg2[%add3A_132] : memref<1280000xf32, #tpu.memory_space<hbm>> -> memref<1600xf32, #tpu.memory_space<hbm>>
    %dma_start3A_134 = tpu.memref_slice %arg2[%add3A_132] : memref<1280000xf32, #tpu.memory_space<hbm>> -> memref<1600xf32, #tpu.memory_space<hbm>>
    tpu.enqueue_dma source(%dma_start3A_134 : memref<1600xf32, #tpu.memory_space<hbm>>) target(%arg11 : memref<1600xf32, #tpu.memory_space<vmem>>) target_semaphore(%arg18 : memref<!tpu.dma_semaphore, #tpu.memory_space<semaphore_mem>>)
    %dma_wait3A_135 = tpu.memref_slice %arg2[%add3A_118] : memref<1280000xf32, #tpu.memory_space<hbm>> -> memref<1600xf32, #tpu.memory_space<hbm>>
    %dma_wait3A_136 = tpu.memref_slice %arg2[%add3A_118] : memref<1280000xf32, #tpu.memory_space<hbm>> -> memref<1600xf32, #tpu.memory_space<hbm>>
    tpu.wait_dma2 semaphore(%arg17 : memref<!tpu.dma_semaphore, #tpu.memory_space<semaphore_mem>>) src(%dma_wait3A_136 : memref<1600xf32, #tpu.memory_space<hbm>>) dst(%arg10 : memref<1600xf32, #tpu.memory_space<vmem>>)
    %add3A_137 = arith.constant 3200 : i32
    %add3A_138 = arith.addi %mul3A_2, %add3A_137 : i32
    %scan3A_139 = arith.constant 0 : i32
    %scan3A_140 = arith.constant 25 : i32
    %scan3A_141 = arith.addi %scan3A_139, %scan3A_140 : i32
    %scan3A_142 = arith.constant 1 : i32
    %scan3A_143:2 = scf.for %scan3A_623 = %scan3A_139 to %scan3A_141 step %scan3A_142 iter_args(%scan3A_624 = %scan3A_129#0, %scan3A_625 = %scan3A_129#1) -> (vector<16xi32>, vector<16xi32>)  : i32 {
      %mul3A_626 = arith.constant 64 : i32
      %mul3A_627 = arith.muli %scan3A_623, %mul3A_626 : i32
      %broadcast_in_dim3A_628 = vector.broadcast %mul3A_627 : i32 to vector<16xi32>
      %add3A_629 = arith.addi %broadcast_in_dim3A_628, %mul3A_7 : vector<16xi32>
      %gather3A_630 = tpu.vector_load_idx %arg10[%add3A_629] : memref<1600xf32, #tpu.memory_space<vmem>>[vector<16xi32>], vector<16xf32>,
      %add3A_631 = arith.constant 1 : i32
      %add3A_632 = vector.broadcast %add3A_631 : i32 to vector<16xi32>
      %add3A_633 = arith.addi %add3A_629, %add3A_632 : vector<16xi32>
      %gather3A_634 = tpu.vector_load_idx %arg10[%add3A_633] : memref<1600xf32, #tpu.memory_space<vmem>>[vector<16xi32>], vector<16xf32>,
      %add3A_635 = arith.constant 2 : i32
      %add3A_636 = vector.broadcast %add3A_635 : i32 to vector<16xi32>
      %add3A_637 = arith.addi %add3A_629, %add3A_636 : vector<16xi32>
      %gather3A_638 = tpu.vector_load_idx %arg10[%add3A_637] : memref<1600xf32, #tpu.memory_space<vmem>>[vector<16xi32>], vector<16xf32>,
      %add3A_639 = arith.constant 3 : i32
      %add3A_640 = vector.broadcast %add3A_639 : i32 to vector<16xi32>
      %add3A_641 = arith.addi %add3A_629, %add3A_640 : vector<16xi32>
      %gather3A_642 = tpu.vector_load_idx %arg10[%add3A_641] : memref<1600xf32, #tpu.memory_space<vmem>>[vector<16xi32>], vector<16xf32>,
      %mul3A_643 = arith.mulf %gather3A_630, %gather3A_630 : vector<16xf32>
      %mul3A_644 = arith.mulf %gather3A_634, %gather3A_634 : vector<16xf32>
      %add3A_645 = arith.addf %mul3A_643, %mul3A_644 : vector<16xf32>
      %mul3A_646 = arith.mulf %gather3A_638, %gather3A_638 : vector<16xf32>
      %add3A_647 = arith.addf %add3A_645, %mul3A_646 : vector<16xf32>
      %mul3A_648 = arith.mulf %gather3A_642, %gather3A_642 : vector<16xf32>
      %add3A_649 = arith.addf %add3A_647, %mul3A_648 : vector<16xf32>
      %ge3A_650 = arith.constant 4.000000e+00 : f32
      %ge3A_651 = vector.broadcast %ge3A_650 : f32 to vector<16xf32>
      %ge3A_652 = arith.cmpf oge, %add3A_649, %ge3A_651 : vector<16xf32>
      %not3A = arith.constant dense<true> : vector<16xi1>
      %not3A_653 = arith.xori %ge3A_652, %not3A : vector<16xi1>
      %broadcast_in_dim3A_654 = vector.broadcast %add3A_138 : i32 to vector<16xi32>
      %mul3A_655 = arith.constant 16 : i32
      %mul3A_656 = arith.muli %scan3A_623, %mul3A_655 : i32
      %add3A_657 = vector.broadcast %mul3A_656 : i32 to vector<16xi32>
      %add3A_658 = arith.addi %broadcast_in_dim3A_654, %add3A_657 : vector<16xi32>
      %add3A_659 = arith.addi %add3A_658, %iota3A : vector<16xi32>
      %convert_element_type3A_660 = arith.extui %ge3A_652 : vector<16xi1> to vector<16xi32>
      %broadcast_in_dim3A_661 = arith.constant true
      %broadcast_in_dim3A_662 = vector.broadcast %broadcast_in_dim3A_661 : i1 to vector<16xi1>
      %masked_cumsum3A = tpu.scan <sum>, %convert_element_type3A_660 masked %broadcast_in_dim3A_662 : vector<16xi32>, vector<16xi1> -> vector<16xi32>
      %add3A_663 = arith.addi %scan3A_624, %masked_cumsum3A : vector<16xi32>
      %sub3A = arith.constant 1 : i32
      %sub3A_664 = vector.broadcast %sub3A : i32 to vector<16xi32>
      %sub3A_665 = arith.subi %add3A_663, %sub3A_664 : vector<16xi32>
      %shift_right_arithmetic3A_666 = arith.constant 7 : i32
      %shift_right_arithmetic3A_667 = vector.broadcast %shift_right_arithmetic3A_666 : i32 to vector<16xi32>
      %shift_right_arithmetic3A_668 = arith.shrsi %sub3A_665, %shift_right_arithmetic3A_667 : vector<16xi32>
      %and3A_669 = arith.constant 127 : i32
      %and3A_670 = vector.broadcast %and3A_669 : i32 to vector<16xi32>
      %and3A_671 = arith.andi %sub3A_665, %and3A_670 : vector<16xi32>
      tpu.vector_store_idx %arg5[%shift_right_arithmetic3A_668, %and3A_671], %add3A_659 masked %ge3A_652 : memref<79x128xi32, #tpu.memory_space<vmem>>[vector<16xi32>, vector<16xi32>], vector<16xi32>, vector<16xi1>
      %convert_element_type3A_672 = arith.extui %not3A_653 : vector<16xi1> to vector<16xi32>
      %broadcast_in_dim3A_673 = arith.constant true
      %broadcast_in_dim3A_674 = vector.broadcast %broadcast_in_dim3A_673 : i1 to vector<16xi1>
      %masked_cumsum3A_675 = tpu.scan <sum>, %convert_element_type3A_672 masked %broadcast_in_dim3A_674 : vector<16xi32>, vector<16xi1> -> vector<16xi32>
      %add3A_676 = arith.addi %scan3A_625, %masked_cumsum3A_675 : vector<16xi32>
      %sub3A_677 = arith.constant 1 : i32
      %sub3A_678 = vector.broadcast %sub3A_677 : i32 to vector<16xi32>
      %sub3A_679 = arith.subi %add3A_676, %sub3A_678 : vector<16xi32>
      %shift_right_arithmetic3A_680 = arith.constant 7 : i32
      %shift_right_arithmetic3A_681 = vector.broadcast %shift_right_arithmetic3A_680 : i32 to vector<16xi32>
      %shift_right_arithmetic3A_682 = arith.shrsi %sub3A_679, %shift_right_arithmetic3A_681 : vector<16xi32>
      %and3A_683 = arith.constant 127 : i32
      %and3A_684 = vector.broadcast %and3A_683 : i32 to vector<16xi32>
      %and3A_685 = arith.andi %sub3A_679, %and3A_684 : vector<16xi32>
      tpu.vector_store_idx %arg6[%shift_right_arithmetic3A_682, %and3A_685], %add3A_659 masked %not3A_653 : memref<79x128xi32, #tpu.memory_space<vmem>>[vector<16xi32>, vector<16xi32>], vector<16xi32>, vector<16xi1>
      %all_reduce_population_count3A = tpu.all_reduce %ge3A_652 {dim = 0 : i64, kind = #tpu.reduction_kind<sum>} : vector<16xi1> -> vector<16xi32>
      %add3A_686 = arith.addi %scan3A_624, %all_reduce_population_count3A : vector<16xi32>
      %all_reduce_population_count3A_687 = tpu.all_reduce %not3A_653 {dim = 0 : i64, kind = #tpu.reduction_kind<sum>} : vector<16xi1> -> vector<16xi32>
      %add3A_688 = arith.addi %scan3A_625, %all_reduce_population_count3A_687 : vector<16xi32>
      scf.yield %add3A_686, %add3A_688 : vector<16xi32>, vector<16xi32>
    }
    %scan3A_144 = arith.constant 25 : i32
    %add3A_145 = arith.constant 16000 : i32
    %add3A_146 = arith.addi %mul3A_4, %add3A_145 : i32
    %dma_start3A_147 = tpu.memref_slice %arg2[%add3A_146] : memref<1280000xf32, #tpu.memory_space<hbm>> -> memref<1600xf32, #tpu.memory_space<hbm>>
    %dma_start3A_148 = tpu.memref_slice %arg2[%add3A_146] : memref<1280000xf32, #tpu.memory_space<hbm>> -> memref<1600xf32, #tpu.memory_space<hbm>>
    tpu.enqueue_dma source(%dma_start3A_148 : memref<1600xf32, #tpu.memory_space<hbm>>) target(%arg10 : memref<1600xf32, #tpu.memory_space<vmem>>) target_semaphore(%arg17 : memref<!tpu.dma_semaphore, #tpu.memory_space<semaphore_mem>>)
    %dma_wait3A_149 = tpu.memref_slice %arg2[%add3A_132] : memref<1280000xf32, #tpu.memory_space<hbm>> -> memref<1600xf32, #tpu.memory_space<hbm>>
    %dma_wait3A_150 = tpu.memref_slice %arg2[%add3A_132] : memref<1280000xf32, #tpu.memory_space<hbm>> -> memref<1600xf32, #tpu.memory_space<hbm>>
    tpu.wait_dma2 semaphore(%arg18 : memref<!tpu.dma_semaphore, #tpu.memory_space<semaphore_mem>>) src(%dma_wait3A_150 : memref<1600xf32, #tpu.memory_space<hbm>>) dst(%arg11 : memref<1600xf32, #tpu.memory_space<vmem>>)
    %add3A_151 = arith.constant 3600 : i32
    %add3A_152 = arith.addi %mul3A_2, %add3A_151 : i32
    %scan3A_153 = arith.constant 0 : i32
    %scan3A_154 = arith.constant 25 : i32
    %scan3A_155 = arith.addi %scan3A_153, %scan3A_154 : i32
    %scan3A_156 = arith.constant 1 : i32
    %scan3A_157:2 = scf.for %scan3A_623 = %scan3A_153 to %scan3A_155 step %scan3A_156 iter_args(%scan3A_624 = %scan3A_143#0, %scan3A_625 = %scan3A_143#1) -> (vector<16xi32>, vector<16xi32>)  : i32 {
      %mul3A_626 = arith.constant 64 : i32
      %mul3A_627 = arith.muli %scan3A_623, %mul3A_626 : i32
      %broadcast_in_dim3A_628 = vector.broadcast %mul3A_627 : i32 to vector<16xi32>
      %add3A_629 = arith.addi %broadcast_in_dim3A_628, %mul3A_7 : vector<16xi32>
      %gather3A_630 = tpu.vector_load_idx %arg11[%add3A_629] : memref<1600xf32, #tpu.memory_space<vmem>>[vector<16xi32>], vector<16xf32>,
      %add3A_631 = arith.constant 1 : i32
      %add3A_632 = vector.broadcast %add3A_631 : i32 to vector<16xi32>
      %add3A_633 = arith.addi %add3A_629, %add3A_632 : vector<16xi32>
      %gather3A_634 = tpu.vector_load_idx %arg11[%add3A_633] : memref<1600xf32, #tpu.memory_space<vmem>>[vector<16xi32>], vector<16xf32>,
      %add3A_635 = arith.constant 2 : i32
      %add3A_636 = vector.broadcast %add3A_635 : i32 to vector<16xi32>
      %add3A_637 = arith.addi %add3A_629, %add3A_636 : vector<16xi32>
      %gather3A_638 = tpu.vector_load_idx %arg11[%add3A_637] : memref<1600xf32, #tpu.memory_space<vmem>>[vector<16xi32>], vector<16xf32>,
      %add3A_639 = arith.constant 3 : i32
      %add3A_640 = vector.broadcast %add3A_639 : i32 to vector<16xi32>
      %add3A_641 = arith.addi %add3A_629, %add3A_640 : vector<16xi32>
      %gather3A_642 = tpu.vector_load_idx %arg11[%add3A_641] : memref<1600xf32, #tpu.memory_space<vmem>>[vector<16xi32>], vector<16xf32>,
      %mul3A_643 = arith.mulf %gather3A_630, %gather3A_630 : vector<16xf32>
      %mul3A_644 = arith.mulf %gather3A_634, %gather3A_634 : vector<16xf32>
      %add3A_645 = arith.addf %mul3A_643, %mul3A_644 : vector<16xf32>
      %mul3A_646 = arith.mulf %gather3A_638, %gather3A_638 : vector<16xf32>
      %add3A_647 = arith.addf %add3A_645, %mul3A_646 : vector<16xf32>
      %mul3A_648 = arith.mulf %gather3A_642, %gather3A_642 : vector<16xf32>
      %add3A_649 = arith.addf %add3A_647, %mul3A_648 : vector<16xf32>
      %ge3A_650 = arith.constant 4.000000e+00 : f32
      %ge3A_651 = vector.broadcast %ge3A_650 : f32 to vector<16xf32>
      %ge3A_652 = arith.cmpf oge, %add3A_649, %ge3A_651 : vector<16xf32>
      %not3A = arith.constant dense<true> : vector<16xi1>
      %not3A_653 = arith.xori %ge3A_652, %not3A : vector<16xi1>
      %broadcast_in_dim3A_654 = vector.broadcast %add3A_152 : i32 to vector<16xi32>
      %mul3A_655 = arith.constant 16 : i32
      %mul3A_656 = arith.muli %scan3A_623, %mul3A_655 : i32
      %add3A_657 = vector.broadcast %mul3A_656 : i32 to vector<16xi32>
      %add3A_658 = arith.addi %broadcast_in_dim3A_654, %add3A_657 : vector<16xi32>
      %add3A_659 = arith.addi %add3A_658, %iota3A : vector<16xi32>
      %convert_element_type3A_660 = arith.extui %ge3A_652 : vector<16xi1> to vector<16xi32>
      %broadcast_in_dim3A_661 = arith.constant true
      %broadcast_in_dim3A_662 = vector.broadcast %broadcast_in_dim3A_661 : i1 to vector<16xi1>
      %masked_cumsum3A = tpu.scan <sum>, %convert_element_type3A_660 masked %broadcast_in_dim3A_662 : vector<16xi32>, vector<16xi1> -> vector<16xi32>
      %add3A_663 = arith.addi %scan3A_624, %masked_cumsum3A : vector<16xi32>
      %sub3A = arith.constant 1 : i32
      %sub3A_664 = vector.broadcast %sub3A : i32 to vector<16xi32>
      %sub3A_665 = arith.subi %add3A_663, %sub3A_664 : vector<16xi32>
      %shift_right_arithmetic3A_666 = arith.constant 7 : i32
      %shift_right_arithmetic3A_667 = vector.broadcast %shift_right_arithmetic3A_666 : i32 to vector<16xi32>
      %shift_right_arithmetic3A_668 = arith.shrsi %sub3A_665, %shift_right_arithmetic3A_667 : vector<16xi32>
      %and3A_669 = arith.constant 127 : i32
      %and3A_670 = vector.broadcast %and3A_669 : i32 to vector<16xi32>
      %and3A_671 = arith.andi %sub3A_665, %and3A_670 : vector<16xi32>
      tpu.vector_store_idx %arg5[%shift_right_arithmetic3A_668, %and3A_671], %add3A_659 masked %ge3A_652 : memref<79x128xi32, #tpu.memory_space<vmem>>[vector<16xi32>, vector<16xi32>], vector<16xi32>, vector<16xi1>
      %convert_element_type3A_672 = arith.extui %not3A_653 : vector<16xi1> to vector<16xi32>
      %broadcast_in_dim3A_673 = arith.constant true
      %broadcast_in_dim3A_674 = vector.broadcast %broadcast_in_dim3A_673 : i1 to vector<16xi1>
      %masked_cumsum3A_675 = tpu.scan <sum>, %convert_element_type3A_672 masked %broadcast_in_dim3A_674 : vector<16xi32>, vector<16xi1> -> vector<16xi32>
      %add3A_676 = arith.addi %scan3A_625, %masked_cumsum3A_675 : vector<16xi32>
      %sub3A_677 = arith.constant 1 : i32
      %sub3A_678 = vector.broadcast %sub3A_677 : i32 to vector<16xi32>
      %sub3A_679 = arith.subi %add3A_676, %sub3A_678 : vector<16xi32>
      %shift_right_arithmetic3A_680 = arith.constant 7 : i32
      %shift_right_arithmetic3A_681 = vector.broadcast %shift_right_arithmetic3A_680 : i32 to vector<16xi32>
      %shift_right_arithmetic3A_682 = arith.shrsi %sub3A_679, %shift_right_arithmetic3A_681 : vector<16xi32>
      %and3A_683 = arith.constant 127 : i32
      %and3A_684 = vector.broadcast %and3A_683 : i32 to vector<16xi32>
      %and3A_685 = arith.andi %sub3A_679, %and3A_684 : vector<16xi32>
      tpu.vector_store_idx %arg6[%shift_right_arithmetic3A_682, %and3A_685], %add3A_659 masked %not3A_653 : memref<79x128xi32, #tpu.memory_space<vmem>>[vector<16xi32>, vector<16xi32>], vector<16xi32>, vector<16xi1>
      %all_reduce_population_count3A = tpu.all_reduce %ge3A_652 {dim = 0 : i64, kind = #tpu.reduction_kind<sum>} : vector<16xi1> -> vector<16xi32>
      %add3A_686 = arith.addi %scan3A_624, %all_reduce_population_count3A : vector<16xi32>
      %all_reduce_population_count3A_687 = tpu.all_reduce %not3A_653 {dim = 0 : i64, kind = #tpu.reduction_kind<sum>} : vector<16xi1> -> vector<16xi32>
      %add3A_688 = arith.addi %scan3A_625, %all_reduce_population_count3A_687 : vector<16xi32>
      scf.yield %add3A_686, %add3A_688 : vector<16xi32>, vector<16xi32>
    }
    %scan3A_158 = arith.constant 25 : i32
    %add3A_159 = arith.constant 17600 : i32
    %add3A_160 = arith.addi %mul3A_4, %add3A_159 : i32
    %dma_start3A_161 = tpu.memref_slice %arg2[%add3A_160] : memref<1280000xf32, #tpu.memory_space<hbm>> -> memref<1600xf32, #tpu.memory_space<hbm>>
    %dma_start3A_162 = tpu.memref_slice %arg2[%add3A_160] : memref<1280000xf32, #tpu.memory_space<hbm>> -> memref<1600xf32, #tpu.memory_space<hbm>>
    tpu.enqueue_dma source(%dma_start3A_162 : memref<1600xf32, #tpu.memory_space<hbm>>) target(%arg11 : memref<1600xf32, #tpu.memory_space<vmem>>) target_semaphore(%arg18 : memref<!tpu.dma_semaphore, #tpu.memory_space<semaphore_mem>>)
    %dma_wait3A_163 = tpu.memref_slice %arg2[%add3A_146] : memref<1280000xf32, #tpu.memory_space<hbm>> -> memref<1600xf32, #tpu.memory_space<hbm>>
    %dma_wait3A_164 = tpu.memref_slice %arg2[%add3A_146] : memref<1280000xf32, #tpu.memory_space<hbm>> -> memref<1600xf32, #tpu.memory_space<hbm>>
    tpu.wait_dma2 semaphore(%arg17 : memref<!tpu.dma_semaphore, #tpu.memory_space<semaphore_mem>>) src(%dma_wait3A_164 : memref<1600xf32, #tpu.memory_space<hbm>>) dst(%arg10 : memref<1600xf32, #tpu.memory_space<vmem>>)
    %add3A_165 = arith.constant 4000 : i32
    %add3A_166 = arith.addi %mul3A_2, %add3A_165 : i32
    %scan3A_167 = arith.constant 0 : i32
    %scan3A_168 = arith.constant 25 : i32
    %scan3A_169 = arith.addi %scan3A_167, %scan3A_168 : i32
    %scan3A_170 = arith.constant 1 : i32
    %scan3A_171:2 = scf.for %scan3A_623 = %scan3A_167 to %scan3A_169 step %scan3A_170 iter_args(%scan3A_624 = %scan3A_157#0, %scan3A_625 = %scan3A_157#1) -> (vector<16xi32>, vector<16xi32>)  : i32 {
      %mul3A_626 = arith.constant 64 : i32
      %mul3A_627 = arith.muli %scan3A_623, %mul3A_626 : i32
      %broadcast_in_dim3A_628 = vector.broadcast %mul3A_627 : i32 to vector<16xi32>
      %add3A_629 = arith.addi %broadcast_in_dim3A_628, %mul3A_7 : vector<16xi32>
      %gather3A_630 = tpu.vector_load_idx %arg10[%add3A_629] : memref<1600xf32, #tpu.memory_space<vmem>>[vector<16xi32>], vector<16xf32>,
      %add3A_631 = arith.constant 1 : i32
      %add3A_632 = vector.broadcast %add3A_631 : i32 to vector<16xi32>
      %add3A_633 = arith.addi %add3A_629, %add3A_632 : vector<16xi32>
      %gather3A_634 = tpu.vector_load_idx %arg10[%add3A_633] : memref<1600xf32, #tpu.memory_space<vmem>>[vector<16xi32>], vector<16xf32>,
      %add3A_635 = arith.constant 2 : i32
      %add3A_636 = vector.broadcast %add3A_635 : i32 to vector<16xi32>
      %add3A_637 = arith.addi %add3A_629, %add3A_636 : vector<16xi32>
      %gather3A_638 = tpu.vector_load_idx %arg10[%add3A_637] : memref<1600xf32, #tpu.memory_space<vmem>>[vector<16xi32>], vector<16xf32>,
      %add3A_639 = arith.constant 3 : i32
      %add3A_640 = vector.broadcast %add3A_639 : i32 to vector<16xi32>
      %add3A_641 = arith.addi %add3A_629, %add3A_640 : vector<16xi32>
      %gather3A_642 = tpu.vector_load_idx %arg10[%add3A_641] : memref<1600xf32, #tpu.memory_space<vmem>>[vector<16xi32>], vector<16xf32>,
      %mul3A_643 = arith.mulf %gather3A_630, %gather3A_630 : vector<16xf32>
      %mul3A_644 = arith.mulf %gather3A_634, %gather3A_634 : vector<16xf32>
      %add3A_645 = arith.addf %mul3A_643, %mul3A_644 : vector<16xf32>
      %mul3A_646 = arith.mulf %gather3A_638, %gather3A_638 : vector<16xf32>
      %add3A_647 = arith.addf %add3A_645, %mul3A_646 : vector<16xf32>
      %mul3A_648 = arith.mulf %gather3A_642, %gather3A_642 : vector<16xf32>
      %add3A_649 = arith.addf %add3A_647, %mul3A_648 : vector<16xf32>
      %ge3A_650 = arith.constant 4.000000e+00 : f32
      %ge3A_651 = vector.broadcast %ge3A_650 : f32 to vector<16xf32>
      %ge3A_652 = arith.cmpf oge, %add3A_649, %ge3A_651 : vector<16xf32>
      %not3A = arith.constant dense<true> : vector<16xi1>
      %not3A_653 = arith.xori %ge3A_652, %not3A : vector<16xi1>
      %broadcast_in_dim3A_654 = vector.broadcast %add3A_166 : i32 to vector<16xi32>
      %mul3A_655 = arith.constant 16 : i32
      %mul3A_656 = arith.muli %scan3A_623, %mul3A_655 : i32
      %add3A_657 = vector.broadcast %mul3A_656 : i32 to vector<16xi32>
      %add3A_658 = arith.addi %broadcast_in_dim3A_654, %add3A_657 : vector<16xi32>
      %add3A_659 = arith.addi %add3A_658, %iota3A : vector<16xi32>
      %convert_element_type3A_660 = arith.extui %ge3A_652 : vector<16xi1> to vector<16xi32>
      %broadcast_in_dim3A_661 = arith.constant true
      %broadcast_in_dim3A_662 = vector.broadcast %broadcast_in_dim3A_661 : i1 to vector<16xi1>
      %masked_cumsum3A = tpu.scan <sum>, %convert_element_type3A_660 masked %broadcast_in_dim3A_662 : vector<16xi32>, vector<16xi1> -> vector<16xi32>
      %add3A_663 = arith.addi %scan3A_624, %masked_cumsum3A : vector<16xi32>
      %sub3A = arith.constant 1 : i32
      %sub3A_664 = vector.broadcast %sub3A : i32 to vector<16xi32>
      %sub3A_665 = arith.subi %add3A_663, %sub3A_664 : vector<16xi32>
      %shift_right_arithmetic3A_666 = arith.constant 7 : i32
      %shift_right_arithmetic3A_667 = vector.broadcast %shift_right_arithmetic3A_666 : i32 to vector<16xi32>
      %shift_right_arithmetic3A_668 = arith.shrsi %sub3A_665, %shift_right_arithmetic3A_667 : vector<16xi32>
      %and3A_669 = arith.constant 127 : i32
      %and3A_670 = vector.broadcast %and3A_669 : i32 to vector<16xi32>
      %and3A_671 = arith.andi %sub3A_665, %and3A_670 : vector<16xi32>
      tpu.vector_store_idx %arg5[%shift_right_arithmetic3A_668, %and3A_671], %add3A_659 masked %ge3A_652 : memref<79x128xi32, #tpu.memory_space<vmem>>[vector<16xi32>, vector<16xi32>], vector<16xi32>, vector<16xi1>
      %convert_element_type3A_672 = arith.extui %not3A_653 : vector<16xi1> to vector<16xi32>
      %broadcast_in_dim3A_673 = arith.constant true
      %broadcast_in_dim3A_674 = vector.broadcast %broadcast_in_dim3A_673 : i1 to vector<16xi1>
      %masked_cumsum3A_675 = tpu.scan <sum>, %convert_element_type3A_672 masked %broadcast_in_dim3A_674 : vector<16xi32>, vector<16xi1> -> vector<16xi32>
      %add3A_676 = arith.addi %scan3A_625, %masked_cumsum3A_675 : vector<16xi32>
      %sub3A_677 = arith.constant 1 : i32
      %sub3A_678 = vector.broadcast %sub3A_677 : i32 to vector<16xi32>
      %sub3A_679 = arith.subi %add3A_676, %sub3A_678 : vector<16xi32>
      %shift_right_arithmetic3A_680 = arith.constant 7 : i32
      %shift_right_arithmetic3A_681 = vector.broadcast %shift_right_arithmetic3A_680 : i32 to vector<16xi32>
      %shift_right_arithmetic3A_682 = arith.shrsi %sub3A_679, %shift_right_arithmetic3A_681 : vector<16xi32>
      %and3A_683 = arith.constant 127 : i32
      %and3A_684 = vector.broadcast %and3A_683 : i32 to vector<16xi32>
      %and3A_685 = arith.andi %sub3A_679, %and3A_684 : vector<16xi32>
      tpu.vector_store_idx %arg6[%shift_right_arithmetic3A_682, %and3A_685], %add3A_659 masked %not3A_653 : memref<79x128xi32, #tpu.memory_space<vmem>>[vector<16xi32>, vector<16xi32>], vector<16xi32>, vector<16xi1>
      %all_reduce_population_count3A = tpu.all_reduce %ge3A_652 {dim = 0 : i64, kind = #tpu.reduction_kind<sum>} : vector<16xi1> -> vector<16xi32>
      %add3A_686 = arith.addi %scan3A_624, %all_reduce_population_count3A : vector<16xi32>
      %all_reduce_population_count3A_687 = tpu.all_reduce %not3A_653 {dim = 0 : i64, kind = #tpu.reduction_kind<sum>} : vector<16xi1> -> vector<16xi32>
      %add3A_688 = arith.addi %scan3A_625, %all_reduce_population_count3A_687 : vector<16xi32>
      scf.yield %add3A_686, %add3A_688 : vector<16xi32>, vector<16xi32>
    }
    %scan3A_172 = arith.constant 25 : i32
    %add3A_173 = arith.constant 19200 : i32
    %add3A_174 = arith.addi %mul3A_4, %add3A_173 : i32
    %dma_start3A_175 = tpu.memref_slice %arg2[%add3A_174] : memref<1280000xf32, #tpu.memory_space<hbm>> -> memref<1600xf32, #tpu.memory_space<hbm>>
    %dma_start3A_176 = tpu.memref_slice %arg2[%add3A_174] : memref<1280000xf32, #tpu.memory_space<hbm>> -> memref<1600xf32, #tpu.memory_space<hbm>>
    tpu.enqueue_dma source(%dma_start3A_176 : memref<1600xf32, #tpu.memory_space<hbm>>) target(%arg10 : memref<1600xf32, #tpu.memory_space<vmem>>) target_semaphore(%arg17 : memref<!tpu.dma_semaphore, #tpu.memory_space<semaphore_mem>>)
    %dma_wait3A_177 = tpu.memref_slice %arg2[%add3A_160] : memref<1280000xf32, #tpu.memory_space<hbm>> -> memref<1600xf32, #tpu.memory_space<hbm>>
    %dma_wait3A_178 = tpu.memref_slice %arg2[%add3A_160] : memref<1280000xf32, #tpu.memory_space<hbm>> -> memref<1600xf32, #tpu.memory_space<hbm>>
    tpu.wait_dma2 semaphore(%arg18 : memref<!tpu.dma_semaphore, #tpu.memory_space<semaphore_mem>>) src(%dma_wait3A_178 : memref<1600xf32, #tpu.memory_space<hbm>>) dst(%arg11 : memref<1600xf32, #tpu.memory_space<vmem>>)
    %add3A_179 = arith.constant 4400 : i32
    %add3A_180 = arith.addi %mul3A_2, %add3A_179 : i32
    %scan3A_181 = arith.constant 0 : i32
    %scan3A_182 = arith.constant 25 : i32
    %scan3A_183 = arith.addi %scan3A_181, %scan3A_182 : i32
    %scan3A_184 = arith.constant 1 : i32
    %scan3A_185:2 = scf.for %scan3A_623 = %scan3A_181 to %scan3A_183 step %scan3A_184 iter_args(%scan3A_624 = %scan3A_171#0, %scan3A_625 = %scan3A_171#1) -> (vector<16xi32>, vector<16xi32>)  : i32 {
      %mul3A_626 = arith.constant 64 : i32
      %mul3A_627 = arith.muli %scan3A_623, %mul3A_626 : i32
      %broadcast_in_dim3A_628 = vector.broadcast %mul3A_627 : i32 to vector<16xi32>
      %add3A_629 = arith.addi %broadcast_in_dim3A_628, %mul3A_7 : vector<16xi32>
      %gather3A_630 = tpu.vector_load_idx %arg11[%add3A_629] : memref<1600xf32, #tpu.memory_space<vmem>>[vector<16xi32>], vector<16xf32>,
      %add3A_631 = arith.constant 1 : i32
      %add3A_632 = vector.broadcast %add3A_631 : i32 to vector<16xi32>
      %add3A_633 = arith.addi %add3A_629, %add3A_632 : vector<16xi32>
      %gather3A_634 = tpu.vector_load_idx %arg11[%add3A_633] : memref<1600xf32, #tpu.memory_space<vmem>>[vector<16xi32>], vector<16xf32>,
      %add3A_635 = arith.constant 2 : i32
      %add3A_636 = vector.broadcast %add3A_635 : i32 to vector<16xi32>
      %add3A_637 = arith.addi %add3A_629, %add3A_636 : vector<16xi32>
      %gather3A_638 = tpu.vector_load_idx %arg11[%add3A_637] : memref<1600xf32, #tpu.memory_space<vmem>>[vector<16xi32>], vector<16xf32>,
      %add3A_639 = arith.constant 3 : i32
      %add3A_640 = vector.broadcast %add3A_639 : i32 to vector<16xi32>
      %add3A_641 = arith.addi %add3A_629, %add3A_640 : vector<16xi32>
      %gather3A_642 = tpu.vector_load_idx %arg11[%add3A_641] : memref<1600xf32, #tpu.memory_space<vmem>>[vector<16xi32>], vector<16xf32>,
      %mul3A_643 = arith.mulf %gather3A_630, %gather3A_630 : vector<16xf32>
      %mul3A_644 = arith.mulf %gather3A_634, %gather3A_634 : vector<16xf32>
      %add3A_645 = arith.addf %mul3A_643, %mul3A_644 : vector<16xf32>
      %mul3A_646 = arith.mulf %gather3A_638, %gather3A_638 : vector<16xf32>
      %add3A_647 = arith.addf %add3A_645, %mul3A_646 : vector<16xf32>
      %mul3A_648 = arith.mulf %gather3A_642, %gather3A_642 : vector<16xf32>
      %add3A_649 = arith.addf %add3A_647, %mul3A_648 : vector<16xf32>
      %ge3A_650 = arith.constant 4.000000e+00 : f32
      %ge3A_651 = vector.broadcast %ge3A_650 : f32 to vector<16xf32>
      %ge3A_652 = arith.cmpf oge, %add3A_649, %ge3A_651 : vector<16xf32>
      %not3A = arith.constant dense<true> : vector<16xi1>
      %not3A_653 = arith.xori %ge3A_652, %not3A : vector<16xi1>
      %broadcast_in_dim3A_654 = vector.broadcast %add3A_180 : i32 to vector<16xi32>
      %mul3A_655 = arith.constant 16 : i32
      %mul3A_656 = arith.muli %scan3A_623, %mul3A_655 : i32
      %add3A_657 = vector.broadcast %mul3A_656 : i32 to vector<16xi32>
      %add3A_658 = arith.addi %broadcast_in_dim3A_654, %add3A_657 : vector<16xi32>
      %add3A_659 = arith.addi %add3A_658, %iota3A : vector<16xi32>
      %convert_element_type3A_660 = arith.extui %ge3A_652 : vector<16xi1> to vector<16xi32>
      %broadcast_in_dim3A_661 = arith.constant true
      %broadcast_in_dim3A_662 = vector.broadcast %broadcast_in_dim3A_661 : i1 to vector<16xi1>
      %masked_cumsum3A = tpu.scan <sum>, %convert_element_type3A_660 masked %broadcast_in_dim3A_662 : vector<16xi32>, vector<16xi1> -> vector<16xi32>
      %add3A_663 = arith.addi %scan3A_624, %masked_cumsum3A : vector<16xi32>
      %sub3A = arith.constant 1 : i32
      %sub3A_664 = vector.broadcast %sub3A : i32 to vector<16xi32>
      %sub3A_665 = arith.subi %add3A_663, %sub3A_664 : vector<16xi32>
      %shift_right_arithmetic3A_666 = arith.constant 7 : i32
      %shift_right_arithmetic3A_667 = vector.broadcast %shift_right_arithmetic3A_666 : i32 to vector<16xi32>
      %shift_right_arithmetic3A_668 = arith.shrsi %sub3A_665, %shift_right_arithmetic3A_667 : vector<16xi32>
      %and3A_669 = arith.constant 127 : i32
      %and3A_670 = vector.broadcast %and3A_669 : i32 to vector<16xi32>
      %and3A_671 = arith.andi %sub3A_665, %and3A_670 : vector<16xi32>
      tpu.vector_store_idx %arg5[%shift_right_arithmetic3A_668, %and3A_671], %add3A_659 masked %ge3A_652 : memref<79x128xi32, #tpu.memory_space<vmem>>[vector<16xi32>, vector<16xi32>], vector<16xi32>, vector<16xi1>
      %convert_element_type3A_672 = arith.extui %not3A_653 : vector<16xi1> to vector<16xi32>
      %broadcast_in_dim3A_673 = arith.constant true
      %broadcast_in_dim3A_674 = vector.broadcast %broadcast_in_dim3A_673 : i1 to vector<16xi1>
      %masked_cumsum3A_675 = tpu.scan <sum>, %convert_element_type3A_672 masked %broadcast_in_dim3A_674 : vector<16xi32>, vector<16xi1> -> vector<16xi32>
      %add3A_676 = arith.addi %scan3A_625, %masked_cumsum3A_675 : vector<16xi32>
      %sub3A_677 = arith.constant 1 : i32
      %sub3A_678 = vector.broadcast %sub3A_677 : i32 to vector<16xi32>
      %sub3A_679 = arith.subi %add3A_676, %sub3A_678 : vector<16xi32>
      %shift_right_arithmetic3A_680 = arith.constant 7 : i32
      %shift_right_arithmetic3A_681 = vector.broadcast %shift_right_arithmetic3A_680 : i32 to vector<16xi32>
      %shift_right_arithmetic3A_682 = arith.shrsi %sub3A_679, %shift_right_arithmetic3A_681 : vector<16xi32>
      %and3A_683 = arith.constant 127 : i32
      %and3A_684 = vector.broadcast %and3A_683 : i32 to vector<16xi32>
      %and3A_685 = arith.andi %sub3A_679, %and3A_684 : vector<16xi32>
      tpu.vector_store_idx %arg6[%shift_right_arithmetic3A_682, %and3A_685], %add3A_659 masked %not3A_653 : memref<79x128xi32, #tpu.memory_space<vmem>>[vector<16xi32>, vector<16xi32>], vector<16xi32>, vector<16xi1>
      %all_reduce_population_count3A = tpu.all_reduce %ge3A_652 {dim = 0 : i64, kind = #tpu.reduction_kind<sum>} : vector<16xi1> -> vector<16xi32>
      %add3A_686 = arith.addi %scan3A_624, %all_reduce_population_count3A : vector<16xi32>
      %all_reduce_population_count3A_687 = tpu.all_reduce %not3A_653 {dim = 0 : i64, kind = #tpu.reduction_kind<sum>} : vector<16xi1> -> vector<16xi32>
      %add3A_688 = arith.addi %scan3A_625, %all_reduce_population_count3A_687 : vector<16xi32>
      scf.yield %add3A_686, %add3A_688 : vector<16xi32>, vector<16xi32>
    }
    %scan3A_186 = arith.constant 25 : i32
    %add3A_187 = arith.constant 20800 : i32
    %add3A_188 = arith.addi %mul3A_4, %add3A_187 : i32
    %dma_start3A_189 = tpu.memref_slice %arg2[%add3A_188] : memref<1280000xf32, #tpu.memory_space<hbm>> -> memref<1600xf32, #tpu.memory_space<hbm>>
    %dma_start3A_190 = tpu.memref_slice %arg2[%add3A_188] : memref<1280000xf32, #tpu.memory_space<hbm>> -> memref<1600xf32, #tpu.memory_space<hbm>>
    tpu.enqueue_dma source(%dma_start3A_190 : memref<1600xf32, #tpu.memory_space<hbm>>) target(%arg11 : memref<1600xf32, #tpu.memory_space<vmem>>) target_semaphore(%arg18 : memref<!tpu.dma_semaphore, #tpu.memory_space<semaphore_mem>>)
    %dma_wait3A_191 = tpu.memref_slice %arg2[%add3A_174] : memref<1280000xf32, #tpu.memory_space<hbm>> -> memref<1600xf32, #tpu.memory_space<hbm>>
    %dma_wait3A_192 = tpu.memref_slice %arg2[%add3A_174] : memref<1280000xf32, #tpu.memory_space<hbm>> -> memref<1600xf32, #tpu.memory_space<hbm>>
    tpu.wait_dma2 semaphore(%arg17 : memref<!tpu.dma_semaphore, #tpu.memory_space<semaphore_mem>>) src(%dma_wait3A_192 : memref<1600xf32, #tpu.memory_space<hbm>>) dst(%arg10 : memref<1600xf32, #tpu.memory_space<vmem>>)
    %add3A_193 = arith.constant 4800 : i32
    %add3A_194 = arith.addi %mul3A_2, %add3A_193 : i32
    %scan3A_195 = arith.constant 0 : i32
    %scan3A_196 = arith.constant 25 : i32
    %scan3A_197 = arith.addi %scan3A_195, %scan3A_196 : i32
    %scan3A_198 = arith.constant 1 : i32
    %scan3A_199:2 = scf.for %scan3A_623 = %scan3A_195 to %scan3A_197 step %scan3A_198 iter_args(%scan3A_624 = %scan3A_185#0, %scan3A_625 = %scan3A_185#1) -> (vector<16xi32>, vector<16xi32>)  : i32 {
      %mul3A_626 = arith.constant 64 : i32
      %mul3A_627 = arith.muli %scan3A_623, %mul3A_626 : i32
      %broadcast_in_dim3A_628 = vector.broadcast %mul3A_627 : i32 to vector<16xi32>
      %add3A_629 = arith.addi %broadcast_in_dim3A_628, %mul3A_7 : vector<16xi32>
      %gather3A_630 = tpu.vector_load_idx %arg10[%add3A_629] : memref<1600xf32, #tpu.memory_space<vmem>>[vector<16xi32>], vector<16xf32>,
      %add3A_631 = arith.constant 1 : i32
      %add3A_632 = vector.broadcast %add3A_631 : i32 to vector<16xi32>
      %add3A_633 = arith.addi %add3A_629, %add3A_632 : vector<16xi32>
      %gather3A_634 = tpu.vector_load_idx %arg10[%add3A_633] : memref<1600xf32, #tpu.memory_space<vmem>>[vector<16xi32>], vector<16xf32>,
      %add3A_635 = arith.constant 2 : i32
      %add3A_636 = vector.broadcast %add3A_635 : i32 to vector<16xi32>
      %add3A_637 = arith.addi %add3A_629, %add3A_636 : vector<16xi32>
      %gather3A_638 = tpu.vector_load_idx %arg10[%add3A_637] : memref<1600xf32, #tpu.memory_space<vmem>>[vector<16xi32>], vector<16xf32>,
      %add3A_639 = arith.constant 3 : i32
      %add3A_640 = vector.broadcast %add3A_639 : i32 to vector<16xi32>
      %add3A_641 = arith.addi %add3A_629, %add3A_640 : vector<16xi32>
      %gather3A_642 = tpu.vector_load_idx %arg10[%add3A_641] : memref<1600xf32, #tpu.memory_space<vmem>>[vector<16xi32>], vector<16xf32>,
      %mul3A_643 = arith.mulf %gather3A_630, %gather3A_630 : vector<16xf32>
      %mul3A_644 = arith.mulf %gather3A_634, %gather3A_634 : vector<16xf32>
      %add3A_645 = arith.addf %mul3A_643, %mul3A_644 : vector<16xf32>
      %mul3A_646 = arith.mulf %gather3A_638, %gather3A_638 : vector<16xf32>
      %add3A_647 = arith.addf %add3A_645, %mul3A_646 : vector<16xf32>
      %mul3A_648 = arith.mulf %gather3A_642, %gather3A_642 : vector<16xf32>
      %add3A_649 = arith.addf %add3A_647, %mul3A_648 : vector<16xf32>
      %ge3A_650 = arith.constant 4.000000e+00 : f32
      %ge3A_651 = vector.broadcast %ge3A_650 : f32 to vector<16xf32>
      %ge3A_652 = arith.cmpf oge, %add3A_649, %ge3A_651 : vector<16xf32>
      %not3A = arith.constant dense<true> : vector<16xi1>
      %not3A_653 = arith.xori %ge3A_652, %not3A : vector<16xi1>
      %broadcast_in_dim3A_654 = vector.broadcast %add3A_194 : i32 to vector<16xi32>
      %mul3A_655 = arith.constant 16 : i32
      %mul3A_656 = arith.muli %scan3A_623, %mul3A_655 : i32
      %add3A_657 = vector.broadcast %mul3A_656 : i32 to vector<16xi32>
      %add3A_658 = arith.addi %broadcast_in_dim3A_654, %add3A_657 : vector<16xi32>
      %add3A_659 = arith.addi %add3A_658, %iota3A : vector<16xi32>
      %convert_element_type3A_660 = arith.extui %ge3A_652 : vector<16xi1> to vector<16xi32>
      %broadcast_in_dim3A_661 = arith.constant true
      %broadcast_in_dim3A_662 = vector.broadcast %broadcast_in_dim3A_661 : i1 to vector<16xi1>
      %masked_cumsum3A = tpu.scan <sum>, %convert_element_type3A_660 masked %broadcast_in_dim3A_662 : vector<16xi32>, vector<16xi1> -> vector<16xi32>
      %add3A_663 = arith.addi %scan3A_624, %masked_cumsum3A : vector<16xi32>
      %sub3A = arith.constant 1 : i32
      %sub3A_664 = vector.broadcast %sub3A : i32 to vector<16xi32>
      %sub3A_665 = arith.subi %add3A_663, %sub3A_664 : vector<16xi32>
      %shift_right_arithmetic3A_666 = arith.constant 7 : i32
      %shift_right_arithmetic3A_667 = vector.broadcast %shift_right_arithmetic3A_666 : i32 to vector<16xi32>
      %shift_right_arithmetic3A_668 = arith.shrsi %sub3A_665, %shift_right_arithmetic3A_667 : vector<16xi32>
      %and3A_669 = arith.constant 127 : i32
      %and3A_670 = vector.broadcast %and3A_669 : i32 to vector<16xi32>
      %and3A_671 = arith.andi %sub3A_665, %and3A_670 : vector<16xi32>
      tpu.vector_store_idx %arg5[%shift_right_arithmetic3A_668, %and3A_671], %add3A_659 masked %ge3A_652 : memref<79x128xi32, #tpu.memory_space<vmem>>[vector<16xi32>, vector<16xi32>], vector<16xi32>, vector<16xi1>
      %convert_element_type3A_672 = arith.extui %not3A_653 : vector<16xi1> to vector<16xi32>
      %broadcast_in_dim3A_673 = arith.constant true
      %broadcast_in_dim3A_674 = vector.broadcast %broadcast_in_dim3A_673 : i1 to vector<16xi1>
      %masked_cumsum3A_675 = tpu.scan <sum>, %convert_element_type3A_672 masked %broadcast_in_dim3A_674 : vector<16xi32>, vector<16xi1> -> vector<16xi32>
      %add3A_676 = arith.addi %scan3A_625, %masked_cumsum3A_675 : vector<16xi32>
      %sub3A_677 = arith.constant 1 : i32
      %sub3A_678 = vector.broadcast %sub3A_677 : i32 to vector<16xi32>
      %sub3A_679 = arith.subi %add3A_676, %sub3A_678 : vector<16xi32>
      %shift_right_arithmetic3A_680 = arith.constant 7 : i32
      %shift_right_arithmetic3A_681 = vector.broadcast %shift_right_arithmetic3A_680 : i32 to vector<16xi32>
      %shift_right_arithmetic3A_682 = arith.shrsi %sub3A_679, %shift_right_arithmetic3A_681 : vector<16xi32>
      %and3A_683 = arith.constant 127 : i32
      %and3A_684 = vector.broadcast %and3A_683 : i32 to vector<16xi32>
      %and3A_685 = arith.andi %sub3A_679, %and3A_684 : vector<16xi32>
      tpu.vector_store_idx %arg6[%shift_right_arithmetic3A_682, %and3A_685], %add3A_659 masked %not3A_653 : memref<79x128xi32, #tpu.memory_space<vmem>>[vector<16xi32>, vector<16xi32>], vector<16xi32>, vector<16xi1>
      %all_reduce_population_count3A = tpu.all_reduce %ge3A_652 {dim = 0 : i64, kind = #tpu.reduction_kind<sum>} : vector<16xi1> -> vector<16xi32>
      %add3A_686 = arith.addi %scan3A_624, %all_reduce_population_count3A : vector<16xi32>
      %all_reduce_population_count3A_687 = tpu.all_reduce %not3A_653 {dim = 0 : i64, kind = #tpu.reduction_kind<sum>} : vector<16xi1> -> vector<16xi32>
      %add3A_688 = arith.addi %scan3A_625, %all_reduce_population_count3A_687 : vector<16xi32>
      scf.yield %add3A_686, %add3A_688 : vector<16xi32>, vector<16xi32>
    }
    %scan3A_200 = arith.constant 25 : i32
    %add3A_201 = arith.constant 22400 : i32
    %add3A_202 = arith.addi %mul3A_4, %add3A_201 : i32
    %dma_start3A_203 = tpu.memref_slice %arg2[%add3A_202] : memref<1280000xf32, #tpu.memory_space<hbm>> -> memref<1600xf32, #tpu.memory_space<hbm>>
    %dma_start3A_204 = tpu.memref_slice %arg2[%add3A_202] : memref<1280000xf32, #tpu.memory_space<hbm>> -> memref<1600xf32, #tpu.memory_space<hbm>>
    tpu.enqueue_dma source(%dma_start3A_204 : memref<1600xf32, #tpu.memory_space<hbm>>) target(%arg10 : memref<1600xf32, #tpu.memory_space<vmem>>) target_semaphore(%arg17 : memref<!tpu.dma_semaphore, #tpu.memory_space<semaphore_mem>>)
    %dma_wait3A_205 = tpu.memref_slice %arg2[%add3A_188] : memref<1280000xf32, #tpu.memory_space<hbm>> -> memref<1600xf32, #tpu.memory_space<hbm>>
    %dma_wait3A_206 = tpu.memref_slice %arg2[%add3A_188] : memref<1280000xf32, #tpu.memory_space<hbm>> -> memref<1600xf32, #tpu.memory_space<hbm>>
    tpu.wait_dma2 semaphore(%arg18 : memref<!tpu.dma_semaphore, #tpu.memory_space<semaphore_mem>>) src(%dma_wait3A_206 : memref<1600xf32, #tpu.memory_space<hbm>>) dst(%arg11 : memref<1600xf32, #tpu.memory_space<vmem>>)
    %add3A_207 = arith.constant 5200 : i32
    %add3A_208 = arith.addi %mul3A_2, %add3A_207 : i32
    %scan3A_209 = arith.constant 0 : i32
    %scan3A_210 = arith.constant 25 : i32
    %scan3A_211 = arith.addi %scan3A_209, %scan3A_210 : i32
    %scan3A_212 = arith.constant 1 : i32
    %scan3A_213:2 = scf.for %scan3A_623 = %scan3A_209 to %scan3A_211 step %scan3A_212 iter_args(%scan3A_624 = %scan3A_199#0, %scan3A_625 = %scan3A_199#1) -> (vector<16xi32>, vector<16xi32>)  : i32 {
      %mul3A_626 = arith.constant 64 : i32
      %mul3A_627 = arith.muli %scan3A_623, %mul3A_626 : i32
      %broadcast_in_dim3A_628 = vector.broadcast %mul3A_627 : i32 to vector<16xi32>
      %add3A_629 = arith.addi %broadcast_in_dim3A_628, %mul3A_7 : vector<16xi32>
      %gather3A_630 = tpu.vector_load_idx %arg11[%add3A_629] : memref<1600xf32, #tpu.memory_space<vmem>>[vector<16xi32>], vector<16xf32>,
      %add3A_631 = arith.constant 1 : i32
      %add3A_632 = vector.broadcast %add3A_631 : i32 to vector<16xi32>
      %add3A_633 = arith.addi %add3A_629, %add3A_632 : vector<16xi32>
      %gather3A_634 = tpu.vector_load_idx %arg11[%add3A_633] : memref<1600xf32, #tpu.memory_space<vmem>>[vector<16xi32>], vector<16xf32>,
      %add3A_635 = arith.constant 2 : i32
      %add3A_636 = vector.broadcast %add3A_635 : i32 to vector<16xi32>
      %add3A_637 = arith.addi %add3A_629, %add3A_636 : vector<16xi32>
      %gather3A_638 = tpu.vector_load_idx %arg11[%add3A_637] : memref<1600xf32, #tpu.memory_space<vmem>>[vector<16xi32>], vector<16xf32>,
      %add3A_639 = arith.constant 3 : i32
      %add3A_640 = vector.broadcast %add3A_639 : i32 to vector<16xi32>
      %add3A_641 = arith.addi %add3A_629, %add3A_640 : vector<16xi32>
      %gather3A_642 = tpu.vector_load_idx %arg11[%add3A_641] : memref<1600xf32, #tpu.memory_space<vmem>>[vector<16xi32>], vector<16xf32>,
      %mul3A_643 = arith.mulf %gather3A_630, %gather3A_630 : vector<16xf32>
      %mul3A_644 = arith.mulf %gather3A_634, %gather3A_634 : vector<16xf32>
      %add3A_645 = arith.addf %mul3A_643, %mul3A_644 : vector<16xf32>
      %mul3A_646 = arith.mulf %gather3A_638, %gather3A_638 : vector<16xf32>
      %add3A_647 = arith.addf %add3A_645, %mul3A_646 : vector<16xf32>
      %mul3A_648 = arith.mulf %gather3A_642, %gather3A_642 : vector<16xf32>
      %add3A_649 = arith.addf %add3A_647, %mul3A_648 : vector<16xf32>
      %ge3A_650 = arith.constant 4.000000e+00 : f32
      %ge3A_651 = vector.broadcast %ge3A_650 : f32 to vector<16xf32>
      %ge3A_652 = arith.cmpf oge, %add3A_649, %ge3A_651 : vector<16xf32>
      %not3A = arith.constant dense<true> : vector<16xi1>
      %not3A_653 = arith.xori %ge3A_652, %not3A : vector<16xi1>
      %broadcast_in_dim3A_654 = vector.broadcast %add3A_208 : i32 to vector<16xi32>
      %mul3A_655 = arith.constant 16 : i32
      %mul3A_656 = arith.muli %scan3A_623, %mul3A_655 : i32
      %add3A_657 = vector.broadcast %mul3A_656 : i32 to vector<16xi32>
      %add3A_658 = arith.addi %broadcast_in_dim3A_654, %add3A_657 : vector<16xi32>
      %add3A_659 = arith.addi %add3A_658, %iota3A : vector<16xi32>
      %convert_element_type3A_660 = arith.extui %ge3A_652 : vector<16xi1> to vector<16xi32>
      %broadcast_in_dim3A_661 = arith.constant true
      %broadcast_in_dim3A_662 = vector.broadcast %broadcast_in_dim3A_661 : i1 to vector<16xi1>
      %masked_cumsum3A = tpu.scan <sum>, %convert_element_type3A_660 masked %broadcast_in_dim3A_662 : vector<16xi32>, vector<16xi1> -> vector<16xi32>
      %add3A_663 = arith.addi %scan3A_624, %masked_cumsum3A : vector<16xi32>
      %sub3A = arith.constant 1 : i32
      %sub3A_664 = vector.broadcast %sub3A : i32 to vector<16xi32>
      %sub3A_665 = arith.subi %add3A_663, %sub3A_664 : vector<16xi32>
      %shift_right_arithmetic3A_666 = arith.constant 7 : i32
      %shift_right_arithmetic3A_667 = vector.broadcast %shift_right_arithmetic3A_666 : i32 to vector<16xi32>
      %shift_right_arithmetic3A_668 = arith.shrsi %sub3A_665, %shift_right_arithmetic3A_667 : vector<16xi32>
      %and3A_669 = arith.constant 127 : i32
      %and3A_670 = vector.broadcast %and3A_669 : i32 to vector<16xi32>
      %and3A_671 = arith.andi %sub3A_665, %and3A_670 : vector<16xi32>
      tpu.vector_store_idx %arg5[%shift_right_arithmetic3A_668, %and3A_671], %add3A_659 masked %ge3A_652 : memref<79x128xi32, #tpu.memory_space<vmem>>[vector<16xi32>, vector<16xi32>], vector<16xi32>, vector<16xi1>
      %convert_element_type3A_672 = arith.extui %not3A_653 : vector<16xi1> to vector<16xi32>
      %broadcast_in_dim3A_673 = arith.constant true
      %broadcast_in_dim3A_674 = vector.broadcast %broadcast_in_dim3A_673 : i1 to vector<16xi1>
      %masked_cumsum3A_675 = tpu.scan <sum>, %convert_element_type3A_672 masked %broadcast_in_dim3A_674 : vector<16xi32>, vector<16xi1> -> vector<16xi32>
      %add3A_676 = arith.addi %scan3A_625, %masked_cumsum3A_675 : vector<16xi32>
      %sub3A_677 = arith.constant 1 : i32
      %sub3A_678 = vector.broadcast %sub3A_677 : i32 to vector<16xi32>
      %sub3A_679 = arith.subi %add3A_676, %sub3A_678 : vector<16xi32>
      %shift_right_arithmetic3A_680 = arith.constant 7 : i32
      %shift_right_arithmetic3A_681 = vector.broadcast %shift_right_arithmetic3A_680 : i32 to vector<16xi32>
      %shift_right_arithmetic3A_682 = arith.shrsi %sub3A_679, %shift_right_arithmetic3A_681 : vector<16xi32>
      %and3A_683 = arith.constant 127 : i32
      %and3A_684 = vector.broadcast %and3A_683 : i32 to vector<16xi32>
      %and3A_685 = arith.andi %sub3A_679, %and3A_684 : vector<16xi32>
      tpu.vector_store_idx %arg6[%shift_right_arithmetic3A_682, %and3A_685], %add3A_659 masked %not3A_653 : memref<79x128xi32, #tpu.memory_space<vmem>>[vector<16xi32>, vector<16xi32>], vector<16xi32>, vector<16xi1>
      %all_reduce_population_count3A = tpu.all_reduce %ge3A_652 {dim = 0 : i64, kind = #tpu.reduction_kind<sum>} : vector<16xi1> -> vector<16xi32>
      %add3A_686 = arith.addi %scan3A_624, %all_reduce_population_count3A : vector<16xi32>
      %all_reduce_population_count3A_687 = tpu.all_reduce %not3A_653 {dim = 0 : i64, kind = #tpu.reduction_kind<sum>} : vector<16xi1> -> vector<16xi32>
      %add3A_688 = arith.addi %scan3A_625, %all_reduce_population_count3A_687 : vector<16xi32>
      scf.yield %add3A_686, %add3A_688 : vector<16xi32>, vector<16xi32>
    }
    %scan3A_214 = arith.constant 25 : i32
    %add3A_215 = arith.constant 24000 : i32
    %add3A_216 = arith.addi %mul3A_4, %add3A_215 : i32
    %dma_start3A_217 = tpu.memref_slice %arg2[%add3A_216] : memref<1280000xf32, #tpu.memory_space<hbm>> -> memref<1600xf32, #tpu.memory_space<hbm>>
    %dma_start3A_218 = tpu.memref_slice %arg2[%add3A_216] : memref<1280000xf32, #tpu.memory_space<hbm>> -> memref<1600xf32, #tpu.memory_space<hbm>>
    tpu.enqueue_dma source(%dma_start3A_218 : memref<1600xf32, #tpu.memory_space<hbm>>) target(%arg11 : memref<1600xf32, #tpu.memory_space<vmem>>) target_semaphore(%arg18 : memref<!tpu.dma_semaphore, #tpu.memory_space<semaphore_mem>>)
    %dma_wait3A_219 = tpu.memref_slice %arg2[%add3A_202] : memref<1280000xf32, #tpu.memory_space<hbm>> -> memref<1600xf32, #tpu.memory_space<hbm>>
    %dma_wait3A_220 = tpu.memref_slice %arg2[%add3A_202] : memref<1280000xf32, #tpu.memory_space<hbm>> -> memref<1600xf32, #tpu.memory_space<hbm>>
    tpu.wait_dma2 semaphore(%arg17 : memref<!tpu.dma_semaphore, #tpu.memory_space<semaphore_mem>>) src(%dma_wait3A_220 : memref<1600xf32, #tpu.memory_space<hbm>>) dst(%arg10 : memref<1600xf32, #tpu.memory_space<vmem>>)
    %add3A_221 = arith.constant 5600 : i32
    %add3A_222 = arith.addi %mul3A_2, %add3A_221 : i32
    %scan3A_223 = arith.constant 0 : i32
    %scan3A_224 = arith.constant 25 : i32
    %scan3A_225 = arith.addi %scan3A_223, %scan3A_224 : i32
    %scan3A_226 = arith.constant 1 : i32
    %scan3A_227:2 = scf.for %scan3A_623 = %scan3A_223 to %scan3A_225 step %scan3A_226 iter_args(%scan3A_624 = %scan3A_213#0, %scan3A_625 = %scan3A_213#1) -> (vector<16xi32>, vector<16xi32>)  : i32 {
      %mul3A_626 = arith.constant 64 : i32
      %mul3A_627 = arith.muli %scan3A_623, %mul3A_626 : i32
      %broadcast_in_dim3A_628 = vector.broadcast %mul3A_627 : i32 to vector<16xi32>
      %add3A_629 = arith.addi %broadcast_in_dim3A_628, %mul3A_7 : vector<16xi32>
      %gather3A_630 = tpu.vector_load_idx %arg10[%add3A_629] : memref<1600xf32, #tpu.memory_space<vmem>>[vector<16xi32>], vector<16xf32>,
      %add3A_631 = arith.constant 1 : i32
      %add3A_632 = vector.broadcast %add3A_631 : i32 to vector<16xi32>
      %add3A_633 = arith.addi %add3A_629, %add3A_632 : vector<16xi32>
      %gather3A_634 = tpu.vector_load_idx %arg10[%add3A_633] : memref<1600xf32, #tpu.memory_space<vmem>>[vector<16xi32>], vector<16xf32>,
      %add3A_635 = arith.constant 2 : i32
      %add3A_636 = vector.broadcast %add3A_635 : i32 to vector<16xi32>
      %add3A_637 = arith.addi %add3A_629, %add3A_636 : vector<16xi32>
      %gather3A_638 = tpu.vector_load_idx %arg10[%add3A_637] : memref<1600xf32, #tpu.memory_space<vmem>>[vector<16xi32>], vector<16xf32>,
      %add3A_639 = arith.constant 3 : i32
      %add3A_640 = vector.broadcast %add3A_639 : i32 to vector<16xi32>
      %add3A_641 = arith.addi %add3A_629, %add3A_640 : vector<16xi32>
      %gather3A_642 = tpu.vector_load_idx %arg10[%add3A_641] : memref<1600xf32, #tpu.memory_space<vmem>>[vector<16xi32>], vector<16xf32>,
      %mul3A_643 = arith.mulf %gather3A_630, %gather3A_630 : vector<16xf32>
      %mul3A_644 = arith.mulf %gather3A_634, %gather3A_634 : vector<16xf32>
      %add3A_645 = arith.addf %mul3A_643, %mul3A_644 : vector<16xf32>
      %mul3A_646 = arith.mulf %gather3A_638, %gather3A_638 : vector<16xf32>
      %add3A_647 = arith.addf %add3A_645, %mul3A_646 : vector<16xf32>
      %mul3A_648 = arith.mulf %gather3A_642, %gather3A_642 : vector<16xf32>
      %add3A_649 = arith.addf %add3A_647, %mul3A_648 : vector<16xf32>
      %ge3A_650 = arith.constant 4.000000e+00 : f32
      %ge3A_651 = vector.broadcast %ge3A_650 : f32 to vector<16xf32>
      %ge3A_652 = arith.cmpf oge, %add3A_649, %ge3A_651 : vector<16xf32>
      %not3A = arith.constant dense<true> : vector<16xi1>
      %not3A_653 = arith.xori %ge3A_652, %not3A : vector<16xi1>
      %broadcast_in_dim3A_654 = vector.broadcast %add3A_222 : i32 to vector<16xi32>
      %mul3A_655 = arith.constant 16 : i32
      %mul3A_656 = arith.muli %scan3A_623, %mul3A_655 : i32
      %add3A_657 = vector.broadcast %mul3A_656 : i32 to vector<16xi32>
      %add3A_658 = arith.addi %broadcast_in_dim3A_654, %add3A_657 : vector<16xi32>
      %add3A_659 = arith.addi %add3A_658, %iota3A : vector<16xi32>
      %convert_element_type3A_660 = arith.extui %ge3A_652 : vector<16xi1> to vector<16xi32>
      %broadcast_in_dim3A_661 = arith.constant true
      %broadcast_in_dim3A_662 = vector.broadcast %broadcast_in_dim3A_661 : i1 to vector<16xi1>
      %masked_cumsum3A = tpu.scan <sum>, %convert_element_type3A_660 masked %broadcast_in_dim3A_662 : vector<16xi32>, vector<16xi1> -> vector<16xi32>
      %add3A_663 = arith.addi %scan3A_624, %masked_cumsum3A : vector<16xi32>
      %sub3A = arith.constant 1 : i32
      %sub3A_664 = vector.broadcast %sub3A : i32 to vector<16xi32>
      %sub3A_665 = arith.subi %add3A_663, %sub3A_664 : vector<16xi32>
      %shift_right_arithmetic3A_666 = arith.constant 7 : i32
      %shift_right_arithmetic3A_667 = vector.broadcast %shift_right_arithmetic3A_666 : i32 to vector<16xi32>
      %shift_right_arithmetic3A_668 = arith.shrsi %sub3A_665, %shift_right_arithmetic3A_667 : vector<16xi32>
      %and3A_669 = arith.constant 127 : i32
      %and3A_670 = vector.broadcast %and3A_669 : i32 to vector<16xi32>
      %and3A_671 = arith.andi %sub3A_665, %and3A_670 : vector<16xi32>
      tpu.vector_store_idx %arg5[%shift_right_arithmetic3A_668, %and3A_671], %add3A_659 masked %ge3A_652 : memref<79x128xi32, #tpu.memory_space<vmem>>[vector<16xi32>, vector<16xi32>], vector<16xi32>, vector<16xi1>
      %convert_element_type3A_672 = arith.extui %not3A_653 : vector<16xi1> to vector<16xi32>
      %broadcast_in_dim3A_673 = arith.constant true
      %broadcast_in_dim3A_674 = vector.broadcast %broadcast_in_dim3A_673 : i1 to vector<16xi1>
      %masked_cumsum3A_675 = tpu.scan <sum>, %convert_element_type3A_672 masked %broadcast_in_dim3A_674 : vector<16xi32>, vector<16xi1> -> vector<16xi32>
      %add3A_676 = arith.addi %scan3A_625, %masked_cumsum3A_675 : vector<16xi32>
      %sub3A_677 = arith.constant 1 : i32
      %sub3A_678 = vector.broadcast %sub3A_677 : i32 to vector<16xi32>
      %sub3A_679 = arith.subi %add3A_676, %sub3A_678 : vector<16xi32>
      %shift_right_arithmetic3A_680 = arith.constant 7 : i32
      %shift_right_arithmetic3A_681 = vector.broadcast %shift_right_arithmetic3A_680 : i32 to vector<16xi32>
      %shift_right_arithmetic3A_682 = arith.shrsi %sub3A_679, %shift_right_arithmetic3A_681 : vector<16xi32>
      %and3A_683 = arith.constant 127 : i32
      %and3A_684 = vector.broadcast %and3A_683 : i32 to vector<16xi32>
      %and3A_685 = arith.andi %sub3A_679, %and3A_684 : vector<16xi32>
      tpu.vector_store_idx %arg6[%shift_right_arithmetic3A_682, %and3A_685], %add3A_659 masked %not3A_653 : memref<79x128xi32, #tpu.memory_space<vmem>>[vector<16xi32>, vector<16xi32>], vector<16xi32>, vector<16xi1>
      %all_reduce_population_count3A = tpu.all_reduce %ge3A_652 {dim = 0 : i64, kind = #tpu.reduction_kind<sum>} : vector<16xi1> -> vector<16xi32>
      %add3A_686 = arith.addi %scan3A_624, %all_reduce_population_count3A : vector<16xi32>
      %all_reduce_population_count3A_687 = tpu.all_reduce %not3A_653 {dim = 0 : i64, kind = #tpu.reduction_kind<sum>} : vector<16xi1> -> vector<16xi32>
      %add3A_688 = arith.addi %scan3A_625, %all_reduce_population_count3A_687 : vector<16xi32>
      scf.yield %add3A_686, %add3A_688 : vector<16xi32>, vector<16xi32>
    }
    %scan3A_228 = arith.constant 25 : i32
    %add3A_229 = arith.constant 25600 : i32
    %add3A_230 = arith.addi %mul3A_4, %add3A_229 : i32
    %dma_start3A_231 = tpu.memref_slice %arg2[%add3A_230] : memref<1280000xf32, #tpu.memory_space<hbm>> -> memref<1600xf32, #tpu.memory_space<hbm>>
    %dma_start3A_232 = tpu.memref_slice %arg2[%add3A_230] : memref<1280000xf32, #tpu.memory_space<hbm>> -> memref<1600xf32, #tpu.memory_space<hbm>>
    tpu.enqueue_dma source(%dma_start3A_232 : memref<1600xf32, #tpu.memory_space<hbm>>) target(%arg10 : memref<1600xf32, #tpu.memory_space<vmem>>) target_semaphore(%arg17 : memref<!tpu.dma_semaphore, #tpu.memory_space<semaphore_mem>>)
    %dma_wait3A_233 = tpu.memref_slice %arg2[%add3A_216] : memref<1280000xf32, #tpu.memory_space<hbm>> -> memref<1600xf32, #tpu.memory_space<hbm>>
    %dma_wait3A_234 = tpu.memref_slice %arg2[%add3A_216] : memref<1280000xf32, #tpu.memory_space<hbm>> -> memref<1600xf32, #tpu.memory_space<hbm>>
    tpu.wait_dma2 semaphore(%arg18 : memref<!tpu.dma_semaphore, #tpu.memory_space<semaphore_mem>>) src(%dma_wait3A_234 : memref<1600xf32, #tpu.memory_space<hbm>>) dst(%arg11 : memref<1600xf32, #tpu.memory_space<vmem>>)
    %add3A_235 = arith.constant 6000 : i32
    %add3A_236 = arith.addi %mul3A_2, %add3A_235 : i32
    %scan3A_237 = arith.constant 0 : i32
    %scan3A_238 = arith.constant 25 : i32
    %scan3A_239 = arith.addi %scan3A_237, %scan3A_238 : i32
    %scan3A_240 = arith.constant 1 : i32
    %scan3A_241:2 = scf.for %scan3A_623 = %scan3A_237 to %scan3A_239 step %scan3A_240 iter_args(%scan3A_624 = %scan3A_227#0, %scan3A_625 = %scan3A_227#1) -> (vector<16xi32>, vector<16xi32>)  : i32 {
      %mul3A_626 = arith.constant 64 : i32
      %mul3A_627 = arith.muli %scan3A_623, %mul3A_626 : i32
      %broadcast_in_dim3A_628 = vector.broadcast %mul3A_627 : i32 to vector<16xi32>
      %add3A_629 = arith.addi %broadcast_in_dim3A_628, %mul3A_7 : vector<16xi32>
      %gather3A_630 = tpu.vector_load_idx %arg11[%add3A_629] : memref<1600xf32, #tpu.memory_space<vmem>>[vector<16xi32>], vector<16xf32>,
      %add3A_631 = arith.constant 1 : i32
      %add3A_632 = vector.broadcast %add3A_631 : i32 to vector<16xi32>
      %add3A_633 = arith.addi %add3A_629, %add3A_632 : vector<16xi32>
      %gather3A_634 = tpu.vector_load_idx %arg11[%add3A_633] : memref<1600xf32, #tpu.memory_space<vmem>>[vector<16xi32>], vector<16xf32>,
      %add3A_635 = arith.constant 2 : i32
      %add3A_636 = vector.broadcast %add3A_635 : i32 to vector<16xi32>
      %add3A_637 = arith.addi %add3A_629, %add3A_636 : vector<16xi32>
      %gather3A_638 = tpu.vector_load_idx %arg11[%add3A_637] : memref<1600xf32, #tpu.memory_space<vmem>>[vector<16xi32>], vector<16xf32>,
      %add3A_639 = arith.constant 3 : i32
      %add3A_640 = vector.broadcast %add3A_639 : i32 to vector<16xi32>
      %add3A_641 = arith.addi %add3A_629, %add3A_640 : vector<16xi32>
      %gather3A_642 = tpu.vector_load_idx %arg11[%add3A_641] : memref<1600xf32, #tpu.memory_space<vmem>>[vector<16xi32>], vector<16xf32>,
      %mul3A_643 = arith.mulf %gather3A_630, %gather3A_630 : vector<16xf32>
      %mul3A_644 = arith.mulf %gather3A_634, %gather3A_634 : vector<16xf32>
      %add3A_645 = arith.addf %mul3A_643, %mul3A_644 : vector<16xf32>
      %mul3A_646 = arith.mulf %gather3A_638, %gather3A_638 : vector<16xf32>
      %add3A_647 = arith.addf %add3A_645, %mul3A_646 : vector<16xf32>
      %mul3A_648 = arith.mulf %gather3A_642, %gather3A_642 : vector<16xf32>
      %add3A_649 = arith.addf %add3A_647, %mul3A_648 : vector<16xf32>
      %ge3A_650 = arith.constant 4.000000e+00 : f32
      %ge3A_651 = vector.broadcast %ge3A_650 : f32 to vector<16xf32>
      %ge3A_652 = arith.cmpf oge, %add3A_649, %ge3A_651 : vector<16xf32>
      %not3A = arith.constant dense<true> : vector<16xi1>
      %not3A_653 = arith.xori %ge3A_652, %not3A : vector<16xi1>
      %broadcast_in_dim3A_654 = vector.broadcast %add3A_236 : i32 to vector<16xi32>
      %mul3A_655 = arith.constant 16 : i32
      %mul3A_656 = arith.muli %scan3A_623, %mul3A_655 : i32
      %add3A_657 = vector.broadcast %mul3A_656 : i32 to vector<16xi32>
      %add3A_658 = arith.addi %broadcast_in_dim3A_654, %add3A_657 : vector<16xi32>
      %add3A_659 = arith.addi %add3A_658, %iota3A : vector<16xi32>
      %convert_element_type3A_660 = arith.extui %ge3A_652 : vector<16xi1> to vector<16xi32>
      %broadcast_in_dim3A_661 = arith.constant true
      %broadcast_in_dim3A_662 = vector.broadcast %broadcast_in_dim3A_661 : i1 to vector<16xi1>
      %masked_cumsum3A = tpu.scan <sum>, %convert_element_type3A_660 masked %broadcast_in_dim3A_662 : vector<16xi32>, vector<16xi1> -> vector<16xi32>
      %add3A_663 = arith.addi %scan3A_624, %masked_cumsum3A : vector<16xi32>
      %sub3A = arith.constant 1 : i32
      %sub3A_664 = vector.broadcast %sub3A : i32 to vector<16xi32>
      %sub3A_665 = arith.subi %add3A_663, %sub3A_664 : vector<16xi32>
      %shift_right_arithmetic3A_666 = arith.constant 7 : i32
      %shift_right_arithmetic3A_667 = vector.broadcast %shift_right_arithmetic3A_666 : i32 to vector<16xi32>
      %shift_right_arithmetic3A_668 = arith.shrsi %sub3A_665, %shift_right_arithmetic3A_667 : vector<16xi32>
      %and3A_669 = arith.constant 127 : i32
      %and3A_670 = vector.broadcast %and3A_669 : i32 to vector<16xi32>
      %and3A_671 = arith.andi %sub3A_665, %and3A_670 : vector<16xi32>
      tpu.vector_store_idx %arg5[%shift_right_arithmetic3A_668, %and3A_671], %add3A_659 masked %ge3A_652 : memref<79x128xi32, #tpu.memory_space<vmem>>[vector<16xi32>, vector<16xi32>], vector<16xi32>, vector<16xi1>
      %convert_element_type3A_672 = arith.extui %not3A_653 : vector<16xi1> to vector<16xi32>
      %broadcast_in_dim3A_673 = arith.constant true
      %broadcast_in_dim3A_674 = vector.broadcast %broadcast_in_dim3A_673 : i1 to vector<16xi1>
      %masked_cumsum3A_675 = tpu.scan <sum>, %convert_element_type3A_672 masked %broadcast_in_dim3A_674 : vector<16xi32>, vector<16xi1> -> vector<16xi32>
      %add3A_676 = arith.addi %scan3A_625, %masked_cumsum3A_675 : vector<16xi32>
      %sub3A_677 = arith.constant 1 : i32
      %sub3A_678 = vector.broadcast %sub3A_677 : i32 to vector<16xi32>
      %sub3A_679 = arith.subi %add3A_676, %sub3A_678 : vector<16xi32>
      %shift_right_arithmetic3A_680 = arith.constant 7 : i32
      %shift_right_arithmetic3A_681 = vector.broadcast %shift_right_arithmetic3A_680 : i32 to vector<16xi32>
      %shift_right_arithmetic3A_682 = arith.shrsi %sub3A_679, %shift_right_arithmetic3A_681 : vector<16xi32>
      %and3A_683 = arith.constant 127 : i32
      %and3A_684 = vector.broadcast %and3A_683 : i32 to vector<16xi32>
      %and3A_685 = arith.andi %sub3A_679, %and3A_684 : vector<16xi32>
      tpu.vector_store_idx %arg6[%shift_right_arithmetic3A_682, %and3A_685], %add3A_659 masked %not3A_653 : memref<79x128xi32, #tpu.memory_space<vmem>>[vector<16xi32>, vector<16xi32>], vector<16xi32>, vector<16xi1>
      %all_reduce_population_count3A = tpu.all_reduce %ge3A_652 {dim = 0 : i64, kind = #tpu.reduction_kind<sum>} : vector<16xi1> -> vector<16xi32>
      %add3A_686 = arith.addi %scan3A_624, %all_reduce_population_count3A : vector<16xi32>
      %all_reduce_population_count3A_687 = tpu.all_reduce %not3A_653 {dim = 0 : i64, kind = #tpu.reduction_kind<sum>} : vector<16xi1> -> vector<16xi32>
      %add3A_688 = arith.addi %scan3A_625, %all_reduce_population_count3A_687 : vector<16xi32>
      scf.yield %add3A_686, %add3A_688 : vector<16xi32>, vector<16xi32>
    }
    %scan3A_242 = arith.constant 25 : i32
    %add3A_243 = arith.constant 27200 : i32
    %add3A_244 = arith.addi %mul3A_4, %add3A_243 : i32
    %dma_start3A_245 = tpu.memref_slice %arg2[%add3A_244] : memref<1280000xf32, #tpu.memory_space<hbm>> -> memref<1600xf32, #tpu.memory_space<hbm>>
    %dma_start3A_246 = tpu.memref_slice %arg2[%add3A_244] : memref<1280000xf32, #tpu.memory_space<hbm>> -> memref<1600xf32, #tpu.memory_space<hbm>>
    tpu.enqueue_dma source(%dma_start3A_246 : memref<1600xf32, #tpu.memory_space<hbm>>) target(%arg11 : memref<1600xf32, #tpu.memory_space<vmem>>) target_semaphore(%arg18 : memref<!tpu.dma_semaphore, #tpu.memory_space<semaphore_mem>>)
    %dma_wait3A_247 = tpu.memref_slice %arg2[%add3A_230] : memref<1280000xf32, #tpu.memory_space<hbm>> -> memref<1600xf32, #tpu.memory_space<hbm>>
    %dma_wait3A_248 = tpu.memref_slice %arg2[%add3A_230] : memref<1280000xf32, #tpu.memory_space<hbm>> -> memref<1600xf32, #tpu.memory_space<hbm>>
    tpu.wait_dma2 semaphore(%arg17 : memref<!tpu.dma_semaphore, #tpu.memory_space<semaphore_mem>>) src(%dma_wait3A_248 : memref<1600xf32, #tpu.memory_space<hbm>>) dst(%arg10 : memref<1600xf32, #tpu.memory_space<vmem>>)
    %add3A_249 = arith.constant 6400 : i32
    %add3A_250 = arith.addi %mul3A_2, %add3A_249 : i32
    %scan3A_251 = arith.constant 0 : i32
    %scan3A_252 = arith.constant 25 : i32
    %scan3A_253 = arith.addi %scan3A_251, %scan3A_252 : i32
    %scan3A_254 = arith.constant 1 : i32
    %scan3A_255:2 = scf.for %scan3A_623 = %scan3A_251 to %scan3A_253 step %scan3A_254 iter_args(%scan3A_624 = %scan3A_241#0, %scan3A_625 = %scan3A_241#1) -> (vector<16xi32>, vector<16xi32>)  : i32 {
      %mul3A_626 = arith.constant 64 : i32
      %mul3A_627 = arith.muli %scan3A_623, %mul3A_626 : i32
      %broadcast_in_dim3A_628 = vector.broadcast %mul3A_627 : i32 to vector<16xi32>
      %add3A_629 = arith.addi %broadcast_in_dim3A_628, %mul3A_7 : vector<16xi32>
      %gather3A_630 = tpu.vector_load_idx %arg10[%add3A_629] : memref<1600xf32, #tpu.memory_space<vmem>>[vector<16xi32>], vector<16xf32>,
      %add3A_631 = arith.constant 1 : i32
      %add3A_632 = vector.broadcast %add3A_631 : i32 to vector<16xi32>
      %add3A_633 = arith.addi %add3A_629, %add3A_632 : vector<16xi32>
      %gather3A_634 = tpu.vector_load_idx %arg10[%add3A_633] : memref<1600xf32, #tpu.memory_space<vmem>>[vector<16xi32>], vector<16xf32>,
      %add3A_635 = arith.constant 2 : i32
      %add3A_636 = vector.broadcast %add3A_635 : i32 to vector<16xi32>
      %add3A_637 = arith.addi %add3A_629, %add3A_636 : vector<16xi32>
      %gather3A_638 = tpu.vector_load_idx %arg10[%add3A_637] : memref<1600xf32, #tpu.memory_space<vmem>>[vector<16xi32>], vector<16xf32>,
      %add3A_639 = arith.constant 3 : i32
      %add3A_640 = vector.broadcast %add3A_639 : i32 to vector<16xi32>
      %add3A_641 = arith.addi %add3A_629, %add3A_640 : vector<16xi32>
      %gather3A_642 = tpu.vector_load_idx %arg10[%add3A_641] : memref<1600xf32, #tpu.memory_space<vmem>>[vector<16xi32>], vector<16xf32>,
      %mul3A_643 = arith.mulf %gather3A_630, %gather3A_630 : vector<16xf32>
      %mul3A_644 = arith.mulf %gather3A_634, %gather3A_634 : vector<16xf32>
      %add3A_645 = arith.addf %mul3A_643, %mul3A_644 : vector<16xf32>
      %mul3A_646 = arith.mulf %gather3A_638, %gather3A_638 : vector<16xf32>
      %add3A_647 = arith.addf %add3A_645, %mul3A_646 : vector<16xf32>
      %mul3A_648 = arith.mulf %gather3A_642, %gather3A_642 : vector<16xf32>
      %add3A_649 = arith.addf %add3A_647, %mul3A_648 : vector<16xf32>
      %ge3A_650 = arith.constant 4.000000e+00 : f32
      %ge3A_651 = vector.broadcast %ge3A_650 : f32 to vector<16xf32>
      %ge3A_652 = arith.cmpf oge, %add3A_649, %ge3A_651 : vector<16xf32>
      %not3A = arith.constant dense<true> : vector<16xi1>
      %not3A_653 = arith.xori %ge3A_652, %not3A : vector<16xi1>
      %broadcast_in_dim3A_654 = vector.broadcast %add3A_250 : i32 to vector<16xi32>
      %mul3A_655 = arith.constant 16 : i32
      %mul3A_656 = arith.muli %scan3A_623, %mul3A_655 : i32
      %add3A_657 = vector.broadcast %mul3A_656 : i32 to vector<16xi32>
      %add3A_658 = arith.addi %broadcast_in_dim3A_654, %add3A_657 : vector<16xi32>
      %add3A_659 = arith.addi %add3A_658, %iota3A : vector<16xi32>
      %convert_element_type3A_660 = arith.extui %ge3A_652 : vector<16xi1> to vector<16xi32>
      %broadcast_in_dim3A_661 = arith.constant true
      %broadcast_in_dim3A_662 = vector.broadcast %broadcast_in_dim3A_661 : i1 to vector<16xi1>
      %masked_cumsum3A = tpu.scan <sum>, %convert_element_type3A_660 masked %broadcast_in_dim3A_662 : vector<16xi32>, vector<16xi1> -> vector<16xi32>
      %add3A_663 = arith.addi %scan3A_624, %masked_cumsum3A : vector<16xi32>
      %sub3A = arith.constant 1 : i32
      %sub3A_664 = vector.broadcast %sub3A : i32 to vector<16xi32>
      %sub3A_665 = arith.subi %add3A_663, %sub3A_664 : vector<16xi32>
      %shift_right_arithmetic3A_666 = arith.constant 7 : i32
      %shift_right_arithmetic3A_667 = vector.broadcast %shift_right_arithmetic3A_666 : i32 to vector<16xi32>
      %shift_right_arithmetic3A_668 = arith.shrsi %sub3A_665, %shift_right_arithmetic3A_667 : vector<16xi32>
      %and3A_669 = arith.constant 127 : i32
      %and3A_670 = vector.broadcast %and3A_669 : i32 to vector<16xi32>
      %and3A_671 = arith.andi %sub3A_665, %and3A_670 : vector<16xi32>
      tpu.vector_store_idx %arg5[%shift_right_arithmetic3A_668, %and3A_671], %add3A_659 masked %ge3A_652 : memref<79x128xi32, #tpu.memory_space<vmem>>[vector<16xi32>, vector<16xi32>], vector<16xi32>, vector<16xi1>
      %convert_element_type3A_672 = arith.extui %not3A_653 : vector<16xi1> to vector<16xi32>
      %broadcast_in_dim3A_673 = arith.constant true
      %broadcast_in_dim3A_674 = vector.broadcast %broadcast_in_dim3A_673 : i1 to vector<16xi1>
      %masked_cumsum3A_675 = tpu.scan <sum>, %convert_element_type3A_672 masked %broadcast_in_dim3A_674 : vector<16xi32>, vector<16xi1> -> vector<16xi32>
      %add3A_676 = arith.addi %scan3A_625, %masked_cumsum3A_675 : vector<16xi32>
      %sub3A_677 = arith.constant 1 : i32
      %sub3A_678 = vector.broadcast %sub3A_677 : i32 to vector<16xi32>
      %sub3A_679 = arith.subi %add3A_676, %sub3A_678 : vector<16xi32>
      %shift_right_arithmetic3A_680 = arith.constant 7 : i32
      %shift_right_arithmetic3A_681 = vector.broadcast %shift_right_arithmetic3A_680 : i32 to vector<16xi32>
      %shift_right_arithmetic3A_682 = arith.shrsi %sub3A_679, %shift_right_arithmetic3A_681 : vector<16xi32>
      %and3A_683 = arith.constant 127 : i32
      %and3A_684 = vector.broadcast %and3A_683 : i32 to vector<16xi32>
      %and3A_685 = arith.andi %sub3A_679, %and3A_684 : vector<16xi32>
      tpu.vector_store_idx %arg6[%shift_right_arithmetic3A_682, %and3A_685], %add3A_659 masked %not3A_653 : memref<79x128xi32, #tpu.memory_space<vmem>>[vector<16xi32>, vector<16xi32>], vector<16xi32>, vector<16xi1>
      %all_reduce_population_count3A = tpu.all_reduce %ge3A_652 {dim = 0 : i64, kind = #tpu.reduction_kind<sum>} : vector<16xi1> -> vector<16xi32>
      %add3A_686 = arith.addi %scan3A_624, %all_reduce_population_count3A : vector<16xi32>
      %all_reduce_population_count3A_687 = tpu.all_reduce %not3A_653 {dim = 0 : i64, kind = #tpu.reduction_kind<sum>} : vector<16xi1> -> vector<16xi32>
      %add3A_688 = arith.addi %scan3A_625, %all_reduce_population_count3A_687 : vector<16xi32>
      scf.yield %add3A_686, %add3A_688 : vector<16xi32>, vector<16xi32>
    }
    %scan3A_256 = arith.constant 25 : i32
    %add3A_257 = arith.constant 28800 : i32
    %add3A_258 = arith.addi %mul3A_4, %add3A_257 : i32
    %dma_start3A_259 = tpu.memref_slice %arg2[%add3A_258] : memref<1280000xf32, #tpu.memory_space<hbm>> -> memref<1600xf32, #tpu.memory_space<hbm>>
    %dma_start3A_260 = tpu.memref_slice %arg2[%add3A_258] : memref<1280000xf32, #tpu.memory_space<hbm>> -> memref<1600xf32, #tpu.memory_space<hbm>>
    tpu.enqueue_dma source(%dma_start3A_260 : memref<1600xf32, #tpu.memory_space<hbm>>) target(%arg10 : memref<1600xf32, #tpu.memory_space<vmem>>) target_semaphore(%arg17 : memref<!tpu.dma_semaphore, #tpu.memory_space<semaphore_mem>>)
    %dma_wait3A_261 = tpu.memref_slice %arg2[%add3A_244] : memref<1280000xf32, #tpu.memory_space<hbm>> -> memref<1600xf32, #tpu.memory_space<hbm>>
    %dma_wait3A_262 = tpu.memref_slice %arg2[%add3A_244] : memref<1280000xf32, #tpu.memory_space<hbm>> -> memref<1600xf32, #tpu.memory_space<hbm>>
    tpu.wait_dma2 semaphore(%arg18 : memref<!tpu.dma_semaphore, #tpu.memory_space<semaphore_mem>>) src(%dma_wait3A_262 : memref<1600xf32, #tpu.memory_space<hbm>>) dst(%arg11 : memref<1600xf32, #tpu.memory_space<vmem>>)
    %add3A_263 = arith.constant 6800 : i32
    %add3A_264 = arith.addi %mul3A_2, %add3A_263 : i32
    %scan3A_265 = arith.constant 0 : i32
    %scan3A_266 = arith.constant 25 : i32
    %scan3A_267 = arith.addi %scan3A_265, %scan3A_266 : i32
    %scan3A_268 = arith.constant 1 : i32
    %scan3A_269:2 = scf.for %scan3A_623 = %scan3A_265 to %scan3A_267 step %scan3A_268 iter_args(%scan3A_624 = %scan3A_255#0, %scan3A_625 = %scan3A_255#1) -> (vector<16xi32>, vector<16xi32>)  : i32 {
      %mul3A_626 = arith.constant 64 : i32
      %mul3A_627 = arith.muli %scan3A_623, %mul3A_626 : i32
      %broadcast_in_dim3A_628 = vector.broadcast %mul3A_627 : i32 to vector<16xi32>
      %add3A_629 = arith.addi %broadcast_in_dim3A_628, %mul3A_7 : vector<16xi32>
      %gather3A_630 = tpu.vector_load_idx %arg11[%add3A_629] : memref<1600xf32, #tpu.memory_space<vmem>>[vector<16xi32>], vector<16xf32>,
      %add3A_631 = arith.constant 1 : i32
      %add3A_632 = vector.broadcast %add3A_631 : i32 to vector<16xi32>
      %add3A_633 = arith.addi %add3A_629, %add3A_632 : vector<16xi32>
      %gather3A_634 = tpu.vector_load_idx %arg11[%add3A_633] : memref<1600xf32, #tpu.memory_space<vmem>>[vector<16xi32>], vector<16xf32>,
      %add3A_635 = arith.constant 2 : i32
      %add3A_636 = vector.broadcast %add3A_635 : i32 to vector<16xi32>
      %add3A_637 = arith.addi %add3A_629, %add3A_636 : vector<16xi32>
      %gather3A_638 = tpu.vector_load_idx %arg11[%add3A_637] : memref<1600xf32, #tpu.memory_space<vmem>>[vector<16xi32>], vector<16xf32>,
      %add3A_639 = arith.constant 3 : i32
      %add3A_640 = vector.broadcast %add3A_639 : i32 to vector<16xi32>
      %add3A_641 = arith.addi %add3A_629, %add3A_640 : vector<16xi32>
      %gather3A_642 = tpu.vector_load_idx %arg11[%add3A_641] : memref<1600xf32, #tpu.memory_space<vmem>>[vector<16xi32>], vector<16xf32>,
      %mul3A_643 = arith.mulf %gather3A_630, %gather3A_630 : vector<16xf32>
      %mul3A_644 = arith.mulf %gather3A_634, %gather3A_634 : vector<16xf32>
      %add3A_645 = arith.addf %mul3A_643, %mul3A_644 : vector<16xf32>
      %mul3A_646 = arith.mulf %gather3A_638, %gather3A_638 : vector<16xf32>
      %add3A_647 = arith.addf %add3A_645, %mul3A_646 : vector<16xf32>
      %mul3A_648 = arith.mulf %gather3A_642, %gather3A_642 : vector<16xf32>
      %add3A_649 = arith.addf %add3A_647, %mul3A_648 : vector<16xf32>
      %ge3A_650 = arith.constant 4.000000e+00 : f32
      %ge3A_651 = vector.broadcast %ge3A_650 : f32 to vector<16xf32>
      %ge3A_652 = arith.cmpf oge, %add3A_649, %ge3A_651 : vector<16xf32>
      %not3A = arith.constant dense<true> : vector<16xi1>
      %not3A_653 = arith.xori %ge3A_652, %not3A : vector<16xi1>
      %broadcast_in_dim3A_654 = vector.broadcast %add3A_264 : i32 to vector<16xi32>
      %mul3A_655 = arith.constant 16 : i32
      %mul3A_656 = arith.muli %scan3A_623, %mul3A_655 : i32
      %add3A_657 = vector.broadcast %mul3A_656 : i32 to vector<16xi32>
      %add3A_658 = arith.addi %broadcast_in_dim3A_654, %add3A_657 : vector<16xi32>
      %add3A_659 = arith.addi %add3A_658, %iota3A : vector<16xi32>
      %convert_element_type3A_660 = arith.extui %ge3A_652 : vector<16xi1> to vector<16xi32>
      %broadcast_in_dim3A_661 = arith.constant true
      %broadcast_in_dim3A_662 = vector.broadcast %broadcast_in_dim3A_661 : i1 to vector<16xi1>
      %masked_cumsum3A = tpu.scan <sum>, %convert_element_type3A_660 masked %broadcast_in_dim3A_662 : vector<16xi32>, vector<16xi1> -> vector<16xi32>
      %add3A_663 = arith.addi %scan3A_624, %masked_cumsum3A : vector<16xi32>
      %sub3A = arith.constant 1 : i32
      %sub3A_664 = vector.broadcast %sub3A : i32 to vector<16xi32>
      %sub3A_665 = arith.subi %add3A_663, %sub3A_664 : vector<16xi32>
      %shift_right_arithmetic3A_666 = arith.constant 7 : i32
      %shift_right_arithmetic3A_667 = vector.broadcast %shift_right_arithmetic3A_666 : i32 to vector<16xi32>
      %shift_right_arithmetic3A_668 = arith.shrsi %sub3A_665, %shift_right_arithmetic3A_667 : vector<16xi32>
      %and3A_669 = arith.constant 127 : i32
      %and3A_670 = vector.broadcast %and3A_669 : i32 to vector<16xi32>
      %and3A_671 = arith.andi %sub3A_665, %and3A_670 : vector<16xi32>
      tpu.vector_store_idx %arg5[%shift_right_arithmetic3A_668, %and3A_671], %add3A_659 masked %ge3A_652 : memref<79x128xi32, #tpu.memory_space<vmem>>[vector<16xi32>, vector<16xi32>], vector<16xi32>, vector<16xi1>
      %convert_element_type3A_672 = arith.extui %not3A_653 : vector<16xi1> to vector<16xi32>
      %broadcast_in_dim3A_673 = arith.constant true
      %broadcast_in_dim3A_674 = vector.broadcast %broadcast_in_dim3A_673 : i1 to vector<16xi1>
      %masked_cumsum3A_675 = tpu.scan <sum>, %convert_element_type3A_672 masked %broadcast_in_dim3A_674 : vector<16xi32>, vector<16xi1> -> vector<16xi32>
      %add3A_676 = arith.addi %scan3A_625, %masked_cumsum3A_675 : vector<16xi32>
      %sub3A_677 = arith.constant 1 : i32
      %sub3A_678 = vector.broadcast %sub3A_677 : i32 to vector<16xi32>
      %sub3A_679 = arith.subi %add3A_676, %sub3A_678 : vector<16xi32>
      %shift_right_arithmetic3A_680 = arith.constant 7 : i32
      %shift_right_arithmetic3A_681 = vector.broadcast %shift_right_arithmetic3A_680 : i32 to vector<16xi32>
      %shift_right_arithmetic3A_682 = arith.shrsi %sub3A_679, %shift_right_arithmetic3A_681 : vector<16xi32>
      %and3A_683 = arith.constant 127 : i32
      %and3A_684 = vector.broadcast %and3A_683 : i32 to vector<16xi32>
      %and3A_685 = arith.andi %sub3A_679, %and3A_684 : vector<16xi32>
      tpu.vector_store_idx %arg6[%shift_right_arithmetic3A_682, %and3A_685], %add3A_659 masked %not3A_653 : memref<79x128xi32, #tpu.memory_space<vmem>>[vector<16xi32>, vector<16xi32>], vector<16xi32>, vector<16xi1>
      %all_reduce_population_count3A = tpu.all_reduce %ge3A_652 {dim = 0 : i64, kind = #tpu.reduction_kind<sum>} : vector<16xi1> -> vector<16xi32>
      %add3A_686 = arith.addi %scan3A_624, %all_reduce_population_count3A : vector<16xi32>
      %all_reduce_population_count3A_687 = tpu.all_reduce %not3A_653 {dim = 0 : i64, kind = #tpu.reduction_kind<sum>} : vector<16xi1> -> vector<16xi32>
      %add3A_688 = arith.addi %scan3A_625, %all_reduce_population_count3A_687 : vector<16xi32>
      scf.yield %add3A_686, %add3A_688 : vector<16xi32>, vector<16xi32>
    }
    %scan3A_270 = arith.constant 25 : i32
    %add3A_271 = arith.constant 30400 : i32
    %add3A_272 = arith.addi %mul3A_4, %add3A_271 : i32
    %dma_start3A_273 = tpu.memref_slice %arg2[%add3A_272] : memref<1280000xf32, #tpu.memory_space<hbm>> -> memref<1600xf32, #tpu.memory_space<hbm>>
    %dma_start3A_274 = tpu.memref_slice %arg2[%add3A_272] : memref<1280000xf32, #tpu.memory_space<hbm>> -> memref<1600xf32, #tpu.memory_space<hbm>>
    tpu.enqueue_dma source(%dma_start3A_274 : memref<1600xf32, #tpu.memory_space<hbm>>) target(%arg11 : memref<1600xf32, #tpu.memory_space<vmem>>) target_semaphore(%arg18 : memref<!tpu.dma_semaphore, #tpu.memory_space<semaphore_mem>>)
    %dma_wait3A_275 = tpu.memref_slice %arg2[%add3A_258] : memref<1280000xf32, #tpu.memory_space<hbm>> -> memref<1600xf32, #tpu.memory_space<hbm>>
    %dma_wait3A_276 = tpu.memref_slice %arg2[%add3A_258] : memref<1280000xf32, #tpu.memory_space<hbm>> -> memref<1600xf32, #tpu.memory_space<hbm>>
    tpu.wait_dma2 semaphore(%arg17 : memref<!tpu.dma_semaphore, #tpu.memory_space<semaphore_mem>>) src(%dma_wait3A_276 : memref<1600xf32, #tpu.memory_space<hbm>>) dst(%arg10 : memref<1600xf32, #tpu.memory_space<vmem>>)
    %add3A_277 = arith.constant 7200 : i32
    %add3A_278 = arith.addi %mul3A_2, %add3A_277 : i32
    %scan3A_279 = arith.constant 0 : i32
    %scan3A_280 = arith.constant 25 : i32
    %scan3A_281 = arith.addi %scan3A_279, %scan3A_280 : i32
    %scan3A_282 = arith.constant 1 : i32
    %scan3A_283:2 = scf.for %scan3A_623 = %scan3A_279 to %scan3A_281 step %scan3A_282 iter_args(%scan3A_624 = %scan3A_269#0, %scan3A_625 = %scan3A_269#1) -> (vector<16xi32>, vector<16xi32>)  : i32 {
      %mul3A_626 = arith.constant 64 : i32
      %mul3A_627 = arith.muli %scan3A_623, %mul3A_626 : i32
      %broadcast_in_dim3A_628 = vector.broadcast %mul3A_627 : i32 to vector<16xi32>
      %add3A_629 = arith.addi %broadcast_in_dim3A_628, %mul3A_7 : vector<16xi32>
      %gather3A_630 = tpu.vector_load_idx %arg10[%add3A_629] : memref<1600xf32, #tpu.memory_space<vmem>>[vector<16xi32>], vector<16xf32>,
      %add3A_631 = arith.constant 1 : i32
      %add3A_632 = vector.broadcast %add3A_631 : i32 to vector<16xi32>
      %add3A_633 = arith.addi %add3A_629, %add3A_632 : vector<16xi32>
      %gather3A_634 = tpu.vector_load_idx %arg10[%add3A_633] : memref<1600xf32, #tpu.memory_space<vmem>>[vector<16xi32>], vector<16xf32>,
      %add3A_635 = arith.constant 2 : i32
      %add3A_636 = vector.broadcast %add3A_635 : i32 to vector<16xi32>
      %add3A_637 = arith.addi %add3A_629, %add3A_636 : vector<16xi32>
      %gather3A_638 = tpu.vector_load_idx %arg10[%add3A_637] : memref<1600xf32, #tpu.memory_space<vmem>>[vector<16xi32>], vector<16xf32>,
      %add3A_639 = arith.constant 3 : i32
      %add3A_640 = vector.broadcast %add3A_639 : i32 to vector<16xi32>
      %add3A_641 = arith.addi %add3A_629, %add3A_640 : vector<16xi32>
      %gather3A_642 = tpu.vector_load_idx %arg10[%add3A_641] : memref<1600xf32, #tpu.memory_space<vmem>>[vector<16xi32>], vector<16xf32>,
      %mul3A_643 = arith.mulf %gather3A_630, %gather3A_630 : vector<16xf32>
      %mul3A_644 = arith.mulf %gather3A_634, %gather3A_634 : vector<16xf32>
      %add3A_645 = arith.addf %mul3A_643, %mul3A_644 : vector<16xf32>
      %mul3A_646 = arith.mulf %gather3A_638, %gather3A_638 : vector<16xf32>
      %add3A_647 = arith.addf %add3A_645, %mul3A_646 : vector<16xf32>
      %mul3A_648 = arith.mulf %gather3A_642, %gather3A_642 : vector<16xf32>
      %add3A_649 = arith.addf %add3A_647, %mul3A_648 : vector<16xf32>
      %ge3A_650 = arith.constant 4.000000e+00 : f32
      %ge3A_651 = vector.broadcast %ge3A_650 : f32 to vector<16xf32>
      %ge3A_652 = arith.cmpf oge, %add3A_649, %ge3A_651 : vector<16xf32>
      %not3A = arith.constant dense<true> : vector<16xi1>
      %not3A_653 = arith.xori %ge3A_652, %not3A : vector<16xi1>
      %broadcast_in_dim3A_654 = vector.broadcast %add3A_278 : i32 to vector<16xi32>
      %mul3A_655 = arith.constant 16 : i32
      %mul3A_656 = arith.muli %scan3A_623, %mul3A_655 : i32
      %add3A_657 = vector.broadcast %mul3A_656 : i32 to vector<16xi32>
      %add3A_658 = arith.addi %broadcast_in_dim3A_654, %add3A_657 : vector<16xi32>
      %add3A_659 = arith.addi %add3A_658, %iota3A : vector<16xi32>
      %convert_element_type3A_660 = arith.extui %ge3A_652 : vector<16xi1> to vector<16xi32>
      %broadcast_in_dim3A_661 = arith.constant true
      %broadcast_in_dim3A_662 = vector.broadcast %broadcast_in_dim3A_661 : i1 to vector<16xi1>
      %masked_cumsum3A = tpu.scan <sum>, %convert_element_type3A_660 masked %broadcast_in_dim3A_662 : vector<16xi32>, vector<16xi1> -> vector<16xi32>
      %add3A_663 = arith.addi %scan3A_624, %masked_cumsum3A : vector<16xi32>
      %sub3A = arith.constant 1 : i32
      %sub3A_664 = vector.broadcast %sub3A : i32 to vector<16xi32>
      %sub3A_665 = arith.subi %add3A_663, %sub3A_664 : vector<16xi32>
      %shift_right_arithmetic3A_666 = arith.constant 7 : i32
      %shift_right_arithmetic3A_667 = vector.broadcast %shift_right_arithmetic3A_666 : i32 to vector<16xi32>
      %shift_right_arithmetic3A_668 = arith.shrsi %sub3A_665, %shift_right_arithmetic3A_667 : vector<16xi32>
      %and3A_669 = arith.constant 127 : i32
      %and3A_670 = vector.broadcast %and3A_669 : i32 to vector<16xi32>
      %and3A_671 = arith.andi %sub3A_665, %and3A_670 : vector<16xi32>
      tpu.vector_store_idx %arg5[%shift_right_arithmetic3A_668, %and3A_671], %add3A_659 masked %ge3A_652 : memref<79x128xi32, #tpu.memory_space<vmem>>[vector<16xi32>, vector<16xi32>], vector<16xi32>, vector<16xi1>
      %convert_element_type3A_672 = arith.extui %not3A_653 : vector<16xi1> to vector<16xi32>
      %broadcast_in_dim3A_673 = arith.constant true
      %broadcast_in_dim3A_674 = vector.broadcast %broadcast_in_dim3A_673 : i1 to vector<16xi1>
      %masked_cumsum3A_675 = tpu.scan <sum>, %convert_element_type3A_672 masked %broadcast_in_dim3A_674 : vector<16xi32>, vector<16xi1> -> vector<16xi32>
      %add3A_676 = arith.addi %scan3A_625, %masked_cumsum3A_675 : vector<16xi32>
      %sub3A_677 = arith.constant 1 : i32
      %sub3A_678 = vector.broadcast %sub3A_677 : i32 to vector<16xi32>
      %sub3A_679 = arith.subi %add3A_676, %sub3A_678 : vector<16xi32>
      %shift_right_arithmetic3A_680 = arith.constant 7 : i32
      %shift_right_arithmetic3A_681 = vector.broadcast %shift_right_arithmetic3A_680 : i32 to vector<16xi32>
      %shift_right_arithmetic3A_682 = arith.shrsi %sub3A_679, %shift_right_arithmetic3A_681 : vector<16xi32>
      %and3A_683 = arith.constant 127 : i32
      %and3A_684 = vector.broadcast %and3A_683 : i32 to vector<16xi32>
      %and3A_685 = arith.andi %sub3A_679, %and3A_684 : vector<16xi32>
      tpu.vector_store_idx %arg6[%shift_right_arithmetic3A_682, %and3A_685], %add3A_659 masked %not3A_653 : memref<79x128xi32, #tpu.memory_space<vmem>>[vector<16xi32>, vector<16xi32>], vector<16xi32>, vector<16xi1>
      %all_reduce_population_count3A = tpu.all_reduce %ge3A_652 {dim = 0 : i64, kind = #tpu.reduction_kind<sum>} : vector<16xi1> -> vector<16xi32>
      %add3A_686 = arith.addi %scan3A_624, %all_reduce_population_count3A : vector<16xi32>
      %all_reduce_population_count3A_687 = tpu.all_reduce %not3A_653 {dim = 0 : i64, kind = #tpu.reduction_kind<sum>} : vector<16xi1> -> vector<16xi32>
      %add3A_688 = arith.addi %scan3A_625, %all_reduce_population_count3A_687 : vector<16xi32>
      scf.yield %add3A_686, %add3A_688 : vector<16xi32>, vector<16xi32>
    }
    %scan3A_284 = arith.constant 25 : i32
    %add3A_285 = arith.constant 32000 : i32
    %add3A_286 = arith.addi %mul3A_4, %add3A_285 : i32
    %dma_start3A_287 = tpu.memref_slice %arg2[%add3A_286] : memref<1280000xf32, #tpu.memory_space<hbm>> -> memref<1600xf32, #tpu.memory_space<hbm>>
    %dma_start3A_288 = tpu.memref_slice %arg2[%add3A_286] : memref<1280000xf32, #tpu.memory_space<hbm>> -> memref<1600xf32, #tpu.memory_space<hbm>>
    tpu.enqueue_dma source(%dma_start3A_288 : memref<1600xf32, #tpu.memory_space<hbm>>) target(%arg10 : memref<1600xf32, #tpu.memory_space<vmem>>) target_semaphore(%arg17 : memref<!tpu.dma_semaphore, #tpu.memory_space<semaphore_mem>>)
    %dma_wait3A_289 = tpu.memref_slice %arg2[%add3A_272] : memref<1280000xf32, #tpu.memory_space<hbm>> -> memref<1600xf32, #tpu.memory_space<hbm>>
    %dma_wait3A_290 = tpu.memref_slice %arg2[%add3A_272] : memref<1280000xf32, #tpu.memory_space<hbm>> -> memref<1600xf32, #tpu.memory_space<hbm>>
    tpu.wait_dma2 semaphore(%arg18 : memref<!tpu.dma_semaphore, #tpu.memory_space<semaphore_mem>>) src(%dma_wait3A_290 : memref<1600xf32, #tpu.memory_space<hbm>>) dst(%arg11 : memref<1600xf32, #tpu.memory_space<vmem>>)
    %add3A_291 = arith.constant 7600 : i32
    %add3A_292 = arith.addi %mul3A_2, %add3A_291 : i32
    %scan3A_293 = arith.constant 0 : i32
    %scan3A_294 = arith.constant 25 : i32
    %scan3A_295 = arith.addi %scan3A_293, %scan3A_294 : i32
    %scan3A_296 = arith.constant 1 : i32
    %scan3A_297:2 = scf.for %scan3A_623 = %scan3A_293 to %scan3A_295 step %scan3A_296 iter_args(%scan3A_624 = %scan3A_283#0, %scan3A_625 = %scan3A_283#1) -> (vector<16xi32>, vector<16xi32>)  : i32 {
      %mul3A_626 = arith.constant 64 : i32
      %mul3A_627 = arith.muli %scan3A_623, %mul3A_626 : i32
      %broadcast_in_dim3A_628 = vector.broadcast %mul3A_627 : i32 to vector<16xi32>
      %add3A_629 = arith.addi %broadcast_in_dim3A_628, %mul3A_7 : vector<16xi32>
      %gather3A_630 = tpu.vector_load_idx %arg11[%add3A_629] : memref<1600xf32, #tpu.memory_space<vmem>>[vector<16xi32>], vector<16xf32>,
      %add3A_631 = arith.constant 1 : i32
      %add3A_632 = vector.broadcast %add3A_631 : i32 to vector<16xi32>
      %add3A_633 = arith.addi %add3A_629, %add3A_632 : vector<16xi32>
      %gather3A_634 = tpu.vector_load_idx %arg11[%add3A_633] : memref<1600xf32, #tpu.memory_space<vmem>>[vector<16xi32>], vector<16xf32>,
      %add3A_635 = arith.constant 2 : i32
      %add3A_636 = vector.broadcast %add3A_635 : i32 to vector<16xi32>
      %add3A_637 = arith.addi %add3A_629, %add3A_636 : vector<16xi32>
      %gather3A_638 = tpu.vector_load_idx %arg11[%add3A_637] : memref<1600xf32, #tpu.memory_space<vmem>>[vector<16xi32>], vector<16xf32>,
      %add3A_639 = arith.constant 3 : i32
      %add3A_640 = vector.broadcast %add3A_639 : i32 to vector<16xi32>
      %add3A_641 = arith.addi %add3A_629, %add3A_640 : vector<16xi32>
      %gather3A_642 = tpu.vector_load_idx %arg11[%add3A_641] : memref<1600xf32, #tpu.memory_space<vmem>>[vector<16xi32>], vector<16xf32>,
      %mul3A_643 = arith.mulf %gather3A_630, %gather3A_630 : vector<16xf32>
      %mul3A_644 = arith.mulf %gather3A_634, %gather3A_634 : vector<16xf32>
      %add3A_645 = arith.addf %mul3A_643, %mul3A_644 : vector<16xf32>
      %mul3A_646 = arith.mulf %gather3A_638, %gather3A_638 : vector<16xf32>
      %add3A_647 = arith.addf %add3A_645, %mul3A_646 : vector<16xf32>
      %mul3A_648 = arith.mulf %gather3A_642, %gather3A_642 : vector<16xf32>
      %add3A_649 = arith.addf %add3A_647, %mul3A_648 : vector<16xf32>
      %ge3A_650 = arith.constant 4.000000e+00 : f32
      %ge3A_651 = vector.broadcast %ge3A_650 : f32 to vector<16xf32>
      %ge3A_652 = arith.cmpf oge, %add3A_649, %ge3A_651 : vector<16xf32>
      %not3A = arith.constant dense<true> : vector<16xi1>
      %not3A_653 = arith.xori %ge3A_652, %not3A : vector<16xi1>
      %broadcast_in_dim3A_654 = vector.broadcast %add3A_292 : i32 to vector<16xi32>
      %mul3A_655 = arith.constant 16 : i32
      %mul3A_656 = arith.muli %scan3A_623, %mul3A_655 : i32
      %add3A_657 = vector.broadcast %mul3A_656 : i32 to vector<16xi32>
      %add3A_658 = arith.addi %broadcast_in_dim3A_654, %add3A_657 : vector<16xi32>
      %add3A_659 = arith.addi %add3A_658, %iota3A : vector<16xi32>
      %convert_element_type3A_660 = arith.extui %ge3A_652 : vector<16xi1> to vector<16xi32>
      %broadcast_in_dim3A_661 = arith.constant true
      %broadcast_in_dim3A_662 = vector.broadcast %broadcast_in_dim3A_661 : i1 to vector<16xi1>
      %masked_cumsum3A = tpu.scan <sum>, %convert_element_type3A_660 masked %broadcast_in_dim3A_662 : vector<16xi32>, vector<16xi1> -> vector<16xi32>
      %add3A_663 = arith.addi %scan3A_624, %masked_cumsum3A : vector<16xi32>
      %sub3A = arith.constant 1 : i32
      %sub3A_664 = vector.broadcast %sub3A : i32 to vector<16xi32>
      %sub3A_665 = arith.subi %add3A_663, %sub3A_664 : vector<16xi32>
      %shift_right_arithmetic3A_666 = arith.constant 7 : i32
      %shift_right_arithmetic3A_667 = vector.broadcast %shift_right_arithmetic3A_666 : i32 to vector<16xi32>
      %shift_right_arithmetic3A_668 = arith.shrsi %sub3A_665, %shift_right_arithmetic3A_667 : vector<16xi32>
      %and3A_669 = arith.constant 127 : i32
      %and3A_670 = vector.broadcast %and3A_669 : i32 to vector<16xi32>
      %and3A_671 = arith.andi %sub3A_665, %and3A_670 : vector<16xi32>
      tpu.vector_store_idx %arg5[%shift_right_arithmetic3A_668, %and3A_671], %add3A_659 masked %ge3A_652 : memref<79x128xi32, #tpu.memory_space<vmem>>[vector<16xi32>, vector<16xi32>], vector<16xi32>, vector<16xi1>
      %convert_element_type3A_672 = arith.extui %not3A_653 : vector<16xi1> to vector<16xi32>
      %broadcast_in_dim3A_673 = arith.constant true
      %broadcast_in_dim3A_674 = vector.broadcast %broadcast_in_dim3A_673 : i1 to vector<16xi1>
      %masked_cumsum3A_675 = tpu.scan <sum>, %convert_element_type3A_672 masked %broadcast_in_dim3A_674 : vector<16xi32>, vector<16xi1> -> vector<16xi32>
      %add3A_676 = arith.addi %scan3A_625, %masked_cumsum3A_675 : vector<16xi32>
      %sub3A_677 = arith.constant 1 : i32
      %sub3A_678 = vector.broadcast %sub3A_677 : i32 to vector<16xi32>
      %sub3A_679 = arith.subi %add3A_676, %sub3A_678 : vector<16xi32>
      %shift_right_arithmetic3A_680 = arith.constant 7 : i32
      %shift_right_arithmetic3A_681 = vector.broadcast %shift_right_arithmetic3A_680 : i32 to vector<16xi32>
      %shift_right_arithmetic3A_682 = arith.shrsi %sub3A_679, %shift_right_arithmetic3A_681 : vector<16xi32>
      %and3A_683 = arith.constant 127 : i32
      %and3A_684 = vector.broadcast %and3A_683 : i32 to vector<16xi32>
      %and3A_685 = arith.andi %sub3A_679, %and3A_684 : vector<16xi32>
      tpu.vector_store_idx %arg6[%shift_right_arithmetic3A_682, %and3A_685], %add3A_659 masked %not3A_653 : memref<79x128xi32, #tpu.memory_space<vmem>>[vector<16xi32>, vector<16xi32>], vector<16xi32>, vector<16xi1>
      %all_reduce_population_count3A = tpu.all_reduce %ge3A_652 {dim = 0 : i64, kind = #tpu.reduction_kind<sum>} : vector<16xi1> -> vector<16xi32>
      %add3A_686 = arith.addi %scan3A_624, %all_reduce_population_count3A : vector<16xi32>
      %all_reduce_population_count3A_687 = tpu.all_reduce %not3A_653 {dim = 0 : i64, kind = #tpu.reduction_kind<sum>} : vector<16xi1> -> vector<16xi32>
      %add3A_688 = arith.addi %scan3A_625, %all_reduce_population_count3A_687 : vector<16xi32>
      scf.yield %add3A_686, %add3A_688 : vector<16xi32>, vector<16xi32>
    }
    %scan3A_298 = arith.constant 25 : i32
    %add3A_299 = arith.constant 33600 : i32
    %add3A_300 = arith.addi %mul3A_4, %add3A_299 : i32
    %dma_start3A_301 = tpu.memref_slice %arg2[%add3A_300] : memref<1280000xf32, #tpu.memory_space<hbm>> -> memref<1600xf32, #tpu.memory_space<hbm>>
    %dma_start3A_302 = tpu.memref_slice %arg2[%add3A_300] : memref<1280000xf32, #tpu.memory_space<hbm>> -> memref<1600xf32, #tpu.memory_space<hbm>>
    tpu.enqueue_dma source(%dma_start3A_302 : memref<1600xf32, #tpu.memory_space<hbm>>) target(%arg11 : memref<1600xf32, #tpu.memory_space<vmem>>) target_semaphore(%arg18 : memref<!tpu.dma_semaphore, #tpu.memory_space<semaphore_mem>>)
    %dma_wait3A_303 = tpu.memref_slice %arg2[%add3A_286] : memref<1280000xf32, #tpu.memory_space<hbm>> -> memref<1600xf32, #tpu.memory_space<hbm>>
    %dma_wait3A_304 = tpu.memref_slice %arg2[%add3A_286] : memref<1280000xf32, #tpu.memory_space<hbm>> -> memref<1600xf32, #tpu.memory_space<hbm>>
    tpu.wait_dma2 semaphore(%arg17 : memref<!tpu.dma_semaphore, #tpu.memory_space<semaphore_mem>>) src(%dma_wait3A_304 : memref<1600xf32, #tpu.memory_space<hbm>>) dst(%arg10 : memref<1600xf32, #tpu.memory_space<vmem>>)
    %add3A_305 = arith.constant 8000 : i32
    %add3A_306 = arith.addi %mul3A_2, %add3A_305 : i32
    %scan3A_307 = arith.constant 0 : i32
    %scan3A_308 = arith.constant 25 : i32
    %scan3A_309 = arith.addi %scan3A_307, %scan3A_308 : i32
    %scan3A_310 = arith.constant 1 : i32
    %scan3A_311:2 = scf.for %scan3A_623 = %scan3A_307 to %scan3A_309 step %scan3A_310 iter_args(%scan3A_624 = %scan3A_297#0, %scan3A_625 = %scan3A_297#1) -> (vector<16xi32>, vector<16xi32>)  : i32 {
      %mul3A_626 = arith.constant 64 : i32
      %mul3A_627 = arith.muli %scan3A_623, %mul3A_626 : i32
      %broadcast_in_dim3A_628 = vector.broadcast %mul3A_627 : i32 to vector<16xi32>
      %add3A_629 = arith.addi %broadcast_in_dim3A_628, %mul3A_7 : vector<16xi32>
      %gather3A_630 = tpu.vector_load_idx %arg10[%add3A_629] : memref<1600xf32, #tpu.memory_space<vmem>>[vector<16xi32>], vector<16xf32>,
      %add3A_631 = arith.constant 1 : i32
      %add3A_632 = vector.broadcast %add3A_631 : i32 to vector<16xi32>
      %add3A_633 = arith.addi %add3A_629, %add3A_632 : vector<16xi32>
      %gather3A_634 = tpu.vector_load_idx %arg10[%add3A_633] : memref<1600xf32, #tpu.memory_space<vmem>>[vector<16xi32>], vector<16xf32>,
      %add3A_635 = arith.constant 2 : i32
      %add3A_636 = vector.broadcast %add3A_635 : i32 to vector<16xi32>
      %add3A_637 = arith.addi %add3A_629, %add3A_636 : vector<16xi32>
      %gather3A_638 = tpu.vector_load_idx %arg10[%add3A_637] : memref<1600xf32, #tpu.memory_space<vmem>>[vector<16xi32>], vector<16xf32>,
      %add3A_639 = arith.constant 3 : i32
      %add3A_640 = vector.broadcast %add3A_639 : i32 to vector<16xi32>
      %add3A_641 = arith.addi %add3A_629, %add3A_640 : vector<16xi32>
      %gather3A_642 = tpu.vector_load_idx %arg10[%add3A_641] : memref<1600xf32, #tpu.memory_space<vmem>>[vector<16xi32>], vector<16xf32>,
      %mul3A_643 = arith.mulf %gather3A_630, %gather3A_630 : vector<16xf32>
      %mul3A_644 = arith.mulf %gather3A_634, %gather3A_634 : vector<16xf32>
      %add3A_645 = arith.addf %mul3A_643, %mul3A_644 : vector<16xf32>
      %mul3A_646 = arith.mulf %gather3A_638, %gather3A_638 : vector<16xf32>
      %add3A_647 = arith.addf %add3A_645, %mul3A_646 : vector<16xf32>
      %mul3A_648 = arith.mulf %gather3A_642, %gather3A_642 : vector<16xf32>
      %add3A_649 = arith.addf %add3A_647, %mul3A_648 : vector<16xf32>
      %ge3A_650 = arith.constant 4.000000e+00 : f32
      %ge3A_651 = vector.broadcast %ge3A_650 : f32 to vector<16xf32>
      %ge3A_652 = arith.cmpf oge, %add3A_649, %ge3A_651 : vector<16xf32>
      %not3A = arith.constant dense<true> : vector<16xi1>
      %not3A_653 = arith.xori %ge3A_652, %not3A : vector<16xi1>
      %broadcast_in_dim3A_654 = vector.broadcast %add3A_306 : i32 to vector<16xi32>
      %mul3A_655 = arith.constant 16 : i32
      %mul3A_656 = arith.muli %scan3A_623, %mul3A_655 : i32
      %add3A_657 = vector.broadcast %mul3A_656 : i32 to vector<16xi32>
      %add3A_658 = arith.addi %broadcast_in_dim3A_654, %add3A_657 : vector<16xi32>
      %add3A_659 = arith.addi %add3A_658, %iota3A : vector<16xi32>
      %convert_element_type3A_660 = arith.extui %ge3A_652 : vector<16xi1> to vector<16xi32>
      %broadcast_in_dim3A_661 = arith.constant true
      %broadcast_in_dim3A_662 = vector.broadcast %broadcast_in_dim3A_661 : i1 to vector<16xi1>
      %masked_cumsum3A = tpu.scan <sum>, %convert_element_type3A_660 masked %broadcast_in_dim3A_662 : vector<16xi32>, vector<16xi1> -> vector<16xi32>
      %add3A_663 = arith.addi %scan3A_624, %masked_cumsum3A : vector<16xi32>
      %sub3A = arith.constant 1 : i32
      %sub3A_664 = vector.broadcast %sub3A : i32 to vector<16xi32>
      %sub3A_665 = arith.subi %add3A_663, %sub3A_664 : vector<16xi32>
      %shift_right_arithmetic3A_666 = arith.constant 7 : i32
      %shift_right_arithmetic3A_667 = vector.broadcast %shift_right_arithmetic3A_666 : i32 to vector<16xi32>
      %shift_right_arithmetic3A_668 = arith.shrsi %sub3A_665, %shift_right_arithmetic3A_667 : vector<16xi32>
      %and3A_669 = arith.constant 127 : i32
      %and3A_670 = vector.broadcast %and3A_669 : i32 to vector<16xi32>
      %and3A_671 = arith.andi %sub3A_665, %and3A_670 : vector<16xi32>
      tpu.vector_store_idx %arg5[%shift_right_arithmetic3A_668, %and3A_671], %add3A_659 masked %ge3A_652 : memref<79x128xi32, #tpu.memory_space<vmem>>[vector<16xi32>, vector<16xi32>], vector<16xi32>, vector<16xi1>
      %convert_element_type3A_672 = arith.extui %not3A_653 : vector<16xi1> to vector<16xi32>
      %broadcast_in_dim3A_673 = arith.constant true
      %broadcast_in_dim3A_674 = vector.broadcast %broadcast_in_dim3A_673 : i1 to vector<16xi1>
      %masked_cumsum3A_675 = tpu.scan <sum>, %convert_element_type3A_672 masked %broadcast_in_dim3A_674 : vector<16xi32>, vector<16xi1> -> vector<16xi32>
      %add3A_676 = arith.addi %scan3A_625, %masked_cumsum3A_675 : vector<16xi32>
      %sub3A_677 = arith.constant 1 : i32
      %sub3A_678 = vector.broadcast %sub3A_677 : i32 to vector<16xi32>
      %sub3A_679 = arith.subi %add3A_676, %sub3A_678 : vector<16xi32>
      %shift_right_arithmetic3A_680 = arith.constant 7 : i32
      %shift_right_arithmetic3A_681 = vector.broadcast %shift_right_arithmetic3A_680 : i32 to vector<16xi32>
      %shift_right_arithmetic3A_682 = arith.shrsi %sub3A_679, %shift_right_arithmetic3A_681 : vector<16xi32>
      %and3A_683 = arith.constant 127 : i32
      %and3A_684 = vector.broadcast %and3A_683 : i32 to vector<16xi32>
      %and3A_685 = arith.andi %sub3A_679, %and3A_684 : vector<16xi32>
      tpu.vector_store_idx %arg6[%shift_right_arithmetic3A_682, %and3A_685], %add3A_659 masked %not3A_653 : memref<79x128xi32, #tpu.memory_space<vmem>>[vector<16xi32>, vector<16xi32>], vector<16xi32>, vector<16xi1>
      %all_reduce_population_count3A = tpu.all_reduce %ge3A_652 {dim = 0 : i64, kind = #tpu.reduction_kind<sum>} : vector<16xi1> -> vector<16xi32>
      %add3A_686 = arith.addi %scan3A_624, %all_reduce_population_count3A : vector<16xi32>
      %all_reduce_population_count3A_687 = tpu.all_reduce %not3A_653 {dim = 0 : i64, kind = #tpu.reduction_kind<sum>} : vector<16xi1> -> vector<16xi32>
      %add3A_688 = arith.addi %scan3A_625, %all_reduce_population_count3A_687 : vector<16xi32>
      scf.yield %add3A_686, %add3A_688 : vector<16xi32>, vector<16xi32>
    }
    %scan3A_312 = arith.constant 25 : i32
    %add3A_313 = arith.constant 35200 : i32
    %add3A_314 = arith.addi %mul3A_4, %add3A_313 : i32
    %dma_start3A_315 = tpu.memref_slice %arg2[%add3A_314] : memref<1280000xf32, #tpu.memory_space<hbm>> -> memref<1600xf32, #tpu.memory_space<hbm>>
    %dma_start3A_316 = tpu.memref_slice %arg2[%add3A_314] : memref<1280000xf32, #tpu.memory_space<hbm>> -> memref<1600xf32, #tpu.memory_space<hbm>>
    tpu.enqueue_dma source(%dma_start3A_316 : memref<1600xf32, #tpu.memory_space<hbm>>) target(%arg10 : memref<1600xf32, #tpu.memory_space<vmem>>) target_semaphore(%arg17 : memref<!tpu.dma_semaphore, #tpu.memory_space<semaphore_mem>>)
    %dma_wait3A_317 = tpu.memref_slice %arg2[%add3A_300] : memref<1280000xf32, #tpu.memory_space<hbm>> -> memref<1600xf32, #tpu.memory_space<hbm>>
    %dma_wait3A_318 = tpu.memref_slice %arg2[%add3A_300] : memref<1280000xf32, #tpu.memory_space<hbm>> -> memref<1600xf32, #tpu.memory_space<hbm>>
    tpu.wait_dma2 semaphore(%arg18 : memref<!tpu.dma_semaphore, #tpu.memory_space<semaphore_mem>>) src(%dma_wait3A_318 : memref<1600xf32, #tpu.memory_space<hbm>>) dst(%arg11 : memref<1600xf32, #tpu.memory_space<vmem>>)
    %add3A_319 = arith.constant 8400 : i32
    %add3A_320 = arith.addi %mul3A_2, %add3A_319 : i32
    %scan3A_321 = arith.constant 0 : i32
    %scan3A_322 = arith.constant 25 : i32
    %scan3A_323 = arith.addi %scan3A_321, %scan3A_322 : i32
    %scan3A_324 = arith.constant 1 : i32
    %scan3A_325:2 = scf.for %scan3A_623 = %scan3A_321 to %scan3A_323 step %scan3A_324 iter_args(%scan3A_624 = %scan3A_311#0, %scan3A_625 = %scan3A_311#1) -> (vector<16xi32>, vector<16xi32>)  : i32 {
      %mul3A_626 = arith.constant 64 : i32
      %mul3A_627 = arith.muli %scan3A_623, %mul3A_626 : i32
      %broadcast_in_dim3A_628 = vector.broadcast %mul3A_627 : i32 to vector<16xi32>
      %add3A_629 = arith.addi %broadcast_in_dim3A_628, %mul3A_7 : vector<16xi32>
      %gather3A_630 = tpu.vector_load_idx %arg11[%add3A_629] : memref<1600xf32, #tpu.memory_space<vmem>>[vector<16xi32>], vector<16xf32>,
      %add3A_631 = arith.constant 1 : i32
      %add3A_632 = vector.broadcast %add3A_631 : i32 to vector<16xi32>
      %add3A_633 = arith.addi %add3A_629, %add3A_632 : vector<16xi32>
      %gather3A_634 = tpu.vector_load_idx %arg11[%add3A_633] : memref<1600xf32, #tpu.memory_space<vmem>>[vector<16xi32>], vector<16xf32>,
      %add3A_635 = arith.constant 2 : i32
      %add3A_636 = vector.broadcast %add3A_635 : i32 to vector<16xi32>
      %add3A_637 = arith.addi %add3A_629, %add3A_636 : vector<16xi32>
      %gather3A_638 = tpu.vector_load_idx %arg11[%add3A_637] : memref<1600xf32, #tpu.memory_space<vmem>>[vector<16xi32>], vector<16xf32>,
      %add3A_639 = arith.constant 3 : i32
      %add3A_640 = vector.broadcast %add3A_639 : i32 to vector<16xi32>
      %add3A_641 = arith.addi %add3A_629, %add3A_640 : vector<16xi32>
      %gather3A_642 = tpu.vector_load_idx %arg11[%add3A_641] : memref<1600xf32, #tpu.memory_space<vmem>>[vector<16xi32>], vector<16xf32>,
      %mul3A_643 = arith.mulf %gather3A_630, %gather3A_630 : vector<16xf32>
      %mul3A_644 = arith.mulf %gather3A_634, %gather3A_634 : vector<16xf32>
      %add3A_645 = arith.addf %mul3A_643, %mul3A_644 : vector<16xf32>
      %mul3A_646 = arith.mulf %gather3A_638, %gather3A_638 : vector<16xf32>
      %add3A_647 = arith.addf %add3A_645, %mul3A_646 : vector<16xf32>
      %mul3A_648 = arith.mulf %gather3A_642, %gather3A_642 : vector<16xf32>
      %add3A_649 = arith.addf %add3A_647, %mul3A_648 : vector<16xf32>
      %ge3A_650 = arith.constant 4.000000e+00 : f32
      %ge3A_651 = vector.broadcast %ge3A_650 : f32 to vector<16xf32>
      %ge3A_652 = arith.cmpf oge, %add3A_649, %ge3A_651 : vector<16xf32>
      %not3A = arith.constant dense<true> : vector<16xi1>
      %not3A_653 = arith.xori %ge3A_652, %not3A : vector<16xi1>
      %broadcast_in_dim3A_654 = vector.broadcast %add3A_320 : i32 to vector<16xi32>
      %mul3A_655 = arith.constant 16 : i32
      %mul3A_656 = arith.muli %scan3A_623, %mul3A_655 : i32
      %add3A_657 = vector.broadcast %mul3A_656 : i32 to vector<16xi32>
      %add3A_658 = arith.addi %broadcast_in_dim3A_654, %add3A_657 : vector<16xi32>
      %add3A_659 = arith.addi %add3A_658, %iota3A : vector<16xi32>
      %convert_element_type3A_660 = arith.extui %ge3A_652 : vector<16xi1> to vector<16xi32>
      %broadcast_in_dim3A_661 = arith.constant true
      %broadcast_in_dim3A_662 = vector.broadcast %broadcast_in_dim3A_661 : i1 to vector<16xi1>
      %masked_cumsum3A = tpu.scan <sum>, %convert_element_type3A_660 masked %broadcast_in_dim3A_662 : vector<16xi32>, vector<16xi1> -> vector<16xi32>
      %add3A_663 = arith.addi %scan3A_624, %masked_cumsum3A : vector<16xi32>
      %sub3A = arith.constant 1 : i32
      %sub3A_664 = vector.broadcast %sub3A : i32 to vector<16xi32>
      %sub3A_665 = arith.subi %add3A_663, %sub3A_664 : vector<16xi32>
      %shift_right_arithmetic3A_666 = arith.constant 7 : i32
      %shift_right_arithmetic3A_667 = vector.broadcast %shift_right_arithmetic3A_666 : i32 to vector<16xi32>
      %shift_right_arithmetic3A_668 = arith.shrsi %sub3A_665, %shift_right_arithmetic3A_667 : vector<16xi32>
      %and3A_669 = arith.constant 127 : i32
      %and3A_670 = vector.broadcast %and3A_669 : i32 to vector<16xi32>
      %and3A_671 = arith.andi %sub3A_665, %and3A_670 : vector<16xi32>
      tpu.vector_store_idx %arg5[%shift_right_arithmetic3A_668, %and3A_671], %add3A_659 masked %ge3A_652 : memref<79x128xi32, #tpu.memory_space<vmem>>[vector<16xi32>, vector<16xi32>], vector<16xi32>, vector<16xi1>
      %convert_element_type3A_672 = arith.extui %not3A_653 : vector<16xi1> to vector<16xi32>
      %broadcast_in_dim3A_673 = arith.constant true
      %broadcast_in_dim3A_674 = vector.broadcast %broadcast_in_dim3A_673 : i1 to vector<16xi1>
      %masked_cumsum3A_675 = tpu.scan <sum>, %convert_element_type3A_672 masked %broadcast_in_dim3A_674 : vector<16xi32>, vector<16xi1> -> vector<16xi32>
      %add3A_676 = arith.addi %scan3A_625, %masked_cumsum3A_675 : vector<16xi32>
      %sub3A_677 = arith.constant 1 : i32
      %sub3A_678 = vector.broadcast %sub3A_677 : i32 to vector<16xi32>
      %sub3A_679 = arith.subi %add3A_676, %sub3A_678 : vector<16xi32>
      %shift_right_arithmetic3A_680 = arith.constant 7 : i32
      %shift_right_arithmetic3A_681 = vector.broadcast %shift_right_arithmetic3A_680 : i32 to vector<16xi32>
      %shift_right_arithmetic3A_682 = arith.shrsi %sub3A_679, %shift_right_arithmetic3A_681 : vector<16xi32>
      %and3A_683 = arith.constant 127 : i32
      %and3A_684 = vector.broadcast %and3A_683 : i32 to vector<16xi32>
      %and3A_685 = arith.andi %sub3A_679, %and3A_684 : vector<16xi32>
      tpu.vector_store_idx %arg6[%shift_right_arithmetic3A_682, %and3A_685], %add3A_659 masked %not3A_653 : memref<79x128xi32, #tpu.memory_space<vmem>>[vector<16xi32>, vector<16xi32>], vector<16xi32>, vector<16xi1>
      %all_reduce_population_count3A = tpu.all_reduce %ge3A_652 {dim = 0 : i64, kind = #tpu.reduction_kind<sum>} : vector<16xi1> -> vector<16xi32>
      %add3A_686 = arith.addi %scan3A_624, %all_reduce_population_count3A : vector<16xi32>
      %all_reduce_population_count3A_687 = tpu.all_reduce %not3A_653 {dim = 0 : i64, kind = #tpu.reduction_kind<sum>} : vector<16xi1> -> vector<16xi32>
      %add3A_688 = arith.addi %scan3A_625, %all_reduce_population_count3A_687 : vector<16xi32>
      scf.yield %add3A_686, %add3A_688 : vector<16xi32>, vector<16xi32>
    }
    %scan3A_326 = arith.constant 25 : i32
    %add3A_327 = arith.constant 36800 : i32
    %add3A_328 = arith.addi %mul3A_4, %add3A_327 : i32
    %dma_start3A_329 = tpu.memref_slice %arg2[%add3A_328] : memref<1280000xf32, #tpu.memory_space<hbm>> -> memref<1600xf32, #tpu.memory_space<hbm>>
    %dma_start3A_330 = tpu.memref_slice %arg2[%add3A_328] : memref<1280000xf32, #tpu.memory_space<hbm>> -> memref<1600xf32, #tpu.memory_space<hbm>>
    tpu.enqueue_dma source(%dma_start3A_330 : memref<1600xf32, #tpu.memory_space<hbm>>) target(%arg11 : memref<1600xf32, #tpu.memory_space<vmem>>) target_semaphore(%arg18 : memref<!tpu.dma_semaphore, #tpu.memory_space<semaphore_mem>>)
    %dma_wait3A_331 = tpu.memref_slice %arg2[%add3A_314] : memref<1280000xf32, #tpu.memory_space<hbm>> -> memref<1600xf32, #tpu.memory_space<hbm>>
    %dma_wait3A_332 = tpu.memref_slice %arg2[%add3A_314] : memref<1280000xf32, #tpu.memory_space<hbm>> -> memref<1600xf32, #tpu.memory_space<hbm>>
    tpu.wait_dma2 semaphore(%arg17 : memref<!tpu.dma_semaphore, #tpu.memory_space<semaphore_mem>>) src(%dma_wait3A_332 : memref<1600xf32, #tpu.memory_space<hbm>>) dst(%arg10 : memref<1600xf32, #tpu.memory_space<vmem>>)
    %add3A_333 = arith.constant 8800 : i32
    %add3A_334 = arith.addi %mul3A_2, %add3A_333 : i32
    %scan3A_335 = arith.constant 0 : i32
    %scan3A_336 = arith.constant 25 : i32
    %scan3A_337 = arith.addi %scan3A_335, %scan3A_336 : i32
    %scan3A_338 = arith.constant 1 : i32
    %scan3A_339:2 = scf.for %scan3A_623 = %scan3A_335 to %scan3A_337 step %scan3A_338 iter_args(%scan3A_624 = %scan3A_325#0, %scan3A_625 = %scan3A_325#1) -> (vector<16xi32>, vector<16xi32>)  : i32 {
      %mul3A_626 = arith.constant 64 : i32
      %mul3A_627 = arith.muli %scan3A_623, %mul3A_626 : i32
      %broadcast_in_dim3A_628 = vector.broadcast %mul3A_627 : i32 to vector<16xi32>
      %add3A_629 = arith.addi %broadcast_in_dim3A_628, %mul3A_7 : vector<16xi32>
      %gather3A_630 = tpu.vector_load_idx %arg10[%add3A_629] : memref<1600xf32, #tpu.memory_space<vmem>>[vector<16xi32>], vector<16xf32>,
      %add3A_631 = arith.constant 1 : i32
      %add3A_632 = vector.broadcast %add3A_631 : i32 to vector<16xi32>
      %add3A_633 = arith.addi %add3A_629, %add3A_632 : vector<16xi32>
      %gather3A_634 = tpu.vector_load_idx %arg10[%add3A_633] : memref<1600xf32, #tpu.memory_space<vmem>>[vector<16xi32>], vector<16xf32>,
      %add3A_635 = arith.constant 2 : i32
      %add3A_636 = vector.broadcast %add3A_635 : i32 to vector<16xi32>
      %add3A_637 = arith.addi %add3A_629, %add3A_636 : vector<16xi32>
      %gather3A_638 = tpu.vector_load_idx %arg10[%add3A_637] : memref<1600xf32, #tpu.memory_space<vmem>>[vector<16xi32>], vector<16xf32>,
      %add3A_639 = arith.constant 3 : i32
      %add3A_640 = vector.broadcast %add3A_639 : i32 to vector<16xi32>
      %add3A_641 = arith.addi %add3A_629, %add3A_640 : vector<16xi32>
      %gather3A_642 = tpu.vector_load_idx %arg10[%add3A_641] : memref<1600xf32, #tpu.memory_space<vmem>>[vector<16xi32>], vector<16xf32>,
      %mul3A_643 = arith.mulf %gather3A_630, %gather3A_630 : vector<16xf32>
      %mul3A_644 = arith.mulf %gather3A_634, %gather3A_634 : vector<16xf32>
      %add3A_645 = arith.addf %mul3A_643, %mul3A_644 : vector<16xf32>
      %mul3A_646 = arith.mulf %gather3A_638, %gather3A_638 : vector<16xf32>
      %add3A_647 = arith.addf %add3A_645, %mul3A_646 : vector<16xf32>
      %mul3A_648 = arith.mulf %gather3A_642, %gather3A_642 : vector<16xf32>
      %add3A_649 = arith.addf %add3A_647, %mul3A_648 : vector<16xf32>
      %ge3A_650 = arith.constant 4.000000e+00 : f32
      %ge3A_651 = vector.broadcast %ge3A_650 : f32 to vector<16xf32>
      %ge3A_652 = arith.cmpf oge, %add3A_649, %ge3A_651 : vector<16xf32>
      %not3A = arith.constant dense<true> : vector<16xi1>
      %not3A_653 = arith.xori %ge3A_652, %not3A : vector<16xi1>
      %broadcast_in_dim3A_654 = vector.broadcast %add3A_334 : i32 to vector<16xi32>
      %mul3A_655 = arith.constant 16 : i32
      %mul3A_656 = arith.muli %scan3A_623, %mul3A_655 : i32
      %add3A_657 = vector.broadcast %mul3A_656 : i32 to vector<16xi32>
      %add3A_658 = arith.addi %broadcast_in_dim3A_654, %add3A_657 : vector<16xi32>
      %add3A_659 = arith.addi %add3A_658, %iota3A : vector<16xi32>
      %convert_element_type3A_660 = arith.extui %ge3A_652 : vector<16xi1> to vector<16xi32>
      %broadcast_in_dim3A_661 = arith.constant true
      %broadcast_in_dim3A_662 = vector.broadcast %broadcast_in_dim3A_661 : i1 to vector<16xi1>
      %masked_cumsum3A = tpu.scan <sum>, %convert_element_type3A_660 masked %broadcast_in_dim3A_662 : vector<16xi32>, vector<16xi1> -> vector<16xi32>
      %add3A_663 = arith.addi %scan3A_624, %masked_cumsum3A : vector<16xi32>
      %sub3A = arith.constant 1 : i32
      %sub3A_664 = vector.broadcast %sub3A : i32 to vector<16xi32>
      %sub3A_665 = arith.subi %add3A_663, %sub3A_664 : vector<16xi32>
      %shift_right_arithmetic3A_666 = arith.constant 7 : i32
      %shift_right_arithmetic3A_667 = vector.broadcast %shift_right_arithmetic3A_666 : i32 to vector<16xi32>
      %shift_right_arithmetic3A_668 = arith.shrsi %sub3A_665, %shift_right_arithmetic3A_667 : vector<16xi32>
      %and3A_669 = arith.constant 127 : i32
      %and3A_670 = vector.broadcast %and3A_669 : i32 to vector<16xi32>
      %and3A_671 = arith.andi %sub3A_665, %and3A_670 : vector<16xi32>
      tpu.vector_store_idx %arg5[%shift_right_arithmetic3A_668, %and3A_671], %add3A_659 masked %ge3A_652 : memref<79x128xi32, #tpu.memory_space<vmem>>[vector<16xi32>, vector<16xi32>], vector<16xi32>, vector<16xi1>
      %convert_element_type3A_672 = arith.extui %not3A_653 : vector<16xi1> to vector<16xi32>
      %broadcast_in_dim3A_673 = arith.constant true
      %broadcast_in_dim3A_674 = vector.broadcast %broadcast_in_dim3A_673 : i1 to vector<16xi1>
      %masked_cumsum3A_675 = tpu.scan <sum>, %convert_element_type3A_672 masked %broadcast_in_dim3A_674 : vector<16xi32>, vector<16xi1> -> vector<16xi32>
      %add3A_676 = arith.addi %scan3A_625, %masked_cumsum3A_675 : vector<16xi32>
      %sub3A_677 = arith.constant 1 : i32
      %sub3A_678 = vector.broadcast %sub3A_677 : i32 to vector<16xi32>
      %sub3A_679 = arith.subi %add3A_676, %sub3A_678 : vector<16xi32>
      %shift_right_arithmetic3A_680 = arith.constant 7 : i32
      %shift_right_arithmetic3A_681 = vector.broadcast %shift_right_arithmetic3A_680 : i32 to vector<16xi32>
      %shift_right_arithmetic3A_682 = arith.shrsi %sub3A_679, %shift_right_arithmetic3A_681 : vector<16xi32>
      %and3A_683 = arith.constant 127 : i32
      %and3A_684 = vector.broadcast %and3A_683 : i32 to vector<16xi32>
      %and3A_685 = arith.andi %sub3A_679, %and3A_684 : vector<16xi32>
      tpu.vector_store_idx %arg6[%shift_right_arithmetic3A_682, %and3A_685], %add3A_659 masked %not3A_653 : memref<79x128xi32, #tpu.memory_space<vmem>>[vector<16xi32>, vector<16xi32>], vector<16xi32>, vector<16xi1>
      %all_reduce_population_count3A = tpu.all_reduce %ge3A_652 {dim = 0 : i64, kind = #tpu.reduction_kind<sum>} : vector<16xi1> -> vector<16xi32>
      %add3A_686 = arith.addi %scan3A_624, %all_reduce_population_count3A : vector<16xi32>
      %all_reduce_population_count3A_687 = tpu.all_reduce %not3A_653 {dim = 0 : i64, kind = #tpu.reduction_kind<sum>} : vector<16xi1> -> vector<16xi32>
      %add3A_688 = arith.addi %scan3A_625, %all_reduce_population_count3A_687 : vector<16xi32>
      scf.yield %add3A_686, %add3A_688 : vector<16xi32>, vector<16xi32>
    }
    %scan3A_340 = arith.constant 25 : i32
    %add3A_341 = arith.constant 38400 : i32
    %add3A_342 = arith.addi %mul3A_4, %add3A_341 : i32
    %dma_start3A_343 = tpu.memref_slice %arg2[%add3A_342] : memref<1280000xf32, #tpu.memory_space<hbm>> -> memref<1600xf32, #tpu.memory_space<hbm>>
    %dma_start3A_344 = tpu.memref_slice %arg2[%add3A_342] : memref<1280000xf32, #tpu.memory_space<hbm>> -> memref<1600xf32, #tpu.memory_space<hbm>>
    tpu.enqueue_dma source(%dma_start3A_344 : memref<1600xf32, #tpu.memory_space<hbm>>) target(%arg10 : memref<1600xf32, #tpu.memory_space<vmem>>) target_semaphore(%arg17 : memref<!tpu.dma_semaphore, #tpu.memory_space<semaphore_mem>>)
    %dma_wait3A_345 = tpu.memref_slice %arg2[%add3A_328] : memref<1280000xf32, #tpu.memory_space<hbm>> -> memref<1600xf32, #tpu.memory_space<hbm>>
    %dma_wait3A_346 = tpu.memref_slice %arg2[%add3A_328] : memref<1280000xf32, #tpu.memory_space<hbm>> -> memref<1600xf32, #tpu.memory_space<hbm>>
    tpu.wait_dma2 semaphore(%arg18 : memref<!tpu.dma_semaphore, #tpu.memory_space<semaphore_mem>>) src(%dma_wait3A_346 : memref<1600xf32, #tpu.memory_space<hbm>>) dst(%arg11 : memref<1600xf32, #tpu.memory_space<vmem>>)
    %add3A_347 = arith.constant 9200 : i32
    %add3A_348 = arith.addi %mul3A_2, %add3A_347 : i32
    %scan3A_349 = arith.constant 0 : i32
    %scan3A_350 = arith.constant 25 : i32
    %scan3A_351 = arith.addi %scan3A_349, %scan3A_350 : i32
    %scan3A_352 = arith.constant 1 : i32
    %scan3A_353:2 = scf.for %scan3A_623 = %scan3A_349 to %scan3A_351 step %scan3A_352 iter_args(%scan3A_624 = %scan3A_339#0, %scan3A_625 = %scan3A_339#1) -> (vector<16xi32>, vector<16xi32>)  : i32 {
      %mul3A_626 = arith.constant 64 : i32
      %mul3A_627 = arith.muli %scan3A_623, %mul3A_626 : i32
      %broadcast_in_dim3A_628 = vector.broadcast %mul3A_627 : i32 to vector<16xi32>
      %add3A_629 = arith.addi %broadcast_in_dim3A_628, %mul3A_7 : vector<16xi32>
      %gather3A_630 = tpu.vector_load_idx %arg11[%add3A_629] : memref<1600xf32, #tpu.memory_space<vmem>>[vector<16xi32>], vector<16xf32>,
      %add3A_631 = arith.constant 1 : i32
      %add3A_632 = vector.broadcast %add3A_631 : i32 to vector<16xi32>
      %add3A_633 = arith.addi %add3A_629, %add3A_632 : vector<16xi32>
      %gather3A_634 = tpu.vector_load_idx %arg11[%add3A_633] : memref<1600xf32, #tpu.memory_space<vmem>>[vector<16xi32>], vector<16xf32>,
      %add3A_635 = arith.constant 2 : i32
      %add3A_636 = vector.broadcast %add3A_635 : i32 to vector<16xi32>
      %add3A_637 = arith.addi %add3A_629, %add3A_636 : vector<16xi32>
      %gather3A_638 = tpu.vector_load_idx %arg11[%add3A_637] : memref<1600xf32, #tpu.memory_space<vmem>>[vector<16xi32>], vector<16xf32>,
      %add3A_639 = arith.constant 3 : i32
      %add3A_640 = vector.broadcast %add3A_639 : i32 to vector<16xi32>
      %add3A_641 = arith.addi %add3A_629, %add3A_640 : vector<16xi32>
      %gather3A_642 = tpu.vector_load_idx %arg11[%add3A_641] : memref<1600xf32, #tpu.memory_space<vmem>>[vector<16xi32>], vector<16xf32>,
      %mul3A_643 = arith.mulf %gather3A_630, %gather3A_630 : vector<16xf32>
      %mul3A_644 = arith.mulf %gather3A_634, %gather3A_634 : vector<16xf32>
      %add3A_645 = arith.addf %mul3A_643, %mul3A_644 : vector<16xf32>
      %mul3A_646 = arith.mulf %gather3A_638, %gather3A_638 : vector<16xf32>
      %add3A_647 = arith.addf %add3A_645, %mul3A_646 : vector<16xf32>
      %mul3A_648 = arith.mulf %gather3A_642, %gather3A_642 : vector<16xf32>
      %add3A_649 = arith.addf %add3A_647, %mul3A_648 : vector<16xf32>
      %ge3A_650 = arith.constant 4.000000e+00 : f32
      %ge3A_651 = vector.broadcast %ge3A_650 : f32 to vector<16xf32>
      %ge3A_652 = arith.cmpf oge, %add3A_649, %ge3A_651 : vector<16xf32>
      %not3A = arith.constant dense<true> : vector<16xi1>
      %not3A_653 = arith.xori %ge3A_652, %not3A : vector<16xi1>
      %broadcast_in_dim3A_654 = vector.broadcast %add3A_348 : i32 to vector<16xi32>
      %mul3A_655 = arith.constant 16 : i32
      %mul3A_656 = arith.muli %scan3A_623, %mul3A_655 : i32
      %add3A_657 = vector.broadcast %mul3A_656 : i32 to vector<16xi32>
      %add3A_658 = arith.addi %broadcast_in_dim3A_654, %add3A_657 : vector<16xi32>
      %add3A_659 = arith.addi %add3A_658, %iota3A : vector<16xi32>
      %convert_element_type3A_660 = arith.extui %ge3A_652 : vector<16xi1> to vector<16xi32>
      %broadcast_in_dim3A_661 = arith.constant true
      %broadcast_in_dim3A_662 = vector.broadcast %broadcast_in_dim3A_661 : i1 to vector<16xi1>
      %masked_cumsum3A = tpu.scan <sum>, %convert_element_type3A_660 masked %broadcast_in_dim3A_662 : vector<16xi32>, vector<16xi1> -> vector<16xi32>
      %add3A_663 = arith.addi %scan3A_624, %masked_cumsum3A : vector<16xi32>
      %sub3A = arith.constant 1 : i32
      %sub3A_664 = vector.broadcast %sub3A : i32 to vector<16xi32>
      %sub3A_665 = arith.subi %add3A_663, %sub3A_664 : vector<16xi32>
      %shift_right_arithmetic3A_666 = arith.constant 7 : i32
      %shift_right_arithmetic3A_667 = vector.broadcast %shift_right_arithmetic3A_666 : i32 to vector<16xi32>
      %shift_right_arithmetic3A_668 = arith.shrsi %sub3A_665, %shift_right_arithmetic3A_667 : vector<16xi32>
      %and3A_669 = arith.constant 127 : i32
      %and3A_670 = vector.broadcast %and3A_669 : i32 to vector<16xi32>
      %and3A_671 = arith.andi %sub3A_665, %and3A_670 : vector<16xi32>
      tpu.vector_store_idx %arg5[%shift_right_arithmetic3A_668, %and3A_671], %add3A_659 masked %ge3A_652 : memref<79x128xi32, #tpu.memory_space<vmem>>[vector<16xi32>, vector<16xi32>], vector<16xi32>, vector<16xi1>
      %convert_element_type3A_672 = arith.extui %not3A_653 : vector<16xi1> to vector<16xi32>
      %broadcast_in_dim3A_673 = arith.constant true
      %broadcast_in_dim3A_674 = vector.broadcast %broadcast_in_dim3A_673 : i1 to vector<16xi1>
      %masked_cumsum3A_675 = tpu.scan <sum>, %convert_element_type3A_672 masked %broadcast_in_dim3A_674 : vector<16xi32>, vector<16xi1> -> vector<16xi32>
      %add3A_676 = arith.addi %scan3A_625, %masked_cumsum3A_675 : vector<16xi32>
      %sub3A_677 = arith.constant 1 : i32
      %sub3A_678 = vector.broadcast %sub3A_677 : i32 to vector<16xi32>
      %sub3A_679 = arith.subi %add3A_676, %sub3A_678 : vector<16xi32>
      %shift_right_arithmetic3A_680 = arith.constant 7 : i32
      %shift_right_arithmetic3A_681 = vector.broadcast %shift_right_arithmetic3A_680 : i32 to vector<16xi32>
      %shift_right_arithmetic3A_682 = arith.shrsi %sub3A_679, %shift_right_arithmetic3A_681 : vector<16xi32>
      %and3A_683 = arith.constant 127 : i32
      %and3A_684 = vector.broadcast %and3A_683 : i32 to vector<16xi32>
      %and3A_685 = arith.andi %sub3A_679, %and3A_684 : vector<16xi32>
      tpu.vector_store_idx %arg6[%shift_right_arithmetic3A_682, %and3A_685], %add3A_659 masked %not3A_653 : memref<79x128xi32, #tpu.memory_space<vmem>>[vector<16xi32>, vector<16xi32>], vector<16xi32>, vector<16xi1>
      %all_reduce_population_count3A = tpu.all_reduce %ge3A_652 {dim = 0 : i64, kind = #tpu.reduction_kind<sum>} : vector<16xi1> -> vector<16xi32>
      %add3A_686 = arith.addi %scan3A_624, %all_reduce_population_count3A : vector<16xi32>
      %all_reduce_population_count3A_687 = tpu.all_reduce %not3A_653 {dim = 0 : i64, kind = #tpu.reduction_kind<sum>} : vector<16xi1> -> vector<16xi32>
      %add3A_688 = arith.addi %scan3A_625, %all_reduce_population_count3A_687 : vector<16xi32>
      scf.yield %add3A_686, %add3A_688 : vector<16xi32>, vector<16xi32>
    }
    %scan3A_354 = arith.constant 25 : i32
    %dma_wait3A_355 = tpu.memref_slice %arg2[%add3A_342] : memref<1280000xf32, #tpu.memory_space<hbm>> -> memref<1600xf32, #tpu.memory_space<hbm>>
    %dma_wait3A_356 = tpu.memref_slice %arg2[%add3A_342] : memref<1280000xf32, #tpu.memory_space<hbm>> -> memref<1600xf32, #tpu.memory_space<hbm>>
    tpu.wait_dma2 semaphore(%arg17 : memref<!tpu.dma_semaphore, #tpu.memory_space<semaphore_mem>>) src(%dma_wait3A_356 : memref<1600xf32, #tpu.memory_space<hbm>>) dst(%arg10 : memref<1600xf32, #tpu.memory_space<vmem>>)
    %add3A_357 = arith.constant 9600 : i32
    %add3A_358 = arith.addi %mul3A_2, %add3A_357 : i32
    %scan3A_359 = arith.constant 0 : i32
    %scan3A_360 = arith.constant 25 : i32
    %scan3A_361 = arith.addi %scan3A_359, %scan3A_360 : i32
    %scan3A_362 = arith.constant 1 : i32
    %scan3A_363:2 = scf.for %scan3A_623 = %scan3A_359 to %scan3A_361 step %scan3A_362 iter_args(%scan3A_624 = %scan3A_353#0, %scan3A_625 = %scan3A_353#1) -> (vector<16xi32>, vector<16xi32>)  : i32 {
      %mul3A_626 = arith.constant 64 : i32
      %mul3A_627 = arith.muli %scan3A_623, %mul3A_626 : i32
      %broadcast_in_dim3A_628 = vector.broadcast %mul3A_627 : i32 to vector<16xi32>
      %add3A_629 = arith.addi %broadcast_in_dim3A_628, %mul3A_7 : vector<16xi32>
      %gather3A_630 = tpu.vector_load_idx %arg10[%add3A_629] : memref<1600xf32, #tpu.memory_space<vmem>>[vector<16xi32>], vector<16xf32>,
      %add3A_631 = arith.constant 1 : i32
      %add3A_632 = vector.broadcast %add3A_631 : i32 to vector<16xi32>
      %add3A_633 = arith.addi %add3A_629, %add3A_632 : vector<16xi32>
      %gather3A_634 = tpu.vector_load_idx %arg10[%add3A_633] : memref<1600xf32, #tpu.memory_space<vmem>>[vector<16xi32>], vector<16xf32>,
      %add3A_635 = arith.constant 2 : i32
      %add3A_636 = vector.broadcast %add3A_635 : i32 to vector<16xi32>
      %add3A_637 = arith.addi %add3A_629, %add3A_636 : vector<16xi32>
      %gather3A_638 = tpu.vector_load_idx %arg10[%add3A_637] : memref<1600xf32, #tpu.memory_space<vmem>>[vector<16xi32>], vector<16xf32>,
      %add3A_639 = arith.constant 3 : i32
      %add3A_640 = vector.broadcast %add3A_639 : i32 to vector<16xi32>
      %add3A_641 = arith.addi %add3A_629, %add3A_640 : vector<16xi32>
      %gather3A_642 = tpu.vector_load_idx %arg10[%add3A_641] : memref<1600xf32, #tpu.memory_space<vmem>>[vector<16xi32>], vector<16xf32>,
      %mul3A_643 = arith.mulf %gather3A_630, %gather3A_630 : vector<16xf32>
      %mul3A_644 = arith.mulf %gather3A_634, %gather3A_634 : vector<16xf32>
      %add3A_645 = arith.addf %mul3A_643, %mul3A_644 : vector<16xf32>
      %mul3A_646 = arith.mulf %gather3A_638, %gather3A_638 : vector<16xf32>
      %add3A_647 = arith.addf %add3A_645, %mul3A_646 : vector<16xf32>
      %mul3A_648 = arith.mulf %gather3A_642, %gather3A_642 : vector<16xf32>
      %add3A_649 = arith.addf %add3A_647, %mul3A_648 : vector<16xf32>
      %ge3A_650 = arith.constant 4.000000e+00 : f32
      %ge3A_651 = vector.broadcast %ge3A_650 : f32 to vector<16xf32>
      %ge3A_652 = arith.cmpf oge, %add3A_649, %ge3A_651 : vector<16xf32>
      %not3A = arith.constant dense<true> : vector<16xi1>
      %not3A_653 = arith.xori %ge3A_652, %not3A : vector<16xi1>
      %broadcast_in_dim3A_654 = vector.broadcast %add3A_358 : i32 to vector<16xi32>
      %mul3A_655 = arith.constant 16 : i32
      %mul3A_656 = arith.muli %scan3A_623, %mul3A_655 : i32
      %add3A_657 = vector.broadcast %mul3A_656 : i32 to vector<16xi32>
      %add3A_658 = arith.addi %broadcast_in_dim3A_654, %add3A_657 : vector<16xi32>
      %add3A_659 = arith.addi %add3A_658, %iota3A : vector<16xi32>
      %convert_element_type3A_660 = arith.extui %ge3A_652 : vector<16xi1> to vector<16xi32>
      %broadcast_in_dim3A_661 = arith.constant true
      %broadcast_in_dim3A_662 = vector.broadcast %broadcast_in_dim3A_661 : i1 to vector<16xi1>
      %masked_cumsum3A = tpu.scan <sum>, %convert_element_type3A_660 masked %broadcast_in_dim3A_662 : vector<16xi32>, vector<16xi1> -> vector<16xi32>
      %add3A_663 = arith.addi %scan3A_624, %masked_cumsum3A : vector<16xi32>
      %sub3A = arith.constant 1 : i32
      %sub3A_664 = vector.broadcast %sub3A : i32 to vector<16xi32>
      %sub3A_665 = arith.subi %add3A_663, %sub3A_664 : vector<16xi32>
      %shift_right_arithmetic3A_666 = arith.constant 7 : i32
      %shift_right_arithmetic3A_667 = vector.broadcast %shift_right_arithmetic3A_666 : i32 to vector<16xi32>
      %shift_right_arithmetic3A_668 = arith.shrsi %sub3A_665, %shift_right_arithmetic3A_667 : vector<16xi32>
      %and3A_669 = arith.constant 127 : i32
      %and3A_670 = vector.broadcast %and3A_669 : i32 to vector<16xi32>
      %and3A_671 = arith.andi %sub3A_665, %and3A_670 : vector<16xi32>
      tpu.vector_store_idx %arg5[%shift_right_arithmetic3A_668, %and3A_671], %add3A_659 masked %ge3A_652 : memref<79x128xi32, #tpu.memory_space<vmem>>[vector<16xi32>, vector<16xi32>], vector<16xi32>, vector<16xi1>
      %convert_element_type3A_672 = arith.extui %not3A_653 : vector<16xi1> to vector<16xi32>
      %broadcast_in_dim3A_673 = arith.constant true
      %broadcast_in_dim3A_674 = vector.broadcast %broadcast_in_dim3A_673 : i1 to vector<16xi1>
      %masked_cumsum3A_675 = tpu.scan <sum>, %convert_element_type3A_672 masked %broadcast_in_dim3A_674 : vector<16xi32>, vector<16xi1> -> vector<16xi32>
      %add3A_676 = arith.addi %scan3A_625, %masked_cumsum3A_675 : vector<16xi32>
      %sub3A_677 = arith.constant 1 : i32
      %sub3A_678 = vector.broadcast %sub3A_677 : i32 to vector<16xi32>
      %sub3A_679 = arith.subi %add3A_676, %sub3A_678 : vector<16xi32>
      %shift_right_arithmetic3A_680 = arith.constant 7 : i32
      %shift_right_arithmetic3A_681 = vector.broadcast %shift_right_arithmetic3A_680 : i32 to vector<16xi32>
      %shift_right_arithmetic3A_682 = arith.shrsi %sub3A_679, %shift_right_arithmetic3A_681 : vector<16xi32>
      %and3A_683 = arith.constant 127 : i32
      %and3A_684 = vector.broadcast %and3A_683 : i32 to vector<16xi32>
      %and3A_685 = arith.andi %sub3A_679, %and3A_684 : vector<16xi32>
      tpu.vector_store_idx %arg6[%shift_right_arithmetic3A_682, %and3A_685], %add3A_659 masked %not3A_653 : memref<79x128xi32, #tpu.memory_space<vmem>>[vector<16xi32>, vector<16xi32>], vector<16xi32>, vector<16xi1>
      %all_reduce_population_count3A = tpu.all_reduce %ge3A_652 {dim = 0 : i64, kind = #tpu.reduction_kind<sum>} : vector<16xi1> -> vector<16xi32>
      %add3A_686 = arith.addi %scan3A_624, %all_reduce_population_count3A : vector<16xi32>
      %all_reduce_population_count3A_687 = tpu.all_reduce %not3A_653 {dim = 0 : i64, kind = #tpu.reduction_kind<sum>} : vector<16xi1> -> vector<16xi32>
      %add3A_688 = arith.addi %scan3A_625, %all_reduce_population_count3A_687 : vector<16xi32>
      scf.yield %add3A_686, %add3A_688 : vector<16xi32>, vector<16xi32>
    }
    %scan3A_364 = arith.constant 25 : i32
    %reduce_max3A = arith.constant true
    %reduce_max3A_365 = vector.broadcast %reduce_max3A : i1 to vector<16xi1>
    %reduce_max3A_366 = arith.constant -2147483648 : i32
    %reduce_max3A_367 = vector.broadcast %reduce_max3A_366 : i32 to vector<16xi32>
    %reduce_max3A_368 = arith.xori %scan3A_363#0, %reduce_max3A_367 : vector<16xi32>
    %reduce_max3A_369 = tpu.scan <max>, %reduce_max3A_368 masked %reduce_max3A_365 : vector<16xi32>, vector<16xi1> -> vector<16xi32>
    %reduce_max3A_370 = arith.xori %reduce_max3A_369, %reduce_max3A_367 : vector<16xi32>
    %reduce_max3A_371 = vector.extract %reduce_max3A_370[15] : i32 from vector<16xi32>
    %reduce_max3A_372 = arith.constant true
    %reduce_max3A_373 = vector.broadcast %reduce_max3A_372 : i1 to vector<16xi1>
    %reduce_max3A_374 = arith.constant -2147483648 : i32
    %reduce_max3A_375 = vector.broadcast %reduce_max3A_374 : i32 to vector<16xi32>
    %reduce_max3A_376 = arith.xori %scan3A_363#1, %reduce_max3A_375 : vector<16xi32>
    %reduce_max3A_377 = tpu.scan <max>, %reduce_max3A_376 masked %reduce_max3A_373 : vector<16xi32>, vector<16xi1> -> vector<16xi32>
    %reduce_max3A_378 = arith.xori %reduce_max3A_377, %reduce_max3A_375 : vector<16xi32>
    %reduce_max3A_379 = vector.extract %reduce_max3A_378[15] : i32 from vector<16xi32>
    %add3A_380 = arith.constant 127 : i32
    %add3A_381 = arith.addi %reduce_max3A_371, %add3A_380 : i32
    %shift_right_logical3A = arith.constant 7 : i32
    %shift_right_logical3A_382 = arith.shrui %add3A_381, %shift_right_logical3A : i32
    %add3A_383 = arith.constant 127 : i32
    %add3A_384 = arith.addi %reduce_max3A_379, %add3A_383 : i32
    %shift_right_logical3A_385 = arith.constant 7 : i32
    %shift_right_logical3A_386 = arith.shrui %add3A_384, %shift_right_logical3A_385 : i32
    %broadcast_in_dim3A_387 = arith.constant 0 : i32
    %broadcast_in_dim3A_388 = vector.broadcast %broadcast_in_dim3A_387 : i32 to vector<16xi32>
    %gather3A = tpu.vector_load_idx %arg5[%broadcast_in_dim3A_388, %broadcast_in_dim3A_388] : memref<79x128xi32, #tpu.memory_space<vmem>>[vector<16xi32>, vector<16xi32>], vector<16xi32>,
    %gather3A_389 = tpu.vector_load_idx %arg6[%broadcast_in_dim3A_388, %broadcast_in_dim3A_388] : memref<79x128xi32, #tpu.memory_space<vmem>>[vector<16xi32>, vector<16xi32>], vector<16xi32>,
    %shift_left3A = arith.constant 7 : i32
    %shift_left3A_390 = arith.shli %shift_right_logical3A_382, %shift_left3A : i32
    %shift_left3A_391 = arith.constant 7 : i32
    %shift_left3A_392 = arith.shli %shift_right_logical3A_386, %shift_left3A_391 : i32
    %add3A_393 = arith.addi %scan3A_363#0, %iota3A : vector<16xi32>
    %add3A_394 = arith.constant 0 : i32
    %add3A_395 = vector.broadcast %add3A_394 : i32 to vector<16xi32>
    %add3A_396 = arith.addi %add3A_393, %add3A_395 : vector<16xi32>
    %shift_right_arithmetic3A = arith.constant 7 : i32
    %shift_right_arithmetic3A_397 = vector.broadcast %shift_right_arithmetic3A : i32 to vector<16xi32>
    %shift_right_arithmetic3A_398 = arith.shrsi %add3A_396, %shift_right_arithmetic3A_397 : vector<16xi32>
    %and3A = arith.constant 127 : i32
    %and3A_399 = vector.broadcast %and3A : i32 to vector<16xi32>
    %and3A_400 = arith.andi %add3A_396, %and3A_399 : vector<16xi32>
    %lt3A = vector.broadcast %shift_left3A_390 : i32 to vector<16xi32>
    %lt3A_401 = arith.cmpi slt, %add3A_396, %lt3A : vector<16xi32>
    tpu.vector_store_idx %arg5[%shift_right_arithmetic3A_398, %and3A_400], %gather3A masked %lt3A_401 : memref<79x128xi32, #tpu.memory_space<vmem>>[vector<16xi32>, vector<16xi32>], vector<16xi32>, vector<16xi1>
    %add3A_402 = arith.addi %scan3A_363#1, %iota3A : vector<16xi32>
    %add3A_403 = arith.constant 0 : i32
    %add3A_404 = vector.broadcast %add3A_403 : i32 to vector<16xi32>
    %add3A_405 = arith.addi %add3A_402, %add3A_404 : vector<16xi32>
    %shift_right_arithmetic3A_406 = arith.constant 7 : i32
    %shift_right_arithmetic3A_407 = vector.broadcast %shift_right_arithmetic3A_406 : i32 to vector<16xi32>
    %shift_right_arithmetic3A_408 = arith.shrsi %add3A_405, %shift_right_arithmetic3A_407 : vector<16xi32>
    %and3A_409 = arith.constant 127 : i32
    %and3A_410 = vector.broadcast %and3A_409 : i32 to vector<16xi32>
    %and3A_411 = arith.andi %add3A_405, %and3A_410 : vector<16xi32>
    %lt3A_412 = vector.broadcast %shift_left3A_392 : i32 to vector<16xi32>
    %lt3A_413 = arith.cmpi slt, %add3A_405, %lt3A_412 : vector<16xi32>
    tpu.vector_store_idx %arg6[%shift_right_arithmetic3A_408, %and3A_411], %gather3A_389 masked %lt3A_413 : memref<79x128xi32, #tpu.memory_space<vmem>>[vector<16xi32>, vector<16xi32>], vector<16xi32>, vector<16xi1>
    %add3A_414 = arith.addi %scan3A_363#0, %iota3A : vector<16xi32>
    %add3A_415 = arith.constant 16 : i32
    %add3A_416 = vector.broadcast %add3A_415 : i32 to vector<16xi32>
    %add3A_417 = arith.addi %add3A_414, %add3A_416 : vector<16xi32>
    %shift_right_arithmetic3A_418 = arith.constant 7 : i32
    %shift_right_arithmetic3A_419 = vector.broadcast %shift_right_arithmetic3A_418 : i32 to vector<16xi32>
    %shift_right_arithmetic3A_420 = arith.shrsi %add3A_417, %shift_right_arithmetic3A_419 : vector<16xi32>
    %and3A_421 = arith.constant 127 : i32
    %and3A_422 = vector.broadcast %and3A_421 : i32 to vector<16xi32>
    %and3A_423 = arith.andi %add3A_417, %and3A_422 : vector<16xi32>
    %lt3A_424 = vector.broadcast %shift_left3A_390 : i32 to vector<16xi32>
    %lt3A_425 = arith.cmpi slt, %add3A_417, %lt3A_424 : vector<16xi32>
    tpu.vector_store_idx %arg5[%shift_right_arithmetic3A_420, %and3A_423], %gather3A masked %lt3A_425 : memref<79x128xi32, #tpu.memory_space<vmem>>[vector<16xi32>, vector<16xi32>], vector<16xi32>, vector<16xi1>
    %add3A_426 = arith.addi %scan3A_363#1, %iota3A : vector<16xi32>
    %add3A_427 = arith.constant 16 : i32
    %add3A_428 = vector.broadcast %add3A_427 : i32 to vector<16xi32>
    %add3A_429 = arith.addi %add3A_426, %add3A_428 : vector<16xi32>
    %shift_right_arithmetic3A_430 = arith.constant 7 : i32
    %shift_right_arithmetic3A_431 = vector.broadcast %shift_right_arithmetic3A_430 : i32 to vector<16xi32>
    %shift_right_arithmetic3A_432 = arith.shrsi %add3A_429, %shift_right_arithmetic3A_431 : vector<16xi32>
    %and3A_433 = arith.constant 127 : i32
    %and3A_434 = vector.broadcast %and3A_433 : i32 to vector<16xi32>
    %and3A_435 = arith.andi %add3A_429, %and3A_434 : vector<16xi32>
    %lt3A_436 = vector.broadcast %shift_left3A_392 : i32 to vector<16xi32>
    %lt3A_437 = arith.cmpi slt, %add3A_429, %lt3A_436 : vector<16xi32>
    tpu.vector_store_idx %arg6[%shift_right_arithmetic3A_432, %and3A_435], %gather3A_389 masked %lt3A_437 : memref<79x128xi32, #tpu.memory_space<vmem>>[vector<16xi32>, vector<16xi32>], vector<16xi32>, vector<16xi1>
    %add3A_438 = arith.addi %scan3A_363#0, %iota3A : vector<16xi32>
    %add3A_439 = arith.constant 32 : i32
    %add3A_440 = vector.broadcast %add3A_439 : i32 to vector<16xi32>
    %add3A_441 = arith.addi %add3A_438, %add3A_440 : vector<16xi32>
    %shift_right_arithmetic3A_442 = arith.constant 7 : i32
    %shift_right_arithmetic3A_443 = vector.broadcast %shift_right_arithmetic3A_442 : i32 to vector<16xi32>
    %shift_right_arithmetic3A_444 = arith.shrsi %add3A_441, %shift_right_arithmetic3A_443 : vector<16xi32>
    %and3A_445 = arith.constant 127 : i32
    %and3A_446 = vector.broadcast %and3A_445 : i32 to vector<16xi32>
    %and3A_447 = arith.andi %add3A_441, %and3A_446 : vector<16xi32>
    %lt3A_448 = vector.broadcast %shift_left3A_390 : i32 to vector<16xi32>
    %lt3A_449 = arith.cmpi slt, %add3A_441, %lt3A_448 : vector<16xi32>
    tpu.vector_store_idx %arg5[%shift_right_arithmetic3A_444, %and3A_447], %gather3A masked %lt3A_449 : memref<79x128xi32, #tpu.memory_space<vmem>>[vector<16xi32>, vector<16xi32>], vector<16xi32>, vector<16xi1>
    %add3A_450 = arith.addi %scan3A_363#1, %iota3A : vector<16xi32>
    %add3A_451 = arith.constant 32 : i32
    %add3A_452 = vector.broadcast %add3A_451 : i32 to vector<16xi32>
    %add3A_453 = arith.addi %add3A_450, %add3A_452 : vector<16xi32>
    %shift_right_arithmetic3A_454 = arith.constant 7 : i32
    %shift_right_arithmetic3A_455 = vector.broadcast %shift_right_arithmetic3A_454 : i32 to vector<16xi32>
    %shift_right_arithmetic3A_456 = arith.shrsi %add3A_453, %shift_right_arithmetic3A_455 : vector<16xi32>
    %and3A_457 = arith.constant 127 : i32
    %and3A_458 = vector.broadcast %and3A_457 : i32 to vector<16xi32>
    %and3A_459 = arith.andi %add3A_453, %and3A_458 : vector<16xi32>
    %lt3A_460 = vector.broadcast %shift_left3A_392 : i32 to vector<16xi32>
    %lt3A_461 = arith.cmpi slt, %add3A_453, %lt3A_460 : vector<16xi32>
    tpu.vector_store_idx %arg6[%shift_right_arithmetic3A_456, %and3A_459], %gather3A_389 masked %lt3A_461 : memref<79x128xi32, #tpu.memory_space<vmem>>[vector<16xi32>, vector<16xi32>], vector<16xi32>, vector<16xi1>
    %add3A_462 = arith.addi %scan3A_363#0, %iota3A : vector<16xi32>
    %add3A_463 = arith.constant 48 : i32
    %add3A_464 = vector.broadcast %add3A_463 : i32 to vector<16xi32>
    %add3A_465 = arith.addi %add3A_462, %add3A_464 : vector<16xi32>
    %shift_right_arithmetic3A_466 = arith.constant 7 : i32
    %shift_right_arithmetic3A_467 = vector.broadcast %shift_right_arithmetic3A_466 : i32 to vector<16xi32>
    %shift_right_arithmetic3A_468 = arith.shrsi %add3A_465, %shift_right_arithmetic3A_467 : vector<16xi32>
    %and3A_469 = arith.constant 127 : i32
    %and3A_470 = vector.broadcast %and3A_469 : i32 to vector<16xi32>
    %and3A_471 = arith.andi %add3A_465, %and3A_470 : vector<16xi32>
    %lt3A_472 = vector.broadcast %shift_left3A_390 : i32 to vector<16xi32>
    %lt3A_473 = arith.cmpi slt, %add3A_465, %lt3A_472 : vector<16xi32>
    tpu.vector_store_idx %arg5[%shift_right_arithmetic3A_468, %and3A_471], %gather3A masked %lt3A_473 : memref<79x128xi32, #tpu.memory_space<vmem>>[vector<16xi32>, vector<16xi32>], vector<16xi32>, vector<16xi1>
    %add3A_474 = arith.addi %scan3A_363#1, %iota3A : vector<16xi32>
    %add3A_475 = arith.constant 48 : i32
    %add3A_476 = vector.broadcast %add3A_475 : i32 to vector<16xi32>
    %add3A_477 = arith.addi %add3A_474, %add3A_476 : vector<16xi32>
    %shift_right_arithmetic3A_478 = arith.constant 7 : i32
    %shift_right_arithmetic3A_479 = vector.broadcast %shift_right_arithmetic3A_478 : i32 to vector<16xi32>
    %shift_right_arithmetic3A_480 = arith.shrsi %add3A_477, %shift_right_arithmetic3A_479 : vector<16xi32>
    %and3A_481 = arith.constant 127 : i32
    %and3A_482 = vector.broadcast %and3A_481 : i32 to vector<16xi32>
    %and3A_483 = arith.andi %add3A_477, %and3A_482 : vector<16xi32>
    %lt3A_484 = vector.broadcast %shift_left3A_392 : i32 to vector<16xi32>
    %lt3A_485 = arith.cmpi slt, %add3A_477, %lt3A_484 : vector<16xi32>
    tpu.vector_store_idx %arg6[%shift_right_arithmetic3A_480, %and3A_483], %gather3A_389 masked %lt3A_485 : memref<79x128xi32, #tpu.memory_space<vmem>>[vector<16xi32>, vector<16xi32>], vector<16xi32>, vector<16xi1>
    %add3A_486 = arith.addi %scan3A_363#0, %iota3A : vector<16xi32>
    %add3A_487 = arith.constant 64 : i32
    %add3A_488 = vector.broadcast %add3A_487 : i32 to vector<16xi32>
    %add3A_489 = arith.addi %add3A_486, %add3A_488 : vector<16xi32>
    %shift_right_arithmetic3A_490 = arith.constant 7 : i32
    %shift_right_arithmetic3A_491 = vector.broadcast %shift_right_arithmetic3A_490 : i32 to vector<16xi32>
    %shift_right_arithmetic3A_492 = arith.shrsi %add3A_489, %shift_right_arithmetic3A_491 : vector<16xi32>
    %and3A_493 = arith.constant 127 : i32
    %and3A_494 = vector.broadcast %and3A_493 : i32 to vector<16xi32>
    %and3A_495 = arith.andi %add3A_489, %and3A_494 : vector<16xi32>
    %lt3A_496 = vector.broadcast %shift_left3A_390 : i32 to vector<16xi32>
    %lt3A_497 = arith.cmpi slt, %add3A_489, %lt3A_496 : vector<16xi32>
    tpu.vector_store_idx %arg5[%shift_right_arithmetic3A_492, %and3A_495], %gather3A masked %lt3A_497 : memref<79x128xi32, #tpu.memory_space<vmem>>[vector<16xi32>, vector<16xi32>], vector<16xi32>, vector<16xi1>
    %add3A_498 = arith.addi %scan3A_363#1, %iota3A : vector<16xi32>
    %add3A_499 = arith.constant 64 : i32
    %add3A_500 = vector.broadcast %add3A_499 : i32 to vector<16xi32>
    %add3A_501 = arith.addi %add3A_498, %add3A_500 : vector<16xi32>
    %shift_right_arithmetic3A_502 = arith.constant 7 : i32
    %shift_right_arithmetic3A_503 = vector.broadcast %shift_right_arithmetic3A_502 : i32 to vector<16xi32>
    %shift_right_arithmetic3A_504 = arith.shrsi %add3A_501, %shift_right_arithmetic3A_503 : vector<16xi32>
    %and3A_505 = arith.constant 127 : i32
    %and3A_506 = vector.broadcast %and3A_505 : i32 to vector<16xi32>
    %and3A_507 = arith.andi %add3A_501, %and3A_506 : vector<16xi32>
    %lt3A_508 = vector.broadcast %shift_left3A_392 : i32 to vector<16xi32>
    %lt3A_509 = arith.cmpi slt, %add3A_501, %lt3A_508 : vector<16xi32>
    tpu.vector_store_idx %arg6[%shift_right_arithmetic3A_504, %and3A_507], %gather3A_389 masked %lt3A_509 : memref<79x128xi32, #tpu.memory_space<vmem>>[vector<16xi32>, vector<16xi32>], vector<16xi32>, vector<16xi1>
    %add3A_510 = arith.addi %scan3A_363#0, %iota3A : vector<16xi32>
    %add3A_511 = arith.constant 80 : i32
    %add3A_512 = vector.broadcast %add3A_511 : i32 to vector<16xi32>
    %add3A_513 = arith.addi %add3A_510, %add3A_512 : vector<16xi32>
    %shift_right_arithmetic3A_514 = arith.constant 7 : i32
    %shift_right_arithmetic3A_515 = vector.broadcast %shift_right_arithmetic3A_514 : i32 to vector<16xi32>
    %shift_right_arithmetic3A_516 = arith.shrsi %add3A_513, %shift_right_arithmetic3A_515 : vector<16xi32>
    %and3A_517 = arith.constant 127 : i32
    %and3A_518 = vector.broadcast %and3A_517 : i32 to vector<16xi32>
    %and3A_519 = arith.andi %add3A_513, %and3A_518 : vector<16xi32>
    %lt3A_520 = vector.broadcast %shift_left3A_390 : i32 to vector<16xi32>
    %lt3A_521 = arith.cmpi slt, %add3A_513, %lt3A_520 : vector<16xi32>
    tpu.vector_store_idx %arg5[%shift_right_arithmetic3A_516, %and3A_519], %gather3A masked %lt3A_521 : memref<79x128xi32, #tpu.memory_space<vmem>>[vector<16xi32>, vector<16xi32>], vector<16xi32>, vector<16xi1>
    %add3A_522 = arith.addi %scan3A_363#1, %iota3A : vector<16xi32>
    %add3A_523 = arith.constant 80 : i32
    %add3A_524 = vector.broadcast %add3A_523 : i32 to vector<16xi32>
    %add3A_525 = arith.addi %add3A_522, %add3A_524 : vector<16xi32>
    %shift_right_arithmetic3A_526 = arith.constant 7 : i32
    %shift_right_arithmetic3A_527 = vector.broadcast %shift_right_arithmetic3A_526 : i32 to vector<16xi32>
    %shift_right_arithmetic3A_528 = arith.shrsi %add3A_525, %shift_right_arithmetic3A_527 : vector<16xi32>
    %and3A_529 = arith.constant 127 : i32
    %and3A_530 = vector.broadcast %and3A_529 : i32 to vector<16xi32>
    %and3A_531 = arith.andi %add3A_525, %and3A_530 : vector<16xi32>
    %lt3A_532 = vector.broadcast %shift_left3A_392 : i32 to vector<16xi32>
    %lt3A_533 = arith.cmpi slt, %add3A_525, %lt3A_532 : vector<16xi32>
    tpu.vector_store_idx %arg6[%shift_right_arithmetic3A_528, %and3A_531], %gather3A_389 masked %lt3A_533 : memref<79x128xi32, #tpu.memory_space<vmem>>[vector<16xi32>, vector<16xi32>], vector<16xi32>, vector<16xi1>
    %add3A_534 = arith.addi %scan3A_363#0, %iota3A : vector<16xi32>
    %add3A_535 = arith.constant 96 : i32
    %add3A_536 = vector.broadcast %add3A_535 : i32 to vector<16xi32>
    %add3A_537 = arith.addi %add3A_534, %add3A_536 : vector<16xi32>
    %shift_right_arithmetic3A_538 = arith.constant 7 : i32
    %shift_right_arithmetic3A_539 = vector.broadcast %shift_right_arithmetic3A_538 : i32 to vector<16xi32>
    %shift_right_arithmetic3A_540 = arith.shrsi %add3A_537, %shift_right_arithmetic3A_539 : vector<16xi32>
    %and3A_541 = arith.constant 127 : i32
    %and3A_542 = vector.broadcast %and3A_541 : i32 to vector<16xi32>
    %and3A_543 = arith.andi %add3A_537, %and3A_542 : vector<16xi32>
    %lt3A_544 = vector.broadcast %shift_left3A_390 : i32 to vector<16xi32>
    %lt3A_545 = arith.cmpi slt, %add3A_537, %lt3A_544 : vector<16xi32>
    tpu.vector_store_idx %arg5[%shift_right_arithmetic3A_540, %and3A_543], %gather3A masked %lt3A_545 : memref<79x128xi32, #tpu.memory_space<vmem>>[vector<16xi32>, vector<16xi32>], vector<16xi32>, vector<16xi1>
    %add3A_546 = arith.addi %scan3A_363#1, %iota3A : vector<16xi32>
    %add3A_547 = arith.constant 96 : i32
    %add3A_548 = vector.broadcast %add3A_547 : i32 to vector<16xi32>
    %add3A_549 = arith.addi %add3A_546, %add3A_548 : vector<16xi32>
    %shift_right_arithmetic3A_550 = arith.constant 7 : i32
    %shift_right_arithmetic3A_551 = vector.broadcast %shift_right_arithmetic3A_550 : i32 to vector<16xi32>
    %shift_right_arithmetic3A_552 = arith.shrsi %add3A_549, %shift_right_arithmetic3A_551 : vector<16xi32>
    %and3A_553 = arith.constant 127 : i32
    %and3A_554 = vector.broadcast %and3A_553 : i32 to vector<16xi32>
    %and3A_555 = arith.andi %add3A_549, %and3A_554 : vector<16xi32>
    %lt3A_556 = vector.broadcast %shift_left3A_392 : i32 to vector<16xi32>
    %lt3A_557 = arith.cmpi slt, %add3A_549, %lt3A_556 : vector<16xi32>
    tpu.vector_store_idx %arg6[%shift_right_arithmetic3A_552, %and3A_555], %gather3A_389 masked %lt3A_557 : memref<79x128xi32, #tpu.memory_space<vmem>>[vector<16xi32>, vector<16xi32>], vector<16xi32>, vector<16xi1>
    %add3A_558 = arith.addi %scan3A_363#0, %iota3A : vector<16xi32>
    %add3A_559 = arith.constant 112 : i32
    %add3A_560 = vector.broadcast %add3A_559 : i32 to vector<16xi32>
    %add3A_561 = arith.addi %add3A_558, %add3A_560 : vector<16xi32>
    %shift_right_arithmetic3A_562 = arith.constant 7 : i32
    %shift_right_arithmetic3A_563 = vector.broadcast %shift_right_arithmetic3A_562 : i32 to vector<16xi32>
    %shift_right_arithmetic3A_564 = arith.shrsi %add3A_561, %shift_right_arithmetic3A_563 : vector<16xi32>
    %and3A_565 = arith.constant 127 : i32
    %and3A_566 = vector.broadcast %and3A_565 : i32 to vector<16xi32>
    %and3A_567 = arith.andi %add3A_561, %and3A_566 : vector<16xi32>
    %lt3A_568 = vector.broadcast %shift_left3A_390 : i32 to vector<16xi32>
    %lt3A_569 = arith.cmpi slt, %add3A_561, %lt3A_568 : vector<16xi32>
    tpu.vector_store_idx %arg5[%shift_right_arithmetic3A_564, %and3A_567], %gather3A masked %lt3A_569 : memref<79x128xi32, #tpu.memory_space<vmem>>[vector<16xi32>, vector<16xi32>], vector<16xi32>, vector<16xi1>
    %add3A_570 = arith.addi %scan3A_363#1, %iota3A : vector<16xi32>
    %add3A_571 = arith.constant 112 : i32
    %add3A_572 = vector.broadcast %add3A_571 : i32 to vector<16xi32>
    %add3A_573 = arith.addi %add3A_570, %add3A_572 : vector<16xi32>
    %shift_right_arithmetic3A_574 = arith.constant 7 : i32
    %shift_right_arithmetic3A_575 = vector.broadcast %shift_right_arithmetic3A_574 : i32 to vector<16xi32>
    %shift_right_arithmetic3A_576 = arith.shrsi %add3A_573, %shift_right_arithmetic3A_575 : vector<16xi32>
    %and3A_577 = arith.constant 127 : i32
    %and3A_578 = vector.broadcast %and3A_577 : i32 to vector<16xi32>
    %and3A_579 = arith.andi %add3A_573, %and3A_578 : vector<16xi32>
    %lt3A_580 = vector.broadcast %shift_left3A_392 : i32 to vector<16xi32>
    %lt3A_581 = arith.cmpi slt, %add3A_573, %lt3A_580 : vector<16xi32>
    tpu.vector_store_idx %arg6[%shift_right_arithmetic3A_576, %and3A_579], %gather3A_389 masked %lt3A_581 : memref<79x128xi32, #tpu.memory_space<vmem>>[vector<16xi32>, vector<16xi32>], vector<16xi32>, vector<16xi1>
    %while3A = arith.constant 0 : i32
    %while3A_582 = arith.constant 0 : i32
    %while3A_583 = arith.subi %shift_right_logical3A_386, %while3A_582 : i32
    %while3A_584 = arith.addi %while3A_582, %while3A_583 : i32
    %while3A_585 = arith.constant 1 : i32
    %while3A_586 = arith.divsi %while3A_583, %while3A_585 : i32
    %while3A_587 = arith.muli %while3A_586, %while3A_585 : i32
    %while3A_588 = arith.addi %while3A_582, %while3A_587 : i32
    %while3A_589 = arith.constant 1 : i32
    scf.for %while3A_623 = %while3A_582 to %while3A_588 step %while3A_589  : i32 {
      %dma_start3A_624 = arith.constant 0 : i32
      %dma_start3A_625 = tpu.memref_slice %arg6[%while3A_623, %dma_start3A_624] : memref<79x128xi32, #tpu.memory_space<vmem>> -> memref<1x128xi32, #tpu.memory_space<vmem>>
      %dma_start3A_626 = tpu.memref_squeeze %dma_start3A_625 : memref<1x128xi32, #tpu.memory_space<vmem>> -> memref<128xi32, #tpu.memory_space<vmem>>
      %dma_start3A_627 = arith.constant 0 : i32
      %dma_start3A_628 = arith.constant 0 : i32
      %dma_start3A_629 = tpu.memref_slice %arg4[%dma_start3A_627, %dma_start3A_628] : memref<320000x128xf32, #tpu.memory_space<hbm>> -> memref<320000x128xf32, #tpu.memory_space<hbm>>
      tpu.enqueue_indirect_dma source(%arg9 : memref<128x128xf32, #tpu.memory_space<vmem>>) target(%dma_start3A_629 : memref<320000x128xf32, #tpu.memory_space<hbm>>) offsets(%dma_start3A_626 : memref<128xi32, #tpu.memory_space<vmem>>) semaphore(%arg16 : memref<!tpu.dma_semaphore, #tpu.memory_space<semaphore_mem>>)
    }
    %while3A_590 = arith.constant 1 : i32
    scf.for %while3A_623 = %while3A_588 to %while3A_584 step %while3A_590  : i32 {
      %dma_start3A_624 = arith.constant 0 : i32
      %dma_start3A_625 = tpu.memref_slice %arg6[%while3A_623, %dma_start3A_624] : memref<79x128xi32, #tpu.memory_space<vmem>> -> memref<1x128xi32, #tpu.memory_space<vmem>>
      %dma_start3A_626 = tpu.memref_squeeze %dma_start3A_625 : memref<1x128xi32, #tpu.memory_space<vmem>> -> memref<128xi32, #tpu.memory_space<vmem>>
      %dma_start3A_627 = arith.constant 0 : i32
      %dma_start3A_628 = arith.constant 0 : i32
      %dma_start3A_629 = tpu.memref_slice %arg4[%dma_start3A_627, %dma_start3A_628] : memref<320000x128xf32, #tpu.memory_space<hbm>> -> memref<320000x128xf32, #tpu.memory_space<hbm>>
      tpu.enqueue_indirect_dma source(%arg9 : memref<128x128xf32, #tpu.memory_space<vmem>>) target(%dma_start3A_629 : memref<320000x128xf32, #tpu.memory_space<hbm>>) offsets(%dma_start3A_626 : memref<128xi32, #tpu.memory_space<vmem>>) semaphore(%arg16 : memref<!tpu.dma_semaphore, #tpu.memory_space<semaphore_mem>>)
    }
    %ge3A = arith.constant 1 : i32
    %ge3A_591 = arith.cmpi sge, %shift_right_logical3A_382, %ge3A : i32
    %convert_element_type3A = arith.extui %ge3A_591 : i1 to i32
    %cond3A = arith.constant 0 : i32
    %cond3A_592 = arith.cmpi ne, %convert_element_type3A, %cond3A : i32
    scf.if %cond3A_592 {
      %dma_start3A_623 = arith.constant 0 : i32
      %dma_start3A_624 = arith.constant 0 : i32
      %dma_start3A_625 = tpu.memref_slice %arg5[%dma_start3A_623, %dma_start3A_624] : memref<79x128xi32, #tpu.memory_space<vmem>> -> memref<1x128xi32, #tpu.memory_space<vmem>>
      %dma_start3A_626 = tpu.memref_squeeze %dma_start3A_625 : memref<1x128xi32, #tpu.memory_space<vmem>> -> memref<128xi32, #tpu.memory_space<vmem>>
      %dma_start3A_627 = arith.constant 0 : i32
      %dma_start3A_628 = arith.constant 0 : i32
      %dma_start3A_629 = tpu.memref_slice %arg3[%dma_start3A_627, %dma_start3A_628] : memref<320000x128xf32, #tpu.memory_space<hbm>> -> memref<320000x128xf32, #tpu.memory_space<hbm>>
      tpu.enqueue_indirect_dma source(%dma_start3A_629 : memref<320000x128xf32, #tpu.memory_space<hbm>>) target(%arg7 : memref<128x128xf32, #tpu.memory_space<vmem>>) offsets(%dma_start3A_626 : memref<128xi32, #tpu.memory_space<vmem>>) semaphore(%arg12 : memref<!tpu.dma_semaphore, #tpu.memory_space<semaphore_mem>>)
    } else {
    }
    %while3A_593 = arith.constant 0 : i32
    %while3A_594 = arith.constant 0 : i32
    %while3A_595 = arith.subi %shift_right_logical3A_382, %while3A_594 : i32
    %while3A_596 = arith.addi %while3A_594, %while3A_595 : i32
    %while3A_597 = arith.constant 1 : i32
    %while3A_598 = arith.divsi %while3A_595, %while3A_597 : i32
    %while3A_599 = arith.muli %while3A_598, %while3A_597 : i32
    %while3A_600 = arith.addi %while3A_594, %while3A_599 : i32
    %while3A_601 = arith.constant 1 : i32
    scf.for %while3A_623 = %while3A_594 to %while3A_600 step %while3A_601  : i32 {
      %add3A_624 = arith.constant 1 : i32
      %add3A_625 = arith.addi %while3A_623, %add3A_624 : i32
      %lt3A_626 = arith.cmpi slt, %add3A_625, %shift_right_logical3A_382 : i32
      %convert_element_type3A_627 = arith.extui %lt3A_626 : i1 to i32
      %cond3A_628 = arith.constant 0 : i32
      %cond3A_629 = arith.cmpi ne, %convert_element_type3A_627, %cond3A_628 : i32
      scf.if %cond3A_629 {
        %jit3A_667 = arith.constant 2 : i32
        %eq3A_668 = arith.constant 0 : i32
        %eq3A_669 = arith.cmpi eq, %jit3A_667, %eq3A_668 : i32
        %jit3A_670 = arith.constant 1 : i32
        %select_n3A_671 = arith.select %eq3A_669, %jit3A_670, %jit3A_667 : i32
        %rem3A_672 = arith.remsi %while3A_623, %select_n3A_671 : i32
        %ne3A_673 = arith.constant 0 : i32
        %ne3A_674 = arith.cmpi ne, %rem3A_672, %ne3A_673 : i32
        %lt3A_675 = arith.constant 0 : i32
        %lt3A_676 = arith.cmpi slt, %rem3A_672, %lt3A_675 : i32
        %lt3A_677 = arith.constant 0 : i32
        %lt3A_678 = arith.cmpi slt, %select_n3A_671, %lt3A_677 : i32
        %ne3A_679 = arith.xori %lt3A_676, %lt3A_678 : i1
        %and3A_680 = arith.andi %ne3A_679, %ne3A_674 : i1
        %add3A_681 = arith.addi %rem3A_672, %select_n3A_671 : i32
        %select_n3A_682 = arith.select %and3A_680, %add3A_681, %rem3A_672 : i32
        %eq3A_683 = arith.constant 0 : i32
        %eq3A_684 = arith.cmpi eq, %select_n3A_682, %eq3A_683 : i32
        %convert_element_type3A_685 = arith.extui %eq3A_684 : i1 to i32
        %cond3A_686 = arith.constant 0 : i32
        %cond3A_687 = arith.cmpi ne, %convert_element_type3A_685, %cond3A_686 : i32
        scf.if %cond3A_687 {
          %ge3A_709 = arith.constant 1 : i32
          %ge3A_710 = arith.cmpi sge, %while3A_623, %ge3A_709 : i32
          %convert_element_type3A_711 = arith.extui %ge3A_710 : i1 to i32
          %cond3A_712 = arith.constant 0 : i32
          %cond3A_713 = arith.cmpi ne, %convert_element_type3A_711, %cond3A_712 : i32
          scf.if %cond3A_713 {
            %sub3A = arith.constant 1 : i32
            %sub3A_722 = arith.subi %while3A_623, %sub3A : i32
            %dma_wait3A_723 = arith.constant 0 : i32
            %dma_wait3A_724 = tpu.memref_slice %arg5[%sub3A_722, %dma_wait3A_723] : memref<79x128xi32, #tpu.memory_space<vmem>> -> memref<1x128xi32, #tpu.memory_space<vmem>>
            %dma_wait3A_725 = tpu.memref_squeeze %dma_wait3A_724 : memref<1x128xi32, #tpu.memory_space<vmem>> -> memref<128xi32, #tpu.memory_space<vmem>>
            %dma_wait3A_726 = arith.constant 0 : i32
            %dma_wait3A_727 = arith.constant 0 : i32
            %dma_wait3A_728 = tpu.memref_slice %arg4[%dma_wait3A_726, %dma_wait3A_727] : memref<320000x128xf32, #tpu.memory_space<hbm>> -> memref<320000x128xf32, #tpu.memory_space<hbm>>
            tpu.wait_indirect_dma semaphore(%arg15 : memref<!tpu.dma_semaphore, #tpu.memory_space<semaphore_mem>>) src(%arg8 : memref<128x128xf32, #tpu.memory_space<vmem>>) dst(%dma_wait3A_728 : memref<320000x128xf32, #tpu.memory_space<hbm>>)
          } else {
          }
          %add3A_714 = arith.constant 1 : i32
          %add3A_715 = arith.addi %while3A_623, %add3A_714 : i32
          %dma_start3A_716 = arith.constant 0 : i32
          %dma_start3A_717 = tpu.memref_slice %arg5[%add3A_715, %dma_start3A_716] : memref<79x128xi32, #tpu.memory_space<vmem>> -> memref<1x128xi32, #tpu.memory_space<vmem>>
          %dma_start3A_718 = tpu.memref_squeeze %dma_start3A_717 : memref<1x128xi32, #tpu.memory_space<vmem>> -> memref<128xi32, #tpu.memory_space<vmem>>
          %dma_start3A_719 = arith.constant 0 : i32
          %dma_start3A_720 = arith.constant 0 : i32
          %dma_start3A_721 = tpu.memref_slice %arg3[%dma_start3A_719, %dma_start3A_720] : memref<320000x128xf32, #tpu.memory_space<hbm>> -> memref<320000x128xf32, #tpu.memory_space<hbm>>
          tpu.enqueue_indirect_dma source(%dma_start3A_721 : memref<320000x128xf32, #tpu.memory_space<hbm>>) target(%arg8 : memref<128x128xf32, #tpu.memory_space<vmem>>) offsets(%dma_start3A_718 : memref<128xi32, #tpu.memory_space<vmem>>) semaphore(%arg13 : memref<!tpu.dma_semaphore, #tpu.memory_space<semaphore_mem>>)
        } else {
        }
        %jit3A_688 = arith.constant 2 : i32
        %eq3A_689 = arith.constant 0 : i32
        %eq3A_690 = arith.cmpi eq, %jit3A_688, %eq3A_689 : i32
        %jit3A_691 = arith.constant 1 : i32
        %select_n3A_692 = arith.select %eq3A_690, %jit3A_691, %jit3A_688 : i32
        %rem3A_693 = arith.remsi %while3A_623, %select_n3A_692 : i32
        %ne3A_694 = arith.constant 0 : i32
        %ne3A_695 = arith.cmpi ne, %rem3A_693, %ne3A_694 : i32
        %lt3A_696 = arith.constant 0 : i32
        %lt3A_697 = arith.cmpi slt, %rem3A_693, %lt3A_696 : i32
        %lt3A_698 = arith.constant 0 : i32
        %lt3A_699 = arith.cmpi slt, %select_n3A_692, %lt3A_698 : i32
        %ne3A_700 = arith.xori %lt3A_697, %lt3A_699 : i1
        %and3A_701 = arith.andi %ne3A_700, %ne3A_695 : i1
        %add3A_702 = arith.addi %rem3A_693, %select_n3A_692 : i32
        %select_n3A_703 = arith.select %and3A_701, %add3A_702, %rem3A_693 : i32
        %eq3A_704 = arith.constant 1 : i32
        %eq3A_705 = arith.cmpi eq, %select_n3A_703, %eq3A_704 : i32
        %convert_element_type3A_706 = arith.extui %eq3A_705 : i1 to i32
        %cond3A_707 = arith.constant 0 : i32
        %cond3A_708 = arith.cmpi ne, %convert_element_type3A_706, %cond3A_707 : i32
        scf.if %cond3A_708 {
          %sub3A = arith.constant 1 : i32
          %sub3A_709 = arith.subi %while3A_623, %sub3A : i32
          %dma_wait3A_710 = arith.constant 0 : i32
          %dma_wait3A_711 = tpu.memref_slice %arg5[%sub3A_709, %dma_wait3A_710] : memref<79x128xi32, #tpu.memory_space<vmem>> -> memref<1x128xi32, #tpu.memory_space<vmem>>
          %dma_wait3A_712 = tpu.memref_squeeze %dma_wait3A_711 : memref<1x128xi32, #tpu.memory_space<vmem>> -> memref<128xi32, #tpu.memory_space<vmem>>
          %dma_wait3A_713 = arith.constant 0 : i32
          %dma_wait3A_714 = arith.constant 0 : i32
          %dma_wait3A_715 = tpu.memref_slice %arg4[%dma_wait3A_713, %dma_wait3A_714] : memref<320000x128xf32, #tpu.memory_space<hbm>> -> memref<320000x128xf32, #tpu.memory_space<hbm>>
          tpu.wait_indirect_dma semaphore(%arg14 : memref<!tpu.dma_semaphore, #tpu.memory_space<semaphore_mem>>) src(%arg7 : memref<128x128xf32, #tpu.memory_space<vmem>>) dst(%dma_wait3A_715 : memref<320000x128xf32, #tpu.memory_space<hbm>>)
          %add3A_716 = arith.constant 1 : i32
          %add3A_717 = arith.addi %while3A_623, %add3A_716 : i32
          %dma_start3A_718 = arith.constant 0 : i32
          %dma_start3A_719 = tpu.memref_slice %arg5[%add3A_717, %dma_start3A_718] : memref<79x128xi32, #tpu.memory_space<vmem>> -> memref<1x128xi32, #tpu.memory_space<vmem>>
          %dma_start3A_720 = tpu.memref_squeeze %dma_start3A_719 : memref<1x128xi32, #tpu.memory_space<vmem>> -> memref<128xi32, #tpu.memory_space<vmem>>
          %dma_start3A_721 = arith.constant 0 : i32
          %dma_start3A_722 = arith.constant 0 : i32
          %dma_start3A_723 = tpu.memref_slice %arg3[%dma_start3A_721, %dma_start3A_722] : memref<320000x128xf32, #tpu.memory_space<hbm>> -> memref<320000x128xf32, #tpu.memory_space<hbm>>
          tpu.enqueue_indirect_dma source(%dma_start3A_723 : memref<320000x128xf32, #tpu.memory_space<hbm>>) target(%arg7 : memref<128x128xf32, #tpu.memory_space<vmem>>) offsets(%dma_start3A_720 : memref<128xi32, #tpu.memory_space<vmem>>) semaphore(%arg12 : memref<!tpu.dma_semaphore, #tpu.memory_space<semaphore_mem>>)
        } else {
        }
      } else {
      }
      %jit3A = arith.constant 2 : i32
      %eq3A = arith.constant 0 : i32
      %eq3A_630 = arith.cmpi eq, %jit3A, %eq3A : i32
      %jit3A_631 = arith.constant 1 : i32
      %select_n3A = arith.select %eq3A_630, %jit3A_631, %jit3A : i32
      %rem3A = arith.remsi %while3A_623, %select_n3A : i32
      %ne3A = arith.constant 0 : i32
      %ne3A_632 = arith.cmpi ne, %rem3A, %ne3A : i32
      %lt3A_633 = arith.constant 0 : i32
      %lt3A_634 = arith.cmpi slt, %rem3A, %lt3A_633 : i32
      %lt3A_635 = arith.constant 0 : i32
      %lt3A_636 = arith.cmpi slt, %select_n3A, %lt3A_635 : i32
      %ne3A_637 = arith.xori %lt3A_634, %lt3A_636 : i1
      %and3A_638 = arith.andi %ne3A_637, %ne3A_632 : i1
      %add3A_639 = arith.addi %rem3A, %select_n3A : i32
      %select_n3A_640 = arith.select %and3A_638, %add3A_639, %rem3A : i32
      %eq3A_641 = arith.constant 0 : i32
      %eq3A_642 = arith.cmpi eq, %select_n3A_640, %eq3A_641 : i32
      %convert_element_type3A_643 = arith.extui %eq3A_642 : i1 to i32
      %cond3A_644 = arith.constant 0 : i32
      %cond3A_645 = arith.cmpi ne, %convert_element_type3A_643, %cond3A_644 : i32
      scf.if %cond3A_645 {
        %dma_wait3A_667 = arith.constant 0 : i32
        %dma_wait3A_668 = tpu.memref_slice %arg5[%while3A_623, %dma_wait3A_667] : memref<79x128xi32, #tpu.memory_space<vmem>> -> memref<1x128xi32, #tpu.memory_space<vmem>>
        %dma_wait3A_669 = tpu.memref_squeeze %dma_wait3A_668 : memref<1x128xi32, #tpu.memory_space<vmem>> -> memref<128xi32, #tpu.memory_space<vmem>>
        %dma_wait3A_670 = arith.constant 0 : i32
        %dma_wait3A_671 = arith.constant 0 : i32
        %dma_wait3A_672 = tpu.memref_slice %arg3[%dma_wait3A_670, %dma_wait3A_671] : memref<320000x128xf32, #tpu.memory_space<hbm>> -> memref<320000x128xf32, #tpu.memory_space<hbm>>
        tpu.wait_indirect_dma semaphore(%arg12 : memref<!tpu.dma_semaphore, #tpu.memory_space<semaphore_mem>>) src(%dma_wait3A_672 : memref<320000x128xf32, #tpu.memory_space<hbm>>) dst(%arg7 : memref<128x128xf32, #tpu.memory_space<vmem>>)
        %dma_start3A_673 = arith.constant 0 : i32
        %dma_start3A_674 = tpu.memref_slice %arg5[%while3A_623, %dma_start3A_673] : memref<79x128xi32, #tpu.memory_space<vmem>> -> memref<1x128xi32, #tpu.memory_space<vmem>>
        %dma_start3A_675 = tpu.memref_squeeze %dma_start3A_674 : memref<1x128xi32, #tpu.memory_space<vmem>> -> memref<128xi32, #tpu.memory_space<vmem>>
        %dma_start3A_676 = arith.constant 0 : i32
        %dma_start3A_677 = arith.constant 0 : i32
        %dma_start3A_678 = tpu.memref_slice %arg4[%dma_start3A_676, %dma_start3A_677] : memref<320000x128xf32, #tpu.memory_space<hbm>> -> memref<320000x128xf32, #tpu.memory_space<hbm>>
        tpu.enqueue_indirect_dma source(%arg7 : memref<128x128xf32, #tpu.memory_space<vmem>>) target(%dma_start3A_678 : memref<320000x128xf32, #tpu.memory_space<hbm>>) offsets(%dma_start3A_675 : memref<128xi32, #tpu.memory_space<vmem>>) semaphore(%arg14 : memref<!tpu.dma_semaphore, #tpu.memory_space<semaphore_mem>>)
      } else {
      }
      %jit3A_646 = arith.constant 2 : i32
      %eq3A_647 = arith.constant 0 : i32
      %eq3A_648 = arith.cmpi eq, %jit3A_646, %eq3A_647 : i32
      %jit3A_649 = arith.constant 1 : i32
      %select_n3A_650 = arith.select %eq3A_648, %jit3A_649, %jit3A_646 : i32
      %rem3A_651 = arith.remsi %while3A_623, %select_n3A_650 : i32
      %ne3A_652 = arith.constant 0 : i32
      %ne3A_653 = arith.cmpi ne, %rem3A_651, %ne3A_652 : i32
      %lt3A_654 = arith.constant 0 : i32
      %lt3A_655 = arith.cmpi slt, %rem3A_651, %lt3A_654 : i32
      %lt3A_656 = arith.constant 0 : i32
      %lt3A_657 = arith.cmpi slt, %select_n3A_650, %lt3A_656 : i32
      %ne3A_658 = arith.xori %lt3A_655, %lt3A_657 : i1
      %and3A_659 = arith.andi %ne3A_658, %ne3A_653 : i1
      %add3A_660 = arith.addi %rem3A_651, %select_n3A_650 : i32
      %select_n3A_661 = arith.select %and3A_659, %add3A_660, %rem3A_651 : i32
      %eq3A_662 = arith.constant 1 : i32
      %eq3A_663 = arith.cmpi eq, %select_n3A_661, %eq3A_662 : i32
      %convert_element_type3A_664 = arith.extui %eq3A_663 : i1 to i32
      %cond3A_665 = arith.constant 0 : i32
      %cond3A_666 = arith.cmpi ne, %convert_element_type3A_664, %cond3A_665 : i32
      scf.if %cond3A_666 {
        %dma_wait3A_667 = arith.constant 0 : i32
        %dma_wait3A_668 = tpu.memref_slice %arg5[%while3A_623, %dma_wait3A_667] : memref<79x128xi32, #tpu.memory_space<vmem>> -> memref<1x128xi32, #tpu.memory_space<vmem>>
        %dma_wait3A_669 = tpu.memref_squeeze %dma_wait3A_668 : memref<1x128xi32, #tpu.memory_space<vmem>> -> memref<128xi32, #tpu.memory_space<vmem>>
        %dma_wait3A_670 = arith.constant 0 : i32
        %dma_wait3A_671 = arith.constant 0 : i32
        %dma_wait3A_672 = tpu.memref_slice %arg3[%dma_wait3A_670, %dma_wait3A_671] : memref<320000x128xf32, #tpu.memory_space<hbm>> -> memref<320000x128xf32, #tpu.memory_space<hbm>>
        tpu.wait_indirect_dma semaphore(%arg13 : memref<!tpu.dma_semaphore, #tpu.memory_space<semaphore_mem>>) src(%dma_wait3A_672 : memref<320000x128xf32, #tpu.memory_space<hbm>>) dst(%arg8 : memref<128x128xf32, #tpu.memory_space<vmem>>)
        %dma_start3A_673 = arith.constant 0 : i32
        %dma_start3A_674 = tpu.memref_slice %arg5[%while3A_623, %dma_start3A_673] : memref<79x128xi32, #tpu.memory_space<vmem>> -> memref<1x128xi32, #tpu.memory_space<vmem>>
        %dma_start3A_675 = tpu.memref_squeeze %dma_start3A_674 : memref<1x128xi32, #tpu.memory_space<vmem>> -> memref<128xi32, #tpu.memory_space<vmem>>
        %dma_start3A_676 = arith.constant 0 : i32
        %dma_start3A_677 = arith.constant 0 : i32
        %dma_start3A_678 = tpu.memref_slice %arg4[%dma_start3A_676, %dma_start3A_677] : memref<320000x128xf32, #tpu.memory_space<hbm>> -> memref<320000x128xf32, #tpu.memory_space<hbm>>
        tpu.enqueue_indirect_dma source(%arg8 : memref<128x128xf32, #tpu.memory_space<vmem>>) target(%dma_start3A_678 : memref<320000x128xf32, #tpu.memory_space<hbm>>) offsets(%dma_start3A_675 : memref<128xi32, #tpu.memory_space<vmem>>) semaphore(%arg15 : memref<!tpu.dma_semaphore, #tpu.memory_space<semaphore_mem>>)
      } else {
      }
    }
    %while3A_602 = arith.constant 1 : i32
    scf.for %while3A_623 = %while3A_600 to %while3A_596 step %while3A_602  : i32 {
      %add3A_624 = arith.constant 1 : i32
      %add3A_625 = arith.addi %while3A_623, %add3A_624 : i32
      %lt3A_626 = arith.cmpi slt, %add3A_625, %shift_right_logical3A_382 : i32
      %convert_element_type3A_627 = arith.extui %lt3A_626 : i1 to i32
      %cond3A_628 = arith.constant 0 : i32
      %cond3A_629 = arith.cmpi ne, %convert_element_type3A_627, %cond3A_628 : i32
      scf.if %cond3A_629 {
        %jit3A_667 = arith.constant 2 : i32
        %eq3A_668 = arith.constant 0 : i32
        %eq3A_669 = arith.cmpi eq, %jit3A_667, %eq3A_668 : i32
        %jit3A_670 = arith.constant 1 : i32
        %select_n3A_671 = arith.select %eq3A_669, %jit3A_670, %jit3A_667 : i32
        %rem3A_672 = arith.remsi %while3A_623, %select_n3A_671 : i32
        %ne3A_673 = arith.constant 0 : i32
        %ne3A_674 = arith.cmpi ne, %rem3A_672, %ne3A_673 : i32
        %lt3A_675 = arith.constant 0 : i32
        %lt3A_676 = arith.cmpi slt, %rem3A_672, %lt3A_675 : i32
        %lt3A_677 = arith.constant 0 : i32
        %lt3A_678 = arith.cmpi slt, %select_n3A_671, %lt3A_677 : i32
        %ne3A_679 = arith.xori %lt3A_676, %lt3A_678 : i1
        %and3A_680 = arith.andi %ne3A_679, %ne3A_674 : i1
        %add3A_681 = arith.addi %rem3A_672, %select_n3A_671 : i32
        %select_n3A_682 = arith.select %and3A_680, %add3A_681, %rem3A_672 : i32
        %eq3A_683 = arith.constant 0 : i32
        %eq3A_684 = arith.cmpi eq, %select_n3A_682, %eq3A_683 : i32
        %convert_element_type3A_685 = arith.extui %eq3A_684 : i1 to i32
        %cond3A_686 = arith.constant 0 : i32
        %cond3A_687 = arith.cmpi ne, %convert_element_type3A_685, %cond3A_686 : i32
        scf.if %cond3A_687 {
          %ge3A_709 = arith.constant 1 : i32
          %ge3A_710 = arith.cmpi sge, %while3A_623, %ge3A_709 : i32
          %convert_element_type3A_711 = arith.extui %ge3A_710 : i1 to i32
          %cond3A_712 = arith.constant 0 : i32
          %cond3A_713 = arith.cmpi ne, %convert_element_type3A_711, %cond3A_712 : i32
          scf.if %cond3A_713 {
            %sub3A = arith.constant 1 : i32
            %sub3A_722 = arith.subi %while3A_623, %sub3A : i32
            %dma_wait3A_723 = arith.constant 0 : i32
            %dma_wait3A_724 = tpu.memref_slice %arg5[%sub3A_722, %dma_wait3A_723] : memref<79x128xi32, #tpu.memory_space<vmem>> -> memref<1x128xi32, #tpu.memory_space<vmem>>
            %dma_wait3A_725 = tpu.memref_squeeze %dma_wait3A_724 : memref<1x128xi32, #tpu.memory_space<vmem>> -> memref<128xi32, #tpu.memory_space<vmem>>
            %dma_wait3A_726 = arith.constant 0 : i32
            %dma_wait3A_727 = arith.constant 0 : i32
            %dma_wait3A_728 = tpu.memref_slice %arg4[%dma_wait3A_726, %dma_wait3A_727] : memref<320000x128xf32, #tpu.memory_space<hbm>> -> memref<320000x128xf32, #tpu.memory_space<hbm>>
            tpu.wait_indirect_dma semaphore(%arg15 : memref<!tpu.dma_semaphore, #tpu.memory_space<semaphore_mem>>) src(%arg8 : memref<128x128xf32, #tpu.memory_space<vmem>>) dst(%dma_wait3A_728 : memref<320000x128xf32, #tpu.memory_space<hbm>>)
          } else {
          }
          %add3A_714 = arith.constant 1 : i32
          %add3A_715 = arith.addi %while3A_623, %add3A_714 : i32
          %dma_start3A_716 = arith.constant 0 : i32
          %dma_start3A_717 = tpu.memref_slice %arg5[%add3A_715, %dma_start3A_716] : memref<79x128xi32, #tpu.memory_space<vmem>> -> memref<1x128xi32, #tpu.memory_space<vmem>>
          %dma_start3A_718 = tpu.memref_squeeze %dma_start3A_717 : memref<1x128xi32, #tpu.memory_space<vmem>> -> memref<128xi32, #tpu.memory_space<vmem>>
          %dma_start3A_719 = arith.constant 0 : i32
          %dma_start3A_720 = arith.constant 0 : i32
          %dma_start3A_721 = tpu.memref_slice %arg3[%dma_start3A_719, %dma_start3A_720] : memref<320000x128xf32, #tpu.memory_space<hbm>> -> memref<320000x128xf32, #tpu.memory_space<hbm>>
          tpu.enqueue_indirect_dma source(%dma_start3A_721 : memref<320000x128xf32, #tpu.memory_space<hbm>>) target(%arg8 : memref<128x128xf32, #tpu.memory_space<vmem>>) offsets(%dma_start3A_718 : memref<128xi32, #tpu.memory_space<vmem>>) semaphore(%arg13 : memref<!tpu.dma_semaphore, #tpu.memory_space<semaphore_mem>>)
        } else {
        }
        %jit3A_688 = arith.constant 2 : i32
        %eq3A_689 = arith.constant 0 : i32
        %eq3A_690 = arith.cmpi eq, %jit3A_688, %eq3A_689 : i32
        %jit3A_691 = arith.constant 1 : i32
        %select_n3A_692 = arith.select %eq3A_690, %jit3A_691, %jit3A_688 : i32
        %rem3A_693 = arith.remsi %while3A_623, %select_n3A_692 : i32
        %ne3A_694 = arith.constant 0 : i32
        %ne3A_695 = arith.cmpi ne, %rem3A_693, %ne3A_694 : i32
        %lt3A_696 = arith.constant 0 : i32
        %lt3A_697 = arith.cmpi slt, %rem3A_693, %lt3A_696 : i32
        %lt3A_698 = arith.constant 0 : i32
        %lt3A_699 = arith.cmpi slt, %select_n3A_692, %lt3A_698 : i32
        %ne3A_700 = arith.xori %lt3A_697, %lt3A_699 : i1
        %and3A_701 = arith.andi %ne3A_700, %ne3A_695 : i1
        %add3A_702 = arith.addi %rem3A_693, %select_n3A_692 : i32
        %select_n3A_703 = arith.select %and3A_701, %add3A_702, %rem3A_693 : i32
        %eq3A_704 = arith.constant 1 : i32
        %eq3A_705 = arith.cmpi eq, %select_n3A_703, %eq3A_704 : i32
        %convert_element_type3A_706 = arith.extui %eq3A_705 : i1 to i32
        %cond3A_707 = arith.constant 0 : i32
        %cond3A_708 = arith.cmpi ne, %convert_element_type3A_706, %cond3A_707 : i32
        scf.if %cond3A_708 {
          %sub3A = arith.constant 1 : i32
          %sub3A_709 = arith.subi %while3A_623, %sub3A : i32
          %dma_wait3A_710 = arith.constant 0 : i32
          %dma_wait3A_711 = tpu.memref_slice %arg5[%sub3A_709, %dma_wait3A_710] : memref<79x128xi32, #tpu.memory_space<vmem>> -> memref<1x128xi32, #tpu.memory_space<vmem>>
          %dma_wait3A_712 = tpu.memref_squeeze %dma_wait3A_711 : memref<1x128xi32, #tpu.memory_space<vmem>> -> memref<128xi32, #tpu.memory_space<vmem>>
          %dma_wait3A_713 = arith.constant 0 : i32
          %dma_wait3A_714 = arith.constant 0 : i32
          %dma_wait3A_715 = tpu.memref_slice %arg4[%dma_wait3A_713, %dma_wait3A_714] : memref<320000x128xf32, #tpu.memory_space<hbm>> -> memref<320000x128xf32, #tpu.memory_space<hbm>>
          tpu.wait_indirect_dma semaphore(%arg14 : memref<!tpu.dma_semaphore, #tpu.memory_space<semaphore_mem>>) src(%arg7 : memref<128x128xf32, #tpu.memory_space<vmem>>) dst(%dma_wait3A_715 : memref<320000x128xf32, #tpu.memory_space<hbm>>)
          %add3A_716 = arith.constant 1 : i32
          %add3A_717 = arith.addi %while3A_623, %add3A_716 : i32
          %dma_start3A_718 = arith.constant 0 : i32
          %dma_start3A_719 = tpu.memref_slice %arg5[%add3A_717, %dma_start3A_718] : memref<79x128xi32, #tpu.memory_space<vmem>> -> memref<1x128xi32, #tpu.memory_space<vmem>>
          %dma_start3A_720 = tpu.memref_squeeze %dma_start3A_719 : memref<1x128xi32, #tpu.memory_space<vmem>> -> memref<128xi32, #tpu.memory_space<vmem>>
          %dma_start3A_721 = arith.constant 0 : i32
          %dma_start3A_722 = arith.constant 0 : i32
          %dma_start3A_723 = tpu.memref_slice %arg3[%dma_start3A_721, %dma_start3A_722] : memref<320000x128xf32, #tpu.memory_space<hbm>> -> memref<320000x128xf32, #tpu.memory_space<hbm>>
          tpu.enqueue_indirect_dma source(%dma_start3A_723 : memref<320000x128xf32, #tpu.memory_space<hbm>>) target(%arg7 : memref<128x128xf32, #tpu.memory_space<vmem>>) offsets(%dma_start3A_720 : memref<128xi32, #tpu.memory_space<vmem>>) semaphore(%arg12 : memref<!tpu.dma_semaphore, #tpu.memory_space<semaphore_mem>>)
        } else {
        }
      } else {
      }
      %jit3A = arith.constant 2 : i32
      %eq3A = arith.constant 0 : i32
      %eq3A_630 = arith.cmpi eq, %jit3A, %eq3A : i32
      %jit3A_631 = arith.constant 1 : i32
      %select_n3A = arith.select %eq3A_630, %jit3A_631, %jit3A : i32
      %rem3A = arith.remsi %while3A_623, %select_n3A : i32
      %ne3A = arith.constant 0 : i32
      %ne3A_632 = arith.cmpi ne, %rem3A, %ne3A : i32
      %lt3A_633 = arith.constant 0 : i32
      %lt3A_634 = arith.cmpi slt, %rem3A, %lt3A_633 : i32
      %lt3A_635 = arith.constant 0 : i32
      %lt3A_636 = arith.cmpi slt, %select_n3A, %lt3A_635 : i32
      %ne3A_637 = arith.xori %lt3A_634, %lt3A_636 : i1
      %and3A_638 = arith.andi %ne3A_637, %ne3A_632 : i1
      %add3A_639 = arith.addi %rem3A, %select_n3A : i32
      %select_n3A_640 = arith.select %and3A_638, %add3A_639, %rem3A : i32
      %eq3A_641 = arith.constant 0 : i32
      %eq3A_642 = arith.cmpi eq, %select_n3A_640, %eq3A_641 : i32
      %convert_element_type3A_643 = arith.extui %eq3A_642 : i1 to i32
      %cond3A_644 = arith.constant 0 : i32
      %cond3A_645 = arith.cmpi ne, %convert_element_type3A_643, %cond3A_644 : i32
      scf.if %cond3A_645 {
        %dma_wait3A_667 = arith.constant 0 : i32
        %dma_wait3A_668 = tpu.memref_slice %arg5[%while3A_623, %dma_wait3A_667] : memref<79x128xi32, #tpu.memory_space<vmem>> -> memref<1x128xi32, #tpu.memory_space<vmem>>
        %dma_wait3A_669 = tpu.memref_squeeze %dma_wait3A_668 : memref<1x128xi32, #tpu.memory_space<vmem>> -> memref<128xi32, #tpu.memory_space<vmem>>
        %dma_wait3A_670 = arith.constant 0 : i32
        %dma_wait3A_671 = arith.constant 0 : i32
        %dma_wait3A_672 = tpu.memref_slice %arg3[%dma_wait3A_670, %dma_wait3A_671] : memref<320000x128xf32, #tpu.memory_space<hbm>> -> memref<320000x128xf32, #tpu.memory_space<hbm>>
        tpu.wait_indirect_dma semaphore(%arg12 : memref<!tpu.dma_semaphore, #tpu.memory_space<semaphore_mem>>) src(%dma_wait3A_672 : memref<320000x128xf32, #tpu.memory_space<hbm>>) dst(%arg7 : memref<128x128xf32, #tpu.memory_space<vmem>>)
        %dma_start3A_673 = arith.constant 0 : i32
        %dma_start3A_674 = tpu.memref_slice %arg5[%while3A_623, %dma_start3A_673] : memref<79x128xi32, #tpu.memory_space<vmem>> -> memref<1x128xi32, #tpu.memory_space<vmem>>
        %dma_start3A_675 = tpu.memref_squeeze %dma_start3A_674 : memref<1x128xi32, #tpu.memory_space<vmem>> -> memref<128xi32, #tpu.memory_space<vmem>>
        %dma_start3A_676 = arith.constant 0 : i32
        %dma_start3A_677 = arith.constant 0 : i32
        %dma_start3A_678 = tpu.memref_slice %arg4[%dma_start3A_676, %dma_start3A_677] : memref<320000x128xf32, #tpu.memory_space<hbm>> -> memref<320000x128xf32, #tpu.memory_space<hbm>>
        tpu.enqueue_indirect_dma source(%arg7 : memref<128x128xf32, #tpu.memory_space<vmem>>) target(%dma_start3A_678 : memref<320000x128xf32, #tpu.memory_space<hbm>>) offsets(%dma_start3A_675 : memref<128xi32, #tpu.memory_space<vmem>>) semaphore(%arg14 : memref<!tpu.dma_semaphore, #tpu.memory_space<semaphore_mem>>)
      } else {
      }
      %jit3A_646 = arith.constant 2 : i32
      %eq3A_647 = arith.constant 0 : i32
      %eq3A_648 = arith.cmpi eq, %jit3A_646, %eq3A_647 : i32
      %jit3A_649 = arith.constant 1 : i32
      %select_n3A_650 = arith.select %eq3A_648, %jit3A_649, %jit3A_646 : i32
      %rem3A_651 = arith.remsi %while3A_623, %select_n3A_650 : i32
      %ne3A_652 = arith.constant 0 : i32
      %ne3A_653 = arith.cmpi ne, %rem3A_651, %ne3A_652 : i32
      %lt3A_654 = arith.constant 0 : i32
      %lt3A_655 = arith.cmpi slt, %rem3A_651, %lt3A_654 : i32
      %lt3A_656 = arith.constant 0 : i32
      %lt3A_657 = arith.cmpi slt, %select_n3A_650, %lt3A_656 : i32
      %ne3A_658 = arith.xori %lt3A_655, %lt3A_657 : i1
      %and3A_659 = arith.andi %ne3A_658, %ne3A_653 : i1
      %add3A_660 = arith.addi %rem3A_651, %select_n3A_650 : i32
      %select_n3A_661 = arith.select %and3A_659, %add3A_660, %rem3A_651 : i32
      %eq3A_662 = arith.constant 1 : i32
      %eq3A_663 = arith.cmpi eq, %select_n3A_661, %eq3A_662 : i32
      %convert_element_type3A_664 = arith.extui %eq3A_663 : i1 to i32
      %cond3A_665 = arith.constant 0 : i32
      %cond3A_666 = arith.cmpi ne, %convert_element_type3A_664, %cond3A_665 : i32
      scf.if %cond3A_666 {
        %dma_wait3A_667 = arith.constant 0 : i32
        %dma_wait3A_668 = tpu.memref_slice %arg5[%while3A_623, %dma_wait3A_667] : memref<79x128xi32, #tpu.memory_space<vmem>> -> memref<1x128xi32, #tpu.memory_space<vmem>>
        %dma_wait3A_669 = tpu.memref_squeeze %dma_wait3A_668 : memref<1x128xi32, #tpu.memory_space<vmem>> -> memref<128xi32, #tpu.memory_space<vmem>>
        %dma_wait3A_670 = arith.constant 0 : i32
        %dma_wait3A_671 = arith.constant 0 : i32
        %dma_wait3A_672 = tpu.memref_slice %arg3[%dma_wait3A_670, %dma_wait3A_671] : memref<320000x128xf32, #tpu.memory_space<hbm>> -> memref<320000x128xf32, #tpu.memory_space<hbm>>
        tpu.wait_indirect_dma semaphore(%arg13 : memref<!tpu.dma_semaphore, #tpu.memory_space<semaphore_mem>>) src(%dma_wait3A_672 : memref<320000x128xf32, #tpu.memory_space<hbm>>) dst(%arg8 : memref<128x128xf32, #tpu.memory_space<vmem>>)
        %dma_start3A_673 = arith.constant 0 : i32
        %dma_start3A_674 = tpu.memref_slice %arg5[%while3A_623, %dma_start3A_673] : memref<79x128xi32, #tpu.memory_space<vmem>> -> memref<1x128xi32, #tpu.memory_space<vmem>>
        %dma_start3A_675 = tpu.memref_squeeze %dma_start3A_674 : memref<1x128xi32, #tpu.memory_space<vmem>> -> memref<128xi32, #tpu.memory_space<vmem>>
        %dma_start3A_676 = arith.constant 0 : i32
        %dma_start3A_677 = arith.constant 0 : i32
        %dma_start3A_678 = tpu.memref_slice %arg4[%dma_start3A_676, %dma_start3A_677] : memref<320000x128xf32, #tpu.memory_space<hbm>> -> memref<320000x128xf32, #tpu.memory_space<hbm>>
        tpu.enqueue_indirect_dma source(%arg8 : memref<128x128xf32, #tpu.memory_space<vmem>>) target(%dma_start3A_678 : memref<320000x128xf32, #tpu.memory_space<hbm>>) offsets(%dma_start3A_675 : memref<128xi32, #tpu.memory_space<vmem>>) semaphore(%arg15 : memref<!tpu.dma_semaphore, #tpu.memory_space<semaphore_mem>>)
      } else {
      }
    }
    %ge3A_603 = arith.constant 2 : i32
    %ge3A_604 = arith.cmpi sge, %shift_right_logical3A_382, %ge3A_603 : i32
    %convert_element_type3A_605 = arith.extui %ge3A_604 : i1 to i32
    %cond3A_606 = arith.constant 0 : i32
    %cond3A_607 = arith.cmpi ne, %convert_element_type3A_605, %cond3A_606 : i32
    scf.if %cond3A_607 {
      %jit3A = arith.constant 2 : i32
      %eq3A = arith.constant 0 : i32
      %eq3A_623 = arith.cmpi eq, %jit3A, %eq3A : i32
      %jit3A_624 = arith.constant 1 : i32
      %select_n3A = arith.select %eq3A_623, %jit3A_624, %jit3A : i32
      %rem3A = arith.remsi %shift_right_logical3A_382, %select_n3A : i32
      %ne3A = arith.constant 0 : i32
      %ne3A_625 = arith.cmpi ne, %rem3A, %ne3A : i32
      %lt3A_626 = arith.constant 0 : i32
      %lt3A_627 = arith.cmpi slt, %rem3A, %lt3A_626 : i32
      %lt3A_628 = arith.constant 0 : i32
      %lt3A_629 = arith.cmpi slt, %select_n3A, %lt3A_628 : i32
      %ne3A_630 = arith.xori %lt3A_627, %lt3A_629 : i1
      %and3A_631 = arith.andi %ne3A_630, %ne3A_625 : i1
      %add3A_632 = arith.addi %rem3A, %select_n3A : i32
      %select_n3A_633 = arith.select %and3A_631, %add3A_632, %rem3A : i32
      %eq3A_634 = arith.constant 0 : i32
      %eq3A_635 = arith.cmpi eq, %select_n3A_633, %eq3A_634 : i32
      %convert_element_type3A_636 = arith.extui %eq3A_635 : i1 to i32
      %cond3A_637 = arith.constant 0 : i32
      %cond3A_638 = arith.cmpi ne, %convert_element_type3A_636, %cond3A_637 : i32
      scf.if %cond3A_638 {
        %sub3A = arith.constant 2 : i32
        %sub3A_660 = arith.subi %shift_right_logical3A_382, %sub3A : i32
        %dma_wait3A_661 = arith.constant 0 : i32
        %dma_wait3A_662 = tpu.memref_slice %arg5[%sub3A_660, %dma_wait3A_661] : memref<79x128xi32, #tpu.memory_space<vmem>> -> memref<1x128xi32, #tpu.memory_space<vmem>>
        %dma_wait3A_663 = tpu.memref_squeeze %dma_wait3A_662 : memref<1x128xi32, #tpu.memory_space<vmem>> -> memref<128xi32, #tpu.memory_space<vmem>>
        %dma_wait3A_664 = arith.constant 0 : i32
        %dma_wait3A_665 = arith.constant 0 : i32
        %dma_wait3A_666 = tpu.memref_slice %arg4[%dma_wait3A_664, %dma_wait3A_665] : memref<320000x128xf32, #tpu.memory_space<hbm>> -> memref<320000x128xf32, #tpu.memory_space<hbm>>
        tpu.wait_indirect_dma semaphore(%arg14 : memref<!tpu.dma_semaphore, #tpu.memory_space<semaphore_mem>>) src(%arg7 : memref<128x128xf32, #tpu.memory_space<vmem>>) dst(%dma_wait3A_666 : memref<320000x128xf32, #tpu.memory_space<hbm>>)
      } else {
      }
      %jit3A_639 = arith.constant 2 : i32
      %eq3A_640 = arith.constant 0 : i32
      %eq3A_641 = arith.cmpi eq, %jit3A_639, %eq3A_640 : i32
      %jit3A_642 = arith.constant 1 : i32
      %select_n3A_643 = arith.select %eq3A_641, %jit3A_642, %jit3A_639 : i32
      %rem3A_644 = arith.remsi %shift_right_logical3A_382, %select_n3A_643 : i32
      %ne3A_645 = arith.constant 0 : i32
      %ne3A_646 = arith.cmpi ne, %rem3A_644, %ne3A_645 : i32
      %lt3A_647 = arith.constant 0 : i32
      %lt3A_648 = arith.cmpi slt, %rem3A_644, %lt3A_647 : i32
      %lt3A_649 = arith.constant 0 : i32
      %lt3A_650 = arith.cmpi slt, %select_n3A_643, %lt3A_649 : i32
      %ne3A_651 = arith.xori %lt3A_648, %lt3A_650 : i1
      %and3A_652 = arith.andi %ne3A_651, %ne3A_646 : i1
      %add3A_653 = arith.addi %rem3A_644, %select_n3A_643 : i32
      %select_n3A_654 = arith.select %and3A_652, %add3A_653, %rem3A_644 : i32
      %eq3A_655 = arith.constant 1 : i32
      %eq3A_656 = arith.cmpi eq, %select_n3A_654, %eq3A_655 : i32
      %convert_element_type3A_657 = arith.extui %eq3A_656 : i1 to i32
      %cond3A_658 = arith.constant 0 : i32
      %cond3A_659 = arith.cmpi ne, %convert_element_type3A_657, %cond3A_658 : i32
      scf.if %cond3A_659 {
        %sub3A = arith.constant 2 : i32
        %sub3A_660 = arith.subi %shift_right_logical3A_382, %sub3A : i32
        %dma_wait3A_661 = arith.constant 0 : i32
        %dma_wait3A_662 = tpu.memref_slice %arg5[%sub3A_660, %dma_wait3A_661] : memref<79x128xi32, #tpu.memory_space<vmem>> -> memref<1x128xi32, #tpu.memory_space<vmem>>
        %dma_wait3A_663 = tpu.memref_squeeze %dma_wait3A_662 : memref<1x128xi32, #tpu.memory_space<vmem>> -> memref<128xi32, #tpu.memory_space<vmem>>
        %dma_wait3A_664 = arith.constant 0 : i32
        %dma_wait3A_665 = arith.constant 0 : i32
        %dma_wait3A_666 = tpu.memref_slice %arg4[%dma_wait3A_664, %dma_wait3A_665] : memref<320000x128xf32, #tpu.memory_space<hbm>> -> memref<320000x128xf32, #tpu.memory_space<hbm>>
        tpu.wait_indirect_dma semaphore(%arg15 : memref<!tpu.dma_semaphore, #tpu.memory_space<semaphore_mem>>) src(%arg8 : memref<128x128xf32, #tpu.memory_space<vmem>>) dst(%dma_wait3A_666 : memref<320000x128xf32, #tpu.memory_space<hbm>>)
      } else {
      }
    } else {
    }
    %ge3A_608 = arith.constant 1 : i32
    %ge3A_609 = arith.cmpi sge, %shift_right_logical3A_382, %ge3A_608 : i32
    %convert_element_type3A_610 = arith.extui %ge3A_609 : i1 to i32
    %cond3A_611 = arith.constant 0 : i32
    %cond3A_612 = arith.cmpi ne, %convert_element_type3A_610, %cond3A_611 : i32
    scf.if %cond3A_612 {
      %jit3A = arith.constant 2 : i32
      %eq3A = arith.constant 0 : i32
      %eq3A_623 = arith.cmpi eq, %jit3A, %eq3A : i32
      %jit3A_624 = arith.constant 1 : i32
      %select_n3A = arith.select %eq3A_623, %jit3A_624, %jit3A : i32
      %rem3A = arith.remsi %shift_right_logical3A_382, %select_n3A : i32
      %ne3A = arith.constant 0 : i32
      %ne3A_625 = arith.cmpi ne, %rem3A, %ne3A : i32
      %lt3A_626 = arith.constant 0 : i32
      %lt3A_627 = arith.cmpi slt, %rem3A, %lt3A_626 : i32
      %lt3A_628 = arith.constant 0 : i32
      %lt3A_629 = arith.cmpi slt, %select_n3A, %lt3A_628 : i32
      %ne3A_630 = arith.xori %lt3A_627, %lt3A_629 : i1
      %and3A_631 = arith.andi %ne3A_630, %ne3A_625 : i1
      %add3A_632 = arith.addi %rem3A, %select_n3A : i32
      %select_n3A_633 = arith.select %and3A_631, %add3A_632, %rem3A : i32
      %eq3A_634 = arith.constant 1 : i32
      %eq3A_635 = arith.cmpi eq, %select_n3A_633, %eq3A_634 : i32
      %convert_element_type3A_636 = arith.extui %eq3A_635 : i1 to i32
      %cond3A_637 = arith.constant 0 : i32
      %cond3A_638 = arith.cmpi ne, %convert_element_type3A_636, %cond3A_637 : i32
      scf.if %cond3A_638 {
        %sub3A = arith.constant 1 : i32
        %sub3A_660 = arith.subi %shift_right_logical3A_382, %sub3A : i32
        %dma_wait3A_661 = arith.constant 0 : i32
        %dma_wait3A_662 = tpu.memref_slice %arg5[%sub3A_660, %dma_wait3A_661] : memref<79x128xi32, #tpu.memory_space<vmem>> -> memref<1x128xi32, #tpu.memory_space<vmem>>
        %dma_wait3A_663 = tpu.memref_squeeze %dma_wait3A_662 : memref<1x128xi32, #tpu.memory_space<vmem>> -> memref<128xi32, #tpu.memory_space<vmem>>
        %dma_wait3A_664 = arith.constant 0 : i32
        %dma_wait3A_665 = arith.constant 0 : i32
        %dma_wait3A_666 = tpu.memref_slice %arg4[%dma_wait3A_664, %dma_wait3A_665] : memref<320000x128xf32, #tpu.memory_space<hbm>> -> memref<320000x128xf32, #tpu.memory_space<hbm>>
        tpu.wait_indirect_dma semaphore(%arg14 : memref<!tpu.dma_semaphore, #tpu.memory_space<semaphore_mem>>) src(%arg7 : memref<128x128xf32, #tpu.memory_space<vmem>>) dst(%dma_wait3A_666 : memref<320000x128xf32, #tpu.memory_space<hbm>>)
      } else {
      }
      %jit3A_639 = arith.constant 2 : i32
      %eq3A_640 = arith.constant 0 : i32
      %eq3A_641 = arith.cmpi eq, %jit3A_639, %eq3A_640 : i32
      %jit3A_642 = arith.constant 1 : i32
      %select_n3A_643 = arith.select %eq3A_641, %jit3A_642, %jit3A_639 : i32
      %rem3A_644 = arith.remsi %shift_right_logical3A_382, %select_n3A_643 : i32
      %ne3A_645 = arith.constant 0 : i32
      %ne3A_646 = arith.cmpi ne, %rem3A_644, %ne3A_645 : i32
      %lt3A_647 = arith.constant 0 : i32
      %lt3A_648 = arith.cmpi slt, %rem3A_644, %lt3A_647 : i32
      %lt3A_649 = arith.constant 0 : i32
      %lt3A_650 = arith.cmpi slt, %select_n3A_643, %lt3A_649 : i32
      %ne3A_651 = arith.xori %lt3A_648, %lt3A_650 : i1
      %and3A_652 = arith.andi %ne3A_651, %ne3A_646 : i1
      %add3A_653 = arith.addi %rem3A_644, %select_n3A_643 : i32
      %select_n3A_654 = arith.select %and3A_652, %add3A_653, %rem3A_644 : i32
      %eq3A_655 = arith.constant 0 : i32
      %eq3A_656 = arith.cmpi eq, %select_n3A_654, %eq3A_655 : i32
      %convert_element_type3A_657 = arith.extui %eq3A_656 : i1 to i32
      %cond3A_658 = arith.constant 0 : i32
      %cond3A_659 = arith.cmpi ne, %convert_element_type3A_657, %cond3A_658 : i32
      scf.if %cond3A_659 {
        %sub3A = arith.constant 1 : i32
        %sub3A_660 = arith.subi %shift_right_logical3A_382, %sub3A : i32
        %dma_wait3A_661 = arith.constant 0 : i32
        %dma_wait3A_662 = tpu.memref_slice %arg5[%sub3A_660, %dma_wait3A_661] : memref<79x128xi32, #tpu.memory_space<vmem>> -> memref<1x128xi32, #tpu.memory_space<vmem>>
        %dma_wait3A_663 = tpu.memref_squeeze %dma_wait3A_662 : memref<1x128xi32, #tpu.memory_space<vmem>> -> memref<128xi32, #tpu.memory_space<vmem>>
        %dma_wait3A_664 = arith.constant 0 : i32
        %dma_wait3A_665 = arith.constant 0 : i32
        %dma_wait3A_666 = tpu.memref_slice %arg4[%dma_wait3A_664, %dma_wait3A_665] : memref<320000x128xf32, #tpu.memory_space<hbm>> -> memref<320000x128xf32, #tpu.memory_space<hbm>>
        tpu.wait_indirect_dma semaphore(%arg15 : memref<!tpu.dma_semaphore, #tpu.memory_space<semaphore_mem>>) src(%arg8 : memref<128x128xf32, #tpu.memory_space<vmem>>) dst(%dma_wait3A_666 : memref<320000x128xf32, #tpu.memory_space<hbm>>)
      } else {
      }
    } else {
    }
    %while3A_613 = arith.constant 0 : i32
    %while3A_614 = arith.constant 0 : i32
    %while3A_615 = arith.subi %shift_right_logical3A_386, %while3A_614 : i32
    %while3A_616 = arith.addi %while3A_614, %while3A_615 : i32
    %while3A_617 = arith.constant 1 : i32
    %while3A_618 = arith.divsi %while3A_615, %while3A_617 : i32
    %while3A_619 = arith.muli %while3A_618, %while3A_617 : i32
    %while3A_620 = arith.addi %while3A_614, %while3A_619 : i32
    %while3A_621 = arith.constant 1 : i32
    scf.for %while3A_623 = %while3A_614 to %while3A_620 step %while3A_621  : i32 {
      %dma_wait3A_624 = arith.constant 0 : i32
      %dma_wait3A_625 = arith.constant 0 : i32
      %dma_wait3A_626 = tpu.memref_slice %arg6[%dma_wait3A_624, %dma_wait3A_625] : memref<79x128xi32, #tpu.memory_space<vmem>> -> memref<1x128xi32, #tpu.memory_space<vmem>>
      %dma_wait3A_627 = tpu.memref_squeeze %dma_wait3A_626 : memref<1x128xi32, #tpu.memory_space<vmem>> -> memref<128xi32, #tpu.memory_space<vmem>>
      %dma_wait3A_628 = arith.constant 0 : i32
      %dma_wait3A_629 = arith.constant 0 : i32
      %dma_wait3A_630 = tpu.memref_slice %arg4[%dma_wait3A_628, %dma_wait3A_629] : memref<320000x128xf32, #tpu.memory_space<hbm>> -> memref<320000x128xf32, #tpu.memory_space<hbm>>
      tpu.wait_indirect_dma semaphore(%arg16 : memref<!tpu.dma_semaphore, #tpu.memory_space<semaphore_mem>>) src(%arg9 : memref<128x128xf32, #tpu.memory_space<vmem>>) dst(%dma_wait3A_630 : memref<320000x128xf32, #tpu.memory_space<hbm>>)
    }
    %while3A_622 = arith.constant 1 : i32
    scf.for %while3A_623 = %while3A_620 to %while3A_616 step %while3A_622  : i32 {
      %dma_wait3A_624 = arith.constant 0 : i32
      %dma_wait3A_625 = arith.constant 0 : i32
      %dma_wait3A_626 = tpu.memref_slice %arg6[%dma_wait3A_624, %dma_wait3A_625] : memref<79x128xi32, #tpu.memory_space<vmem>> -> memref<1x128xi32, #tpu.memory_space<vmem>>
      %dma_wait3A_627 = tpu.memref_squeeze %dma_wait3A_626 : memref<1x128xi32, #tpu.memory_space<vmem>> -> memref<128xi32, #tpu.memory_space<vmem>>
      %dma_wait3A_628 = arith.constant 0 : i32
      %dma_wait3A_629 = arith.constant 0 : i32
      %dma_wait3A_630 = tpu.memref_slice %arg4[%dma_wait3A_628, %dma_wait3A_629] : memref<320000x128xf32, #tpu.memory_space<hbm>> -> memref<320000x128xf32, #tpu.memory_space<hbm>>
      tpu.wait_indirect_dma semaphore(%arg16 : memref<!tpu.dma_semaphore, #tpu.memory_space<semaphore_mem>>) src(%arg9 : memref<128x128xf32, #tpu.memory_space<vmem>>) dst(%dma_wait3A_630 : memref<320000x128xf32, #tpu.memory_space<hbm>>)
    }
    return
  }
}

</mosaic_0001>

<sc_bundles>
// kernel: kernel.3.cloned.1.call-start
scs
__scs_entry_jumppad:
0x0: {  	(pc) =	sbr.rel $0x88, $3  }
0x1: {  	(tag) =	ssettag $0x0;
	lr =	simm.s32 $0x1  }
0x2: {  	[smem:$0x3F9F] =	sst lr;
	_ =	strace $0xD0000000  }
0x3: {  	_ = 	snop  }
0x4: {  	_ = 	snop  }
0x5: {  	_ = 	snop  }
0x6: {  	_ = 	snop  }
0x7: {  	_ = 	snop  }
__scs_overlays_trampoline_lowered:
0x8: {  	[smem:$0x3FAE] =	sst s0  }
0x9: {  	[smem:$0x3FAF] =	sst s1  }
0xa: {  	[smem:$0x3FB0] =	sst s2  }
0xb: {  	[smem:$0x3FB1] =	sst s3  }
0xc: {  	[smem:$0x3FB2] =	sst s4  }
0xd: {  	[smem:$0x3FB3] =	sst s5  }
0xe: {  	[smem:$0x3FB4] =	sst s6  }
0xf: {  	[smem:$0x3FB5] =	sst s7  }
0x10: {  	[smem:$0x3FB6] =	sst s8  }
0x11: {  	[smem:$0x3FB7] =	sst s9;
	s0 =	simm.s32 @!p0 $0x0  }
0x12: {  	s1 =	sld [smem:$0x3F9D];
	s0 =	simm.s32 @p0 $0x1  }
0x13: {  	[smem:$0x3FB8] =	sst s0;
	s0 =	simm.s32 @!p1 $0x0  }
0x14: {  	s2 =	sld [smem:$0x3F9C];
	s0 =	simm.s32 @p1 $0x1  }
0x15: {  	[smem:$0x3FB9] =	sst s0;
	s0 =	simm.s32 @!p2 $0x0  }
0x16: {  	s3 =	sld [smem:$0x3FDB];
	s0 =	simm.s32 @p2 $0x1  }
0x17: {  	s4 =	simm.s32 $0x1BF5;
	[smem:$0x3FBB] =	sst s0  }
0x18: {  	s0 =	sld [smem:$0x3F9E];
	_ =	swait.ge [sflag:s4], $0x0  }
0x19: {  	s7 =	sld [smem:$0x3F9F]  }
0x1a: {  	s8 =	sadd.s32 $0xFFFFE003, lr  }
0x1b: {  	s9 =	sadd.s32 $0xFFFFFEF7, lr;
	s5 =	simm.s32 $0xFFFFFFFF;
	p2 =	slt.u32 s8, $0xFFFFF086  }
0x1c: {  	p1 =	slt.u32 s9, $0xF7A;
	s5 =	simm.s32 @!p2 $0x0  }
0x1d: {  	s5 =	simm.s32 @p1 $0x1;
	p0 =	seq.s32 s7, s2  }
0x1e: {  	s7 =	smul.u32 @!p0 $0xF7A, s2;
	p2 =	seq.s32 @!p0 s5, $0x0  }
0x1f: {  	s9 =	smul.u32 $0xF7A, s1;
	s8 =	simm.s32 @!p0 $0x1BF5;
	p2 =	por !p2, p0  }
0x20: {  	[sflag:s8] =	ssyncset.s32 @!p0 $0xFFFFF086;
	s6 =	sadd.s32 @!p0 s3, s7;
	s7 =	simm.s32 @!p0 $0x108  }
0x21: {  	s3 =	sadd.s32 s3, s9;
	s6 =	sadd.s32 @!p0 $0x88, s6;
	s7 =	simm.s32 @p2 $0x1082  }
0x22: {  	[simem:s7], [sflag:s8] =	dma.local @!p0 [hbm:s6], $0xF7A  }
0x23: {  	s9 =	sor.u32 $0xD0000000, s2;
	s6 =	simm.s32 $0x108;
	_ =	swait.ge @!p0 [sflag:s8], $0x0  }
0x24: {  	s3 =	sadd.s32 $0x88, s3;
	s6 =	simm.s32 @!p1 $0x1082;
	[sflag:s4] =	ssyncset.s32 $0xFFFFF086  }
0x25: {  	[simem:s6], [sflag:s4] =	dma.local [hbm:s3], $0xF7A  }
0x26: {  	[smem:$0x3F9F] =	sst s1;
	(tag) =	ssettag s2;
	_ =	strace s9  }
0x27: {  	s1 =	sld [smem:$0x3FAF]  }
0x28: {  	s2 =	sld [smem:$0x3FB0]  }
0x29: {  	s4 =	sld [smem:$0x3FB2]  }
0x2a: {  	p0 =	seq.s32 s5, $0x0;
	s5 =	sld [smem:$0x3FB3]  }
0x2b: {  	s6 =	sld [smem:$0x3FB4]  }
0x2c: {  	s7 =	sld [smem:$0x3FB5]  }
0x2d: {  	s3 =	simm.s32 $0x108;
	s8 =	sld [smem:$0x3FB6]  }
0x2e: {  	s3 =	simm.s32 @!p0 $0x1082;
	s9 =	sld [smem:$0x3FB7]  }
0x2f: {  	lr =	sadd.s32 s0, s3;
	s0 =	sld [smem:$0x3FAE]  }
0x30: {  	s3 =	sld [smem:$0x3FB1]  }
0x31: {  	[smem:$0x3FBA] =	sst s10  }
0x32: {  	s10 =	sld [smem:$0x3FB8];
	_ =	sdelay $0x3  }
0x33: {  	p0 =	seq.s32 s10, $0x1;
	s10 =	sld [smem:$0x3FBA];
	_ =	sdelay $0x3  }
0x34: {  	[smem:$0x3FBA] =	sst s10  }
0x35: {  	s10 =	sld [smem:$0x3FB9];
	_ =	sdelay $0x3  }
0x36: {  	p1 =	seq.s32 s10, $0x1;
	s10 =	sld [smem:$0x3FBA];
	_ =	sdelay $0x3  }
0x37: {  	[smem:$0x3FBA] =	sst s10  }
0x38: {  	s10 =	sld [smem:$0x3FBB]  }
0x39: {  	_ = 	snop;
	(pc) =	sbr.ind lr, $3  }
0x3a: {  	_ = 	snop  }
0x3b: {  	_ = 	snop  }
0x3c: {  	p2 =	seq.s32 s10, $0x1;
	s10 =	sld [smem:$0x3FBA]  }
0x3d: {  	_ =	shalt  }
0x3e: {  	_ =	shalt  }
0x3f: {  	_ =	shalt  }
0x40: {  	_ =	shalt  }
0x41: {  	_ =	shalt  }
0x42: {  	_ =	shalt  }
0x43: {  	_ =	shalt  }
0x44: {  	_ =	shalt  }
0x45: {  	_ =	shalt  }
0x46: {  	_ =	shalt  }
0x47: {  	_ =	shalt  }
0x48: {  	_ =	shalt  }
0x49: {  	_ =	shalt  }
0x4a: {  	_ =	shalt  }
0x4b: {  	_ =	shalt  }
0x4c: {  	_ =	shalt  }
0x4d: {  	_ =	shalt  }
0x4e: {  	_ =	shalt  }
0x4f: {  	_ =	shalt  }
0x50: {  	_ =	shalt  }
0x51: {  	_ =	shalt  }
0x52: {  	_ =	shalt  }
0x53: {  	_ =	shalt  }
0x54: {  	_ =	shalt  }
0x55: {  	_ =	shalt  }
0x56: {  	_ =	shalt  }
0x57: {  	_ =	shalt  }
0x58: {  	_ =	shalt  }
0x59: {  	_ =	shalt  }
0x5a: {  	_ =	shalt  }
0x5b: {  	_ =	shalt  }
0x5c: {  	_ =	shalt  }
0x5d: {  	_ =	shalt  }
0x5e: {  	_ =	shalt  }
0x5f: {  	_ =	shalt  }
0x60: {  	_ =	shalt  }
0x61: {  	_ =	shalt  }
0x62: {  	_ =	shalt  }
0x63: {  	_ =	shalt  }
0x64: {  	_ =	shalt  }
0x65: {  	_ =	shalt  }
0x66: {  	_ =	shalt  }
0x67: {  	_ =	shalt  }
0x68: {  	_ =	shalt  }
0x69: {  	_ =	shalt  }
0x6a: {  	_ =	shalt  }
0x6b: {  	_ =	shalt  }
0x6c: {  	_ =	shalt  }
0x6d: {  	_ =	shalt  }
0x6e: {  	_ =	shalt  }
0x6f: {  	_ =	shalt  }
0x70: {  	_ =	shalt  }
0x71: {  	_ =	shalt  }
0x72: {  	_ =	shalt  }
0x73: {  	_ =	shalt  }
0x74: {  	_ =	shalt  }
0x75: {  	_ =	shalt  }
0x76: {  	_ =	shalt  }
0x77: {  	_ =	shalt  }
0x78: {  	_ =	shalt  }
0x79: {  	_ =	shalt  }
0x7a: {  	_ =	shalt  }
0x7b: {  	_ =	shalt  }
0x7c: {  	_ =	shalt  }
0x7d: {  	_ =	shalt  }
0x7e: {  	_ =	shalt  }
0x7f: {  	_ =	shalt  }
0x80: {  	_ =	shalt  }
0x81: {  	_ =	shalt  }
0x82: {  	_ =	shalt  }
0x83: {  	_ =	shalt  }
0x84: {  	_ =	shalt  }
0x85: {  	_ =	shalt  }
0x86: {  	_ =	shalt  }
0x87: {  	_ =	shalt  }
.Lfunc_end0:
.L_simem_size_0:
called_computation_lowered:
.L_overlay_start_0:
0x88: {  	s2 =	sld [smem:$0x3FD9]  }
0x89: {  	s3 =	sld [smem:$0x3FFE];
	_ =	sdelay $0x1  }
0x8a: {  	s1 =	srdreg.scid  }
0x8b: {  	s0 =	sand.u32 $0x1, s1  }
0x8c: {  	s17 =	sshll.u32 s0, $0xA;
	s2 =	sadd.s32 s3, s2  }
0x8d: {  	s2 =	sadd.s32 s2, s17  }
0x8e: {  	[smem:$0x3FC6] =	sst s2  }
0x8f: {  	_ = 	snop  }
0x90: {  	s2 =	sld [smem:$0x3FC8]  }
0x91: {  	s18 =	sld [smem:$0x3FD0];
	(tm) =	ssettm $0x1  }
0x92: {  	s4 =	sld [smem:$0x3FFB];
	_ =	sdelay $0x3  }
0x93: {  	_ =	strace s4  }
0x94: {  	s4 =	sld [smem:$0x3FFC];
	_ =	sdelay $0x3  }
0x95: {  	_ =	strace s4  }
0x96: {  	s4 =	sld [smem:$0x3FFD];
	_ =	sdelay $0x3  }
0x97: {  	_ =	strace s4  }
0x98: {  	_ =	strace $0x8FFFFFFF  }
0x99: {  	s19 =	sld [smem:$0x3FDB];
	_ =	sdelay $0x1  }
0x9a: {  	s5 =	simm.s32 $_scs_section_size  }
0x9b: {  	s6 =	simm.s32 $_size__tile_overlayer_lowered;
	s7 =	simm.s32 $_tile_overlayer_lowered  }
0x9c: {  	s22 =	simm.s32 $0x1BFF;
	s21 =	sshll.u32 s7, $0x1;
	s4 =	sadd.s32 s5, s19  }
0x9d: {  	s8 =	simm.s32 $0x0;
	s20 =	sshll.u32 s6, $0x1;
	s6 =	sadd.s32 s21, s4  }
0x9e: {  	[timem:s8], [sflag:s22] =	dma.local [hbm:s6], s20  }
0x9f: {  	_ =	swait.ge [sflag:s22], s20  }
0xa0: {  	s5 =	ssub.s32 $0x0, s20;
	[sflag:s22] =	ssyncset.done $0x0  }
0xa1: {  	[sflag:s22] =	ssyncadd.s32 s5;
	_ =	sdelay $0x1  }
0xa2: {  	s23 =	simm.s32 $0x1B8B  }
0xa3: {  	_ =	swait.ge [sflag:s23], $0x1  }
0xa4: {  	[sflag:s23] =	ssyncset.done $0x0  }
0xa5: {  	s25 =	simm.s32 $0x1B8E;
	s24 =	sld [smem:$0x3FFE];
	[sflag:s23] =	ssyncadd.s32 $0xFFFFFFFF  }
0xa6: {  	s26 =	simm.s32 $execute0_lowered;
	[smem:$0x3FD2] =	sst s25  }
0xa7: {  	s6 =	sshll.u32 s26, $0x1;
	_ =	strace $0x80000046;
	[dreg:$0x1] =	wrdreg $0xFFFFFFFF  }
0xa8: {  	s28 =	simm.s32 $_size_execute0_lowered;
	s4 =	sadd.s32 s4, s6;
	[dreg:$0x0] =	wrdreg $0x0  }
0xa9: {  	s6 =	sshll.u32 s28, $0x1;
	[dreg:$0x2] =	wrdreg s4  }
0xaa: {  	[dreg:$0x3] =	wrdreg s6  }
0xab: {  	[dreg:$0x4] =	wrdreg $0xC0  }
0xac: {  	_ =	task [dreg:s8], $0x5FFFF  }
0xad: {  	[dreg:$0x1] =	wrdreg $0xFFFFFFFF  }
0xae: {  	[dreg:$0x0] =	wrdreg $0x60  }
0xaf: {  	[dreg:$0x2] =	wrdreg s24  }
0xb0: {  	[dreg:$0x3] =	wrdreg s2  }
0xb1: {  	[dreg:$0x4] =	wrdreg s18  }
0xb2: {  	[dreg:$0x5] =	wrdreg $0x9  }
0xb3: {  	_ =	task.clear_ibuf [dreg:s8], $0x6FFFF;
	_ =	strace $0x90000046  }
0xb4: {  	s29 =	simm.s32 $0x9;
	_ =	strace $0x80000048  }
0xb5: {  	_ =	swait.ge [sflag:s29], $0x1  }
0xb6: {  	[sflag:s29] =	ssyncadd.s32 $0xFFFFFFFF  }
0xb7: {  	_ =	strace $0x90000048  }
0xb8: {  	_ =	sfence  }
0xb9: {  	s30 =	sld [smem:$0x0];
	_ =	sdelay $0x2  }
0xba: {  	s31 =	sshll.u32 s1, $0xD;
	s1 =	sshrl.u32 s1, $0x2  }
0xbb: {  	s3 =	sand.u32 $0x4000, s31;
	s1 =	sadd.s32 s1, s30  }
0xbc: {  	s0 =	sor.u32 s3, s0;
	s1 =	sshll.u32 s1, $0x11  }
0xbd: {  	s0 =	sor.u32 s1, s0  }
0xbe: {  	s0 =	sadd.s32 $0x8F2B, s0  }
0xbf: {  	[sflag:s0] =	ssyncadd.remote.s32 $0x1  }
0xc0: {  	_ =	sfence.sel $0xFFFF  }
0xc1: {  	[dreg:$0x0] =	wrdreg $0xFFFFFFFF;
	(pc) =	sbr.abs _section_cstart, $3  }
0xc2: {  	[dreg:$0x1] =	wrdreg $0xFFFFFFFF  }
0xc3: {  	_ =	task.clear_ibuf [dreg:s8], $0x2FFFF;
	_ =	strace $0x9FFFFFFF  }
0xc4: {  	(tm) =	ssettm $0x7FFFFFFF  }
0xc5: {  	_ =	shalt  }
tec
execute0_lowered:
.L_overlay_start_1:
0x0: {  	(tag) =	ssettag $0x1  }
0x1: {  	s0 =	srdreg.scid;
	s2 =	stileid.u32  }
0x2: {  	s0 =	sand.u32 $0x1, s0;
	s2 =	sshll.u32 s2, $0x1  }
0x3: {  	s2 =	sor.u32 s0, s2;
	s0 =	ssub.s32 $0x2, s0  }
0x4: {  	s1 =	rddreg [dreg:$0x0];
	s3 =	smul.u32 $0x9C40, s2;
	s5 =	sshrl.u32 s0, $0x1  }
0x5: {  	s4 =	simm.s32 $0x0;
	s2 =	smul.u32 $0x2710, s2;
	s0 =	ssub.s32 s0, s5  }
0x6: {  	[smem:$0x7FF] =	sst s4;
	s0 =	smax.u32 s0, $0x1  }
0x7: {  	_ =	strace $0x80000047;
	s29 =	sadd.s32 $0x2580, s2;
	[dreg:$0x1f] =	wrdreg s0  }
0x8: {  	s3 =	sshrl.u32 s3, $0x3;
	s28 =	sadd.s32 $0x23F0, s2;
	[smem:$0x7FC] =	sst s29  }
0x9: {  	s1 =	sadd.s32 s3, s1;
	s0 =	smov.u32 s2;
	[smem:$0x7FD] =	sst s28  }
0xa: {  	s3 =	sadd.s32 $0x400, s1;
	[dreg:$0x5] =	wrdreg s0  }
0xb: {  	s26 =	sadd.s32 $0x4C8, s1;
	[dreg:$0x6] =	wrdreg s3  }
0xc: {  	s5 =	sadd.s32 $0x590, s1;
	[dreg:$0x7] =	wrdreg s26  }
0xd: {  	s6 =	sadd.s32 $0x658, s1;
	[dreg:$0x8] =	wrdreg s5  }
0xe: {  	s7 =	sadd.s32 $0x720, s1;
	[dreg:$0x9] =	wrdreg s6  }
0xf: {  	s8 =	sadd.s32 $0x7E8, s1;
	[dreg:$0xa] =	wrdreg s7  }
0x10: {  	s9 =	sadd.s32 $0x8B0, s1;
	[dreg:$0xb] =	wrdreg s8  }
0x11: {  	s10 =	sadd.s32 $0x978, s1;
	[dreg:$0xc] =	wrdreg s9  }
0x12: {  	s11 =	sadd.s32 $0xA40, s1;
	[dreg:$0xd] =	wrdreg s10  }
0x13: {  	s12 =	sadd.s32 $0xB08, s1;
	[dreg:$0xe] =	wrdreg s11  }
0x14: {  	s13 =	sadd.s32 $0xBD0, s1;
	[dreg:$0xf] =	wrdreg s12  }
0x15: {  	s14 =	sadd.s32 $0xC98, s1;
	[dreg:$0x10] =	wrdreg s13  }
0x16: {  	s15 =	sadd.s32 $0xD60, s1;
	[dreg:$0x11] =	wrdreg s14  }
0x17: {  	s16 =	sadd.s32 $0xE28, s1;
	[dreg:$0x12] =	wrdreg s15  }
0x18: {  	s17 =	sadd.s32 $0xEF0, s1;
	[dreg:$0x13] =	wrdreg s16  }
0x19: {  	s18 =	sadd.s32 $0xFB8, s1;
	[dreg:$0x14] =	wrdreg s17  }
0x1a: {  	s19 =	sadd.s32 $0x1080, s1;
	[dreg:$0x15] =	wrdreg s18  }
0x1b: {  	s20 =	sadd.s32 $0x1148, s1;
	[dreg:$0x16] =	wrdreg s19  }
0x1c: {  	s21 =	sadd.s32 $0x1210, s1;
	[dreg:$0x17] =	wrdreg s20  }
0x1d: {  	s22 =	sadd.s32 $0x12D8, s1;
	[dreg:$0x18] =	wrdreg s21  }
0x1e: {  	s23 =	sadd.s32 $0x13A0, s1;
	[dreg:$0x19] =	wrdreg s22  }
0x1f: {  	s24 =	sadd.s32 $0x1468, s1;
	[dreg:$0x1a] =	wrdreg s23  }
0x20: {  	s25 =	sadd.s32 $0x1530, s1;
	[dreg:$0x1b] =	wrdreg s24  }
0x21: {  	s30 =	simm.s32 $0x11000;
	s31 =	simm.s32 $0x11680;
	[dreg:$0x1c] =	wrdreg s25  }
0x22: {  	s26 =	sadd.s32 $0x15F8, s1;
	s1 =	sadd.s32 $0x16C0, s1;
	s5 =	sadd.s32 $0x190, s2  }
0x23: {  	s6 =	sadd.s32 $0x320, s2;
	s7 =	sadd.s32 $0x4B0, s2;
	s9 =	sadd.s32 $0x7D0, s2  }
0x24: {  	s10 =	sadd.s32 $0x960, s2;
	s11 =	sadd.s32 $0xAF0, s2;
	s12 =	sadd.s32 $0xC80, s2  }
0x25: {  	s13 =	sadd.s32 $0xE10, s2;
	s14 =	sadd.s32 $0xFA0, s2;
	s15 =	sadd.s32 $0x1130, s2  }
0x26: {  	s16 =	sadd.s32 $0x12C0, s2;
	s17 =	sadd.s32 $0x1450, s2;
	s18 =	sadd.s32 $0x15E0, s2  }
0x27: {  	s19 =	sadd.s32 $0x1770, s2;
	s20 =	sadd.s32 $0x1900, s2;
	[dreg:$0x1d] =	wrdreg s26  }
.Ltmp0:
0x28: {  	s21 =	sadd.s32 $0x1A90, s2;
	[dreg:$0x1e] =	wrdreg s1;
	(pc) =	sbr.rel .LBB2_1-.Ltmp0, $4  }
0x29: {  	v0 =	vlaneseq.u32;
	s22 =	sadd.s32 $0x1C20, s2;
	s23 =	sadd.s32 $0x1DB0, s2;
	[smem:$0x7F9] =	sst s5  }
0x2a: {  	v1 =	vmul.u32 $0x4, v0;
	s24 =	sadd.s32 $0x1F40, s2;
	s25 =	sadd.s32 $0x20D0, s2;
	[smem:$0x7FA] =	sst s6  }
0x2b: {  	v2 =	vimm.f32 $0.0e+00;
	v6 =	vimm.s32 $0x0;
	s8 =	simm.s32 $0x0;
	s26 =	sadd.s32 $0x640, s2;
	[smem:$0x7FB] =	sst s7  }
0x2c: {  	v3 =	vor.u32 $0x1, v1;
	v4 =	vor.u32 $0x2, v1;
	v5 =	vor.u32 $0x3, v1;
	[dreg:$0x4] =	wrdreg s26;
	s26 =	sadd.s32 $0x2260, s2;
	s2 =	simm.s32 $0x2800  }
.LBB2_74:
0x2d: {  	[sflag:s6] =	ssyncadd.s32 $0xFFFFC000;
	s8 =	sld [smem:$0x7F8]  }
.LBB2_75:
0x2e: {  	_ =	sdelay $0x1  }
0x2f: {  	s1 =	rddreg [dreg:$0x1f];
	s8 =	sadd.s32 $0x1, s8  }
0x30: {  	p0 =	sne.s32 s8, s1  }
.Ltmp1:
0x31: {  	_ = 	snop;
	(pc) =	sbr.rel @!p0 .LBB2_76-.Ltmp1, $1  }
0x32: {  	_ =	sdelay $0x3  }
.LBB2_1:
0x33: {  	[smem:$0x7F8] =	sst s8;
	s1 =	simm.s32 $0x0;
	s3 =	simm.s32 $0x200  }
.LBB2_2:
0x34: {  	p0 =	sne.s32 s3, $0xFE00;
	[tilespmem:s1+$0xD070] =	vst v2  }
0x35: {  	[tilespmem:s1+$0xD000] =	vst v2  }
0x36: {  	[tilespmem:s1+$0xD010] =	vst v2  }
.Ltmp2:
0x37: {  	[tilespmem:s1+$0xD020] =	vst v2;
	(pc) =	sbr.rel @p0 .LBB2_2-.Ltmp2, $4  }
0x38: {  	[tilespmem:s1+$0xD030] =	vst v2  }
0x39: {  	[tilespmem:s1+$0xD040] =	vst v2  }
0x3a: {  	[tilespmem:s1+$0xD050] =	vst v2  }
0x3b: {  	[tilespmem:s1+$0xD060] =	vst v2;
	s1 =	sshra.s32 s3, $0x2;
	s3 =	sadd.s32 $0x200, s3  }
0x3c: {  	[tilespmem:s1+$0xD070] =	vst v2  }
0x3d: {  	[tilespmem:s1+$0xD000] =	vst v2  }
0x3e: {  	[tilespmem:s1+$0xD010] =	vst v2  }
0x3f: {  	[tilespmem:s1+$0xD020] =	vst v2  }
0x40: {  	[tilespmem:s1+$0xD030] =	vst v2  }
0x41: {  	[tilespmem:s1+$0xD040] =	vst v2  }
0x42: {  	[tilespmem:s1+$0xD050] =	vst v2  }
0x43: {  	[tilespmem:s1+$0xD060] =	vst v2;
	s3 =	simm.s32 $0x0;
	s6 =	rddreg [dreg:$0x6]  }
0x44: {  	[tilespmem:s30], [sflag:$0x6] =	stream.linear.gather [hbm4b:s6+s3], $0x640, $0x38;
	[tilespmem:$0x11D00] =	vst v63  }
0x45: {  	s7 =	rddreg [dreg:$0x7];
	s8 =	simm.s32 $0x6;
	v7 =	vor.u32 s3, v3  }
0x46: {  	v8 =	vor.u32 s3, v1;
	[tilespmem:s31], [sflag:$0x7] =	stream.linear.gather [hbm4b:s7+s3], $0x640, $0x38;
	[tilespmem:$0x11D00] =	vst v63  }
0x47: {  	_ =	swait.ge [sflag:s8], $0x640  }
0x48: {  	v9 =	vor.u32 s3, v4;
	[sflag:s8] =	ssyncset.done $0x0  }
0x49: {  	[sflag:s8] =	ssyncadd.s32 $0xFFFFF9C0  }
0x4a: {  	v10 =	vor.u32 s3, v5;
	v7 =	vld.idx.msk [tilespmem:v7+s30+$0x0], $0xffff  }
0x4b: {  	v8 =	vld.idx.msk [tilespmem:v8+s30+$0x0], $0xffff;
	_ =	sdelay $0x1  }
0x4c: {  	v9 =	vld.idx.msk [tilespmem:v9+s30+$0x0], $0xffff;
	_ =	sdelay $0x1  }
0x4d: {  	v10 =	vld.idx.msk [tilespmem:v10+s30+$0x0], $0xffff  }
0x4e: {  	v8 =	vmul.f32 v8, v8;
	v7 =	vmul.f32 v7, v7;
	_ =	sdelay $0x1  }
0x4f: {  	v7 =	vadd.f32 v7, v8;
	v8 =	vmul.f32 v9, v9;
	_ =	sdelay $0x1  }
0x50: {  	v7 =	vadd.f32 v8, v7;
	v8 =	vmul.f32 v10, v10;
	_ =	sdelay $0x1  }
0x51: {  	v7 =	vadd.f32 v8, v7;
	_ =	sdelay $0x1  }
0x52: {  	vm0 =	vge.f32 v7, $4.000000000e+00  }
0x53: {  	vm1 =	vmneg vm0;
	v7 =	vsel vm0, $0x1, v6  }
0x54: {  	v8 =	vsel vm1, $0x1, v6;
	(xrf0) =	vadd.scan.msk.s32 $0xffff, v7  }
0x55: {  	(xrf0) =	vadd.scan.msk.s32 $0xffff, v8;
	_ =	sdelay $0x3  }
0x56: {  	v7 =	vmpcnt.ones.xlane vm0  }
0x57: {  	v9 =	vimm.s32 $0x0;
	v8 =	vmpcnt.ones.xlane vm1;
	v10, _, _ =	vpop (xrf0)  }
0x58: {  	v7 =	vadd.s32 v9, v7;
	v10 =	vadd.s32 v10, v9;
	v12, _, _ =	vpop (xrf0)  }
0x59: {  	v8 =	vadd.s32 v9, v8;
	v11 =	vadd.s32 $0xFFFFFFFF, v10;
	v9 =	vadd.s32 v12, v9  }
0x5a: {  	s1 =	simm.s32 $0x40;
	v13 =	vadd.s32 $0xFFFFFFFF, v9  }
0x5b: {  	v14 =	vor.u32 s1, v3  }
0x5c: {  	s5 =	simm.s32 $0x80;
	s6 =	smov.u32 s0;
	s0 =	sadd.s32 $0x0, s0;
	v12 =	vor.u32 s1, v1;
	v10 =	vmov v7;
	v9 =	vmov v8  }
.LBB2_4:
0x5d: {  	p0 =	sne.s32 s5, $0x600;
	v15 =	vor.u32 s0, v0  }
0x5e: {  	v16 =	vor.u32 s1, v4;
	[tilespmem:v11+s4+$0x0] =	vst.idx.msk vm0, v15  }
0x5f: {  	[tilespmem:v13+s2+$0x0] =	vst.idx.msk vm1, v15  }
0x60: {  	v13 =	vor.u32 s1, v5;
	s1 =	smov.u32 s5;
	v11 =	vld.idx.msk [tilespmem:v14+s30+$0x0], $0xffff  }
0x61: {  	v12 =	vld.idx.msk [tilespmem:v12+s30+$0x0], $0xffff;
	_ =	sdelay $0x1  }
0x62: {  	v14 =	vld.idx.msk [tilespmem:v16+s30+$0x0], $0xffff;
	_ =	sdelay $0x1  }
0x63: {  	v13 =	vld.idx.msk [tilespmem:v13+s30+$0x0], $0xffff;
	_ =	sdelay $0x1  }
0x64: {  	v11 =	vmul.f32 v11, v11;
	v12 =	vmul.f32 v12, v12;
	_ =	sdelay $0x1  }
0x65: {  	v11 =	vadd.f32 v11, v12;
	v12 =	vmul.f32 v14, v14;
	_ =	sdelay $0x1  }
0x66: {  	v11 =	vadd.f32 v12, v11;
	v12 =	vmul.f32 v13, v13;
	_ =	sdelay $0x1  }
0x67: {  	v11 =	vadd.f32 v12, v11;
	_ =	sdelay $0x1  }
0x68: {  	vm0 =	vge.f32 v11, $4.000000000e+00  }
0x69: {  	vm1 =	vmneg vm0;
	v11 =	vsel vm0, $0x1, v6;
	v12 =	vmpcnt.ones.xlane vm0  }
0x6a: {  	v13 =	vsel vm1, $0x1, v6;
	v14 =	vmpcnt.ones.xlane vm1;
	(xrf0) =	vadd.scan.msk.s32 $0xffff, v11  }
0x6b: {  	v7 =	vadd.s32 v7, v12;
	(xrf0) =	vadd.scan.msk.s32 $0xffff, v13  }
0x6c: {  	v8 =	vadd.s32 v8, v14;
	_ =	sdelay $0x3  }
0x6d: {  	v11, _, _ =	vpop (xrf0)  }
.Ltmp3:
0x6e: {  	v11 =	vadd.s32 v11, v10;
	v12, _, _ =	vpop (xrf0);
	v10 =	vmov v7;
	(pc) =	sbr.rel @p0 .LBB2_4-.Ltmp3, $4  }
0x6f: {  	v11 =	vadd.s32 $0xFFFFFFFF, v11;
	v12 =	vadd.s32 v12, v9;
	v9 =	vmov v8  }
0x70: {  	v13 =	vadd.s32 $0xFFFFFFFF, v12  }
0x71: {  	s3 =	sadd.s32 $0x10, s3;
	v14 =	vor.u32 s5, v3  }
0x72: {  	s0 =	sadd.s32 s6, s3;
	s5 =	sadd.s32 $0x40, s5;
	v12 =	vor.u32 s1, v1  }
0x73: {  	_ =	sdelay $0x3  }
0x74: {  	v15 =	vor.u32 s0, v0  }
0x75: {  	v16 =	vor.u32 s1, v4;
	[tilespmem:v11+s4+$0x0] =	vst.idx.msk vm0, v15  }
0x76: {  	[tilespmem:v13+s2+$0x0] =	vst.idx.msk vm1, v15  }
0x77: {  	v13 =	vor.u32 s1, v5;
	v11 =	vld.idx.msk [tilespmem:v14+s30+$0x0], $0xffff  }
0x78: {  	v12 =	vld.idx.msk [tilespmem:v12+s30+$0x0], $0xffff;
	_ =	sdelay $0x1  }
0x79: {  	v14 =	vld.idx.msk [tilespmem:v16+s30+$0x0], $0xffff;
	_ =	sdelay $0x1  }
0x7a: {  	v13 =	vld.idx.msk [tilespmem:v13+s30+$0x0], $0xffff  }
0x7b: {  	v12 =	vmul.f32 v12, v12;
	v11 =	vmul.f32 v11, v11;
	_ =	sdelay $0x1  }
0x7c: {  	v11 =	vadd.f32 v11, v12;
	v12 =	vmul.f32 v14, v14;
	_ =	sdelay $0x1  }
0x7d: {  	v11 =	vadd.f32 v12, v11;
	v12 =	vmul.f32 v13, v13;
	_ =	sdelay $0x1  }
0x7e: {  	v11 =	vadd.f32 v12, v11;
	_ =	sdelay $0x1  }
0x7f: {  	vm2 =	vge.f32 v11, $4.000000000e+00  }
0x80: {  	vm3 =	vmneg vm2;
	v11 =	vsel vm2, $0x1, v6  }
0x81: {  	v12 =	vsel vm3, $0x1, v6;
	(xrf0) =	vadd.scan.msk.s32 $0xffff, v11  }
0x82: {  	(xrf0) =	vadd.scan.msk.s32 $0xffff, v12;
	_ =	sdelay $0x4  }
0x83: {  	v11, _, _ =	vpop (xrf0)  }
0x84: {  	v10 =	vadd.s32 v11, v10;
	v11, _, _ =	vpop (xrf0)  }
0x85: {  	v10 =	vadd.s32 $0xFFFFFFFF, v10;
	v9 =	vadd.s32 v11, v9  }
0x86: {  	v9 =	vadd.s32 $0xFFFFFFFF, v9  }
0x87: {  	s5 =	sadd.s32 $0x10, s3  }
0x88: {  	s0 =	sadd.s32 s6, s5  }
0x89: {  	v11 =	vor.u32 s0, v0  }
0x8a: {  	s3 =	simm.s32 $0x0;
	[tilespmem:v10+s4+$0x0] =	vst.idx.msk vm2, v11  }
0x8b: {  	s7 =	rddreg [dreg:$0x8];
	s8 =	simm.s32 $0x7;
	[tilespmem:v9+s2+$0x0] =	vst.idx.msk vm3, v11;
	v9 =	vor.u32 s3, v3  }
0x8c: {  	v10 =	vor.u32 s3, v1;
	[tilespmem:s30], [sflag:$0x6] =	stream.linear.gather [hbm4b:s7+s3], $0x640, $0x38;
	[tilespmem:$0x11D00] =	vst v63  }
0x8d: {  	_ =	swait.ge [sflag:s8], $0x640  }
0x8e: {  	v11 =	vor.u32 s3, v4;
	[sflag:s8] =	ssyncset.done $0x0  }
0x8f: {  	[sflag:s8] =	ssyncadd.s32 $0xFFFFF9C0  }
0x90: {  	v12 =	vor.u32 s3, v5;
	v9 =	vld.idx.msk [tilespmem:v9+s31+$0x0], $0xffff  }
0x91: {  	v10 =	vld.idx.msk [tilespmem:v10+s31+$0x0], $0xffff;
	_ =	sdelay $0x1  }
0x92: {  	v11 =	vld.idx.msk [tilespmem:v11+s31+$0x0], $0xffff;
	_ =	sdelay $0x1  }
0x93: {  	v12 =	vld.idx.msk [tilespmem:v12+s31+$0x0], $0xffff  }
0x94: {  	v10 =	vmul.f32 v10, v10;
	v9 =	vmul.f32 v9, v9;
	_ =	sdelay $0x1  }
0x95: {  	v9 =	vadd.f32 v9, v10;
	v10 =	vmul.f32 v11, v11;
	_ =	sdelay $0x1  }
0x96: {  	v9 =	vadd.f32 v10, v9;
	v10 =	vmul.f32 v12, v12;
	_ =	sdelay $0x1  }
0x97: {  	v9 =	vadd.f32 v10, v9;
	_ =	sdelay $0x1  }
0x98: {  	vm0 =	vge.f32 v9, $4.000000000e+00  }
0x99: {  	vm1 =	vmneg vm0;
	v9 =	vsel vm0, $0x1, v6  }
0x9a: {  	v10 =	vsel vm1, $0x1, v6;
	(xrf0) =	vadd.scan.msk.s32 $0xffff, v9  }
0x9b: {  	(xrf0) =	vadd.scan.msk.s32 $0xffff, v10;
	_ =	sdelay $0x2  }
0x9c: {  	v9 =	vmpcnt.ones.xlane vm2  }
0x9d: {  	v11 =	vmpcnt.ones.xlane vm0;
	v10 =	vmpcnt.ones.xlane vm3  }
0x9e: {  	v9 =	vadd.s32 v7, v9;
	v13, _, _ =	vpop (xrf0)  }
0x9f: {  	v10 =	vadd.s32 v8, v10;
	v7 =	vadd.s32 v9, v11;
	v9 =	vadd.s32 v13, v9;
	v13, _, _ =	vpop (xrf0)  }
0xa0: {  	s6 =	sld [smem:$0x7F9];
	v12 =	vmpcnt.ones.xlane vm1;
	v11 =	vadd.s32 $0xFFFFFFFF, v9;
	v9 =	vadd.s32 v13, v10  }
0xa1: {  	s1 =	simm.s32 $0x40;
	v13 =	vadd.s32 $0xFFFFFFFF, v9  }
0xa2: {  	v14 =	vor.u32 s1, v3;
	v8 =	vadd.s32 v10, v12  }
0xa3: {  	s5 =	simm.s32 $0x80;
	s0 =	sadd.s32 $0x0, s6;
	v12 =	vor.u32 s1, v1;
	v10 =	vmov v7;
	v9 =	vmov v8  }
.LBB2_6:
0xa4: {  	p0 =	sne.s32 s5, $0x600;
	v15 =	vor.u32 s0, v0  }
0xa5: {  	v16 =	vor.u32 s1, v4;
	[tilespmem:v11+s4+$0x0] =	vst.idx.msk vm0, v15  }
0xa6: {  	[tilespmem:v13+s2+$0x0] =	vst.idx.msk vm1, v15  }
0xa7: {  	v13 =	vor.u32 s1, v5;
	s1 =	smov.u32 s5;
	v11 =	vld.idx.msk [tilespmem:v14+s31+$0x0], $0xffff  }
0xa8: {  	v12 =	vld.idx.msk [tilespmem:v12+s31+$0x0], $0xffff;
	_ =	sdelay $0x1  }
0xa9: {  	v14 =	vld.idx.msk [tilespmem:v16+s31+$0x0], $0xffff;
	_ =	sdelay $0x1  }
0xaa: {  	v13 =	vld.idx.msk [tilespmem:v13+s31+$0x0], $0xffff;
	_ =	sdelay $0x1  }
0xab: {  	v11 =	vmul.f32 v11, v11;
	v12 =	vmul.f32 v12, v12;
	_ =	sdelay $0x1  }
0xac: {  	v11 =	vadd.f32 v11, v12;
	v12 =	vmul.f32 v14, v14;
	_ =	sdelay $0x1  }
0xad: {  	v11 =	vadd.f32 v12, v11;
	v12 =	vmul.f32 v13, v13;
	_ =	sdelay $0x1  }
0xae: {  	v11 =	vadd.f32 v12, v11;
	_ =	sdelay $0x1  }
0xaf: {  	vm0 =	vge.f32 v11, $4.000000000e+00  }
0xb0: {  	vm1 =	vmneg vm0;
	v11 =	vsel vm0, $0x1, v6;
	v12 =	vmpcnt.ones.xlane vm0  }
0xb1: {  	v13 =	vsel vm1, $0x1, v6;
	v14 =	vmpcnt.ones.xlane vm1;
	(xrf0) =	vadd.scan.msk.s32 $0xffff, v11  }
0xb2: {  	v7 =	vadd.s32 v7, v12;
	(xrf0) =	vadd.scan.msk.s32 $0xffff, v13  }
0xb3: {  	v8 =	vadd.s32 v8, v14;
	_ =	sdelay $0x3  }
0xb4: {  	v11, _, _ =	vpop (xrf0)  }
.Ltmp4:
0xb5: {  	v11 =	vadd.s32 v11, v10;
	v12, _, _ =	vpop (xrf0);
	v10 =	vmov v7;
	(pc) =	sbr.rel @p0 .LBB2_6-.Ltmp4, $4  }
0xb6: {  	v11 =	vadd.s32 $0xFFFFFFFF, v11;
	v12 =	vadd.s32 v12, v9;
	v9 =	vmov v8  }
0xb7: {  	v13 =	vadd.s32 $0xFFFFFFFF, v12  }
0xb8: {  	s3 =	sadd.s32 $0x10, s3;
	v14 =	vor.u32 s5, v3  }
0xb9: {  	s0 =	sadd.s32 s6, s3;
	s5 =	sadd.s32 $0x40, s5;
	v12 =	vor.u32 s1, v1  }
0xba: {  	_ =	sdelay $0x3  }
0xbb: {  	v15 =	vor.u32 s0, v0  }
0xbc: {  	v16 =	vor.u32 s1, v4;
	[tilespmem:v11+s4+$0x0] =	vst.idx.msk vm0, v15  }
0xbd: {  	[tilespmem:v13+s2+$0x0] =	vst.idx.msk vm1, v15  }
0xbe: {  	v13 =	vor.u32 s1, v5;
	v11 =	vld.idx.msk [tilespmem:v14+s31+$0x0], $0xffff  }
0xbf: {  	v12 =	vld.idx.msk [tilespmem:v12+s31+$0x0], $0xffff;
	_ =	sdelay $0x1  }
0xc0: {  	v14 =	vld.idx.msk [tilespmem:v16+s31+$0x0], $0xffff;
	_ =	sdelay $0x1  }
0xc1: {  	v13 =	vld.idx.msk [tilespmem:v13+s31+$0x0], $0xffff  }
0xc2: {  	v12 =	vmul.f32 v12, v12;
	v11 =	vmul.f32 v11, v11;
	_ =	sdelay $0x1  }
0xc3: {  	v11 =	vadd.f32 v11, v12;
	v12 =	vmul.f32 v14, v14;
	_ =	sdelay $0x1  }
0xc4: {  	v11 =	vadd.f32 v12, v11;
	v12 =	vmul.f32 v13, v13;
	_ =	sdelay $0x1  }
0xc5: {  	v11 =	vadd.f32 v12, v11;
	_ =	sdelay $0x1  }
0xc6: {  	vm2 =	vge.f32 v11, $4.000000000e+00  }
0xc7: {  	vm3 =	vmneg vm2;
	v11 =	vsel vm2, $0x1, v6  }
0xc8: {  	v12 =	vsel vm3, $0x1, v6;
	(xrf0) =	vadd.scan.msk.s32 $0xffff, v11  }
0xc9: {  	(xrf0) =	vadd.scan.msk.s32 $0xffff, v12;
	_ =	sdelay $0x4  }
0xca: {  	v11, _, _ =	vpop (xrf0)  }
0xcb: {  	v10 =	vadd.s32 v11, v10;
	v11, _, _ =	vpop (xrf0)  }
0xcc: {  	v10 =	vadd.s32 $0xFFFFFFFF, v10;
	v9 =	vadd.s32 v11, v9  }
0xcd: {  	v9 =	vadd.s32 $0xFFFFFFFF, v9  }
0xce: {  	s5 =	sadd.s32 $0x10, s3  }
0xcf: {  	s0 =	sadd.s32 s6, s5  }
0xd0: {  	v11 =	vor.u32 s0, v0  }
0xd1: {  	s3 =	simm.s32 $0x0;
	[tilespmem:v10+s4+$0x0] =	vst.idx.msk vm2, v11  }
0xd2: {  	s7 =	rddreg [dreg:$0x9];
	s8 =	simm.s32 $0x6;
	[tilespmem:v9+s2+$0x0] =	vst.idx.msk vm3, v11;
	v9 =	vor.u32 s3, v3  }
0xd3: {  	v10 =	vor.u32 s3, v1;
	[tilespmem:s31], [sflag:$0x7] =	stream.linear.gather [hbm4b:s7+s3], $0x640, $0x38;
	[tilespmem:$0x11D00] =	vst v63  }
0xd4: {  	_ =	swait.ge [sflag:s8], $0x640  }
0xd5: {  	v11 =	vor.u32 s3, v4;
	[sflag:s8] =	ssyncset.done $0x0  }
0xd6: {  	[sflag:s8] =	ssyncadd.s32 $0xFFFFF9C0  }
0xd7: {  	v12 =	vor.u32 s3, v5;
	v9 =	vld.idx.msk [tilespmem:v9+s30+$0x0], $0xffff  }
0xd8: {  	v10 =	vld.idx.msk [tilespmem:v10+s30+$0x0], $0xffff;
	_ =	sdelay $0x1  }
0xd9: {  	v11 =	vld.idx.msk [tilespmem:v11+s30+$0x0], $0xffff;
	_ =	sdelay $0x1  }
0xda: {  	v12 =	vld.idx.msk [tilespmem:v12+s30+$0x0], $0xffff  }
0xdb: {  	v10 =	vmul.f32 v10, v10;
	v9 =	vmul.f32 v9, v9;
	_ =	sdelay $0x1  }
0xdc: {  	v9 =	vadd.f32 v9, v10;
	v10 =	vmul.f32 v11, v11;
	_ =	sdelay $0x1  }
0xdd: {  	v9 =	vadd.f32 v10, v9;
	v10 =	vmul.f32 v12, v12;
	_ =	sdelay $0x1  }
0xde: {  	v9 =	vadd.f32 v10, v9;
	_ =	sdelay $0x1  }
0xdf: {  	vm0 =	vge.f32 v9, $4.000000000e+00  }
0xe0: {  	vm1 =	vmneg vm0;
	v9 =	vsel vm0, $0x1, v6  }
0xe1: {  	v10 =	vsel vm1, $0x1, v6;
	(xrf0) =	vadd.scan.msk.s32 $0xffff, v9  }
0xe2: {  	(xrf0) =	vadd.scan.msk.s32 $0xffff, v10;
	_ =	sdelay $0x2  }
0xe3: {  	v9 =	vmpcnt.ones.xlane vm2  }
0xe4: {  	v11 =	vmpcnt.ones.xlane vm0;
	v10 =	vmpcnt.ones.xlane vm3  }
0xe5: {  	v9 =	vadd.s32 v7, v9;
	v13, _, _ =	vpop (xrf0)  }
0xe6: {  	v10 =	vadd.s32 v8, v10;
	v7 =	vadd.s32 v9, v11;
	v9 =	vadd.s32 v13, v9;
	v13, _, _ =	vpop (xrf0)  }
0xe7: {  	s7 =	sld [smem:$0x7FA];
	v12 =	vmpcnt.ones.xlane vm1;
	v11 =	vadd.s32 $0xFFFFFFFF, v9;
	v9 =	vadd.s32 v13, v10  }
0xe8: {  	s1 =	simm.s32 $0x40;
	v13 =	vadd.s32 $0xFFFFFFFF, v9  }
0xe9: {  	v14 =	vor.u32 s1, v3;
	v8 =	vadd.s32 v10, v12  }
0xea: {  	s5 =	simm.s32 $0x80;
	s6 =	rddreg [dreg:$0x2];
	s0 =	sadd.s32 $0x0, s7;
	v12 =	vor.u32 s1, v1;
	v10 =	vmov v7;
	v9 =	vmov v8  }
.LBB2_8:
0xeb: {  	p0 =	sne.s32 s5, $0x600;
	v15 =	vor.u32 s0, v0  }
0xec: {  	v16 =	vor.u32 s1, v4;
	[tilespmem:v11+s4+$0x0] =	vst.idx.msk vm0, v15  }
0xed: {  	[tilespmem:v13+s2+$0x0] =	vst.idx.msk vm1, v15  }
0xee: {  	v13 =	vor.u32 s1, v5;
	s1 =	smov.u32 s5;
	v11 =	vld.idx.msk [tilespmem:v14+s30+$0x0], $0xffff  }
0xef: {  	v12 =	vld.idx.msk [tilespmem:v12+s30+$0x0], $0xffff;
	_ =	sdelay $0x1  }
0xf0: {  	v14 =	vld.idx.msk [tilespmem:v16+s30+$0x0], $0xffff;
	_ =	sdelay $0x1  }
0xf1: {  	v13 =	vld.idx.msk [tilespmem:v13+s30+$0x0], $0xffff;
	_ =	sdelay $0x1  }
0xf2: {  	v11 =	vmul.f32 v11, v11;
	v12 =	vmul.f32 v12, v12;
	_ =	sdelay $0x1  }
0xf3: {  	v11 =	vadd.f32 v11, v12;
	v12 =	vmul.f32 v14, v14;
	_ =	sdelay $0x1  }
0xf4: {  	v11 =	vadd.f32 v12, v11;
	v12 =	vmul.f32 v13, v13;
	_ =	sdelay $0x1  }
0xf5: {  	v11 =	vadd.f32 v12, v11;
	_ =	sdelay $0x1  }
0xf6: {  	vm0 =	vge.f32 v11, $4.000000000e+00  }
0xf7: {  	vm1 =	vmneg vm0;
	v11 =	vsel vm0, $0x1, v6;
	v12 =	vmpcnt.ones.xlane vm0  }
0xf8: {  	v13 =	vsel vm1, $0x1, v6;
	v14 =	vmpcnt.ones.xlane vm1;
	(xrf0) =	vadd.scan.msk.s32 $0xffff, v11  }
0xf9: {  	v7 =	vadd.s32 v7, v12;
	(xrf0) =	vadd.scan.msk.s32 $0xffff, v13  }
0xfa: {  	v8 =	vadd.s32 v8, v14;
	_ =	sdelay $0x3  }
0xfb: {  	v11, _, _ =	vpop (xrf0)  }
.Ltmp5:
0xfc: {  	v11 =	vadd.s32 v11, v10;
	v12, _, _ =	vpop (xrf0);
	v10 =	vmov v7;
	(pc) =	sbr.rel @p0 .LBB2_8-.Ltmp5, $4  }
0xfd: {  	v11 =	vadd.s32 $0xFFFFFFFF, v11;
	v12 =	vadd.s32 v12, v9;
	v9 =	vmov v8  }
0xfe: {  	v13 =	vadd.s32 $0xFFFFFFFF, v12  }
0xff: {  	s3 =	sadd.s32 $0x10, s3;
	v14 =	vor.u32 s5, v3  }
0x100: {  	s0 =	sadd.s32 s7, s3;
	s5 =	sadd.s32 $0x40, s5;
	v12 =	vor.u32 s1, v1  }
0x101: {  	_ =	sdelay $0x3  }
0x102: {  	v15 =	vor.u32 s0, v0  }
0x103: {  	v16 =	vor.u32 s1, v4;
	[tilespmem:v11+s4+$0x0] =	vst.idx.msk vm0, v15  }
0x104: {  	[tilespmem:v13+s2+$0x0] =	vst.idx.msk vm1, v15  }
0x105: {  	v13 =	vor.u32 s1, v5;
	v11 =	vld.idx.msk [tilespmem:v14+s30+$0x0], $0xffff  }
0x106: {  	v12 =	vld.idx.msk [tilespmem:v12+s30+$0x0], $0xffff;
	_ =	sdelay $0x1  }
0x107: {  	v14 =	vld.idx.msk [tilespmem:v16+s30+$0x0], $0xffff;
	_ =	sdelay $0x1  }
0x108: {  	v13 =	vld.idx.msk [tilespmem:v13+s30+$0x0], $0xffff  }
0x109: {  	v12 =	vmul.f32 v12, v12;
	v11 =	vmul.f32 v11, v11;
	_ =	sdelay $0x1  }
0x10a: {  	v11 =	vadd.f32 v11, v12;
	v12 =	vmul.f32 v14, v14;
	_ =	sdelay $0x1  }
0x10b: {  	v11 =	vadd.f32 v12, v11;
	v12 =	vmul.f32 v13, v13;
	_ =	sdelay $0x1  }
0x10c: {  	v11 =	vadd.f32 v12, v11;
	_ =	sdelay $0x1  }
0x10d: {  	vm2 =	vge.f32 v11, $4.000000000e+00  }
0x10e: {  	vm3 =	vmneg vm2;
	v11 =	vsel vm2, $0x1, v6  }
0x10f: {  	v12 =	vsel vm3, $0x1, v6;
	(xrf0) =	vadd.scan.msk.s32 $0xffff, v11  }
0x110: {  	(xrf0) =	vadd.scan.msk.s32 $0xffff, v12;
	_ =	sdelay $0x4  }
0x111: {  	v11, _, _ =	vpop (xrf0)  }
0x112: {  	v10 =	vadd.s32 v11, v10;
	v11, _, _ =	vpop (xrf0)  }
0x113: {  	v10 =	vadd.s32 $0xFFFFFFFF, v10;
	v9 =	vadd.s32 v11, v9  }
0x114: {  	v9 =	vadd.s32 $0xFFFFFFFF, v9  }
0x115: {  	s5 =	sadd.s32 $0x10, s3  }
0x116: {  	s0 =	sadd.s32 s7, s5  }
0x117: {  	v11 =	vor.u32 s0, v0  }
0x118: {  	s3 =	simm.s32 $0x0;
	[tilespmem:v10+s4+$0x0] =	vst.idx.msk vm2, v11  }
0x119: {  	s8 =	simm.s32 $0x7;
	s7 =	rddreg [dreg:$0xa];
	[tilespmem:v9+s2+$0x0] =	vst.idx.msk vm3, v11;
	v9 =	vor.u32 s3, v3  }
0x11a: {  	v10 =	vor.u32 s3, v1;
	[tilespmem:s30], [sflag:$0x6] =	stream.linear.gather [hbm4b:s7+s3], $0x640, $0x38;
	[tilespmem:$0x11D00] =	vst v63  }
0x11b: {  	_ =	swait.ge [sflag:s8], $0x640  }
0x11c: {  	v11 =	vor.u32 s3, v4;
	[sflag:s8] =	ssyncset.done $0x0  }
0x11d: {  	[sflag:s8] =	ssyncadd.s32 $0xFFFFF9C0  }
0x11e: {  	v12 =	vor.u32 s3, v5;
	v9 =	vld.idx.msk [tilespmem:v9+s31+$0x0], $0xffff  }
0x11f: {  	v10 =	vld.idx.msk [tilespmem:v10+s31+$0x0], $0xffff;
	_ =	sdelay $0x1  }
0x120: {  	v11 =	vld.idx.msk [tilespmem:v11+s31+$0x0], $0xffff;
	_ =	sdelay $0x1  }
0x121: {  	v12 =	vld.idx.msk [tilespmem:v12+s31+$0x0], $0xffff  }
0x122: {  	v10 =	vmul.f32 v10, v10;
	v9 =	vmul.f32 v9, v9;
	_ =	sdelay $0x1  }
0x123: {  	v9 =	vadd.f32 v9, v10;
	v10 =	vmul.f32 v11, v11;
	_ =	sdelay $0x1  }
0x124: {  	v9 =	vadd.f32 v10, v9;
	v10 =	vmul.f32 v12, v12;
	_ =	sdelay $0x1  }
0x125: {  	v9 =	vadd.f32 v10, v9;
	_ =	sdelay $0x1  }
0x126: {  	vm0 =	vge.f32 v9, $4.000000000e+00  }
0x127: {  	vm1 =	vmneg vm0;
	v9 =	vsel vm0, $0x1, v6  }
0x128: {  	v10 =	vsel vm1, $0x1, v6;
	(xrf0) =	vadd.scan.msk.s32 $0xffff, v9  }
0x129: {  	(xrf0) =	vadd.scan.msk.s32 $0xffff, v10;
	_ =	sdelay $0x2  }
0x12a: {  	v9 =	vmpcnt.ones.xlane vm2  }
0x12b: {  	v11 =	vmpcnt.ones.xlane vm0;
	v10 =	vmpcnt.ones.xlane vm3  }
0x12c: {  	v9 =	vadd.s32 v7, v9;
	v13, _, _ =	vpop (xrf0)  }
0x12d: {  	v10 =	vadd.s32 v8, v10;
	v7 =	vadd.s32 v9, v11;
	v9 =	vadd.s32 v13, v9;
	v13, _, _ =	vpop (xrf0)  }
0x12e: {  	s7 =	sld [smem:$0x7FB];
	v12 =	vmpcnt.ones.xlane vm1;
	v11 =	vadd.s32 $0xFFFFFFFF, v9;
	v9 =	vadd.s32 v13, v10  }
0x12f: {  	s1 =	simm.s32 $0x40;
	v13 =	vadd.s32 $0xFFFFFFFF, v9  }
0x130: {  	v14 =	vor.u32 s1, v3;
	v8 =	vadd.s32 v10, v12  }
0x131: {  	s5 =	simm.s32 $0x80;
	s0 =	sadd.s32 $0x0, s7;
	v12 =	vor.u32 s1, v1;
	v10 =	vmov v7;
	v9 =	vmov v8  }
.LBB2_10:
0x132: {  	p0 =	sne.s32 s5, $0x600;
	v15 =	vor.u32 s0, v0  }
0x133: {  	v16 =	vor.u32 s1, v4;
	[tilespmem:v11+s4+$0x0] =	vst.idx.msk vm0, v15  }
0x134: {  	[tilespmem:v13+s2+$0x0] =	vst.idx.msk vm1, v15  }
0x135: {  	v13 =	vor.u32 s1, v5;
	s1 =	smov.u32 s5;
	v11 =	vld.idx.msk [tilespmem:v14+s31+$0x0], $0xffff  }
0x136: {  	v12 =	vld.idx.msk [tilespmem:v12+s31+$0x0], $0xffff;
	_ =	sdelay $0x1  }
0x137: {  	v14 =	vld.idx.msk [tilespmem:v16+s31+$0x0], $0xffff;
	_ =	sdelay $0x1  }
0x138: {  	v13 =	vld.idx.msk [tilespmem:v13+s31+$0x0], $0xffff;
	_ =	sdelay $0x1  }
0x139: {  	v11 =	vmul.f32 v11, v11;
	v12 =	vmul.f32 v12, v12;
	_ =	sdelay $0x1  }
0x13a: {  	v11 =	vadd.f32 v11, v12;
	v12 =	vmul.f32 v14, v14;
	_ =	sdelay $0x1  }
0x13b: {  	v11 =	vadd.f32 v12, v11;
	v12 =	vmul.f32 v13, v13;
	_ =	sdelay $0x1  }
0x13c: {  	v11 =	vadd.f32 v12, v11;
	_ =	sdelay $0x1  }
0x13d: {  	vm0 =	vge.f32 v11, $4.000000000e+00  }
0x13e: {  	vm1 =	vmneg vm0;
	v11 =	vsel vm0, $0x1, v6;
	v12 =	vmpcnt.ones.xlane vm0  }
0x13f: {  	v13 =	vsel vm1, $0x1, v6;
	v14 =	vmpcnt.ones.xlane vm1;
	(xrf0) =	vadd.scan.msk.s32 $0xffff, v11  }
0x140: {  	v7 =	vadd.s32 v7, v12;
	(xrf0) =	vadd.scan.msk.s32 $0xffff, v13  }
0x141: {  	v8 =	vadd.s32 v8, v14;
	_ =	sdelay $0x3  }
0x142: {  	v11, _, _ =	vpop (xrf0)  }
.Ltmp6:
0x143: {  	v11 =	vadd.s32 v11, v10;
	v12, _, _ =	vpop (xrf0);
	v10 =	vmov v7;
	(pc) =	sbr.rel @p0 .LBB2_10-.Ltmp6, $4  }
0x144: {  	v11 =	vadd.s32 $0xFFFFFFFF, v11;
	v12 =	vadd.s32 v12, v9;
	v9 =	vmov v8  }
0x145: {  	v13 =	vadd.s32 $0xFFFFFFFF, v12  }
0x146: {  	s3 =	sadd.s32 $0x10, s3;
	v14 =	vor.u32 s5, v3  }
0x147: {  	s0 =	sadd.s32 s7, s3;
	s5 =	sadd.s32 $0x40, s5;
	v12 =	vor.u32 s1, v1  }
0x148: {  	_ =	sdelay $0x3  }
0x149: {  	v15 =	vor.u32 s0, v0  }
0x14a: {  	v16 =	vor.u32 s1, v4;
	[tilespmem:v11+s4+$0x0] =	vst.idx.msk vm0, v15  }
0x14b: {  	[tilespmem:v13+s2+$0x0] =	vst.idx.msk vm1, v15  }
0x14c: {  	v13 =	vor.u32 s1, v5;
	v11 =	vld.idx.msk [tilespmem:v14+s31+$0x0], $0xffff  }
0x14d: {  	v12 =	vld.idx.msk [tilespmem:v12+s31+$0x0], $0xffff;
	_ =	sdelay $0x1  }
0x14e: {  	v14 =	vld.idx.msk [tilespmem:v16+s31+$0x0], $0xffff;
	_ =	sdelay $0x1  }
0x14f: {  	v13 =	vld.idx.msk [tilespmem:v13+s31+$0x0], $0xffff  }
0x150: {  	v12 =	vmul.f32 v12, v12;
	v11 =	vmul.f32 v11, v11;
	_ =	sdelay $0x1  }
0x151: {  	v11 =	vadd.f32 v11, v12;
	v12 =	vmul.f32 v14, v14;
	_ =	sdelay $0x1  }
0x152: {  	v11 =	vadd.f32 v12, v11;
	v12 =	vmul.f32 v13, v13;
	_ =	sdelay $0x1  }
0x153: {  	v11 =	vadd.f32 v12, v11;
	_ =	sdelay $0x1  }
0x154: {  	vm2 =	vge.f32 v11, $4.000000000e+00  }
0x155: {  	vm3 =	vmneg vm2;
	v11 =	vsel vm2, $0x1, v6  }
0x156: {  	v12 =	vsel vm3, $0x1, v6;
	(xrf0) =	vadd.scan.msk.s32 $0xffff, v11  }
0x157: {  	(xrf0) =	vadd.scan.msk.s32 $0xffff, v12;
	_ =	sdelay $0x4  }
0x158: {  	v11, _, _ =	vpop (xrf0)  }
0x159: {  	v10 =	vadd.s32 v11, v10;
	v11, _, _ =	vpop (xrf0)  }
0x15a: {  	v10 =	vadd.s32 $0xFFFFFFFF, v10;
	v9 =	vadd.s32 v11, v9  }
0x15b: {  	v9 =	vadd.s32 $0xFFFFFFFF, v9  }
0x15c: {  	s3 =	sadd.s32 $0x10, s3  }
0x15d: {  	s0 =	sadd.s32 s7, s3  }
0x15e: {  	v11 =	vor.u32 s0, v0  }
0x15f: {  	s3 =	simm.s32 $0x0;
	[tilespmem:v10+s4+$0x0] =	vst.idx.msk vm2, v11  }
0x160: {  	s5 =	rddreg [dreg:$0xb];
	s7 =	simm.s32 $0x6;
	[tilespmem:v9+s2+$0x0] =	vst.idx.msk vm3, v11;
	v9 =	vor.u32 s3, v3  }
0x161: {  	v10 =	vor.u32 s3, v1;
	[tilespmem:s31], [sflag:$0x7] =	stream.linear.gather [hbm4b:s5+s3], $0x640, $0x38;
	[tilespmem:$0x11D00] =	vst v63  }
0x162: {  	_ =	swait.ge [sflag:s7], $0x640  }
0x163: {  	v11 =	vor.u32 s3, v4;
	[sflag:s7] =	ssyncset.done $0x0  }
0x164: {  	[sflag:s7] =	ssyncadd.s32 $0xFFFFF9C0  }
0x165: {  	v12 =	vor.u32 s3, v5;
	v9 =	vld.idx.msk [tilespmem:v9+s30+$0x0], $0xffff  }
0x166: {  	v10 =	vld.idx.msk [tilespmem:v10+s30+$0x0], $0xffff;
	_ =	sdelay $0x1  }
0x167: {  	v11 =	vld.idx.msk [tilespmem:v11+s30+$0x0], $0xffff;
	_ =	sdelay $0x1  }
0x168: {  	v12 =	vld.idx.msk [tilespmem:v12+s30+$0x0], $0xffff  }
0x169: {  	v10 =	vmul.f32 v10, v10;
	v9 =	vmul.f32 v9, v9;
	_ =	sdelay $0x1  }
0x16a: {  	v9 =	vadd.f32 v9, v10;
	v10 =	vmul.f32 v11, v11;
	_ =	sdelay $0x1  }
0x16b: {  	v9 =	vadd.f32 v10, v9;
	v10 =	vmul.f32 v12, v12;
	_ =	sdelay $0x1  }
0x16c: {  	v9 =	vadd.f32 v10, v9;
	_ =	sdelay $0x1  }
0x16d: {  	vm0 =	vge.f32 v9, $4.000000000e+00  }
0x16e: {  	vm1 =	vmneg vm0;
	v9 =	vsel vm0, $0x1, v6  }
0x16f: {  	v10 =	vsel vm1, $0x1, v6;
	(xrf0) =	vadd.scan.msk.s32 $0xffff, v9  }
0x170: {  	(xrf0) =	vadd.scan.msk.s32 $0xffff, v10;
	_ =	sdelay $0x2  }
0x171: {  	v9 =	vmpcnt.ones.xlane vm2  }
0x172: {  	v11 =	vmpcnt.ones.xlane vm0;
	v10 =	vmpcnt.ones.xlane vm3  }
0x173: {  	v9 =	vadd.s32 v7, v9;
	v13, _, _ =	vpop (xrf0)  }
0x174: {  	v10 =	vadd.s32 v8, v10;
	v7 =	vadd.s32 v9, v11;
	v9 =	vadd.s32 v13, v9;
	v13, _, _ =	vpop (xrf0)  }
0x175: {  	v12 =	vmpcnt.ones.xlane vm1;
	v11 =	vadd.s32 $0xFFFFFFFF, v9;
	v9 =	vadd.s32 v13, v10;
	_ =	sdelay $0x1  }
0x176: {  	s1 =	simm.s32 $0x40;
	s8 =	rddreg [dreg:$0x4];
	v8 =	vadd.s32 v10, v12  }
0x177: {  	v14 =	vor.u32 s1, v3;
	s5 =	simm.s32 $0x80;
	s0 =	sadd.s32 $0x0, s8;
	v12 =	vor.u32 s1, v1;
	v10 =	vmovc v7;
	v13 =	vadd.s32 $0xFFFFFFFF, v9;
	v9 =	vmovc v8  }
.LBB2_12:
0x178: {  	_ =	sdelay $0x2  }
0x179: {  	v15 =	vor.u32 s0, v0  }
0x17a: {  	v16 =	vor.u32 s1, v4;
	[tilespmem:v11+s4+$0x0] =	vst.idx.msk vm0, v15  }
0x17b: {  	[tilespmem:v13+s2+$0x0] =	vst.idx.msk vm1, v15  }
0x17c: {  	v13 =	vor.u32 s1, v5;
	v11 =	vld.idx.msk [tilespmem:v14+s30+$0x0], $0xffff  }
0x17d: {  	v12 =	vld.idx.msk [tilespmem:v12+s30+$0x0], $0xffff;
	_ =	sdelay $0x1  }
0x17e: {  	v14 =	vld.idx.msk [tilespmem:v16+s30+$0x0], $0xffff;
	_ =	sdelay $0x1  }
0x17f: {  	v13 =	vld.idx.msk [tilespmem:v13+s30+$0x0], $0xffff  }
0x180: {  	v12 =	vmul.f32 v12, v12;
	v11 =	vmul.f32 v11, v11;
	_ =	sdelay $0x1  }
0x181: {  	v11 =	vadd.f32 v11, v12;
	v12 =	vmul.f32 v14, v14;
	_ =	sdelay $0x1  }
0x182: {  	v11 =	vadd.f32 v12, v11;
	v12 =	vmul.f32 v13, v13;
	_ =	sdelay $0x1  }
0x183: {  	v11 =	vadd.f32 v12, v11;
	_ =	sdelay $0x1  }
0x184: {  	vm0 =	vge.f32 v11, $4.000000000e+00  }
0x185: {  	vm1 =	vmneg vm0;
	v11 =	vsel vm0, $0x1, v6  }
0x186: {  	v13 =	vsel vm1, $0x1, v6;
	(xrf0) =	vadd.scan.msk.s32 $0xffff, v11  }
0x187: {  	(xrf0) =	vadd.scan.msk.s32 $0xffff, v13;
	_ =	sdelay $0x1  }
0x188: {  	v12 =	vmpcnt.ones.xlane vm0  }
0x189: {  	p0 =	sne.s32 s5, $0x600  }
.Ltmp7:
0x18a: {  	v14 =	vmpcnt.ones.xlane vm1;
	(pc) =	sbr.rel @p0 .LBB2_12-.Ltmp7, $4  }
0x18b: {  	v11, _, _ =	vpop (xrf0)  }
0x18c: {  	v7 =	vadd.s32 v7, v12;
	v8 =	vadd.s32 v8, v14;
	v12, _, _ =	vpop (xrf0)  }
0x18d: {  	s3 =	sadd.s32 $0x10, s3;
	s8 =	rddreg [dreg:$0x4];
	s1 =	smov.u32 s5;
	v14 =	vor.u32 s5, v3;
	v11 =	vadd.s32 v11, v10;
	v12 =	vadd.s32 v12, v9  }
0x18e: {  	s0 =	sadd.s32 s8, s3;
	s5 =	sadd.s32 $0x40, s5;
	v10 =	vmovc v7;
	v11 =	vadd.s32 $0xFFFFFFFF, v11;
	v9 =	vmovc v8;
	v13 =	vadd.s32 $0xFFFFFFFF, v12;
	v12 =	vor.u32 s1, v1  }
0x18f: {  	_ =	sdelay $0x3  }
0x190: {  	v15 =	vor.u32 s0, v0  }
0x191: {  	v16 =	vor.u32 s1, v4;
	[tilespmem:v11+s4+$0x0] =	vst.idx.msk vm0, v15  }
0x192: {  	[tilespmem:v13+s2+$0x0] =	vst.idx.msk vm1, v15  }
0x193: {  	v13 =	vor.u32 s1, v5;
	v11 =	vld.idx.msk [tilespmem:v14+s30+$0x0], $0xffff  }
0x194: {  	v12 =	vld.idx.msk [tilespmem:v12+s30+$0x0], $0xffff;
	_ =	sdelay $0x1  }
0x195: {  	v14 =	vld.idx.msk [tilespmem:v16+s30+$0x0], $0xffff;
	_ =	sdelay $0x1  }
0x196: {  	v13 =	vld.idx.msk [tilespmem:v13+s30+$0x0], $0xffff  }
0x197: {  	v12 =	vmul.f32 v12, v12;
	v11 =	vmul.f32 v11, v11;
	_ =	sdelay $0x1  }
0x198: {  	v11 =	vadd.f32 v11, v12;
	v12 =	vmul.f32 v14, v14;
	_ =	sdelay $0x1  }
0x199: {  	v11 =	vadd.f32 v12, v11;
	v12 =	vmul.f32 v13, v13;
	_ =	sdelay $0x1  }
0x19a: {  	v11 =	vadd.f32 v12, v11;
	_ =	sdelay $0x1  }
0x19b: {  	vm2 =	vge.f32 v11, $4.000000000e+00  }
0x19c: {  	vm3 =	vmneg vm2;
	v11 =	vsel vm2, $0x1, v6  }
0x19d: {  	v12 =	vsel vm3, $0x1, v6;
	(xrf0) =	vadd.scan.msk.s32 $0xffff, v11  }
0x19e: {  	(xrf0) =	vadd.scan.msk.s32 $0xffff, v12;
	_ =	sdelay $0x4  }
0x19f: {  	v11, _, _ =	vpop (xrf0)  }
0x1a0: {  	v10 =	vadd.s32 v11, v10;
	v11, _, _ =	vpop (xrf0)  }
0x1a1: {  	v10 =	vadd.s32 $0xFFFFFFFF, v10;
	v9 =	vadd.s32 v11, v9  }
0x1a2: {  	v9 =	vadd.s32 $0xFFFFFFFF, v9  }
0x1a3: {  	s3 =	sadd.s32 $0x10, s3;
	s5 =	rddreg [dreg:$0x4]  }
0x1a4: {  	s0 =	sadd.s32 s5, s3  }
0x1a5: {  	v11 =	vor.u32 s0, v0  }
0x1a6: {  	s3 =	simm.s32 $0x0;
	[tilespmem:v10+s4+$0x0] =	vst.idx.msk vm2, v11  }
0x1a7: {  	s7 =	rddreg [dreg:$0xc];
	s8 =	simm.s32 $0x7;
	[tilespmem:v9+s2+$0x0] =	vst.idx.msk vm3, v11;
	v9 =	vor.u32 s3, v3  }
0x1a8: {  	v10 =	vor.u32 s3, v1;
	[tilespmem:s30], [sflag:$0x6] =	stream.linear.gather [hbm4b:s7+s3], $0x640, $0x38;
	[tilespmem:$0x11D00] =	vst v63  }
0x1a9: {  	_ =	swait.ge [sflag:s8], $0x640  }
0x1aa: {  	v11 =	vor.u32 s3, v4;
	[sflag:s8] =	ssyncset.done $0x0  }
0x1ab: {  	[sflag:s8] =	ssyncadd.s32 $0xFFFFF9C0  }
0x1ac: {  	v12 =	vor.u32 s3, v5;
	v9 =	vld.idx.msk [tilespmem:v9+s31+$0x0], $0xffff  }
0x1ad: {  	v10 =	vld.idx.msk [tilespmem:v10+s31+$0x0], $0xffff;
	_ =	sdelay $0x1  }
0x1ae: {  	v11 =	vld.idx.msk [tilespmem:v11+s31+$0x0], $0xffff;
	_ =	sdelay $0x1  }
0x1af: {  	v12 =	vld.idx.msk [tilespmem:v12+s31+$0x0], $0xffff  }
0x1b0: {  	v10 =	vmul.f32 v10, v10;
	v9 =	vmul.f32 v9, v9;
	_ =	sdelay $0x1  }
0x1b1: {  	v9 =	vadd.f32 v9, v10;
	v10 =	vmul.f32 v11, v11;
	_ =	sdelay $0x1  }
0x1b2: {  	v9 =	vadd.f32 v10, v9;
	v10 =	vmul.f32 v12, v12;
	_ =	sdelay $0x1  }
0x1b3: {  	v9 =	vadd.f32 v10, v9;
	_ =	sdelay $0x1  }
0x1b4: {  	vm0 =	vge.f32 v9, $4.000000000e+00  }
0x1b5: {  	vm1 =	vmneg vm0;
	v9 =	vsel vm0, $0x1, v6  }
0x1b6: {  	v10 =	vsel vm1, $0x1, v6;
	(xrf0) =	vadd.scan.msk.s32 $0xffff, v9  }
0x1b7: {  	(xrf0) =	vadd.scan.msk.s32 $0xffff, v10;
	_ =	sdelay $0x2  }
0x1b8: {  	v9 =	vmpcnt.ones.xlane vm2  }
0x1b9: {  	v11 =	vmpcnt.ones.xlane vm0;
	v10 =	vmpcnt.ones.xlane vm3  }
0x1ba: {  	v9 =	vadd.s32 v7, v9;
	v13, _, _ =	vpop (xrf0)  }
0x1bb: {  	v10 =	vadd.s32 v8, v10;
	v7 =	vadd.s32 v9, v11;
	v9 =	vadd.s32 v13, v9;
	v13, _, _ =	vpop (xrf0)  }
0x1bc: {  	v12 =	vmpcnt.ones.xlane vm1;
	v11 =	vadd.s32 $0xFFFFFFFF, v9;
	v9 =	vadd.s32 v13, v10  }
0x1bd: {  	s1 =	simm.s32 $0x40;
	v13 =	vadd.s32 $0xFFFFFFFF, v9  }
0x1be: {  	v14 =	vor.u32 s1, v3;
	v8 =	vadd.s32 v10, v12  }
0x1bf: {  	s5 =	simm.s32 $0x80;
	s0 =	sadd.s32 $0x0, s9;
	v12 =	vor.u32 s1, v1;
	v10 =	vmov v7;
	v9 =	vmov v8  }
.LBB2_14:
0x1c0: {  	p0 =	sne.s32 s5, $0x600;
	v15 =	vor.u32 s0, v0  }
0x1c1: {  	v16 =	vor.u32 s1, v4;
	[tilespmem:v11+s4+$0x0] =	vst.idx.msk vm0, v15  }
0x1c2: {  	[tilespmem:v13+s2+$0x0] =	vst.idx.msk vm1, v15  }
0x1c3: {  	v13 =	vor.u32 s1, v5;
	s1 =	smov.u32 s5;
	v11 =	vld.idx.msk [tilespmem:v14+s31+$0x0], $0xffff  }
0x1c4: {  	v12 =	vld.idx.msk [tilespmem:v12+s31+$0x0], $0xffff;
	_ =	sdelay $0x1  }
0x1c5: {  	v14 =	vld.idx.msk [tilespmem:v16+s31+$0x0], $0xffff;
	_ =	sdelay $0x1  }
0x1c6: {  	v13 =	vld.idx.msk [tilespmem:v13+s31+$0x0], $0xffff;
	_ =	sdelay $0x1  }
0x1c7: {  	v11 =	vmul.f32 v11, v11;
	v12 =	vmul.f32 v12, v12;
	_ =	sdelay $0x1  }
0x1c8: {  	v11 =	vadd.f32 v11, v12;
	v12 =	vmul.f32 v14, v14;
	_ =	sdelay $0x1  }
0x1c9: {  	v11 =	vadd.f32 v12, v11;
	v12 =	vmul.f32 v13, v13;
	_ =	sdelay $0x1  }
0x1ca: {  	v11 =	vadd.f32 v12, v11;
	_ =	sdelay $0x1  }
0x1cb: {  	vm0 =	vge.f32 v11, $4.000000000e+00  }
0x1cc: {  	vm1 =	vmneg vm0;
	v11 =	vsel vm0, $0x1, v6;
	v12 =	vmpcnt.ones.xlane vm0  }
0x1cd: {  	v13 =	vsel vm1, $0x1, v6;
	v14 =	vmpcnt.ones.xlane vm1;
	(xrf0) =	vadd.scan.msk.s32 $0xffff, v11  }
0x1ce: {  	v7 =	vadd.s32 v7, v12;
	(xrf0) =	vadd.scan.msk.s32 $0xffff, v13  }
0x1cf: {  	v8 =	vadd.s32 v8, v14;
	_ =	sdelay $0x3  }
0x1d0: {  	v11, _, _ =	vpop (xrf0)  }
.Ltmp8:
0x1d1: {  	v11 =	vadd.s32 v11, v10;
	v12, _, _ =	vpop (xrf0);
	v10 =	vmov v7;
	(pc) =	sbr.rel @p0 .LBB2_14-.Ltmp8, $4  }
0x1d2: {  	v11 =	vadd.s32 $0xFFFFFFFF, v11;
	v12 =	vadd.s32 v12, v9;
	v9 =	vmov v8  }
0x1d3: {  	v13 =	vadd.s32 $0xFFFFFFFF, v12  }
0x1d4: {  	s3 =	sadd.s32 $0x10, s3;
	v14 =	vor.u32 s5, v3  }
0x1d5: {  	s0 =	sadd.s32 s9, s3;
	s5 =	sadd.s32 $0x40, s5;
	v12 =	vor.u32 s1, v1  }
0x1d6: {  	_ =	sdelay $0x3  }
0x1d7: {  	v15 =	vor.u32 s0, v0  }
0x1d8: {  	v16 =	vor.u32 s1, v4;
	[tilespmem:v11+s4+$0x0] =	vst.idx.msk vm0, v15  }
0x1d9: {  	[tilespmem:v13+s2+$0x0] =	vst.idx.msk vm1, v15  }
0x1da: {  	v13 =	vor.u32 s1, v5;
	v11 =	vld.idx.msk [tilespmem:v14+s31+$0x0], $0xffff  }
0x1db: {  	v12 =	vld.idx.msk [tilespmem:v12+s31+$0x0], $0xffff;
	_ =	sdelay $0x1  }
0x1dc: {  	v14 =	vld.idx.msk [tilespmem:v16+s31+$0x0], $0xffff;
	_ =	sdelay $0x1  }
0x1dd: {  	v13 =	vld.idx.msk [tilespmem:v13+s31+$0x0], $0xffff  }
0x1de: {  	v12 =	vmul.f32 v12, v12;
	v11 =	vmul.f32 v11, v11;
	_ =	sdelay $0x1  }
0x1df: {  	v11 =	vadd.f32 v11, v12;
	v12 =	vmul.f32 v14, v14;
	_ =	sdelay $0x1  }
0x1e0: {  	v11 =	vadd.f32 v12, v11;
	v12 =	vmul.f32 v13, v13;
	_ =	sdelay $0x1  }
0x1e1: {  	v11 =	vadd.f32 v12, v11;
	_ =	sdelay $0x1  }
0x1e2: {  	vm2 =	vge.f32 v11, $4.000000000e+00  }
0x1e3: {  	vm3 =	vmneg vm2;
	v11 =	vsel vm2, $0x1, v6  }
0x1e4: {  	v12 =	vsel vm3, $0x1, v6;
	(xrf0) =	vadd.scan.msk.s32 $0xffff, v11  }
0x1e5: {  	(xrf0) =	vadd.scan.msk.s32 $0xffff, v12;
	_ =	sdelay $0x4  }
0x1e6: {  	v11, _, _ =	vpop (xrf0)  }
0x1e7: {  	v10 =	vadd.s32 v11, v10;
	v11, _, _ =	vpop (xrf0)  }
0x1e8: {  	v10 =	vadd.s32 $0xFFFFFFFF, v10;
	v9 =	vadd.s32 v11, v9  }
0x1e9: {  	v9 =	vadd.s32 $0xFFFFFFFF, v9  }
0x1ea: {  	s5 =	sadd.s32 $0x10, s3  }
0x1eb: {  	s0 =	sadd.s32 s9, s5  }
0x1ec: {  	v11 =	vor.u32 s0, v0  }
0x1ed: {  	s3 =	simm.s32 $0x0;
	[tilespmem:v10+s4+$0x0] =	vst.idx.msk vm2, v11  }
0x1ee: {  	s7 =	rddreg [dreg:$0xd];
	s8 =	simm.s32 $0x6;
	[tilespmem:v9+s2+$0x0] =	vst.idx.msk vm3, v11;
	v9 =	vor.u32 s3, v3  }
0x1ef: {  	v10 =	vor.u32 s3, v1;
	[tilespmem:s31], [sflag:$0x7] =	stream.linear.gather [hbm4b:s7+s3], $0x640, $0x38;
	[tilespmem:$0x11D00] =	vst v63  }
0x1f0: {  	_ =	swait.ge [sflag:s8], $0x640  }
0x1f1: {  	v11 =	vor.u32 s3, v4;
	[sflag:s8] =	ssyncset.done $0x0  }
0x1f2: {  	[sflag:s8] =	ssyncadd.s32 $0xFFFFF9C0  }
0x1f3: {  	v12 =	vor.u32 s3, v5;
	v9 =	vld.idx.msk [tilespmem:v9+s30+$0x0], $0xffff  }
0x1f4: {  	v10 =	vld.idx.msk [tilespmem:v10+s30+$0x0], $0xffff;
	_ =	sdelay $0x1  }
0x1f5: {  	v11 =	vld.idx.msk [tilespmem:v11+s30+$0x0], $0xffff;
	_ =	sdelay $0x1  }
0x1f6: {  	v12 =	vld.idx.msk [tilespmem:v12+s30+$0x0], $0xffff  }
0x1f7: {  	v10 =	vmul.f32 v10, v10;
	v9 =	vmul.f32 v9, v9;
	_ =	sdelay $0x1  }
0x1f8: {  	v9 =	vadd.f32 v9, v10;
	v10 =	vmul.f32 v11, v11;
	_ =	sdelay $0x1  }
0x1f9: {  	v9 =	vadd.f32 v10, v9;
	v10 =	vmul.f32 v12, v12;
	_ =	sdelay $0x1  }
0x1fa: {  	v9 =	vadd.f32 v10, v9;
	_ =	sdelay $0x1  }
0x1fb: {  	vm0 =	vge.f32 v9, $4.000000000e+00  }
0x1fc: {  	vm1 =	vmneg vm0;
	v9 =	vsel vm0, $0x1, v6  }
0x1fd: {  	v10 =	vsel vm1, $0x1, v6;
	(xrf0) =	vadd.scan.msk.s32 $0xffff, v9  }
0x1fe: {  	(xrf0) =	vadd.scan.msk.s32 $0xffff, v10;
	_ =	sdelay $0x2  }
0x1ff: {  	v9 =	vmpcnt.ones.xlane vm2  }
0x200: {  	v11 =	vmpcnt.ones.xlane vm0;
	v10 =	vmpcnt.ones.xlane vm3  }
0x201: {  	v9 =	vadd.s32 v7, v9;
	v13, _, _ =	vpop (xrf0)  }
0x202: {  	v10 =	vadd.s32 v8, v10;
	v7 =	vadd.s32 v9, v11;
	v9 =	vadd.s32 v13, v9;
	v13, _, _ =	vpop (xrf0)  }
0x203: {  	v12 =	vmpcnt.ones.xlane vm1;
	v11 =	vadd.s32 $0xFFFFFFFF, v9;
	v9 =	vadd.s32 v13, v10  }
0x204: {  	s1 =	simm.s32 $0x40;
	v13 =	vadd.s32 $0xFFFFFFFF, v9  }
0x205: {  	v14 =	vor.u32 s1, v3;
	v8 =	vadd.s32 v10, v12  }
0x206: {  	s5 =	simm.s32 $0x80;
	s0 =	sadd.s32 $0x0, s10;
	v12 =	vor.u32 s1, v1;
	v10 =	vmov v7;
	v9 =	vmov v8  }
.LBB2_16:
0x207: {  	p0 =	sne.s32 s5, $0x600;
	v15 =	vor.u32 s0, v0  }
0x208: {  	v16 =	vor.u32 s1, v4;
	[tilespmem:v11+s4+$0x0] =	vst.idx.msk vm0, v15  }
0x209: {  	[tilespmem:v13+s2+$0x0] =	vst.idx.msk vm1, v15  }
0x20a: {  	v13 =	vor.u32 s1, v5;
	s1 =	smov.u32 s5;
	v11 =	vld.idx.msk [tilespmem:v14+s30+$0x0], $0xffff  }
0x20b: {  	v12 =	vld.idx.msk [tilespmem:v12+s30+$0x0], $0xffff;
	_ =	sdelay $0x1  }
0x20c: {  	v14 =	vld.idx.msk [tilespmem:v16+s30+$0x0], $0xffff;
	_ =	sdelay $0x1  }
0x20d: {  	v13 =	vld.idx.msk [tilespmem:v13+s30+$0x0], $0xffff;
	_ =	sdelay $0x1  }
0x20e: {  	v11 =	vmul.f32 v11, v11;
	v12 =	vmul.f32 v12, v12;
	_ =	sdelay $0x1  }
0x20f: {  	v11 =	vadd.f32 v11, v12;
	v12 =	vmul.f32 v14, v14;
	_ =	sdelay $0x1  }
0x210: {  	v11 =	vadd.f32 v12, v11;
	v12 =	vmul.f32 v13, v13;
	_ =	sdelay $0x1  }
0x211: {  	v11 =	vadd.f32 v12, v11;
	_ =	sdelay $0x1  }
0x212: {  	vm0 =	vge.f32 v11, $4.000000000e+00  }
0x213: {  	vm1 =	vmneg vm0;
	v11 =	vsel vm0, $0x1, v6;
	v12 =	vmpcnt.ones.xlane vm0  }
0x214: {  	v13 =	vsel vm1, $0x1, v6;
	v14 =	vmpcnt.ones.xlane vm1;
	(xrf0) =	vadd.scan.msk.s32 $0xffff, v11  }
0x215: {  	v7 =	vadd.s32 v7, v12;
	(xrf0) =	vadd.scan.msk.s32 $0xffff, v13  }
0x216: {  	v8 =	vadd.s32 v8, v14;
	_ =	sdelay $0x3  }
0x217: {  	v11, _, _ =	vpop (xrf0)  }
.Ltmp9:
0x218: {  	v11 =	vadd.s32 v11, v10;
	v12, _, _ =	vpop (xrf0);
	v10 =	vmov v7;
	(pc) =	sbr.rel @p0 .LBB2_16-.Ltmp9, $4  }
0x219: {  	v11 =	vadd.s32 $0xFFFFFFFF, v11;
	v12 =	vadd.s32 v12, v9;
	v9 =	vmov v8  }
0x21a: {  	v13 =	vadd.s32 $0xFFFFFFFF, v12  }
0x21b: {  	s3 =	sadd.s32 $0x10, s3;
	v14 =	vor.u32 s5, v3  }
0x21c: {  	s0 =	sadd.s32 s10, s3;
	s5 =	sadd.s32 $0x40, s5;
	v12 =	vor.u32 s1, v1  }
0x21d: {  	_ =	sdelay $0x3  }
0x21e: {  	v15 =	vor.u32 s0, v0  }
0x21f: {  	v16 =	vor.u32 s1, v4;
	[tilespmem:v11+s4+$0x0] =	vst.idx.msk vm0, v15  }
0x220: {  	[tilespmem:v13+s2+$0x0] =	vst.idx.msk vm1, v15  }
0x221: {  	v13 =	vor.u32 s1, v5;
	v11 =	vld.idx.msk [tilespmem:v14+s30+$0x0], $0xffff  }
0x222: {  	v12 =	vld.idx.msk [tilespmem:v12+s30+$0x0], $0xffff;
	_ =	sdelay $0x1  }
0x223: {  	v14 =	vld.idx.msk [tilespmem:v16+s30+$0x0], $0xffff;
	_ =	sdelay $0x1  }
0x224: {  	v13 =	vld.idx.msk [tilespmem:v13+s30+$0x0], $0xffff  }
0x225: {  	v12 =	vmul.f32 v12, v12;
	v11 =	vmul.f32 v11, v11;
	_ =	sdelay $0x1  }
0x226: {  	v11 =	vadd.f32 v11, v12;
	v12 =	vmul.f32 v14, v14;
	_ =	sdelay $0x1  }
0x227: {  	v11 =	vadd.f32 v12, v11;
	v12 =	vmul.f32 v13, v13;
	_ =	sdelay $0x1  }
0x228: {  	v11 =	vadd.f32 v12, v11;
	_ =	sdelay $0x1  }
0x229: {  	vm2 =	vge.f32 v11, $4.000000000e+00  }
0x22a: {  	vm3 =	vmneg vm2;
	v11 =	vsel vm2, $0x1, v6  }
0x22b: {  	v12 =	vsel vm3, $0x1, v6;
	(xrf0) =	vadd.scan.msk.s32 $0xffff, v11  }
0x22c: {  	(xrf0) =	vadd.scan.msk.s32 $0xffff, v12;
	_ =	sdelay $0x4  }
0x22d: {  	v11, _, _ =	vpop (xrf0)  }
0x22e: {  	v10 =	vadd.s32 v11, v10;
	v11, _, _ =	vpop (xrf0)  }
0x22f: {  	v10 =	vadd.s32 $0xFFFFFFFF, v10;
	v9 =	vadd.s32 v11, v9  }
0x230: {  	v9 =	vadd.s32 $0xFFFFFFFF, v9  }
0x231: {  	s5 =	sadd.s32 $0x10, s3  }
0x232: {  	s0 =	sadd.s32 s10, s5  }
0x233: {  	v11 =	vor.u32 s0, v0  }
0x234: {  	s3 =	simm.s32 $0x0;
	[tilespmem:v10+s4+$0x0] =	vst.idx.msk vm2, v11  }
0x235: {  	s7 =	rddreg [dreg:$0xe];
	s8 =	simm.s32 $0x7;
	[tilespmem:v9+s2+$0x0] =	vst.idx.msk vm3, v11;
	v9 =	vor.u32 s3, v3  }
0x236: {  	v10 =	vor.u32 s3, v1;
	[tilespmem:s30], [sflag:$0x6] =	stream.linear.gather [hbm4b:s7+s3], $0x640, $0x38;
	[tilespmem:$0x11D00] =	vst v63  }
0x237: {  	_ =	swait.ge [sflag:s8], $0x640  }
0x238: {  	v11 =	vor.u32 s3, v4;
	[sflag:s8] =	ssyncset.done $0x0  }
0x239: {  	[sflag:s8] =	ssyncadd.s32 $0xFFFFF9C0  }
0x23a: {  	v12 =	vor.u32 s3, v5;
	v9 =	vld.idx.msk [tilespmem:v9+s31+$0x0], $0xffff  }
0x23b: {  	v10 =	vld.idx.msk [tilespmem:v10+s31+$0x0], $0xffff;
	_ =	sdelay $0x1  }
0x23c: {  	v11 =	vld.idx.msk [tilespmem:v11+s31+$0x0], $0xffff;
	_ =	sdelay $0x1  }
0x23d: {  	v12 =	vld.idx.msk [tilespmem:v12+s31+$0x0], $0xffff  }
0x23e: {  	v10 =	vmul.f32 v10, v10;
	v9 =	vmul.f32 v9, v9;
	_ =	sdelay $0x1  }
0x23f: {  	v9 =	vadd.f32 v9, v10;
	v10 =	vmul.f32 v11, v11;
	_ =	sdelay $0x1  }
0x240: {  	v9 =	vadd.f32 v10, v9;
	v10 =	vmul.f32 v12, v12;
	_ =	sdelay $0x1  }
0x241: {  	v9 =	vadd.f32 v10, v9;
	_ =	sdelay $0x1  }
0x242: {  	vm0 =	vge.f32 v9, $4.000000000e+00  }
0x243: {  	vm1 =	vmneg vm0;
	v9 =	vsel vm0, $0x1, v6  }
0x244: {  	v10 =	vsel vm1, $0x1, v6;
	(xrf0) =	vadd.scan.msk.s32 $0xffff, v9  }
0x245: {  	(xrf0) =	vadd.scan.msk.s32 $0xffff, v10;
	_ =	sdelay $0x2  }
0x246: {  	v9 =	vmpcnt.ones.xlane vm2  }
0x247: {  	v11 =	vmpcnt.ones.xlane vm0;
	v10 =	vmpcnt.ones.xlane vm3  }
0x248: {  	v9 =	vadd.s32 v7, v9;
	v13, _, _ =	vpop (xrf0)  }
0x249: {  	v10 =	vadd.s32 v8, v10;
	v7 =	vadd.s32 v9, v11;
	v9 =	vadd.s32 v13, v9;
	v13, _, _ =	vpop (xrf0)  }
0x24a: {  	v12 =	vmpcnt.ones.xlane vm1;
	v11 =	vadd.s32 $0xFFFFFFFF, v9;
	v9 =	vadd.s32 v13, v10  }
0x24b: {  	s1 =	simm.s32 $0x40;
	v13 =	vadd.s32 $0xFFFFFFFF, v9  }
0x24c: {  	v14 =	vor.u32 s1, v3;
	v8 =	vadd.s32 v10, v12  }
0x24d: {  	s5 =	simm.s32 $0x80;
	s0 =	sadd.s32 $0x0, s11;
	v12 =	vor.u32 s1, v1;
	v10 =	vmov v7;
	v9 =	vmov v8  }
.LBB2_18:
0x24e: {  	p0 =	sne.s32 s5, $0x600;
	v15 =	vor.u32 s0, v0  }
0x24f: {  	v16 =	vor.u32 s1, v4;
	[tilespmem:v11+s4+$0x0] =	vst.idx.msk vm0, v15  }
0x250: {  	[tilespmem:v13+s2+$0x0] =	vst.idx.msk vm1, v15  }
0x251: {  	v13 =	vor.u32 s1, v5;
	s1 =	smov.u32 s5;
	v11 =	vld.idx.msk [tilespmem:v14+s31+$0x0], $0xffff  }
0x252: {  	v12 =	vld.idx.msk [tilespmem:v12+s31+$0x0], $0xffff;
	_ =	sdelay $0x1  }
0x253: {  	v14 =	vld.idx.msk [tilespmem:v16+s31+$0x0], $0xffff;
	_ =	sdelay $0x1  }
0x254: {  	v13 =	vld.idx.msk [tilespmem:v13+s31+$0x0], $0xffff;
	_ =	sdelay $0x1  }
0x255: {  	v11 =	vmul.f32 v11, v11;
	v12 =	vmul.f32 v12, v12;
	_ =	sdelay $0x1  }
0x256: {  	v11 =	vadd.f32 v11, v12;
	v12 =	vmul.f32 v14, v14;
	_ =	sdelay $0x1  }
0x257: {  	v11 =	vadd.f32 v12, v11;
	v12 =	vmul.f32 v13, v13;
	_ =	sdelay $0x1  }
0x258: {  	v11 =	vadd.f32 v12, v11;
	_ =	sdelay $0x1  }
0x259: {  	vm0 =	vge.f32 v11, $4.000000000e+00  }
0x25a: {  	vm1 =	vmneg vm0;
	v11 =	vsel vm0, $0x1, v6;
	v12 =	vmpcnt.ones.xlane vm0  }
0x25b: {  	v13 =	vsel vm1, $0x1, v6;
	v14 =	vmpcnt.ones.xlane vm1;
	(xrf0) =	vadd.scan.msk.s32 $0xffff, v11  }
0x25c: {  	v7 =	vadd.s32 v7, v12;
	(xrf0) =	vadd.scan.msk.s32 $0xffff, v13  }
0x25d: {  	v8 =	vadd.s32 v8, v14;
	_ =	sdelay $0x3  }
0x25e: {  	v11, _, _ =	vpop (xrf0)  }
.Ltmp10:
0x25f: {  	v11 =	vadd.s32 v11, v10;
	v12, _, _ =	vpop (xrf0);
	v10 =	vmov v7;
	(pc) =	sbr.rel @p0 .LBB2_18-.Ltmp10, $4  }
0x260: {  	v11 =	vadd.s32 $0xFFFFFFFF, v11;
	v12 =	vadd.s32 v12, v9;
	v9 =	vmov v8  }
0x261: {  	v13 =	vadd.s32 $0xFFFFFFFF, v12  }
0x262: {  	s3 =	sadd.s32 $0x10, s3;
	v14 =	vor.u32 s5, v3  }
0x263: {  	s0 =	sadd.s32 s11, s3;
	s5 =	sadd.s32 $0x40, s5;
	v12 =	vor.u32 s1, v1  }
0x264: {  	_ =	sdelay $0x3  }
0x265: {  	v15 =	vor.u32 s0, v0  }
0x266: {  	v16 =	vor.u32 s1, v4;
	[tilespmem:v11+s4+$0x0] =	vst.idx.msk vm0, v15  }
0x267: {  	[tilespmem:v13+s2+$0x0] =	vst.idx.msk vm1, v15  }
0x268: {  	v13 =	vor.u32 s1, v5;
	v11 =	vld.idx.msk [tilespmem:v14+s31+$0x0], $0xffff  }
0x269: {  	v12 =	vld.idx.msk [tilespmem:v12+s31+$0x0], $0xffff;
	_ =	sdelay $0x1  }
0x26a: {  	v14 =	vld.idx.msk [tilespmem:v16+s31+$0x0], $0xffff;
	_ =	sdelay $0x1  }
0x26b: {  	v13 =	vld.idx.msk [tilespmem:v13+s31+$0x0], $0xffff  }
0x26c: {  	v12 =	vmul.f32 v12, v12;
	v11 =	vmul.f32 v11, v11;
	_ =	sdelay $0x1  }
0x26d: {  	v11 =	vadd.f32 v11, v12;
	v12 =	vmul.f32 v14, v14;
	_ =	sdelay $0x1  }
0x26e: {  	v11 =	vadd.f32 v12, v11;
	v12 =	vmul.f32 v13, v13;
	_ =	sdelay $0x1  }
0x26f: {  	v11 =	vadd.f32 v12, v11;
	_ =	sdelay $0x1  }
0x270: {  	vm2 =	vge.f32 v11, $4.000000000e+00  }
0x271: {  	vm3 =	vmneg vm2;
	v11 =	vsel vm2, $0x1, v6  }
0x272: {  	v12 =	vsel vm3, $0x1, v6;
	(xrf0) =	vadd.scan.msk.s32 $0xffff, v11  }
0x273: {  	(xrf0) =	vadd.scan.msk.s32 $0xffff, v12;
	_ =	sdelay $0x4  }
0x274: {  	v11, _, _ =	vpop (xrf0)  }
0x275: {  	v10 =	vadd.s32 v11, v10;
	v11, _, _ =	vpop (xrf0)  }
0x276: {  	v10 =	vadd.s32 $0xFFFFFFFF, v10;
	v9 =	vadd.s32 v11, v9  }
0x277: {  	v9 =	vadd.s32 $0xFFFFFFFF, v9  }
0x278: {  	s5 =	sadd.s32 $0x10, s3  }
0x279: {  	s0 =	sadd.s32 s11, s5  }
0x27a: {  	v11 =	vor.u32 s0, v0  }
0x27b: {  	s3 =	simm.s32 $0x0;
	[tilespmem:v10+s4+$0x0] =	vst.idx.msk vm2, v11  }
0x27c: {  	s7 =	rddreg [dreg:$0xf];
	s8 =	simm.s32 $0x6;
	[tilespmem:v9+s2+$0x0] =	vst.idx.msk vm3, v11;
	v9 =	vor.u32 s3, v3  }
0x27d: {  	v10 =	vor.u32 s3, v1;
	[tilespmem:s31], [sflag:$0x7] =	stream.linear.gather [hbm4b:s7+s3], $0x640, $0x38;
	[tilespmem:$0x11D00] =	vst v63  }
0x27e: {  	_ =	swait.ge [sflag:s8], $0x640  }
0x27f: {  	v11 =	vor.u32 s3, v4;
	[sflag:s8] =	ssyncset.done $0x0  }
0x280: {  	[sflag:s8] =	ssyncadd.s32 $0xFFFFF9C0  }
0x281: {  	v12 =	vor.u32 s3, v5;
	v9 =	vld.idx.msk [tilespmem:v9+s30+$0x0], $0xffff  }
0x282: {  	v10 =	vld.idx.msk [tilespmem:v10+s30+$0x0], $0xffff;
	_ =	sdelay $0x1  }
0x283: {  	v11 =	vld.idx.msk [tilespmem:v11+s30+$0x0], $0xffff;
	_ =	sdelay $0x1  }
0x284: {  	v12 =	vld.idx.msk [tilespmem:v12+s30+$0x0], $0xffff  }
0x285: {  	v10 =	vmul.f32 v10, v10;
	v9 =	vmul.f32 v9, v9;
	_ =	sdelay $0x1  }
0x286: {  	v9 =	vadd.f32 v9, v10;
	v10 =	vmul.f32 v11, v11;
	_ =	sdelay $0x1  }
0x287: {  	v9 =	vadd.f32 v10, v9;
	v10 =	vmul.f32 v12, v12;
	_ =	sdelay $0x1  }
0x288: {  	v9 =	vadd.f32 v10, v9;
	_ =	sdelay $0x1  }
0x289: {  	vm0 =	vge.f32 v9, $4.000000000e+00  }
0x28a: {  	vm1 =	vmneg vm0;
	v9 =	vsel vm0, $0x1, v6  }
0x28b: {  	v10 =	vsel vm1, $0x1, v6;
	(xrf0) =	vadd.scan.msk.s32 $0xffff, v9  }
0x28c: {  	(xrf0) =	vadd.scan.msk.s32 $0xffff, v10;
	_ =	sdelay $0x2  }
0x28d: {  	v9 =	vmpcnt.ones.xlane vm2  }
0x28e: {  	v11 =	vmpcnt.ones.xlane vm0;
	v10 =	vmpcnt.ones.xlane vm3  }
0x28f: {  	v9 =	vadd.s32 v7, v9;
	v13, _, _ =	vpop (xrf0)  }
0x290: {  	v10 =	vadd.s32 v8, v10;
	v7 =	vadd.s32 v9, v11;
	v9 =	vadd.s32 v13, v9;
	v13, _, _ =	vpop (xrf0)  }
0x291: {  	v12 =	vmpcnt.ones.xlane vm1;
	v11 =	vadd.s32 $0xFFFFFFFF, v9;
	v9 =	vadd.s32 v13, v10  }
0x292: {  	s1 =	simm.s32 $0x40;
	v13 =	vadd.s32 $0xFFFFFFFF, v9  }
0x293: {  	v14 =	vor.u32 s1, v3;
	v8 =	vadd.s32 v10, v12  }
0x294: {  	s5 =	simm.s32 $0x80;
	s0 =	sadd.s32 $0x0, s12;
	v12 =	vor.u32 s1, v1;
	v10 =	vmov v7;
	v9 =	vmov v8  }
.LBB2_20:
0x295: {  	p0 =	sne.s32 s5, $0x600;
	v15 =	vor.u32 s0, v0  }
0x296: {  	v16 =	vor.u32 s1, v4;
	[tilespmem:v11+s4+$0x0] =	vst.idx.msk vm0, v15  }
0x297: {  	[tilespmem:v13+s2+$0x0] =	vst.idx.msk vm1, v15  }
0x298: {  	v13 =	vor.u32 s1, v5;
	s1 =	smov.u32 s5;
	v11 =	vld.idx.msk [tilespmem:v14+s30+$0x0], $0xffff  }
0x299: {  	v12 =	vld.idx.msk [tilespmem:v12+s30+$0x0], $0xffff;
	_ =	sdelay $0x1  }
0x29a: {  	v14 =	vld.idx.msk [tilespmem:v16+s30+$0x0], $0xffff;
	_ =	sdelay $0x1  }
0x29b: {  	v13 =	vld.idx.msk [tilespmem:v13+s30+$0x0], $0xffff;
	_ =	sdelay $0x1  }
0x29c: {  	v11 =	vmul.f32 v11, v11;
	v12 =	vmul.f32 v12, v12;
	_ =	sdelay $0x1  }
0x29d: {  	v11 =	vadd.f32 v11, v12;
	v12 =	vmul.f32 v14, v14;
	_ =	sdelay $0x1  }
0x29e: {  	v11 =	vadd.f32 v12, v11;
	v12 =	vmul.f32 v13, v13;
	_ =	sdelay $0x1  }
0x29f: {  	v11 =	vadd.f32 v12, v11;
	_ =	sdelay $0x1  }
0x2a0: {  	vm0 =	vge.f32 v11, $4.000000000e+00  }
0x2a1: {  	vm1 =	vmneg vm0;
	v11 =	vsel vm0, $0x1, v6;
	v12 =	vmpcnt.ones.xlane vm0  }
0x2a2: {  	v13 =	vsel vm1, $0x1, v6;
	v14 =	vmpcnt.ones.xlane vm1;
	(xrf0) =	vadd.scan.msk.s32 $0xffff, v11  }
0x2a3: {  	v7 =	vadd.s32 v7, v12;
	(xrf0) =	vadd.scan.msk.s32 $0xffff, v13  }
0x2a4: {  	v8 =	vadd.s32 v8, v14;
	_ =	sdelay $0x3  }
0x2a5: {  	v11, _, _ =	vpop (xrf0)  }
.Ltmp11:
0x2a6: {  	v11 =	vadd.s32 v11, v10;
	v12, _, _ =	vpop (xrf0);
	v10 =	vmov v7;
	(pc) =	sbr.rel @p0 .LBB2_20-.Ltmp11, $4  }
0x2a7: {  	v11 =	vadd.s32 $0xFFFFFFFF, v11;
	v12 =	vadd.s32 v12, v9;
	v9 =	vmov v8  }
0x2a8: {  	v13 =	vadd.s32 $0xFFFFFFFF, v12  }
0x2a9: {  	s3 =	sadd.s32 $0x10, s3;
	v14 =	vor.u32 s5, v3  }
0x2aa: {  	s0 =	sadd.s32 s12, s3;
	s5 =	sadd.s32 $0x40, s5;
	v12 =	vor.u32 s1, v1  }
0x2ab: {  	_ =	sdelay $0x3  }
0x2ac: {  	v15 =	vor.u32 s0, v0  }
0x2ad: {  	v16 =	vor.u32 s1, v4;
	[tilespmem:v11+s4+$0x0] =	vst.idx.msk vm0, v15  }
0x2ae: {  	[tilespmem:v13+s2+$0x0] =	vst.idx.msk vm1, v15  }
0x2af: {  	v13 =	vor.u32 s1, v5;
	v11 =	vld.idx.msk [tilespmem:v14+s30+$0x0], $0xffff  }
0x2b0: {  	v12 =	vld.idx.msk [tilespmem:v12+s30+$0x0], $0xffff;
	_ =	sdelay $0x1  }
0x2b1: {  	v14 =	vld.idx.msk [tilespmem:v16+s30+$0x0], $0xffff;
	_ =	sdelay $0x1  }
0x2b2: {  	v13 =	vld.idx.msk [tilespmem:v13+s30+$0x0], $0xffff  }
0x2b3: {  	v12 =	vmul.f32 v12, v12;
	v11 =	vmul.f32 v11, v11;
	_ =	sdelay $0x1  }
0x2b4: {  	v11 =	vadd.f32 v11, v12;
	v12 =	vmul.f32 v14, v14;
	_ =	sdelay $0x1  }
0x2b5: {  	v11 =	vadd.f32 v12, v11;
	v12 =	vmul.f32 v13, v13;
	_ =	sdelay $0x1  }
0x2b6: {  	v11 =	vadd.f32 v12, v11;
	_ =	sdelay $0x1  }
0x2b7: {  	vm2 =	vge.f32 v11, $4.000000000e+00  }
0x2b8: {  	vm3 =	vmneg vm2;
	v11 =	vsel vm2, $0x1, v6  }
0x2b9: {  	v12 =	vsel vm3, $0x1, v6;
	(xrf0) =	vadd.scan.msk.s32 $0xffff, v11  }
0x2ba: {  	(xrf0) =	vadd.scan.msk.s32 $0xffff, v12;
	_ =	sdelay $0x4  }
0x2bb: {  	v11, _, _ =	vpop (xrf0)  }
0x2bc: {  	v10 =	vadd.s32 v11, v10;
	v11, _, _ =	vpop (xrf0)  }
0x2bd: {  	v10 =	vadd.s32 $0xFFFFFFFF, v10;
	v9 =	vadd.s32 v11, v9  }
0x2be: {  	v9 =	vadd.s32 $0xFFFFFFFF, v9  }
0x2bf: {  	s5 =	sadd.s32 $0x10, s3  }
0x2c0: {  	s0 =	sadd.s32 s12, s5  }
0x2c1: {  	v11 =	vor.u32 s0, v0  }
0x2c2: {  	s3 =	simm.s32 $0x0;
	[tilespmem:v10+s4+$0x0] =	vst.idx.msk vm2, v11  }
0x2c3: {  	s7 =	rddreg [dreg:$0x10];
	s8 =	simm.s32 $0x7;
	[tilespmem:v9+s2+$0x0] =	vst.idx.msk vm3, v11;
	v9 =	vor.u32 s3, v3  }
0x2c4: {  	v10 =	vor.u32 s3, v1;
	[tilespmem:s30], [sflag:$0x6] =	stream.linear.gather [hbm4b:s7+s3], $0x640, $0x38;
	[tilespmem:$0x11D00] =	vst v63  }
0x2c5: {  	_ =	swait.ge [sflag:s8], $0x640  }
0x2c6: {  	v11 =	vor.u32 s3, v4;
	[sflag:s8] =	ssyncset.done $0x0  }
0x2c7: {  	[sflag:s8] =	ssyncadd.s32 $0xFFFFF9C0  }
0x2c8: {  	v12 =	vor.u32 s3, v5;
	v9 =	vld.idx.msk [tilespmem:v9+s31+$0x0], $0xffff  }
0x2c9: {  	v10 =	vld.idx.msk [tilespmem:v10+s31+$0x0], $0xffff;
	_ =	sdelay $0x1  }
0x2ca: {  	v11 =	vld.idx.msk [tilespmem:v11+s31+$0x0], $0xffff;
	_ =	sdelay $0x1  }
0x2cb: {  	v12 =	vld.idx.msk [tilespmem:v12+s31+$0x0], $0xffff  }
0x2cc: {  	v10 =	vmul.f32 v10, v10;
	v9 =	vmul.f32 v9, v9;
	_ =	sdelay $0x1  }
0x2cd: {  	v9 =	vadd.f32 v9, v10;
	v10 =	vmul.f32 v11, v11;
	_ =	sdelay $0x1  }
0x2ce: {  	v9 =	vadd.f32 v10, v9;
	v10 =	vmul.f32 v12, v12;
	_ =	sdelay $0x1  }
0x2cf: {  	v9 =	vadd.f32 v10, v9;
	_ =	sdelay $0x1  }
0x2d0: {  	vm0 =	vge.f32 v9, $4.000000000e+00  }
0x2d1: {  	vm1 =	vmneg vm0;
	v9 =	vsel vm0, $0x1, v6  }
0x2d2: {  	v10 =	vsel vm1, $0x1, v6;
	(xrf0) =	vadd.scan.msk.s32 $0xffff, v9  }
0x2d3: {  	(xrf0) =	vadd.scan.msk.s32 $0xffff, v10;
	_ =	sdelay $0x2  }
0x2d4: {  	v9 =	vmpcnt.ones.xlane vm2  }
0x2d5: {  	v11 =	vmpcnt.ones.xlane vm0;
	v10 =	vmpcnt.ones.xlane vm3  }
0x2d6: {  	v9 =	vadd.s32 v7, v9;
	v13, _, _ =	vpop (xrf0)  }
0x2d7: {  	v10 =	vadd.s32 v8, v10;
	v7 =	vadd.s32 v9, v11;
	v9 =	vadd.s32 v13, v9;
	v13, _, _ =	vpop (xrf0)  }
0x2d8: {  	v12 =	vmpcnt.ones.xlane vm1;
	v11 =	vadd.s32 $0xFFFFFFFF, v9;
	v9 =	vadd.s32 v13, v10  }
0x2d9: {  	s1 =	simm.s32 $0x40;
	v13 =	vadd.s32 $0xFFFFFFFF, v9  }
0x2da: {  	v14 =	vor.u32 s1, v3;
	v8 =	vadd.s32 v10, v12  }
0x2db: {  	s5 =	simm.s32 $0x80;
	s0 =	sadd.s32 $0x0, s13;
	v12 =	vor.u32 s1, v1;
	v10 =	vmov v7;
	v9 =	vmov v8  }
.LBB2_22:
0x2dc: {  	p0 =	sne.s32 s5, $0x600;
	v15 =	vor.u32 s0, v0  }
0x2dd: {  	v16 =	vor.u32 s1, v4;
	[tilespmem:v11+s4+$0x0] =	vst.idx.msk vm0, v15  }
0x2de: {  	[tilespmem:v13+s2+$0x0] =	vst.idx.msk vm1, v15  }
0x2df: {  	v13 =	vor.u32 s1, v5;
	s1 =	smov.u32 s5;
	v11 =	vld.idx.msk [tilespmem:v14+s31+$0x0], $0xffff  }
0x2e0: {  	v12 =	vld.idx.msk [tilespmem:v12+s31+$0x0], $0xffff;
	_ =	sdelay $0x1  }
0x2e1: {  	v14 =	vld.idx.msk [tilespmem:v16+s31+$0x0], $0xffff;
	_ =	sdelay $0x1  }
0x2e2: {  	v13 =	vld.idx.msk [tilespmem:v13+s31+$0x0], $0xffff;
	_ =	sdelay $0x1  }
0x2e3: {  	v11 =	vmul.f32 v11, v11;
	v12 =	vmul.f32 v12, v12;
	_ =	sdelay $0x1  }
0x2e4: {  	v11 =	vadd.f32 v11, v12;
	v12 =	vmul.f32 v14, v14;
	_ =	sdelay $0x1  }
0x2e5: {  	v11 =	vadd.f32 v12, v11;
	v12 =	vmul.f32 v13, v13;
	_ =	sdelay $0x1  }
0x2e6: {  	v11 =	vadd.f32 v12, v11;
	_ =	sdelay $0x1  }
0x2e7: {  	vm0 =	vge.f32 v11, $4.000000000e+00  }
0x2e8: {  	vm1 =	vmneg vm0;
	v11 =	vsel vm0, $0x1, v6;
	v12 =	vmpcnt.ones.xlane vm0  }
0x2e9: {  	v13 =	vsel vm1, $0x1, v6;
	v14 =	vmpcnt.ones.xlane vm1;
	(xrf0) =	vadd.scan.msk.s32 $0xffff, v11  }
0x2ea: {  	v7 =	vadd.s32 v7, v12;
	(xrf0) =	vadd.scan.msk.s32 $0xffff, v13  }
0x2eb: {  	v8 =	vadd.s32 v8, v14;
	_ =	sdelay $0x3  }
0x2ec: {  	v11, _, _ =	vpop (xrf0)  }
.Ltmp12:
0x2ed: {  	v11 =	vadd.s32 v11, v10;
	v12, _, _ =	vpop (xrf0);
	v10 =	vmov v7;
	(pc) =	sbr.rel @p0 .LBB2_22-.Ltmp12, $4  }
0x2ee: {  	v11 =	vadd.s32 $0xFFFFFFFF, v11;
	v12 =	vadd.s32 v12, v9;
	v9 =	vmov v8  }
0x2ef: {  	v13 =	vadd.s32 $0xFFFFFFFF, v12  }
0x2f0: {  	s3 =	sadd.s32 $0x10, s3;
	v14 =	vor.u32 s5, v3  }
0x2f1: {  	s0 =	sadd.s32 s13, s3;
	s5 =	sadd.s32 $0x40, s5;
	v12 =	vor.u32 s1, v1  }
0x2f2: {  	_ =	sdelay $0x3  }
0x2f3: {  	v15 =	vor.u32 s0, v0  }
0x2f4: {  	v16 =	vor.u32 s1, v4;
	[tilespmem:v11+s4+$0x0] =	vst.idx.msk vm0, v15  }
0x2f5: {  	[tilespmem:v13+s2+$0x0] =	vst.idx.msk vm1, v15  }
0x2f6: {  	v13 =	vor.u32 s1, v5;
	v11 =	vld.idx.msk [tilespmem:v14+s31+$0x0], $0xffff  }
0x2f7: {  	v12 =	vld.idx.msk [tilespmem:v12+s31+$0x0], $0xffff;
	_ =	sdelay $0x1  }
0x2f8: {  	v14 =	vld.idx.msk [tilespmem:v16+s31+$0x0], $0xffff;
	_ =	sdelay $0x1  }
0x2f9: {  	v13 =	vld.idx.msk [tilespmem:v13+s31+$0x0], $0xffff  }
0x2fa: {  	v12 =	vmul.f32 v12, v12;
	v11 =	vmul.f32 v11, v11;
	_ =	sdelay $0x1  }
0x2fb: {  	v11 =	vadd.f32 v11, v12;
	v12 =	vmul.f32 v14, v14;
	_ =	sdelay $0x1  }
0x2fc: {  	v11 =	vadd.f32 v12, v11;
	v12 =	vmul.f32 v13, v13;
	_ =	sdelay $0x1  }
0x2fd: {  	v11 =	vadd.f32 v12, v11;
	_ =	sdelay $0x1  }
0x2fe: {  	vm2 =	vge.f32 v11, $4.000000000e+00  }
0x2ff: {  	vm3 =	vmneg vm2;
	v11 =	vsel vm2, $0x1, v6  }
0x300: {  	v12 =	vsel vm3, $0x1, v6;
	(xrf0) =	vadd.scan.msk.s32 $0xffff, v11  }
0x301: {  	(xrf0) =	vadd.scan.msk.s32 $0xffff, v12;
	_ =	sdelay $0x4  }
0x302: {  	v11, _, _ =	vpop (xrf0)  }
0x303: {  	v10 =	vadd.s32 v11, v10;
	v11, _, _ =	vpop (xrf0)  }
0x304: {  	v10 =	vadd.s32 $0xFFFFFFFF, v10;
	v9 =	vadd.s32 v11, v9  }
0x305: {  	v9 =	vadd.s32 $0xFFFFFFFF, v9  }
0x306: {  	s5 =	sadd.s32 $0x10, s3  }
0x307: {  	s0 =	sadd.s32 s13, s5  }
0x308: {  	v11 =	vor.u32 s0, v0  }
0x309: {  	s3 =	simm.s32 $0x0;
	[tilespmem:v10+s4+$0x0] =	vst.idx.msk vm2, v11  }
0x30a: {  	s7 =	rddreg [dreg:$0x11];
	s8 =	simm.s32 $0x6;
	[tilespmem:v9+s2+$0x0] =	vst.idx.msk vm3, v11;
	v9 =	vor.u32 s3, v3  }
0x30b: {  	v10 =	vor.u32 s3, v1;
	[tilespmem:s31], [sflag:$0x7] =	stream.linear.gather [hbm4b:s7+s3], $0x640, $0x38;
	[tilespmem:$0x11D00] =	vst v63  }
0x30c: {  	_ =	swait.ge [sflag:s8], $0x640  }
0x30d: {  	v11 =	vor.u32 s3, v4;
	[sflag:s8] =	ssyncset.done $0x0  }
0x30e: {  	[sflag:s8] =	ssyncadd.s32 $0xFFFFF9C0  }
0x30f: {  	v12 =	vor.u32 s3, v5;
	v9 =	vld.idx.msk [tilespmem:v9+s30+$0x0], $0xffff  }
0x310: {  	v10 =	vld.idx.msk [tilespmem:v10+s30+$0x0], $0xffff;
	_ =	sdelay $0x1  }
0x311: {  	v11 =	vld.idx.msk [tilespmem:v11+s30+$0x0], $0xffff;
	_ =	sdelay $0x1  }
0x312: {  	v12 =	vld.idx.msk [tilespmem:v12+s30+$0x0], $0xffff  }
0x313: {  	v10 =	vmul.f32 v10, v10;
	v9 =	vmul.f32 v9, v9;
	_ =	sdelay $0x1  }
0x314: {  	v9 =	vadd.f32 v9, v10;
	v10 =	vmul.f32 v11, v11;
	_ =	sdelay $0x1  }
0x315: {  	v9 =	vadd.f32 v10, v9;
	v10 =	vmul.f32 v12, v12;
	_ =	sdelay $0x1  }
0x316: {  	v9 =	vadd.f32 v10, v9;
	_ =	sdelay $0x1  }
0x317: {  	vm0 =	vge.f32 v9, $4.000000000e+00  }
0x318: {  	vm1 =	vmneg vm0;
	v9 =	vsel vm0, $0x1, v6  }
0x319: {  	v10 =	vsel vm1, $0x1, v6;
	(xrf0) =	vadd.scan.msk.s32 $0xffff, v9  }
0x31a: {  	(xrf0) =	vadd.scan.msk.s32 $0xffff, v10;
	_ =	sdelay $0x2  }
0x31b: {  	v9 =	vmpcnt.ones.xlane vm2  }
0x31c: {  	v11 =	vmpcnt.ones.xlane vm0;
	v10 =	vmpcnt.ones.xlane vm3  }
0x31d: {  	v9 =	vadd.s32 v7, v9;
	v13, _, _ =	vpop (xrf0)  }
0x31e: {  	v10 =	vadd.s32 v8, v10;
	v7 =	vadd.s32 v9, v11;
	v9 =	vadd.s32 v13, v9;
	v13, _, _ =	vpop (xrf0)  }
0x31f: {  	v12 =	vmpcnt.ones.xlane vm1;
	v11 =	vadd.s32 $0xFFFFFFFF, v9;
	v9 =	vadd.s32 v13, v10  }
0x320: {  	s1 =	simm.s32 $0x40;
	v13 =	vadd.s32 $0xFFFFFFFF, v9  }
0x321: {  	v14 =	vor.u32 s1, v3;
	v8 =	vadd.s32 v10, v12  }
0x322: {  	s5 =	simm.s32 $0x80;
	s0 =	sadd.s32 $0x0, s14;
	v12 =	vor.u32 s1, v1;
	v10 =	vmov v7;
	v9 =	vmov v8  }
.LBB2_24:
0x323: {  	p0 =	sne.s32 s5, $0x600;
	v15 =	vor.u32 s0, v0  }
0x324: {  	v16 =	vor.u32 s1, v4;
	[tilespmem:v11+s4+$0x0] =	vst.idx.msk vm0, v15  }
0x325: {  	[tilespmem:v13+s2+$0x0] =	vst.idx.msk vm1, v15  }
0x326: {  	v13 =	vor.u32 s1, v5;
	s1 =	smov.u32 s5;
	v11 =	vld.idx.msk [tilespmem:v14+s30+$0x0], $0xffff  }
0x327: {  	v12 =	vld.idx.msk [tilespmem:v12+s30+$0x0], $0xffff;
	_ =	sdelay $0x1  }
0x328: {  	v14 =	vld.idx.msk [tilespmem:v16+s30+$0x0], $0xffff;
	_ =	sdelay $0x1  }
0x329: {  	v13 =	vld.idx.msk [tilespmem:v13+s30+$0x0], $0xffff;
	_ =	sdelay $0x1  }
0x32a: {  	v11 =	vmul.f32 v11, v11;
	v12 =	vmul.f32 v12, v12;
	_ =	sdelay $0x1  }
0x32b: {  	v11 =	vadd.f32 v11, v12;
	v12 =	vmul.f32 v14, v14;
	_ =	sdelay $0x1  }
0x32c: {  	v11 =	vadd.f32 v12, v11;
	v12 =	vmul.f32 v13, v13;
	_ =	sdelay $0x1  }
0x32d: {  	v11 =	vadd.f32 v12, v11;
	_ =	sdelay $0x1  }
0x32e: {  	vm0 =	vge.f32 v11, $4.000000000e+00  }
0x32f: {  	vm1 =	vmneg vm0;
	v11 =	vsel vm0, $0x1, v6;
	v12 =	vmpcnt.ones.xlane vm0  }
0x330: {  	v13 =	vsel vm1, $0x1, v6;
	v14 =	vmpcnt.ones.xlane vm1;
	(xrf0) =	vadd.scan.msk.s32 $0xffff, v11  }
0x331: {  	v7 =	vadd.s32 v7, v12;
	(xrf0) =	vadd.scan.msk.s32 $0xffff, v13  }
0x332: {  	v8 =	vadd.s32 v8, v14;
	_ =	sdelay $0x3  }
0x333: {  	v11, _, _ =	vpop (xrf0)  }
.Ltmp13:
0x334: {  	v11 =	vadd.s32 v11, v10;
	v12, _, _ =	vpop (xrf0);
	v10 =	vmov v7;
	(pc) =	sbr.rel @p0 .LBB2_24-.Ltmp13, $4  }
0x335: {  	v11 =	vadd.s32 $0xFFFFFFFF, v11;
	v12 =	vadd.s32 v12, v9;
	v9 =	vmov v8  }
0x336: {  	v13 =	vadd.s32 $0xFFFFFFFF, v12  }
0x337: {  	s3 =	sadd.s32 $0x10, s3;
	v14 =	vor.u32 s5, v3  }
0x338: {  	s0 =	sadd.s32 s14, s3;
	s5 =	sadd.s32 $0x40, s5;
	v12 =	vor.u32 s1, v1  }
0x339: {  	_ =	sdelay $0x3  }
0x33a: {  	v15 =	vor.u32 s0, v0  }
0x33b: {  	v16 =	vor.u32 s1, v4;
	[tilespmem:v11+s4+$0x0] =	vst.idx.msk vm0, v15  }
0x33c: {  	[tilespmem:v13+s2+$0x0] =	vst.idx.msk vm1, v15  }
0x33d: {  	v13 =	vor.u32 s1, v5;
	v11 =	vld.idx.msk [tilespmem:v14+s30+$0x0], $0xffff  }
0x33e: {  	v12 =	vld.idx.msk [tilespmem:v12+s30+$0x0], $0xffff;
	_ =	sdelay $0x1  }
0x33f: {  	v14 =	vld.idx.msk [tilespmem:v16+s30+$0x0], $0xffff;
	_ =	sdelay $0x1  }
0x340: {  	v13 =	vld.idx.msk [tilespmem:v13+s30+$0x0], $0xffff  }
0x341: {  	v12 =	vmul.f32 v12, v12;
	v11 =	vmul.f32 v11, v11;
	_ =	sdelay $0x1  }
0x342: {  	v11 =	vadd.f32 v11, v12;
	v12 =	vmul.f32 v14, v14;
	_ =	sdelay $0x1  }
0x343: {  	v11 =	vadd.f32 v12, v11;
	v12 =	vmul.f32 v13, v13;
	_ =	sdelay $0x1  }
0x344: {  	v11 =	vadd.f32 v12, v11;
	_ =	sdelay $0x1  }
0x345: {  	vm2 =	vge.f32 v11, $4.000000000e+00  }
0x346: {  	vm3 =	vmneg vm2;
	v11 =	vsel vm2, $0x1, v6  }
0x347: {  	v12 =	vsel vm3, $0x1, v6;
	(xrf0) =	vadd.scan.msk.s32 $0xffff, v11  }
0x348: {  	(xrf0) =	vadd.scan.msk.s32 $0xffff, v12;
	_ =	sdelay $0x4  }
0x349: {  	v11, _, _ =	vpop (xrf0)  }
0x34a: {  	v10 =	vadd.s32 v11, v10;
	v11, _, _ =	vpop (xrf0)  }
0x34b: {  	v10 =	vadd.s32 $0xFFFFFFFF, v10;
	v9 =	vadd.s32 v11, v9  }
0x34c: {  	v9 =	vadd.s32 $0xFFFFFFFF, v9  }
0x34d: {  	s5 =	sadd.s32 $0x10, s3  }
0x34e: {  	s0 =	sadd.s32 s14, s5  }
0x34f: {  	v11 =	vor.u32 s0, v0  }
0x350: {  	s3 =	simm.s32 $0x0;
	[tilespmem:v10+s4+$0x0] =	vst.idx.msk vm2, v11  }
0x351: {  	s7 =	rddreg [dreg:$0x12];
	s8 =	simm.s32 $0x7;
	[tilespmem:v9+s2+$0x0] =	vst.idx.msk vm3, v11;
	v9 =	vor.u32 s3, v3  }
0x352: {  	v10 =	vor.u32 s3, v1;
	[tilespmem:s30], [sflag:$0x6] =	stream.linear.gather [hbm4b:s7+s3], $0x640, $0x38;
	[tilespmem:$0x11D00] =	vst v63  }
0x353: {  	_ =	swait.ge [sflag:s8], $0x640  }
0x354: {  	v11 =	vor.u32 s3, v4;
	[sflag:s8] =	ssyncset.done $0x0  }
0x355: {  	[sflag:s8] =	ssyncadd.s32 $0xFFFFF9C0  }
0x356: {  	v12 =	vor.u32 s3, v5;
	v9 =	vld.idx.msk [tilespmem:v9+s31+$0x0], $0xffff  }
0x357: {  	v10 =	vld.idx.msk [tilespmem:v10+s31+$0x0], $0xffff;
	_ =	sdelay $0x1  }
0x358: {  	v11 =	vld.idx.msk [tilespmem:v11+s31+$0x0], $0xffff;
	_ =	sdelay $0x1  }
0x359: {  	v12 =	vld.idx.msk [tilespmem:v12+s31+$0x0], $0xffff  }
0x35a: {  	v10 =	vmul.f32 v10, v10;
	v9 =	vmul.f32 v9, v9;
	_ =	sdelay $0x1  }
0x35b: {  	v9 =	vadd.f32 v9, v10;
	v10 =	vmul.f32 v11, v11;
	_ =	sdelay $0x1  }
0x35c: {  	v9 =	vadd.f32 v10, v9;
	v10 =	vmul.f32 v12, v12;
	_ =	sdelay $0x1  }
0x35d: {  	v9 =	vadd.f32 v10, v9;
	_ =	sdelay $0x1  }
0x35e: {  	vm0 =	vge.f32 v9, $4.000000000e+00  }
0x35f: {  	vm1 =	vmneg vm0;
	v9 =	vsel vm0, $0x1, v6  }
0x360: {  	v10 =	vsel vm1, $0x1, v6;
	(xrf0) =	vadd.scan.msk.s32 $0xffff, v9  }
0x361: {  	(xrf0) =	vadd.scan.msk.s32 $0xffff, v10;
	_ =	sdelay $0x2  }
0x362: {  	v9 =	vmpcnt.ones.xlane vm2  }
0x363: {  	v11 =	vmpcnt.ones.xlane vm0;
	v10 =	vmpcnt.ones.xlane vm3  }
0x364: {  	v9 =	vadd.s32 v7, v9;
	v13, _, _ =	vpop (xrf0)  }
0x365: {  	v10 =	vadd.s32 v8, v10;
	v7 =	vadd.s32 v9, v11;
	v9 =	vadd.s32 v13, v9;
	v13, _, _ =	vpop (xrf0)  }
0x366: {  	v12 =	vmpcnt.ones.xlane vm1;
	v11 =	vadd.s32 $0xFFFFFFFF, v9;
	v9 =	vadd.s32 v13, v10  }
0x367: {  	s1 =	simm.s32 $0x40;
	v13 =	vadd.s32 $0xFFFFFFFF, v9  }
0x368: {  	v14 =	vor.u32 s1, v3;
	v8 =	vadd.s32 v10, v12  }
0x369: {  	s5 =	simm.s32 $0x80;
	s0 =	sadd.s32 $0x0, s15;
	v12 =	vor.u32 s1, v1;
	v10 =	vmov v7;
	v9 =	vmov v8  }
.LBB2_26:
0x36a: {  	p0 =	sne.s32 s5, $0x600;
	v15 =	vor.u32 s0, v0  }
0x36b: {  	v16 =	vor.u32 s1, v4;
	[tilespmem:v11+s4+$0x0] =	vst.idx.msk vm0, v15  }
0x36c: {  	[tilespmem:v13+s2+$0x0] =	vst.idx.msk vm1, v15  }
0x36d: {  	v13 =	vor.u32 s1, v5;
	s1 =	smov.u32 s5;
	v11 =	vld.idx.msk [tilespmem:v14+s31+$0x0], $0xffff  }
0x36e: {  	v12 =	vld.idx.msk [tilespmem:v12+s31+$0x0], $0xffff;
	_ =	sdelay $0x1  }
0x36f: {  	v14 =	vld.idx.msk [tilespmem:v16+s31+$0x0], $0xffff;
	_ =	sdelay $0x1  }
0x370: {  	v13 =	vld.idx.msk [tilespmem:v13+s31+$0x0], $0xffff;
	_ =	sdelay $0x1  }
0x371: {  	v11 =	vmul.f32 v11, v11;
	v12 =	vmul.f32 v12, v12;
	_ =	sdelay $0x1  }
0x372: {  	v11 =	vadd.f32 v11, v12;
	v12 =	vmul.f32 v14, v14;
	_ =	sdelay $0x1  }
0x373: {  	v11 =	vadd.f32 v12, v11;
	v12 =	vmul.f32 v13, v13;
	_ =	sdelay $0x1  }
0x374: {  	v11 =	vadd.f32 v12, v11;
	_ =	sdelay $0x1  }
0x375: {  	vm0 =	vge.f32 v11, $4.000000000e+00  }
0x376: {  	vm1 =	vmneg vm0;
	v11 =	vsel vm0, $0x1, v6;
	v12 =	vmpcnt.ones.xlane vm0  }
0x377: {  	v13 =	vsel vm1, $0x1, v6;
	v14 =	vmpcnt.ones.xlane vm1;
	(xrf0) =	vadd.scan.msk.s32 $0xffff, v11  }
0x378: {  	v7 =	vadd.s32 v7, v12;
	(xrf0) =	vadd.scan.msk.s32 $0xffff, v13  }
0x379: {  	v8 =	vadd.s32 v8, v14;
	_ =	sdelay $0x3  }
0x37a: {  	v11, _, _ =	vpop (xrf0)  }
.Ltmp14:
0x37b: {  	v11 =	vadd.s32 v11, v10;
	v12, _, _ =	vpop (xrf0);
	v10 =	vmov v7;
	(pc) =	sbr.rel @p0 .LBB2_26-.Ltmp14, $4  }
0x37c: {  	v11 =	vadd.s32 $0xFFFFFFFF, v11;
	v12 =	vadd.s32 v12, v9;
	v9 =	vmov v8  }
0x37d: {  	v13 =	vadd.s32 $0xFFFFFFFF, v12  }
0x37e: {  	s3 =	sadd.s32 $0x10, s3;
	v14 =	vor.u32 s5, v3  }
0x37f: {  	s0 =	sadd.s32 s15, s3;
	s5 =	sadd.s32 $0x40, s5;
	v12 =	vor.u32 s1, v1  }
0x380: {  	_ =	sdelay $0x3  }
0x381: {  	v15 =	vor.u32 s0, v0  }
0x382: {  	v16 =	vor.u32 s1, v4;
	[tilespmem:v11+s4+$0x0] =	vst.idx.msk vm0, v15  }
0x383: {  	[tilespmem:v13+s2+$0x0] =	vst.idx.msk vm1, v15  }
0x384: {  	v13 =	vor.u32 s1, v5;
	v11 =	vld.idx.msk [tilespmem:v14+s31+$0x0], $0xffff  }
0x385: {  	v12 =	vld.idx.msk [tilespmem:v12+s31+$0x0], $0xffff;
	_ =	sdelay $0x1  }
0x386: {  	v14 =	vld.idx.msk [tilespmem:v16+s31+$0x0], $0xffff;
	_ =	sdelay $0x1  }
0x387: {  	v13 =	vld.idx.msk [tilespmem:v13+s31+$0x0], $0xffff  }
0x388: {  	v12 =	vmul.f32 v12, v12;
	v11 =	vmul.f32 v11, v11;
	_ =	sdelay $0x1  }
0x389: {  	v11 =	vadd.f32 v11, v12;
	v12 =	vmul.f32 v14, v14;
	_ =	sdelay $0x1  }
0x38a: {  	v11 =	vadd.f32 v12, v11;
	v12 =	vmul.f32 v13, v13;
	_ =	sdelay $0x1  }
0x38b: {  	v11 =	vadd.f32 v12, v11;
	_ =	sdelay $0x1  }
0x38c: {  	vm2 =	vge.f32 v11, $4.000000000e+00  }
0x38d: {  	vm3 =	vmneg vm2;
	v11 =	vsel vm2, $0x1, v6  }
0x38e: {  	v12 =	vsel vm3, $0x1, v6;
	(xrf0) =	vadd.scan.msk.s32 $0xffff, v11  }
0x38f: {  	(xrf0) =	vadd.scan.msk.s32 $0xffff, v12;
	_ =	sdelay $0x4  }
0x390: {  	v11, _, _ =	vpop (xrf0)  }
0x391: {  	v10 =	vadd.s32 v11, v10;
	v11, _, _ =	vpop (xrf0)  }
0x392: {  	v10 =	vadd.s32 $0xFFFFFFFF, v10;
	v9 =	vadd.s32 v11, v9  }
0x393: {  	v9 =	vadd.s32 $0xFFFFFFFF, v9  }
0x394: {  	s5 =	sadd.s32 $0x10, s3  }
0x395: {  	s0 =	sadd.s32 s15, s5  }
0x396: {  	v11 =	vor.u32 s0, v0  }
0x397: {  	s3 =	simm.s32 $0x0;
	[tilespmem:v10+s4+$0x0] =	vst.idx.msk vm2, v11  }
0x398: {  	s7 =	rddreg [dreg:$0x13];
	s8 =	simm.s32 $0x6;
	[tilespmem:v9+s2+$0x0] =	vst.idx.msk vm3, v11;
	v9 =	vor.u32 s3, v3  }
0x399: {  	v10 =	vor.u32 s3, v1;
	[tilespmem:s31], [sflag:$0x7] =	stream.linear.gather [hbm4b:s7+s3], $0x640, $0x38;
	[tilespmem:$0x11D00] =	vst v63  }
0x39a: {  	_ =	swait.ge [sflag:s8], $0x640  }
0x39b: {  	v11 =	vor.u32 s3, v4;
	[sflag:s8] =	ssyncset.done $0x0  }
0x39c: {  	[sflag:s8] =	ssyncadd.s32 $0xFFFFF9C0  }
0x39d: {  	v12 =	vor.u32 s3, v5;
	v9 =	vld.idx.msk [tilespmem:v9+s30+$0x0], $0xffff  }
0x39e: {  	v10 =	vld.idx.msk [tilespmem:v10+s30+$0x0], $0xffff;
	_ =	sdelay $0x1  }
0x39f: {  	v11 =	vld.idx.msk [tilespmem:v11+s30+$0x0], $0xffff;
	_ =	sdelay $0x1  }
0x3a0: {  	v12 =	vld.idx.msk [tilespmem:v12+s30+$0x0], $0xffff  }
0x3a1: {  	v10 =	vmul.f32 v10, v10;
	v9 =	vmul.f32 v9, v9;
	_ =	sdelay $0x1  }
0x3a2: {  	v9 =	vadd.f32 v9, v10;
	v10 =	vmul.f32 v11, v11;
	_ =	sdelay $0x1  }
0x3a3: {  	v9 =	vadd.f32 v10, v9;
	v10 =	vmul.f32 v12, v12;
	_ =	sdelay $0x1  }
0x3a4: {  	v9 =	vadd.f32 v10, v9;
	_ =	sdelay $0x1  }
0x3a5: {  	vm0 =	vge.f32 v9, $4.000000000e+00  }
0x3a6: {  	vm1 =	vmneg vm0;
	v9 =	vsel vm0, $0x1, v6  }
0x3a7: {  	v10 =	vsel vm1, $0x1, v6;
	(xrf0) =	vadd.scan.msk.s32 $0xffff, v9  }
0x3a8: {  	(xrf0) =	vadd.scan.msk.s32 $0xffff, v10;
	_ =	sdelay $0x2  }
0x3a9: {  	v9 =	vmpcnt.ones.xlane vm2  }
0x3aa: {  	v11 =	vmpcnt.ones.xlane vm0;
	v10 =	vmpcnt.ones.xlane vm3  }
0x3ab: {  	v9 =	vadd.s32 v7, v9;
	v13, _, _ =	vpop (xrf0)  }
0x3ac: {  	v10 =	vadd.s32 v8, v10;
	v7 =	vadd.s32 v9, v11;
	v9 =	vadd.s32 v13, v9;
	v13, _, _ =	vpop (xrf0)  }
0x3ad: {  	v12 =	vmpcnt.ones.xlane vm1;
	v11 =	vadd.s32 $0xFFFFFFFF, v9;
	v9 =	vadd.s32 v13, v10  }
0x3ae: {  	s1 =	simm.s32 $0x40;
	v13 =	vadd.s32 $0xFFFFFFFF, v9  }
0x3af: {  	v14 =	vor.u32 s1, v3;
	v8 =	vadd.s32 v10, v12  }
0x3b0: {  	s5 =	simm.s32 $0x80;
	s0 =	sadd.s32 $0x0, s16;
	v12 =	vor.u32 s1, v1;
	v10 =	vmov v7;
	v9 =	vmov v8  }
.LBB2_28:
0x3b1: {  	p0 =	sne.s32 s5, $0x600;
	v15 =	vor.u32 s0, v0  }
0x3b2: {  	v16 =	vor.u32 s1, v4;
	[tilespmem:v11+s4+$0x0] =	vst.idx.msk vm0, v15  }
0x3b3: {  	[tilespmem:v13+s2+$0x0] =	vst.idx.msk vm1, v15  }
0x3b4: {  	v13 =	vor.u32 s1, v5;
	s1 =	smov.u32 s5;
	v11 =	vld.idx.msk [tilespmem:v14+s30+$0x0], $0xffff  }
0x3b5: {  	v12 =	vld.idx.msk [tilespmem:v12+s30+$0x0], $0xffff;
	_ =	sdelay $0x1  }
0x3b6: {  	v14 =	vld.idx.msk [tilespmem:v16+s30+$0x0], $0xffff;
	_ =	sdelay $0x1  }
0x3b7: {  	v13 =	vld.idx.msk [tilespmem:v13+s30+$0x0], $0xffff;
	_ =	sdelay $0x1  }
0x3b8: {  	v11 =	vmul.f32 v11, v11;
	v12 =	vmul.f32 v12, v12;
	_ =	sdelay $0x1  }
0x3b9: {  	v11 =	vadd.f32 v11, v12;
	v12 =	vmul.f32 v14, v14;
	_ =	sdelay $0x1  }
0x3ba: {  	v11 =	vadd.f32 v12, v11;
	v12 =	vmul.f32 v13, v13;
	_ =	sdelay $0x1  }
0x3bb: {  	v11 =	vadd.f32 v12, v11;
	_ =	sdelay $0x1  }
0x3bc: {  	vm0 =	vge.f32 v11, $4.000000000e+00  }
0x3bd: {  	vm1 =	vmneg vm0;
	v11 =	vsel vm0, $0x1, v6;
	v12 =	vmpcnt.ones.xlane vm0  }
0x3be: {  	v13 =	vsel vm1, $0x1, v6;
	v14 =	vmpcnt.ones.xlane vm1;
	(xrf0) =	vadd.scan.msk.s32 $0xffff, v11  }
0x3bf: {  	v7 =	vadd.s32 v7, v12;
	(xrf0) =	vadd.scan.msk.s32 $0xffff, v13  }
0x3c0: {  	v8 =	vadd.s32 v8, v14;
	_ =	sdelay $0x3  }
0x3c1: {  	v11, _, _ =	vpop (xrf0)  }
.Ltmp15:
0x3c2: {  	v11 =	vadd.s32 v11, v10;
	v12, _, _ =	vpop (xrf0);
	v10 =	vmov v7;
	(pc) =	sbr.rel @p0 .LBB2_28-.Ltmp15, $4  }
0x3c3: {  	v11 =	vadd.s32 $0xFFFFFFFF, v11;
	v12 =	vadd.s32 v12, v9;
	v9 =	vmov v8  }
0x3c4: {  	v13 =	vadd.s32 $0xFFFFFFFF, v12  }
0x3c5: {  	s3 =	sadd.s32 $0x10, s3;
	v14 =	vor.u32 s5, v3  }
0x3c6: {  	s0 =	sadd.s32 s16, s3;
	s5 =	sadd.s32 $0x40, s5;
	v12 =	vor.u32 s1, v1  }
0x3c7: {  	_ =	sdelay $0x3  }
0x3c8: {  	v15 =	vor.u32 s0, v0  }
0x3c9: {  	v16 =	vor.u32 s1, v4;
	[tilespmem:v11+s4+$0x0] =	vst.idx.msk vm0, v15  }
0x3ca: {  	[tilespmem:v13+s2+$0x0] =	vst.idx.msk vm1, v15  }
0x3cb: {  	v13 =	vor.u32 s1, v5;
	v11 =	vld.idx.msk [tilespmem:v14+s30+$0x0], $0xffff  }
0x3cc: {  	v12 =	vld.idx.msk [tilespmem:v12+s30+$0x0], $0xffff;
	_ =	sdelay $0x1  }
0x3cd: {  	v14 =	vld.idx.msk [tilespmem:v16+s30+$0x0], $0xffff;
	_ =	sdelay $0x1  }
0x3ce: {  	v13 =	vld.idx.msk [tilespmem:v13+s30+$0x0], $0xffff  }
0x3cf: {  	v12 =	vmul.f32 v12, v12;
	v11 =	vmul.f32 v11, v11;
	_ =	sdelay $0x1  }
0x3d0: {  	v11 =	vadd.f32 v11, v12;
	v12 =	vmul.f32 v14, v14;
	_ =	sdelay $0x1  }
0x3d1: {  	v11 =	vadd.f32 v12, v11;
	v12 =	vmul.f32 v13, v13;
	_ =	sdelay $0x1  }
0x3d2: {  	v11 =	vadd.f32 v12, v11;
	_ =	sdelay $0x1  }
0x3d3: {  	vm2 =	vge.f32 v11, $4.000000000e+00  }
0x3d4: {  	vm3 =	vmneg vm2;
	v11 =	vsel vm2, $0x1, v6  }
0x3d5: {  	v12 =	vsel vm3, $0x1, v6;
	(xrf0) =	vadd.scan.msk.s32 $0xffff, v11  }
0x3d6: {  	(xrf0) =	vadd.scan.msk.s32 $0xffff, v12;
	_ =	sdelay $0x4  }
0x3d7: {  	v11, _, _ =	vpop (xrf0)  }
0x3d8: {  	v10 =	vadd.s32 v11, v10;
	v11, _, _ =	vpop (xrf0)  }
0x3d9: {  	v10 =	vadd.s32 $0xFFFFFFFF, v10;
	v9 =	vadd.s32 v11, v9  }
0x3da: {  	v9 =	vadd.s32 $0xFFFFFFFF, v9  }
0x3db: {  	s5 =	sadd.s32 $0x10, s3  }
0x3dc: {  	s0 =	sadd.s32 s16, s5  }
0x3dd: {  	v11 =	vor.u32 s0, v0  }
0x3de: {  	s3 =	simm.s32 $0x0;
	[tilespmem:v10+s4+$0x0] =	vst.idx.msk vm2, v11  }
0x3df: {  	s7 =	rddreg [dreg:$0x14];
	s8 =	simm.s32 $0x7;
	[tilespmem:v9+s2+$0x0] =	vst.idx.msk vm3, v11;
	v9 =	vor.u32 s3, v3  }
0x3e0: {  	v10 =	vor.u32 s3, v1;
	[tilespmem:s30], [sflag:$0x6] =	stream.linear.gather [hbm4b:s7+s3], $0x640, $0x38;
	[tilespmem:$0x11D00] =	vst v63  }
0x3e1: {  	_ =	swait.ge [sflag:s8], $0x640  }
0x3e2: {  	v11 =	vor.u32 s3, v4;
	[sflag:s8] =	ssyncset.done $0x0  }
0x3e3: {  	[sflag:s8] =	ssyncadd.s32 $0xFFFFF9C0  }
0x3e4: {  	v12 =	vor.u32 s3, v5;
	v9 =	vld.idx.msk [tilespmem:v9+s31+$0x0], $0xffff  }
0x3e5: {  	v10 =	vld.idx.msk [tilespmem:v10+s31+$0x0], $0xffff;
	_ =	sdelay $0x1  }
0x3e6: {  	v11 =	vld.idx.msk [tilespmem:v11+s31+$0x0], $0xffff;
	_ =	sdelay $0x1  }
0x3e7: {  	v12 =	vld.idx.msk [tilespmem:v12+s31+$0x0], $0xffff  }
0x3e8: {  	v10 =	vmul.f32 v10, v10;
	v9 =	vmul.f32 v9, v9;
	_ =	sdelay $0x1  }
0x3e9: {  	v9 =	vadd.f32 v9, v10;
	v10 =	vmul.f32 v11, v11;
	_ =	sdelay $0x1  }
0x3ea: {  	v9 =	vadd.f32 v10, v9;
	v10 =	vmul.f32 v12, v12;
	_ =	sdelay $0x1  }
0x3eb: {  	v9 =	vadd.f32 v10, v9;
	_ =	sdelay $0x1  }
0x3ec: {  	vm0 =	vge.f32 v9, $4.000000000e+00  }
0x3ed: {  	vm1 =	vmneg vm0;
	v9 =	vsel vm0, $0x1, v6  }
0x3ee: {  	v10 =	vsel vm1, $0x1, v6;
	(xrf0) =	vadd.scan.msk.s32 $0xffff, v9  }
0x3ef: {  	(xrf0) =	vadd.scan.msk.s32 $0xffff, v10;
	_ =	sdelay $0x2  }
0x3f0: {  	v9 =	vmpcnt.ones.xlane vm2  }
0x3f1: {  	v11 =	vmpcnt.ones.xlane vm0;
	v10 =	vmpcnt.ones.xlane vm3  }
0x3f2: {  	v9 =	vadd.s32 v7, v9;
	v13, _, _ =	vpop (xrf0)  }
0x3f3: {  	v10 =	vadd.s32 v8, v10;
	v7 =	vadd.s32 v9, v11;
	v9 =	vadd.s32 v13, v9;
	v13, _, _ =	vpop (xrf0)  }
0x3f4: {  	v12 =	vmpcnt.ones.xlane vm1;
	v11 =	vadd.s32 $0xFFFFFFFF, v9;
	v9 =	vadd.s32 v13, v10  }
0x3f5: {  	s1 =	simm.s32 $0x40;
	v13 =	vadd.s32 $0xFFFFFFFF, v9  }
0x3f6: {  	v14 =	vor.u32 s1, v3;
	v8 =	vadd.s32 v10, v12  }
0x3f7: {  	s5 =	simm.s32 $0x80;
	s0 =	sadd.s32 $0x0, s17;
	v12 =	vor.u32 s1, v1;
	v10 =	vmov v7;
	v9 =	vmov v8  }
.LBB2_30:
0x3f8: {  	p0 =	sne.s32 s5, $0x600;
	v15 =	vor.u32 s0, v0  }
0x3f9: {  	v16 =	vor.u32 s1, v4;
	[tilespmem:v11+s4+$0x0] =	vst.idx.msk vm0, v15  }
0x3fa: {  	[tilespmem:v13+s2+$0x0] =	vst.idx.msk vm1, v15  }
0x3fb: {  	v13 =	vor.u32 s1, v5;
	s1 =	smov.u32 s5;
	v11 =	vld.idx.msk [tilespmem:v14+s31+$0x0], $0xffff  }
0x3fc: {  	v12 =	vld.idx.msk [tilespmem:v12+s31+$0x0], $0xffff;
	_ =	sdelay $0x1  }
0x3fd: {  	v14 =	vld.idx.msk [tilespmem:v16+s31+$0x0], $0xffff;
	_ =	sdelay $0x1  }
0x3fe: {  	v13 =	vld.idx.msk [tilespmem:v13+s31+$0x0], $0xffff;
	_ =	sdelay $0x1  }
0x3ff: {  	v11 =	vmul.f32 v11, v11;
	v12 =	vmul.f32 v12, v12;
	_ =	sdelay $0x1  }
0x400: {  	v11 =	vadd.f32 v11, v12;
	v12 =	vmul.f32 v14, v14;
	_ =	sdelay $0x1  }
0x401: {  	v11 =	vadd.f32 v12, v11;
	v12 =	vmul.f32 v13, v13;
	_ =	sdelay $0x1  }
0x402: {  	v11 =	vadd.f32 v12, v11;
	_ =	sdelay $0x1  }
0x403: {  	vm0 =	vge.f32 v11, $4.000000000e+00  }
0x404: {  	vm1 =	vmneg vm0;
	v11 =	vsel vm0, $0x1, v6;
	v12 =	vmpcnt.ones.xlane vm0  }
0x405: {  	v13 =	vsel vm1, $0x1, v6;
	v14 =	vmpcnt.ones.xlane vm1;
	(xrf0) =	vadd.scan.msk.s32 $0xffff, v11  }
0x406: {  	v7 =	vadd.s32 v7, v12;
	(xrf0) =	vadd.scan.msk.s32 $0xffff, v13  }
0x407: {  	v8 =	vadd.s32 v8, v14;
	_ =	sdelay $0x3  }
0x408: {  	v11, _, _ =	vpop (xrf0)  }
.Ltmp16:
0x409: {  	v11 =	vadd.s32 v11, v10;
	v12, _, _ =	vpop (xrf0);
	v10 =	vmov v7;
	(pc) =	sbr.rel @p0 .LBB2_30-.Ltmp16, $4  }
0x40a: {  	v11 =	vadd.s32 $0xFFFFFFFF, v11;
	v12 =	vadd.s32 v12, v9;
	v9 =	vmov v8  }
0x40b: {  	v13 =	vadd.s32 $0xFFFFFFFF, v12  }
0x40c: {  	s3 =	sadd.s32 $0x10, s3;
	v14 =	vor.u32 s5, v3  }
0x40d: {  	s0 =	sadd.s32 s17, s3;
	s5 =	sadd.s32 $0x40, s5;
	v12 =	vor.u32 s1, v1  }
0x40e: {  	_ =	sdelay $0x3  }
0x40f: {  	v15 =	vor.u32 s0, v0  }
0x410: {  	v16 =	vor.u32 s1, v4;
	[tilespmem:v11+s4+$0x0] =	vst.idx.msk vm0, v15  }
0x411: {  	[tilespmem:v13+s2+$0x0] =	vst.idx.msk vm1, v15  }
0x412: {  	v13 =	vor.u32 s1, v5;
	v11 =	vld.idx.msk [tilespmem:v14+s31+$0x0], $0xffff  }
0x413: {  	v12 =	vld.idx.msk [tilespmem:v12+s31+$0x0], $0xffff;
	_ =	sdelay $0x1  }
0x414: {  	v14 =	vld.idx.msk [tilespmem:v16+s31+$0x0], $0xffff;
	_ =	sdelay $0x1  }
0x415: {  	v13 =	vld.idx.msk [tilespmem:v13+s31+$0x0], $0xffff  }
0x416: {  	v12 =	vmul.f32 v12, v12;
	v11 =	vmul.f32 v11, v11;
	_ =	sdelay $0x1  }
0x417: {  	v11 =	vadd.f32 v11, v12;
	v12 =	vmul.f32 v14, v14;
	_ =	sdelay $0x1  }
0x418: {  	v11 =	vadd.f32 v12, v11;
	v12 =	vmul.f32 v13, v13;
	_ =	sdelay $0x1  }
0x419: {  	v11 =	vadd.f32 v12, v11;
	_ =	sdelay $0x1  }
0x41a: {  	vm2 =	vge.f32 v11, $4.000000000e+00  }
0x41b: {  	vm3 =	vmneg vm2;
	v11 =	vsel vm2, $0x1, v6  }
0x41c: {  	v12 =	vsel vm3, $0x1, v6;
	(xrf0) =	vadd.scan.msk.s32 $0xffff, v11  }
0x41d: {  	(xrf0) =	vadd.scan.msk.s32 $0xffff, v12;
	_ =	sdelay $0x4  }
0x41e: {  	v11, _, _ =	vpop (xrf0)  }
0x41f: {  	v10 =	vadd.s32 v11, v10;
	v11, _, _ =	vpop (xrf0)  }
0x420: {  	v10 =	vadd.s32 $0xFFFFFFFF, v10;
	v9 =	vadd.s32 v11, v9  }
0x421: {  	v9 =	vadd.s32 $0xFFFFFFFF, v9  }
0x422: {  	s5 =	sadd.s32 $0x10, s3  }
0x423: {  	s0 =	sadd.s32 s17, s5  }
0x424: {  	v11 =	vor.u32 s0, v0  }
0x425: {  	s3 =	simm.s32 $0x0;
	[tilespmem:v10+s4+$0x0] =	vst.idx.msk vm2, v11  }
0x426: {  	s7 =	rddreg [dreg:$0x15];
	s8 =	simm.s32 $0x6;
	[tilespmem:v9+s2+$0x0] =	vst.idx.msk vm3, v11;
	v9 =	vor.u32 s3, v3  }
0x427: {  	v10 =	vor.u32 s3, v1;
	[tilespmem:s31], [sflag:$0x7] =	stream.linear.gather [hbm4b:s7+s3], $0x640, $0x38;
	[tilespmem:$0x11D00] =	vst v63  }
0x428: {  	_ =	swait.ge [sflag:s8], $0x640  }
0x429: {  	v11 =	vor.u32 s3, v4;
	[sflag:s8] =	ssyncset.done $0x0  }
0x42a: {  	[sflag:s8] =	ssyncadd.s32 $0xFFFFF9C0  }
0x42b: {  	v12 =	vor.u32 s3, v5;
	v9 =	vld.idx.msk [tilespmem:v9+s30+$0x0], $0xffff  }
0x42c: {  	v10 =	vld.idx.msk [tilespmem:v10+s30+$0x0], $0xffff;
	_ =	sdelay $0x1  }
0x42d: {  	v11 =	vld.idx.msk [tilespmem:v11+s30+$0x0], $0xffff;
	_ =	sdelay $0x1  }
0x42e: {  	v12 =	vld.idx.msk [tilespmem:v12+s30+$0x0], $0xffff  }
0x42f: {  	v10 =	vmul.f32 v10, v10;
	v9 =	vmul.f32 v9, v9;
	_ =	sdelay $0x1  }
0x430: {  	v9 =	vadd.f32 v9, v10;
	v10 =	vmul.f32 v11, v11;
	_ =	sdelay $0x1  }
0x431: {  	v9 =	vadd.f32 v10, v9;
	v10 =	vmul.f32 v12, v12;
	_ =	sdelay $0x1  }
0x432: {  	v9 =	vadd.f32 v10, v9;
	_ =	sdelay $0x1  }
0x433: {  	vm0 =	vge.f32 v9, $4.000000000e+00  }
0x434: {  	vm1 =	vmneg vm0;
	v9 =	vsel vm0, $0x1, v6  }
0x435: {  	v10 =	vsel vm1, $0x1, v6;
	(xrf0) =	vadd.scan.msk.s32 $0xffff, v9  }
0x436: {  	(xrf0) =	vadd.scan.msk.s32 $0xffff, v10;
	_ =	sdelay $0x2  }
0x437: {  	v9 =	vmpcnt.ones.xlane vm2  }
0x438: {  	v11 =	vmpcnt.ones.xlane vm0;
	v10 =	vmpcnt.ones.xlane vm3  }
0x439: {  	v9 =	vadd.s32 v7, v9;
	v13, _, _ =	vpop (xrf0)  }
0x43a: {  	v10 =	vadd.s32 v8, v10;
	v7 =	vadd.s32 v9, v11;
	v9 =	vadd.s32 v13, v9;
	v13, _, _ =	vpop (xrf0)  }
0x43b: {  	v12 =	vmpcnt.ones.xlane vm1;
	v11 =	vadd.s32 $0xFFFFFFFF, v9;
	v9 =	vadd.s32 v13, v10  }
0x43c: {  	s1 =	simm.s32 $0x40;
	v13 =	vadd.s32 $0xFFFFFFFF, v9  }
0x43d: {  	v14 =	vor.u32 s1, v3;
	v8 =	vadd.s32 v10, v12  }
0x43e: {  	s5 =	simm.s32 $0x80;
	s0 =	sadd.s32 $0x0, s18;
	v12 =	vor.u32 s1, v1;
	v10 =	vmov v7;
	v9 =	vmov v8  }
.LBB2_32:
0x43f: {  	p0 =	sne.s32 s5, $0x600;
	v15 =	vor.u32 s0, v0  }
0x440: {  	v16 =	vor.u32 s1, v4;
	[tilespmem:v11+s4+$0x0] =	vst.idx.msk vm0, v15  }
0x441: {  	[tilespmem:v13+s2+$0x0] =	vst.idx.msk vm1, v15  }
0x442: {  	v13 =	vor.u32 s1, v5;
	s1 =	smov.u32 s5;
	v11 =	vld.idx.msk [tilespmem:v14+s30+$0x0], $0xffff  }
0x443: {  	v12 =	vld.idx.msk [tilespmem:v12+s30+$0x0], $0xffff;
	_ =	sdelay $0x1  }
0x444: {  	v14 =	vld.idx.msk [tilespmem:v16+s30+$0x0], $0xffff;
	_ =	sdelay $0x1  }
0x445: {  	v13 =	vld.idx.msk [tilespmem:v13+s30+$0x0], $0xffff;
	_ =	sdelay $0x1  }
0x446: {  	v11 =	vmul.f32 v11, v11;
	v12 =	vmul.f32 v12, v12;
	_ =	sdelay $0x1  }
0x447: {  	v11 =	vadd.f32 v11, v12;
	v12 =	vmul.f32 v14, v14;
	_ =	sdelay $0x1  }
0x448: {  	v11 =	vadd.f32 v12, v11;
	v12 =	vmul.f32 v13, v13;
	_ =	sdelay $0x1  }
0x449: {  	v11 =	vadd.f32 v12, v11;
	_ =	sdelay $0x1  }
0x44a: {  	vm0 =	vge.f32 v11, $4.000000000e+00  }
0x44b: {  	vm1 =	vmneg vm0;
	v11 =	vsel vm0, $0x1, v6;
	v12 =	vmpcnt.ones.xlane vm0  }
0x44c: {  	v13 =	vsel vm1, $0x1, v6;
	v14 =	vmpcnt.ones.xlane vm1;
	(xrf0) =	vadd.scan.msk.s32 $0xffff, v11  }
0x44d: {  	v7 =	vadd.s32 v7, v12;
	(xrf0) =	vadd.scan.msk.s32 $0xffff, v13  }
0x44e: {  	v8 =	vadd.s32 v8, v14;
	_ =	sdelay $0x3  }
0x44f: {  	v11, _, _ =	vpop (xrf0)  }
.Ltmp17:
0x450: {  	v11 =	vadd.s32 v11, v10;
	v12, _, _ =	vpop (xrf0);
	v10 =	vmov v7;
	(pc) =	sbr.rel @p0 .LBB2_32-.Ltmp17, $4  }
0x451: {  	v11 =	vadd.s32 $0xFFFFFFFF, v11;
	v12 =	vadd.s32 v12, v9;
	v9 =	vmov v8  }
0x452: {  	v13 =	vadd.s32 $0xFFFFFFFF, v12  }
0x453: {  	s3 =	sadd.s32 $0x10, s3;
	v14 =	vor.u32 s5, v3  }
0x454: {  	s0 =	sadd.s32 s18, s3;
	s5 =	sadd.s32 $0x40, s5;
	v12 =	vor.u32 s1, v1  }
0x455: {  	_ =	sdelay $0x3  }
0x456: {  	v15 =	vor.u32 s0, v0  }
0x457: {  	v16 =	vor.u32 s1, v4;
	[tilespmem:v11+s4+$0x0] =	vst.idx.msk vm0, v15  }
0x458: {  	[tilespmem:v13+s2+$0x0] =	vst.idx.msk vm1, v15  }
0x459: {  	v13 =	vor.u32 s1, v5;
	v11 =	vld.idx.msk [tilespmem:v14+s30+$0x0], $0xffff  }
0x45a: {  	v12 =	vld.idx.msk [tilespmem:v12+s30+$0x0], $0xffff;
	_ =	sdelay $0x1  }
0x45b: {  	v14 =	vld.idx.msk [tilespmem:v16+s30+$0x0], $0xffff;
	_ =	sdelay $0x1  }
0x45c: {  	v13 =	vld.idx.msk [tilespmem:v13+s30+$0x0], $0xffff  }
0x45d: {  	v12 =	vmul.f32 v12, v12;
	v11 =	vmul.f32 v11, v11;
	_ =	sdelay $0x1  }
0x45e: {  	v11 =	vadd.f32 v11, v12;
	v12 =	vmul.f32 v14, v14;
	_ =	sdelay $0x1  }
0x45f: {  	v11 =	vadd.f32 v12, v11;
	v12 =	vmul.f32 v13, v13;
	_ =	sdelay $0x1  }
0x460: {  	v11 =	vadd.f32 v12, v11;
	_ =	sdelay $0x1  }
0x461: {  	vm2 =	vge.f32 v11, $4.000000000e+00  }
0x462: {  	vm3 =	vmneg vm2;
	v11 =	vsel vm2, $0x1, v6  }
0x463: {  	v12 =	vsel vm3, $0x1, v6;
	(xrf0) =	vadd.scan.msk.s32 $0xffff, v11  }
0x464: {  	(xrf0) =	vadd.scan.msk.s32 $0xffff, v12;
	_ =	sdelay $0x4  }
0x465: {  	v11, _, _ =	vpop (xrf0)  }
0x466: {  	v10 =	vadd.s32 v11, v10;
	v11, _, _ =	vpop (xrf0)  }
0x467: {  	v10 =	vadd.s32 $0xFFFFFFFF, v10;
	v9 =	vadd.s32 v11, v9  }
0x468: {  	v9 =	vadd.s32 $0xFFFFFFFF, v9  }
0x469: {  	s5 =	sadd.s32 $0x10, s3  }
0x46a: {  	s0 =	sadd.s32 s18, s5  }
0x46b: {  	v11 =	vor.u32 s0, v0  }
0x46c: {  	s3 =	simm.s32 $0x0;
	[tilespmem:v10+s4+$0x0] =	vst.idx.msk vm2, v11  }
0x46d: {  	s7 =	rddreg [dreg:$0x16];
	s8 =	simm.s32 $0x7;
	[tilespmem:v9+s2+$0x0] =	vst.idx.msk vm3, v11;
	v9 =	vor.u32 s3, v3  }
0x46e: {  	v10 =	vor.u32 s3, v1;
	[tilespmem:s30], [sflag:$0x6] =	stream.linear.gather [hbm4b:s7+s3], $0x640, $0x38;
	[tilespmem:$0x11D00] =	vst v63  }
0x46f: {  	_ =	swait.ge [sflag:s8], $0x640  }
0x470: {  	v11 =	vor.u32 s3, v4;
	[sflag:s8] =	ssyncset.done $0x0  }
0x471: {  	[sflag:s8] =	ssyncadd.s32 $0xFFFFF9C0  }
0x472: {  	v12 =	vor.u32 s3, v5;
	v9 =	vld.idx.msk [tilespmem:v9+s31+$0x0], $0xffff  }
0x473: {  	v10 =	vld.idx.msk [tilespmem:v10+s31+$0x0], $0xffff;
	_ =	sdelay $0x1  }
0x474: {  	v11 =	vld.idx.msk [tilespmem:v11+s31+$0x0], $0xffff;
	_ =	sdelay $0x1  }
0x475: {  	v12 =	vld.idx.msk [tilespmem:v12+s31+$0x0], $0xffff  }
0x476: {  	v10 =	vmul.f32 v10, v10;
	v9 =	vmul.f32 v9, v9;
	_ =	sdelay $0x1  }
0x477: {  	v9 =	vadd.f32 v9, v10;
	v10 =	vmul.f32 v11, v11;
	_ =	sdelay $0x1  }
0x478: {  	v9 =	vadd.f32 v10, v9;
	v10 =	vmul.f32 v12, v12;
	_ =	sdelay $0x1  }
0x479: {  	v9 =	vadd.f32 v10, v9;
	_ =	sdelay $0x1  }
0x47a: {  	vm0 =	vge.f32 v9, $4.000000000e+00  }
0x47b: {  	vm1 =	vmneg vm0;
	v9 =	vsel vm0, $0x1, v6  }
0x47c: {  	v10 =	vsel vm1, $0x1, v6;
	(xrf0) =	vadd.scan.msk.s32 $0xffff, v9  }
0x47d: {  	(xrf0) =	vadd.scan.msk.s32 $0xffff, v10;
	_ =	sdelay $0x2  }
0x47e: {  	v9 =	vmpcnt.ones.xlane vm2  }
0x47f: {  	v11 =	vmpcnt.ones.xlane vm0;
	v10 =	vmpcnt.ones.xlane vm3  }
0x480: {  	v9 =	vadd.s32 v7, v9;
	v13, _, _ =	vpop (xrf0)  }
0x481: {  	v10 =	vadd.s32 v8, v10;
	v7 =	vadd.s32 v9, v11;
	v9 =	vadd.s32 v13, v9;
	v13, _, _ =	vpop (xrf0)  }
0x482: {  	v12 =	vmpcnt.ones.xlane vm1;
	v11 =	vadd.s32 $0xFFFFFFFF, v9;
	v9 =	vadd.s32 v13, v10  }
0x483: {  	s1 =	simm.s32 $0x40;
	v13 =	vadd.s32 $0xFFFFFFFF, v9  }
0x484: {  	v14 =	vor.u32 s1, v3;
	v8 =	vadd.s32 v10, v12  }
0x485: {  	s5 =	simm.s32 $0x80;
	s0 =	sadd.s32 $0x0, s19;
	v12 =	vor.u32 s1, v1;
	v10 =	vmov v7;
	v9 =	vmov v8  }
.LBB2_34:
0x486: {  	p0 =	sne.s32 s5, $0x600;
	v15 =	vor.u32 s0, v0  }
0x487: {  	v16 =	vor.u32 s1, v4;
	[tilespmem:v11+s4+$0x0] =	vst.idx.msk vm0, v15  }
0x488: {  	[tilespmem:v13+s2+$0x0] =	vst.idx.msk vm1, v15  }
0x489: {  	v13 =	vor.u32 s1, v5;
	s1 =	smov.u32 s5;
	v11 =	vld.idx.msk [tilespmem:v14+s31+$0x0], $0xffff  }
0x48a: {  	v12 =	vld.idx.msk [tilespmem:v12+s31+$0x0], $0xffff;
	_ =	sdelay $0x1  }
0x48b: {  	v14 =	vld.idx.msk [tilespmem:v16+s31+$0x0], $0xffff;
	_ =	sdelay $0x1  }
0x48c: {  	v13 =	vld.idx.msk [tilespmem:v13+s31+$0x0], $0xffff;
	_ =	sdelay $0x1  }
0x48d: {  	v11 =	vmul.f32 v11, v11;
	v12 =	vmul.f32 v12, v12;
	_ =	sdelay $0x1  }
0x48e: {  	v11 =	vadd.f32 v11, v12;
	v12 =	vmul.f32 v14, v14;
	_ =	sdelay $0x1  }
0x48f: {  	v11 =	vadd.f32 v12, v11;
	v12 =	vmul.f32 v13, v13;
	_ =	sdelay $0x1  }
0x490: {  	v11 =	vadd.f32 v12, v11;
	_ =	sdelay $0x1  }
0x491: {  	vm0 =	vge.f32 v11, $4.000000000e+00  }
0x492: {  	vm1 =	vmneg vm0;
	v11 =	vsel vm0, $0x1, v6;
	v12 =	vmpcnt.ones.xlane vm0  }
0x493: {  	v13 =	vsel vm1, $0x1, v6;
	v14 =	vmpcnt.ones.xlane vm1;
	(xrf0) =	vadd.scan.msk.s32 $0xffff, v11  }
0x494: {  	v7 =	vadd.s32 v7, v12;
	(xrf0) =	vadd.scan.msk.s32 $0xffff, v13  }
0x495: {  	v8 =	vadd.s32 v8, v14;
	_ =	sdelay $0x3  }
0x496: {  	v11, _, _ =	vpop (xrf0)  }
.Ltmp18:
0x497: {  	v11 =	vadd.s32 v11, v10;
	v12, _, _ =	vpop (xrf0);
	v10 =	vmov v7;
	(pc) =	sbr.rel @p0 .LBB2_34-.Ltmp18, $4  }
0x498: {  	v11 =	vadd.s32 $0xFFFFFFFF, v11;
	v12 =	vadd.s32 v12, v9;
	v9 =	vmov v8  }
0x499: {  	v13 =	vadd.s32 $0xFFFFFFFF, v12  }
0x49a: {  	s3 =	sadd.s32 $0x10, s3;
	v14 =	vor.u32 s5, v3  }
0x49b: {  	s0 =	sadd.s32 s19, s3;
	s5 =	sadd.s32 $0x40, s5;
	v12 =	vor.u32 s1, v1  }
0x49c: {  	_ =	sdelay $0x3  }
0x49d: {  	v15 =	vor.u32 s0, v0  }
0x49e: {  	v16 =	vor.u32 s1, v4;
	[tilespmem:v11+s4+$0x0] =	vst.idx.msk vm0, v15  }
0x49f: {  	[tilespmem:v13+s2+$0x0] =	vst.idx.msk vm1, v15  }
0x4a0: {  	v13 =	vor.u32 s1, v5;
	v11 =	vld.idx.msk [tilespmem:v14+s31+$0x0], $0xffff  }
0x4a1: {  	v12 =	vld.idx.msk [tilespmem:v12+s31+$0x0], $0xffff;
	_ =	sdelay $0x1  }
0x4a2: {  	v14 =	vld.idx.msk [tilespmem:v16+s31+$0x0], $0xffff;
	_ =	sdelay $0x1  }
0x4a3: {  	v13 =	vld.idx.msk [tilespmem:v13+s31+$0x0], $0xffff  }
0x4a4: {  	v12 =	vmul.f32 v12, v12;
	v11 =	vmul.f32 v11, v11;
	_ =	sdelay $0x1  }
0x4a5: {  	v11 =	vadd.f32 v11, v12;
	v12 =	vmul.f32 v14, v14;
	_ =	sdelay $0x1  }
0x4a6: {  	v11 =	vadd.f32 v12, v11;
	v12 =	vmul.f32 v13, v13;
	_ =	sdelay $0x1  }
0x4a7: {  	v11 =	vadd.f32 v12, v11;
	_ =	sdelay $0x1  }
0x4a8: {  	vm2 =	vge.f32 v11, $4.000000000e+00  }
0x4a9: {  	vm3 =	vmneg vm2;
	v11 =	vsel vm2, $0x1, v6  }
0x4aa: {  	v12 =	vsel vm3, $0x1, v6;
	(xrf0) =	vadd.scan.msk.s32 $0xffff, v11  }
0x4ab: {  	(xrf0) =	vadd.scan.msk.s32 $0xffff, v12;
	_ =	sdelay $0x4  }
0x4ac: {  	v11, _, _ =	vpop (xrf0)  }
0x4ad: {  	v10 =	vadd.s32 v11, v10;
	v11, _, _ =	vpop (xrf0)  }
0x4ae: {  	v10 =	vadd.s32 $0xFFFFFFFF, v10;
	v9 =	vadd.s32 v11, v9  }
0x4af: {  	v9 =	vadd.s32 $0xFFFFFFFF, v9  }
0x4b0: {  	s5 =	sadd.s32 $0x10, s3  }
0x4b1: {  	s0 =	sadd.s32 s19, s5  }
0x4b2: {  	v11 =	vor.u32 s0, v0  }
0x4b3: {  	s3 =	simm.s32 $0x0;
	[tilespmem:v10+s4+$0x0] =	vst.idx.msk vm2, v11  }
0x4b4: {  	s7 =	rddreg [dreg:$0x17];
	s8 =	simm.s32 $0x6;
	[tilespmem:v9+s2+$0x0] =	vst.idx.msk vm3, v11;
	v9 =	vor.u32 s3, v3  }
0x4b5: {  	v10 =	vor.u32 s3, v1;
	[tilespmem:s31], [sflag:$0x7] =	stream.linear.gather [hbm4b:s7+s3], $0x640, $0x38;
	[tilespmem:$0x11D00] =	vst v63  }
0x4b6: {  	_ =	swait.ge [sflag:s8], $0x640  }
0x4b7: {  	v11 =	vor.u32 s3, v4;
	[sflag:s8] =	ssyncset.done $0x0  }
0x4b8: {  	[sflag:s8] =	ssyncadd.s32 $0xFFFFF9C0  }
0x4b9: {  	v12 =	vor.u32 s3, v5;
	v9 =	vld.idx.msk [tilespmem:v9+s30+$0x0], $0xffff  }
0x4ba: {  	v10 =	vld.idx.msk [tilespmem:v10+s30+$0x0], $0xffff;
	_ =	sdelay $0x1  }
0x4bb: {  	v11 =	vld.idx.msk [tilespmem:v11+s30+$0x0], $0xffff;
	_ =	sdelay $0x1  }
0x4bc: {  	v12 =	vld.idx.msk [tilespmem:v12+s30+$0x0], $0xffff  }
0x4bd: {  	v10 =	vmul.f32 v10, v10;
	v9 =	vmul.f32 v9, v9;
	_ =	sdelay $0x1  }
0x4be: {  	v9 =	vadd.f32 v9, v10;
	v10 =	vmul.f32 v11, v11;
	_ =	sdelay $0x1  }
0x4bf: {  	v9 =	vadd.f32 v10, v9;
	v10 =	vmul.f32 v12, v12;
	_ =	sdelay $0x1  }
0x4c0: {  	v9 =	vadd.f32 v10, v9;
	_ =	sdelay $0x1  }
0x4c1: {  	vm0 =	vge.f32 v9, $4.000000000e+00  }
0x4c2: {  	vm1 =	vmneg vm0;
	v9 =	vsel vm0, $0x1, v6  }
0x4c3: {  	v10 =	vsel vm1, $0x1, v6;
	(xrf0) =	vadd.scan.msk.s32 $0xffff, v9  }
0x4c4: {  	(xrf0) =	vadd.scan.msk.s32 $0xffff, v10;
	_ =	sdelay $0x2  }
0x4c5: {  	v9 =	vmpcnt.ones.xlane vm2  }
0x4c6: {  	v11 =	vmpcnt.ones.xlane vm0;
	v10 =	vmpcnt.ones.xlane vm3  }
0x4c7: {  	v9 =	vadd.s32 v7, v9;
	v13, _, _ =	vpop (xrf0)  }
0x4c8: {  	v10 =	vadd.s32 v8, v10;
	v7 =	vadd.s32 v9, v11;
	v9 =	vadd.s32 v13, v9;
	v13, _, _ =	vpop (xrf0)  }
0x4c9: {  	v12 =	vmpcnt.ones.xlane vm1;
	v11 =	vadd.s32 $0xFFFFFFFF, v9;
	v9 =	vadd.s32 v13, v10  }
0x4ca: {  	s1 =	simm.s32 $0x40;
	v13 =	vadd.s32 $0xFFFFFFFF, v9  }
0x4cb: {  	v14 =	vor.u32 s1, v3;
	v8 =	vadd.s32 v10, v12  }
0x4cc: {  	s5 =	simm.s32 $0x80;
	s0 =	sadd.s32 $0x0, s20;
	v12 =	vor.u32 s1, v1;
	v10 =	vmov v7;
	v9 =	vmov v8  }
.LBB2_36:
0x4cd: {  	p0 =	sne.s32 s5, $0x600;
	v15 =	vor.u32 s0, v0  }
0x4ce: {  	v16 =	vor.u32 s1, v4;
	[tilespmem:v11+s4+$0x0] =	vst.idx.msk vm0, v15  }
0x4cf: {  	[tilespmem:v13+s2+$0x0] =	vst.idx.msk vm1, v15  }
0x4d0: {  	v13 =	vor.u32 s1, v5;
	s1 =	smov.u32 s5;
	v11 =	vld.idx.msk [tilespmem:v14+s30+$0x0], $0xffff  }
0x4d1: {  	v12 =	vld.idx.msk [tilespmem:v12+s30+$0x0], $0xffff;
	_ =	sdelay $0x1  }
0x4d2: {  	v14 =	vld.idx.msk [tilespmem:v16+s30+$0x0], $0xffff;
	_ =	sdelay $0x1  }
0x4d3: {  	v13 =	vld.idx.msk [tilespmem:v13+s30+$0x0], $0xffff;
	_ =	sdelay $0x1  }
0x4d4: {  	v11 =	vmul.f32 v11, v11;
	v12 =	vmul.f32 v12, v12;
	_ =	sdelay $0x1  }
0x4d5: {  	v11 =	vadd.f32 v11, v12;
	v12 =	vmul.f32 v14, v14;
	_ =	sdelay $0x1  }
0x4d6: {  	v11 =	vadd.f32 v12, v11;
	v12 =	vmul.f32 v13, v13;
	_ =	sdelay $0x1  }
0x4d7: {  	v11 =	vadd.f32 v12, v11;
	_ =	sdelay $0x1  }
0x4d8: {  	vm0 =	vge.f32 v11, $4.000000000e+00  }
0x4d9: {  	vm1 =	vmneg vm0;
	v11 =	vsel vm0, $0x1, v6;
	v12 =	vmpcnt.ones.xlane vm0  }
0x4da: {  	v13 =	vsel vm1, $0x1, v6;
	v14 =	vmpcnt.ones.xlane vm1;
	(xrf0) =	vadd.scan.msk.s32 $0xffff, v11  }
0x4db: {  	v7 =	vadd.s32 v7, v12;
	(xrf0) =	vadd.scan.msk.s32 $0xffff, v13  }
0x4dc: {  	v8 =	vadd.s32 v8, v14;
	_ =	sdelay $0x3  }
0x4dd: {  	v11, _, _ =	vpop (xrf0)  }
.Ltmp19:
0x4de: {  	v11 =	vadd.s32 v11, v10;
	v12, _, _ =	vpop (xrf0);
	v10 =	vmov v7;
	(pc) =	sbr.rel @p0 .LBB2_36-.Ltmp19, $4  }
0x4df: {  	v11 =	vadd.s32 $0xFFFFFFFF, v11;
	v12 =	vadd.s32 v12, v9;
	v9 =	vmov v8  }
0x4e0: {  	v13 =	vadd.s32 $0xFFFFFFFF, v12  }
0x4e1: {  	s3 =	sadd.s32 $0x10, s3;
	v14 =	vor.u32 s5, v3  }
0x4e2: {  	s0 =	sadd.s32 s20, s3;
	s5 =	sadd.s32 $0x40, s5;
	v12 =	vor.u32 s1, v1  }
0x4e3: {  	_ =	sdelay $0x3  }
0x4e4: {  	v15 =	vor.u32 s0, v0  }
0x4e5: {  	v16 =	vor.u32 s1, v4;
	[tilespmem:v11+s4+$0x0] =	vst.idx.msk vm0, v15  }
0x4e6: {  	[tilespmem:v13+s2+$0x0] =	vst.idx.msk vm1, v15  }
0x4e7: {  	v13 =	vor.u32 s1, v5;
	v11 =	vld.idx.msk [tilespmem:v14+s30+$0x0], $0xffff  }
0x4e8: {  	v12 =	vld.idx.msk [tilespmem:v12+s30+$0x0], $0xffff;
	_ =	sdelay $0x1  }
0x4e9: {  	v14 =	vld.idx.msk [tilespmem:v16+s30+$0x0], $0xffff;
	_ =	sdelay $0x1  }
0x4ea: {  	v13 =	vld.idx.msk [tilespmem:v13+s30+$0x0], $0xffff  }
0x4eb: {  	v12 =	vmul.f32 v12, v12;
	v11 =	vmul.f32 v11, v11;
	_ =	sdelay $0x1  }
0x4ec: {  	v11 =	vadd.f32 v11, v12;
	v12 =	vmul.f32 v14, v14;
	_ =	sdelay $0x1  }
0x4ed: {  	v11 =	vadd.f32 v12, v11;
	v12 =	vmul.f32 v13, v13;
	_ =	sdelay $0x1  }
0x4ee: {  	v11 =	vadd.f32 v12, v11;
	_ =	sdelay $0x1  }
0x4ef: {  	vm2 =	vge.f32 v11, $4.000000000e+00  }
0x4f0: {  	vm3 =	vmneg vm2;
	v11 =	vsel vm2, $0x1, v6  }
0x4f1: {  	v12 =	vsel vm3, $0x1, v6;
	(xrf0) =	vadd.scan.msk.s32 $0xffff, v11  }
0x4f2: {  	(xrf0) =	vadd.scan.msk.s32 $0xffff, v12;
	_ =	sdelay $0x4  }
0x4f3: {  	v11, _, _ =	vpop (xrf0)  }
0x4f4: {  	v10 =	vadd.s32 v11, v10;
	v11, _, _ =	vpop (xrf0)  }
0x4f5: {  	v10 =	vadd.s32 $0xFFFFFFFF, v10;
	v9 =	vadd.s32 v11, v9  }
0x4f6: {  	v9 =	vadd.s32 $0xFFFFFFFF, v9  }
0x4f7: {  	s5 =	sadd.s32 $0x10, s3  }
0x4f8: {  	s0 =	sadd.s32 s20, s5  }
0x4f9: {  	v11 =	vor.u32 s0, v0  }
0x4fa: {  	s3 =	simm.s32 $0x0;
	[tilespmem:v10+s4+$0x0] =	vst.idx.msk vm2, v11  }
0x4fb: {  	s7 =	rddreg [dreg:$0x18];
	s8 =	simm.s32 $0x7;
	[tilespmem:v9+s2+$0x0] =	vst.idx.msk vm3, v11;
	v9 =	vor.u32 s3, v3  }
0x4fc: {  	v10 =	vor.u32 s3, v1;
	[tilespmem:s30], [sflag:$0x6] =	stream.linear.gather [hbm4b:s7+s3], $0x640, $0x38;
	[tilespmem:$0x11D00] =	vst v63  }
0x4fd: {  	_ =	swait.ge [sflag:s8], $0x640  }
0x4fe: {  	v11 =	vor.u32 s3, v4;
	[sflag:s8] =	ssyncset.done $0x0  }
0x4ff: {  	[sflag:s8] =	ssyncadd.s32 $0xFFFFF9C0  }
0x500: {  	v12 =	vor.u32 s3, v5;
	v9 =	vld.idx.msk [tilespmem:v9+s31+$0x0], $0xffff  }
0x501: {  	v10 =	vld.idx.msk [tilespmem:v10+s31+$0x0], $0xffff;
	_ =	sdelay $0x1  }
0x502: {  	v11 =	vld.idx.msk [tilespmem:v11+s31+$0x0], $0xffff;
	_ =	sdelay $0x1  }
0x503: {  	v12 =	vld.idx.msk [tilespmem:v12+s31+$0x0], $0xffff  }
0x504: {  	v10 =	vmul.f32 v10, v10;
	v9 =	vmul.f32 v9, v9;
	_ =	sdelay $0x1  }
0x505: {  	v9 =	vadd.f32 v9, v10;
	v10 =	vmul.f32 v11, v11;
	_ =	sdelay $0x1  }
0x506: {  	v9 =	vadd.f32 v10, v9;
	v10 =	vmul.f32 v12, v12;
	_ =	sdelay $0x1  }
0x507: {  	v9 =	vadd.f32 v10, v9;
	_ =	sdelay $0x1  }
0x508: {  	vm0 =	vge.f32 v9, $4.000000000e+00  }
0x509: {  	vm1 =	vmneg vm0;
	v9 =	vsel vm0, $0x1, v6  }
0x50a: {  	v10 =	vsel vm1, $0x1, v6;
	(xrf0) =	vadd.scan.msk.s32 $0xffff, v9  }
0x50b: {  	(xrf0) =	vadd.scan.msk.s32 $0xffff, v10;
	_ =	sdelay $0x2  }
0x50c: {  	v9 =	vmpcnt.ones.xlane vm2  }
0x50d: {  	v11 =	vmpcnt.ones.xlane vm0;
	v10 =	vmpcnt.ones.xlane vm3  }
0x50e: {  	v9 =	vadd.s32 v7, v9;
	v13, _, _ =	vpop (xrf0)  }
0x50f: {  	v10 =	vadd.s32 v8, v10;
	v7 =	vadd.s32 v9, v11;
	v9 =	vadd.s32 v13, v9;
	v13, _, _ =	vpop (xrf0)  }
0x510: {  	v12 =	vmpcnt.ones.xlane vm1;
	v11 =	vadd.s32 $0xFFFFFFFF, v9;
	v9 =	vadd.s32 v13, v10  }
0x511: {  	s1 =	simm.s32 $0x40;
	v13 =	vadd.s32 $0xFFFFFFFF, v9  }
0x512: {  	v14 =	vor.u32 s1, v3;
	v8 =	vadd.s32 v10, v12  }
0x513: {  	s5 =	simm.s32 $0x80;
	s0 =	sadd.s32 $0x0, s21;
	v12 =	vor.u32 s1, v1;
	v10 =	vmov v7;
	v9 =	vmov v8  }
.LBB2_38:
0x514: {  	p0 =	sne.s32 s5, $0x600;
	v15 =	vor.u32 s0, v0  }
0x515: {  	v16 =	vor.u32 s1, v4;
	[tilespmem:v11+s4+$0x0] =	vst.idx.msk vm0, v15  }
0x516: {  	[tilespmem:v13+s2+$0x0] =	vst.idx.msk vm1, v15  }
0x517: {  	v13 =	vor.u32 s1, v5;
	s1 =	smov.u32 s5;
	v11 =	vld.idx.msk [tilespmem:v14+s31+$0x0], $0xffff  }
0x518: {  	v12 =	vld.idx.msk [tilespmem:v12+s31+$0x0], $0xffff;
	_ =	sdelay $0x1  }
0x519: {  	v14 =	vld.idx.msk [tilespmem:v16+s31+$0x0], $0xffff;
	_ =	sdelay $0x1  }
0x51a: {  	v13 =	vld.idx.msk [tilespmem:v13+s31+$0x0], $0xffff;
	_ =	sdelay $0x1  }
0x51b: {  	v11 =	vmul.f32 v11, v11;
	v12 =	vmul.f32 v12, v12;
	_ =	sdelay $0x1  }
0x51c: {  	v11 =	vadd.f32 v11, v12;
	v12 =	vmul.f32 v14, v14;
	_ =	sdelay $0x1  }
0x51d: {  	v11 =	vadd.f32 v12, v11;
	v12 =	vmul.f32 v13, v13;
	_ =	sdelay $0x1  }
0x51e: {  	v11 =	vadd.f32 v12, v11;
	_ =	sdelay $0x1  }
0x51f: {  	vm0 =	vge.f32 v11, $4.000000000e+00  }
0x520: {  	vm1 =	vmneg vm0;
	v11 =	vsel vm0, $0x1, v6;
	v12 =	vmpcnt.ones.xlane vm0  }
0x521: {  	v13 =	vsel vm1, $0x1, v6;
	v14 =	vmpcnt.ones.xlane vm1;
	(xrf0) =	vadd.scan.msk.s32 $0xffff, v11  }
0x522: {  	v7 =	vadd.s32 v7, v12;
	(xrf0) =	vadd.scan.msk.s32 $0xffff, v13  }
0x523: {  	v8 =	vadd.s32 v8, v14;
	_ =	sdelay $0x3  }
0x524: {  	v11, _, _ =	vpop (xrf0)  }
.Ltmp20:
0x525: {  	v11 =	vadd.s32 v11, v10;
	v12, _, _ =	vpop (xrf0);
	v10 =	vmov v7;
	(pc) =	sbr.rel @p0 .LBB2_38-.Ltmp20, $4  }
0x526: {  	v11 =	vadd.s32 $0xFFFFFFFF, v11;
	v12 =	vadd.s32 v12, v9;
	v9 =	vmov v8  }
0x527: {  	v13 =	vadd.s32 $0xFFFFFFFF, v12  }
0x528: {  	s3 =	sadd.s32 $0x10, s3;
	v14 =	vor.u32 s5, v3  }
0x529: {  	s0 =	sadd.s32 s21, s3;
	s5 =	sadd.s32 $0x40, s5;
	v12 =	vor.u32 s1, v1  }
0x52a: {  	_ =	sdelay $0x3  }
0x52b: {  	v15 =	vor.u32 s0, v0  }
0x52c: {  	v16 =	vor.u32 s1, v4;
	[tilespmem:v11+s4+$0x0] =	vst.idx.msk vm0, v15  }
0x52d: {  	[tilespmem:v13+s2+$0x0] =	vst.idx.msk vm1, v15  }
0x52e: {  	v13 =	vor.u32 s1, v5;
	v11 =	vld.idx.msk [tilespmem:v14+s31+$0x0], $0xffff  }
0x52f: {  	v12 =	vld.idx.msk [tilespmem:v12+s31+$0x0], $0xffff;
	_ =	sdelay $0x1  }
0x530: {  	v14 =	vld.idx.msk [tilespmem:v16+s31+$0x0], $0xffff;
	_ =	sdelay $0x1  }
0x531: {  	v13 =	vld.idx.msk [tilespmem:v13+s31+$0x0], $0xffff  }
0x532: {  	v12 =	vmul.f32 v12, v12;
	v11 =	vmul.f32 v11, v11;
	_ =	sdelay $0x1  }
0x533: {  	v11 =	vadd.f32 v11, v12;
	v12 =	vmul.f32 v14, v14;
	_ =	sdelay $0x1  }
0x534: {  	v11 =	vadd.f32 v12, v11;
	v12 =	vmul.f32 v13, v13;
	_ =	sdelay $0x1  }
0x535: {  	v11 =	vadd.f32 v12, v11;
	_ =	sdelay $0x1  }
0x536: {  	vm2 =	vge.f32 v11, $4.000000000e+00  }
0x537: {  	vm3 =	vmneg vm2;
	v11 =	vsel vm2, $0x1, v6  }
0x538: {  	v12 =	vsel vm3, $0x1, v6;
	(xrf0) =	vadd.scan.msk.s32 $0xffff, v11  }
0x539: {  	(xrf0) =	vadd.scan.msk.s32 $0xffff, v12;
	_ =	sdelay $0x4  }
0x53a: {  	v11, _, _ =	vpop (xrf0)  }
0x53b: {  	v10 =	vadd.s32 v11, v10;
	v11, _, _ =	vpop (xrf0)  }
0x53c: {  	v10 =	vadd.s32 $0xFFFFFFFF, v10;
	v9 =	vadd.s32 v11, v9  }
0x53d: {  	v9 =	vadd.s32 $0xFFFFFFFF, v9  }
0x53e: {  	s5 =	sadd.s32 $0x10, s3  }
0x53f: {  	s0 =	sadd.s32 s21, s5  }
0x540: {  	v11 =	vor.u32 s0, v0  }
0x541: {  	s3 =	simm.s32 $0x0;
	[tilespmem:v10+s4+$0x0] =	vst.idx.msk vm2, v11  }
0x542: {  	s7 =	rddreg [dreg:$0x19];
	s8 =	simm.s32 $0x6;
	[tilespmem:v9+s2+$0x0] =	vst.idx.msk vm3, v11;
	v9 =	vor.u32 s3, v3  }
0x543: {  	v10 =	vor.u32 s3, v1;
	[tilespmem:s31], [sflag:$0x7] =	stream.linear.gather [hbm4b:s7+s3], $0x640, $0x38;
	[tilespmem:$0x11D00] =	vst v63  }
0x544: {  	_ =	swait.ge [sflag:s8], $0x640  }
0x545: {  	v11 =	vor.u32 s3, v4;
	[sflag:s8] =	ssyncset.done $0x0  }
0x546: {  	[sflag:s8] =	ssyncadd.s32 $0xFFFFF9C0  }
0x547: {  	v12 =	vor.u32 s3, v5;
	v9 =	vld.idx.msk [tilespmem:v9+s30+$0x0], $0xffff  }
0x548: {  	v10 =	vld.idx.msk [tilespmem:v10+s30+$0x0], $0xffff;
	_ =	sdelay $0x1  }
0x549: {  	v11 =	vld.idx.msk [tilespmem:v11+s30+$0x0], $0xffff;
	_ =	sdelay $0x1  }
0x54a: {  	v12 =	vld.idx.msk [tilespmem:v12+s30+$0x0], $0xffff  }
0x54b: {  	v10 =	vmul.f32 v10, v10;
	v9 =	vmul.f32 v9, v9;
	_ =	sdelay $0x1  }
0x54c: {  	v9 =	vadd.f32 v9, v10;
	v10 =	vmul.f32 v11, v11;
	_ =	sdelay $0x1  }
0x54d: {  	v9 =	vadd.f32 v10, v9;
	v10 =	vmul.f32 v12, v12;
	_ =	sdelay $0x1  }
0x54e: {  	v9 =	vadd.f32 v10, v9;
	_ =	sdelay $0x1  }
0x54f: {  	vm0 =	vge.f32 v9, $4.000000000e+00  }
0x550: {  	vm1 =	vmneg vm0;
	v9 =	vsel vm0, $0x1, v6  }
0x551: {  	v10 =	vsel vm1, $0x1, v6;
	(xrf0) =	vadd.scan.msk.s32 $0xffff, v9  }
0x552: {  	(xrf0) =	vadd.scan.msk.s32 $0xffff, v10;
	_ =	sdelay $0x2  }
0x553: {  	v9 =	vmpcnt.ones.xlane vm2  }
0x554: {  	v11 =	vmpcnt.ones.xlane vm0;
	v10 =	vmpcnt.ones.xlane vm3  }
0x555: {  	v9 =	vadd.s32 v7, v9;
	v13, _, _ =	vpop (xrf0)  }
0x556: {  	v10 =	vadd.s32 v8, v10;
	v7 =	vadd.s32 v9, v11;
	v9 =	vadd.s32 v13, v9;
	v13, _, _ =	vpop (xrf0)  }
0x557: {  	v12 =	vmpcnt.ones.xlane vm1;
	v11 =	vadd.s32 $0xFFFFFFFF, v9;
	v9 =	vadd.s32 v13, v10  }
0x558: {  	s1 =	simm.s32 $0x40;
	v13 =	vadd.s32 $0xFFFFFFFF, v9  }
0x559: {  	v14 =	vor.u32 s1, v3;
	v8 =	vadd.s32 v10, v12  }
0x55a: {  	s5 =	simm.s32 $0x80;
	s0 =	sadd.s32 $0x0, s22;
	v12 =	vor.u32 s1, v1;
	v10 =	vmov v7;
	v9 =	vmov v8  }
.LBB2_40:
0x55b: {  	p0 =	sne.s32 s5, $0x600;
	v15 =	vor.u32 s0, v0  }
0x55c: {  	v16 =	vor.u32 s1, v4;
	[tilespmem:v11+s4+$0x0] =	vst.idx.msk vm0, v15  }
0x55d: {  	[tilespmem:v13+s2+$0x0] =	vst.idx.msk vm1, v15  }
0x55e: {  	v13 =	vor.u32 s1, v5;
	s1 =	smov.u32 s5;
	v11 =	vld.idx.msk [tilespmem:v14+s30+$0x0], $0xffff  }
0x55f: {  	v12 =	vld.idx.msk [tilespmem:v12+s30+$0x0], $0xffff;
	_ =	sdelay $0x1  }
0x560: {  	v14 =	vld.idx.msk [tilespmem:v16+s30+$0x0], $0xffff;
	_ =	sdelay $0x1  }
0x561: {  	v13 =	vld.idx.msk [tilespmem:v13+s30+$0x0], $0xffff;
	_ =	sdelay $0x1  }
0x562: {  	v11 =	vmul.f32 v11, v11;
	v12 =	vmul.f32 v12, v12;
	_ =	sdelay $0x1  }
0x563: {  	v11 =	vadd.f32 v11, v12;
	v12 =	vmul.f32 v14, v14;
	_ =	sdelay $0x1  }
0x564: {  	v11 =	vadd.f32 v12, v11;
	v12 =	vmul.f32 v13, v13;
	_ =	sdelay $0x1  }
0x565: {  	v11 =	vadd.f32 v12, v11;
	_ =	sdelay $0x1  }
0x566: {  	vm0 =	vge.f32 v11, $4.000000000e+00  }
0x567: {  	vm1 =	vmneg vm0;
	v11 =	vsel vm0, $0x1, v6;
	v12 =	vmpcnt.ones.xlane vm0  }
0x568: {  	v13 =	vsel vm1, $0x1, v6;
	v14 =	vmpcnt.ones.xlane vm1;
	(xrf0) =	vadd.scan.msk.s32 $0xffff, v11  }
0x569: {  	v7 =	vadd.s32 v7, v12;
	(xrf0) =	vadd.scan.msk.s32 $0xffff, v13  }
0x56a: {  	v8 =	vadd.s32 v8, v14;
	_ =	sdelay $0x3  }
0x56b: {  	v11, _, _ =	vpop (xrf0)  }
.Ltmp21:
0x56c: {  	v11 =	vadd.s32 v11, v10;
	v12, _, _ =	vpop (xrf0);
	v10 =	vmov v7;
	(pc) =	sbr.rel @p0 .LBB2_40-.Ltmp21, $4  }
0x56d: {  	v11 =	vadd.s32 $0xFFFFFFFF, v11;
	v12 =	vadd.s32 v12, v9;
	v9 =	vmov v8  }
0x56e: {  	v13 =	vadd.s32 $0xFFFFFFFF, v12  }
0x56f: {  	s3 =	sadd.s32 $0x10, s3;
	v14 =	vor.u32 s5, v3  }
0x570: {  	s0 =	sadd.s32 s22, s3;
	s5 =	sadd.s32 $0x40, s5;
	v12 =	vor.u32 s1, v1  }
0x571: {  	_ =	sdelay $0x3  }
0x572: {  	v15 =	vor.u32 s0, v0  }
0x573: {  	v16 =	vor.u32 s1, v4;
	[tilespmem:v11+s4+$0x0] =	vst.idx.msk vm0, v15  }
0x574: {  	[tilespmem:v13+s2+$0x0] =	vst.idx.msk vm1, v15  }
0x575: {  	v13 =	vor.u32 s1, v5;
	v11 =	vld.idx.msk [tilespmem:v14+s30+$0x0], $0xffff  }
0x576: {  	v12 =	vld.idx.msk [tilespmem:v12+s30+$0x0], $0xffff;
	_ =	sdelay $0x1  }
0x577: {  	v14 =	vld.idx.msk [tilespmem:v16+s30+$0x0], $0xffff;
	_ =	sdelay $0x1  }
0x578: {  	v13 =	vld.idx.msk [tilespmem:v13+s30+$0x0], $0xffff  }
0x579: {  	v12 =	vmul.f32 v12, v12;
	v11 =	vmul.f32 v11, v11;
	_ =	sdelay $0x1  }
0x57a: {  	v11 =	vadd.f32 v11, v12;
	v12 =	vmul.f32 v14, v14;
	_ =	sdelay $0x1  }
0x57b: {  	v11 =	vadd.f32 v12, v11;
	v12 =	vmul.f32 v13, v13;
	_ =	sdelay $0x1  }
0x57c: {  	v11 =	vadd.f32 v12, v11;
	_ =	sdelay $0x1  }
0x57d: {  	vm2 =	vge.f32 v11, $4.000000000e+00  }
0x57e: {  	vm3 =	vmneg vm2;
	v11 =	vsel vm2, $0x1, v6  }
0x57f: {  	v12 =	vsel vm3, $0x1, v6;
	(xrf0) =	vadd.scan.msk.s32 $0xffff, v11  }
0x580: {  	(xrf0) =	vadd.scan.msk.s32 $0xffff, v12;
	_ =	sdelay $0x4  }
0x581: {  	v11, _, _ =	vpop (xrf0)  }
0x582: {  	v10 =	vadd.s32 v11, v10;
	v11, _, _ =	vpop (xrf0)  }
0x583: {  	v10 =	vadd.s32 $0xFFFFFFFF, v10;
	v9 =	vadd.s32 v11, v9  }
0x584: {  	v9 =	vadd.s32 $0xFFFFFFFF, v9  }
0x585: {  	s5 =	sadd.s32 $0x10, s3  }
0x586: {  	s0 =	sadd.s32 s22, s5  }
0x587: {  	v11 =	vor.u32 s0, v0  }
0x588: {  	s3 =	simm.s32 $0x0;
	[tilespmem:v10+s4+$0x0] =	vst.idx.msk vm2, v11  }
0x589: {  	s7 =	rddreg [dreg:$0x1a];
	s8 =	simm.s32 $0x7;
	[tilespmem:v9+s2+$0x0] =	vst.idx.msk vm3, v11;
	v9 =	vor.u32 s3, v3  }
0x58a: {  	v10 =	vor.u32 s3, v1;
	[tilespmem:s30], [sflag:$0x6] =	stream.linear.gather [hbm4b:s7+s3], $0x640, $0x38;
	[tilespmem:$0x11D00] =	vst v63  }
0x58b: {  	_ =	swait.ge [sflag:s8], $0x640  }
0x58c: {  	v11 =	vor.u32 s3, v4;
	[sflag:s8] =	ssyncset.done $0x0  }
0x58d: {  	[sflag:s8] =	ssyncadd.s32 $0xFFFFF9C0  }
0x58e: {  	v12 =	vor.u32 s3, v5;
	v9 =	vld.idx.msk [tilespmem:v9+s31+$0x0], $0xffff  }
0x58f: {  	v10 =	vld.idx.msk [tilespmem:v10+s31+$0x0], $0xffff;
	_ =	sdelay $0x1  }
0x590: {  	v11 =	vld.idx.msk [tilespmem:v11+s31+$0x0], $0xffff;
	_ =	sdelay $0x1  }
0x591: {  	v12 =	vld.idx.msk [tilespmem:v12+s31+$0x0], $0xffff  }
0x592: {  	v10 =	vmul.f32 v10, v10;
	v9 =	vmul.f32 v9, v9;
	_ =	sdelay $0x1  }
0x593: {  	v9 =	vadd.f32 v9, v10;
	v10 =	vmul.f32 v11, v11;
	_ =	sdelay $0x1  }
0x594: {  	v9 =	vadd.f32 v10, v9;
	v10 =	vmul.f32 v12, v12;
	_ =	sdelay $0x1  }
0x595: {  	v9 =	vadd.f32 v10, v9;
	_ =	sdelay $0x1  }
0x596: {  	vm0 =	vge.f32 v9, $4.000000000e+00  }
0x597: {  	vm1 =	vmneg vm0;
	v9 =	vsel vm0, $0x1, v6  }
0x598: {  	v10 =	vsel vm1, $0x1, v6;
	(xrf0) =	vadd.scan.msk.s32 $0xffff, v9  }
0x599: {  	(xrf0) =	vadd.scan.msk.s32 $0xffff, v10;
	_ =	sdelay $0x2  }
0x59a: {  	v9 =	vmpcnt.ones.xlane vm2  }
0x59b: {  	v11 =	vmpcnt.ones.xlane vm0;
	v10 =	vmpcnt.ones.xlane vm3  }
0x59c: {  	v9 =	vadd.s32 v7, v9;
	v13, _, _ =	vpop (xrf0)  }
0x59d: {  	v10 =	vadd.s32 v8, v10;
	v7 =	vadd.s32 v9, v11;
	v9 =	vadd.s32 v13, v9;
	v13, _, _ =	vpop (xrf0)  }
0x59e: {  	v12 =	vmpcnt.ones.xlane vm1;
	v11 =	vadd.s32 $0xFFFFFFFF, v9;
	v9 =	vadd.s32 v13, v10  }
0x59f: {  	s1 =	simm.s32 $0x40;
	v13 =	vadd.s32 $0xFFFFFFFF, v9  }
0x5a0: {  	v14 =	vor.u32 s1, v3;
	v8 =	vadd.s32 v10, v12  }
0x5a1: {  	s5 =	simm.s32 $0x80;
	s0 =	sadd.s32 $0x0, s23;
	v12 =	vor.u32 s1, v1;
	v10 =	vmov v7;
	v9 =	vmov v8  }
.LBB2_42:
0x5a2: {  	p0 =	sne.s32 s5, $0x600;
	v15 =	vor.u32 s0, v0  }
0x5a3: {  	v16 =	vor.u32 s1, v4;
	[tilespmem:v11+s4+$0x0] =	vst.idx.msk vm0, v15  }
0x5a4: {  	[tilespmem:v13+s2+$0x0] =	vst.idx.msk vm1, v15  }
0x5a5: {  	v13 =	vor.u32 s1, v5;
	s1 =	smov.u32 s5;
	v11 =	vld.idx.msk [tilespmem:v14+s31+$0x0], $0xffff  }
0x5a6: {  	v12 =	vld.idx.msk [tilespmem:v12+s31+$0x0], $0xffff;
	_ =	sdelay $0x1  }
0x5a7: {  	v14 =	vld.idx.msk [tilespmem:v16+s31+$0x0], $0xffff;
	_ =	sdelay $0x1  }
0x5a8: {  	v13 =	vld.idx.msk [tilespmem:v13+s31+$0x0], $0xffff;
	_ =	sdelay $0x1  }
0x5a9: {  	v11 =	vmul.f32 v11, v11;
	v12 =	vmul.f32 v12, v12;
	_ =	sdelay $0x1  }
0x5aa: {  	v11 =	vadd.f32 v11, v12;
	v12 =	vmul.f32 v14, v14;
	_ =	sdelay $0x1  }
0x5ab: {  	v11 =	vadd.f32 v12, v11;
	v12 =	vmul.f32 v13, v13;
	_ =	sdelay $0x1  }
0x5ac: {  	v11 =	vadd.f32 v12, v11;
	_ =	sdelay $0x1  }
0x5ad: {  	vm0 =	vge.f32 v11, $4.000000000e+00  }
0x5ae: {  	vm1 =	vmneg vm0;
	v11 =	vsel vm0, $0x1, v6;
	v12 =	vmpcnt.ones.xlane vm0  }
0x5af: {  	v13 =	vsel vm1, $0x1, v6;
	v14 =	vmpcnt.ones.xlane vm1;
	(xrf0) =	vadd.scan.msk.s32 $0xffff, v11  }
0x5b0: {  	v7 =	vadd.s32 v7, v12;
	(xrf0) =	vadd.scan.msk.s32 $0xffff, v13  }
0x5b1: {  	v8 =	vadd.s32 v8, v14;
	_ =	sdelay $0x3  }
0x5b2: {  	v11, _, _ =	vpop (xrf0)  }
.Ltmp22:
0x5b3: {  	v11 =	vadd.s32 v11, v10;
	v12, _, _ =	vpop (xrf0);
	v10 =	vmov v7;
	(pc) =	sbr.rel @p0 .LBB2_42-.Ltmp22, $4  }
0x5b4: {  	v11 =	vadd.s32 $0xFFFFFFFF, v11;
	v12 =	vadd.s32 v12, v9;
	v9 =	vmov v8  }
0x5b5: {  	v13 =	vadd.s32 $0xFFFFFFFF, v12  }
0x5b6: {  	s3 =	sadd.s32 $0x10, s3;
	v14 =	vor.u32 s5, v3  }
0x5b7: {  	s0 =	sadd.s32 s23, s3;
	s5 =	sadd.s32 $0x40, s5;
	v12 =	vor.u32 s1, v1  }
0x5b8: {  	_ =	sdelay $0x3  }
0x5b9: {  	v15 =	vor.u32 s0, v0  }
0x5ba: {  	v16 =	vor.u32 s1, v4;
	[tilespmem:v11+s4+$0x0] =	vst.idx.msk vm0, v15  }
0x5bb: {  	[tilespmem:v13+s2+$0x0] =	vst.idx.msk vm1, v15  }
0x5bc: {  	v13 =	vor.u32 s1, v5;
	v11 =	vld.idx.msk [tilespmem:v14+s31+$0x0], $0xffff  }
0x5bd: {  	v12 =	vld.idx.msk [tilespmem:v12+s31+$0x0], $0xffff;
	_ =	sdelay $0x1  }
0x5be: {  	v14 =	vld.idx.msk [tilespmem:v16+s31+$0x0], $0xffff;
	_ =	sdelay $0x1  }
0x5bf: {  	v13 =	vld.idx.msk [tilespmem:v13+s31+$0x0], $0xffff  }
0x5c0: {  	v12 =	vmul.f32 v12, v12;
	v11 =	vmul.f32 v11, v11;
	_ =	sdelay $0x1  }
0x5c1: {  	v11 =	vadd.f32 v11, v12;
	v12 =	vmul.f32 v14, v14;
	_ =	sdelay $0x1  }
0x5c2: {  	v11 =	vadd.f32 v12, v11;
	v12 =	vmul.f32 v13, v13;
	_ =	sdelay $0x1  }
0x5c3: {  	v11 =	vadd.f32 v12, v11;
	_ =	sdelay $0x1  }
0x5c4: {  	vm2 =	vge.f32 v11, $4.000000000e+00  }
0x5c5: {  	vm3 =	vmneg vm2;
	v11 =	vsel vm2, $0x1, v6  }
0x5c6: {  	v12 =	vsel vm3, $0x1, v6;
	(xrf0) =	vadd.scan.msk.s32 $0xffff, v11  }
0x5c7: {  	(xrf0) =	vadd.scan.msk.s32 $0xffff, v12;
	_ =	sdelay $0x4  }
0x5c8: {  	v11, _, _ =	vpop (xrf0)  }
0x5c9: {  	v10 =	vadd.s32 v11, v10;
	v11, _, _ =	vpop (xrf0)  }
0x5ca: {  	v10 =	vadd.s32 $0xFFFFFFFF, v10;
	v9 =	vadd.s32 v11, v9  }
0x5cb: {  	v9 =	vadd.s32 $0xFFFFFFFF, v9  }
0x5cc: {  	s5 =	sadd.s32 $0x10, s3  }
0x5cd: {  	s0 =	sadd.s32 s23, s5  }
0x5ce: {  	v11 =	vor.u32 s0, v0  }
0x5cf: {  	s3 =	simm.s32 $0x0;
	[tilespmem:v10+s4+$0x0] =	vst.idx.msk vm2, v11  }
0x5d0: {  	s7 =	rddreg [dreg:$0x1b];
	s8 =	simm.s32 $0x6;
	[tilespmem:v9+s2+$0x0] =	vst.idx.msk vm3, v11;
	v9 =	vor.u32 s3, v3  }
0x5d1: {  	v10 =	vor.u32 s3, v1;
	[tilespmem:s31], [sflag:$0x7] =	stream.linear.gather [hbm4b:s7+s3], $0x640, $0x38;
	[tilespmem:$0x11D00] =	vst v63  }
0x5d2: {  	_ =	swait.ge [sflag:s8], $0x640  }
0x5d3: {  	v11 =	vor.u32 s3, v4;
	[sflag:s8] =	ssyncset.done $0x0  }
0x5d4: {  	[sflag:s8] =	ssyncadd.s32 $0xFFFFF9C0  }
0x5d5: {  	v12 =	vor.u32 s3, v5;
	v9 =	vld.idx.msk [tilespmem:v9+s30+$0x0], $0xffff  }
0x5d6: {  	v10 =	vld.idx.msk [tilespmem:v10+s30+$0x0], $0xffff;
	_ =	sdelay $0x1  }
0x5d7: {  	v11 =	vld.idx.msk [tilespmem:v11+s30+$0x0], $0xffff;
	_ =	sdelay $0x1  }
0x5d8: {  	v12 =	vld.idx.msk [tilespmem:v12+s30+$0x0], $0xffff  }
0x5d9: {  	v10 =	vmul.f32 v10, v10;
	v9 =	vmul.f32 v9, v9;
	_ =	sdelay $0x1  }
0x5da: {  	v9 =	vadd.f32 v9, v10;
	v10 =	vmul.f32 v11, v11;
	_ =	sdelay $0x1  }
0x5db: {  	v9 =	vadd.f32 v10, v9;
	v10 =	vmul.f32 v12, v12;
	_ =	sdelay $0x1  }
0x5dc: {  	v9 =	vadd.f32 v10, v9;
	_ =	sdelay $0x1  }
0x5dd: {  	vm0 =	vge.f32 v9, $4.000000000e+00  }
0x5de: {  	vm1 =	vmneg vm0;
	v9 =	vsel vm0, $0x1, v6  }
0x5df: {  	v10 =	vsel vm1, $0x1, v6;
	(xrf0) =	vadd.scan.msk.s32 $0xffff, v9  }
0x5e0: {  	(xrf0) =	vadd.scan.msk.s32 $0xffff, v10;
	_ =	sdelay $0x2  }
0x5e1: {  	v9 =	vmpcnt.ones.xlane vm2  }
0x5e2: {  	v11 =	vmpcnt.ones.xlane vm0;
	v10 =	vmpcnt.ones.xlane vm3  }
0x5e3: {  	v9 =	vadd.s32 v7, v9;
	v13, _, _ =	vpop (xrf0)  }
0x5e4: {  	v10 =	vadd.s32 v8, v10;
	v7 =	vadd.s32 v9, v11;
	v9 =	vadd.s32 v13, v9;
	v13, _, _ =	vpop (xrf0)  }
0x5e5: {  	v12 =	vmpcnt.ones.xlane vm1;
	v11 =	vadd.s32 $0xFFFFFFFF, v9;
	v9 =	vadd.s32 v13, v10  }
0x5e6: {  	s1 =	simm.s32 $0x40;
	v13 =	vadd.s32 $0xFFFFFFFF, v9  }
0x5e7: {  	v14 =	vor.u32 s1, v3;
	v8 =	vadd.s32 v10, v12  }
0x5e8: {  	s5 =	simm.s32 $0x80;
	s0 =	sadd.s32 $0x0, s24;
	v12 =	vor.u32 s1, v1;
	v10 =	vmov v7;
	v9 =	vmov v8  }
.LBB2_44:
0x5e9: {  	p0 =	sne.s32 s5, $0x600;
	v15 =	vor.u32 s0, v0  }
0x5ea: {  	v16 =	vor.u32 s1, v4;
	[tilespmem:v11+s4+$0x0] =	vst.idx.msk vm0, v15  }
0x5eb: {  	[tilespmem:v13+s2+$0x0] =	vst.idx.msk vm1, v15  }
0x5ec: {  	v13 =	vor.u32 s1, v5;
	s1 =	smov.u32 s5;
	v11 =	vld.idx.msk [tilespmem:v14+s30+$0x0], $0xffff  }
0x5ed: {  	v12 =	vld.idx.msk [tilespmem:v12+s30+$0x0], $0xffff;
	_ =	sdelay $0x1  }
0x5ee: {  	v14 =	vld.idx.msk [tilespmem:v16+s30+$0x0], $0xffff;
	_ =	sdelay $0x1  }
0x5ef: {  	v13 =	vld.idx.msk [tilespmem:v13+s30+$0x0], $0xffff;
	_ =	sdelay $0x1  }
0x5f0: {  	v11 =	vmul.f32 v11, v11;
	v12 =	vmul.f32 v12, v12;
	_ =	sdelay $0x1  }
0x5f1: {  	v11 =	vadd.f32 v11, v12;
	v12 =	vmul.f32 v14, v14;
	_ =	sdelay $0x1  }
0x5f2: {  	v11 =	vadd.f32 v12, v11;
	v12 =	vmul.f32 v13, v13;
	_ =	sdelay $0x1  }
0x5f3: {  	v11 =	vadd.f32 v12, v11;
	_ =	sdelay $0x1  }
0x5f4: {  	vm0 =	vge.f32 v11, $4.000000000e+00  }
0x5f5: {  	vm1 =	vmneg vm0;
	v11 =	vsel vm0, $0x1, v6;
	v12 =	vmpcnt.ones.xlane vm0  }
0x5f6: {  	v13 =	vsel vm1, $0x1, v6;
	v14 =	vmpcnt.ones.xlane vm1;
	(xrf0) =	vadd.scan.msk.s32 $0xffff, v11  }
0x5f7: {  	v7 =	vadd.s32 v7, v12;
	(xrf0) =	vadd.scan.msk.s32 $0xffff, v13  }
0x5f8: {  	v8 =	vadd.s32 v8, v14;
	_ =	sdelay $0x3  }
0x5f9: {  	v11, _, _ =	vpop (xrf0)  }
.Ltmp23:
0x5fa: {  	v11 =	vadd.s32 v11, v10;
	v12, _, _ =	vpop (xrf0);
	v10 =	vmov v7;
	(pc) =	sbr.rel @p0 .LBB2_44-.Ltmp23, $4  }
0x5fb: {  	v11 =	vadd.s32 $0xFFFFFFFF, v11;
	v12 =	vadd.s32 v12, v9;
	v9 =	vmov v8  }
0x5fc: {  	v13 =	vadd.s32 $0xFFFFFFFF, v12  }
0x5fd: {  	s3 =	sadd.s32 $0x10, s3;
	v14 =	vor.u32 s5, v3  }
0x5fe: {  	s0 =	sadd.s32 s24, s3;
	s5 =	sadd.s32 $0x40, s5;
	v12 =	vor.u32 s1, v1  }
0x5ff: {  	_ =	sdelay $0x3  }
0x600: {  	v15 =	vor.u32 s0, v0  }
0x601: {  	v16 =	vor.u32 s1, v4;
	[tilespmem:v11+s4+$0x0] =	vst.idx.msk vm0, v15  }
0x602: {  	[tilespmem:v13+s2+$0x0] =	vst.idx.msk vm1, v15  }
0x603: {  	v13 =	vor.u32 s1, v5;
	v11 =	vld.idx.msk [tilespmem:v14+s30+$0x0], $0xffff  }
0x604: {  	v12 =	vld.idx.msk [tilespmem:v12+s30+$0x0], $0xffff;
	_ =	sdelay $0x1  }
0x605: {  	v14 =	vld.idx.msk [tilespmem:v16+s30+$0x0], $0xffff;
	_ =	sdelay $0x1  }
0x606: {  	v13 =	vld.idx.msk [tilespmem:v13+s30+$0x0], $0xffff  }
0x607: {  	v12 =	vmul.f32 v12, v12;
	v11 =	vmul.f32 v11, v11;
	_ =	sdelay $0x1  }
0x608: {  	v11 =	vadd.f32 v11, v12;
	v12 =	vmul.f32 v14, v14;
	_ =	sdelay $0x1  }
0x609: {  	v11 =	vadd.f32 v12, v11;
	v12 =	vmul.f32 v13, v13;
	_ =	sdelay $0x1  }
0x60a: {  	v11 =	vadd.f32 v12, v11;
	_ =	sdelay $0x1  }
0x60b: {  	vm2 =	vge.f32 v11, $4.000000000e+00  }
0x60c: {  	vm3 =	vmneg vm2;
	v11 =	vsel vm2, $0x1, v6  }
0x60d: {  	v12 =	vsel vm3, $0x1, v6;
	(xrf0) =	vadd.scan.msk.s32 $0xffff, v11  }
0x60e: {  	(xrf0) =	vadd.scan.msk.s32 $0xffff, v12;
	_ =	sdelay $0x4  }
0x60f: {  	v11, _, _ =	vpop (xrf0)  }
0x610: {  	v10 =	vadd.s32 v11, v10;
	v11, _, _ =	vpop (xrf0)  }
0x611: {  	v10 =	vadd.s32 $0xFFFFFFFF, v10;
	v9 =	vadd.s32 v11, v9  }
0x612: {  	v9 =	vadd.s32 $0xFFFFFFFF, v9  }
0x613: {  	s5 =	sadd.s32 $0x10, s3  }
0x614: {  	s0 =	sadd.s32 s24, s5  }
0x615: {  	v11 =	vor.u32 s0, v0  }
0x616: {  	s3 =	simm.s32 $0x0;
	[tilespmem:v10+s4+$0x0] =	vst.idx.msk vm2, v11  }
0x617: {  	s7 =	rddreg [dreg:$0x1c];
	s8 =	simm.s32 $0x7;
	[tilespmem:v9+s2+$0x0] =	vst.idx.msk vm3, v11;
	v9 =	vor.u32 s3, v3  }
0x618: {  	v10 =	vor.u32 s3, v1;
	[tilespmem:s30], [sflag:$0x6] =	stream.linear.gather [hbm4b:s7+s3], $0x640, $0x38;
	[tilespmem:$0x11D00] =	vst v63  }
0x619: {  	_ =	swait.ge [sflag:s8], $0x640  }
0x61a: {  	v11 =	vor.u32 s3, v4;
	[sflag:s8] =	ssyncset.done $0x0  }
0x61b: {  	[sflag:s8] =	ssyncadd.s32 $0xFFFFF9C0  }
0x61c: {  	v12 =	vor.u32 s3, v5;
	v9 =	vld.idx.msk [tilespmem:v9+s31+$0x0], $0xffff  }
0x61d: {  	v10 =	vld.idx.msk [tilespmem:v10+s31+$0x0], $0xffff;
	_ =	sdelay $0x1  }
0x61e: {  	v11 =	vld.idx.msk [tilespmem:v11+s31+$0x0], $0xffff;
	_ =	sdelay $0x1  }
0x61f: {  	v12 =	vld.idx.msk [tilespmem:v12+s31+$0x0], $0xffff  }
0x620: {  	v10 =	vmul.f32 v10, v10;
	v9 =	vmul.f32 v9, v9;
	_ =	sdelay $0x1  }
0x621: {  	v9 =	vadd.f32 v9, v10;
	v10 =	vmul.f32 v11, v11;
	_ =	sdelay $0x1  }
0x622: {  	v9 =	vadd.f32 v10, v9;
	v10 =	vmul.f32 v12, v12;
	_ =	sdelay $0x1  }
0x623: {  	v9 =	vadd.f32 v10, v9;
	_ =	sdelay $0x1  }
0x624: {  	vm0 =	vge.f32 v9, $4.000000000e+00  }
0x625: {  	vm1 =	vmneg vm0;
	v9 =	vsel vm0, $0x1, v6  }
0x626: {  	v10 =	vsel vm1, $0x1, v6;
	(xrf0) =	vadd.scan.msk.s32 $0xffff, v9  }
0x627: {  	(xrf0) =	vadd.scan.msk.s32 $0xffff, v10;
	_ =	sdelay $0x2  }
0x628: {  	v9 =	vmpcnt.ones.xlane vm2  }
0x629: {  	v11 =	vmpcnt.ones.xlane vm0;
	v10 =	vmpcnt.ones.xlane vm3  }
0x62a: {  	v9 =	vadd.s32 v7, v9;
	v13, _, _ =	vpop (xrf0)  }
0x62b: {  	v10 =	vadd.s32 v8, v10;
	v7 =	vadd.s32 v9, v11;
	v9 =	vadd.s32 v13, v9;
	v13, _, _ =	vpop (xrf0)  }
0x62c: {  	v12 =	vmpcnt.ones.xlane vm1;
	v11 =	vadd.s32 $0xFFFFFFFF, v9;
	v9 =	vadd.s32 v13, v10  }
0x62d: {  	s1 =	simm.s32 $0x40;
	v13 =	vadd.s32 $0xFFFFFFFF, v9  }
0x62e: {  	v14 =	vor.u32 s1, v3;
	v8 =	vadd.s32 v10, v12  }
0x62f: {  	s5 =	simm.s32 $0x80;
	s0 =	sadd.s32 $0x0, s25;
	v12 =	vor.u32 s1, v1;
	v10 =	vmov v7;
	v9 =	vmov v8  }
.LBB2_46:
0x630: {  	p0 =	sne.s32 s5, $0x600;
	v15 =	vor.u32 s0, v0  }
0x631: {  	v16 =	vor.u32 s1, v4;
	[tilespmem:v11+s4+$0x0] =	vst.idx.msk vm0, v15  }
0x632: {  	[tilespmem:v13+s2+$0x0] =	vst.idx.msk vm1, v15  }
0x633: {  	v13 =	vor.u32 s1, v5;
	s1 =	smov.u32 s5;
	v11 =	vld.idx.msk [tilespmem:v14+s31+$0x0], $0xffff  }
0x634: {  	v12 =	vld.idx.msk [tilespmem:v12+s31+$0x0], $0xffff;
	_ =	sdelay $0x1  }
0x635: {  	v14 =	vld.idx.msk [tilespmem:v16+s31+$0x0], $0xffff;
	_ =	sdelay $0x1  }
0x636: {  	v13 =	vld.idx.msk [tilespmem:v13+s31+$0x0], $0xffff;
	_ =	sdelay $0x1  }
0x637: {  	v11 =	vmul.f32 v11, v11;
	v12 =	vmul.f32 v12, v12;
	_ =	sdelay $0x1  }
0x638: {  	v11 =	vadd.f32 v11, v12;
	v12 =	vmul.f32 v14, v14;
	_ =	sdelay $0x1  }
0x639: {  	v11 =	vadd.f32 v12, v11;
	v12 =	vmul.f32 v13, v13;
	_ =	sdelay $0x1  }
0x63a: {  	v11 =	vadd.f32 v12, v11;
	_ =	sdelay $0x1  }
0x63b: {  	vm0 =	vge.f32 v11, $4.000000000e+00  }
0x63c: {  	vm1 =	vmneg vm0;
	v11 =	vsel vm0, $0x1, v6;
	v12 =	vmpcnt.ones.xlane vm0  }
0x63d: {  	v13 =	vsel vm1, $0x1, v6;
	v14 =	vmpcnt.ones.xlane vm1;
	(xrf0) =	vadd.scan.msk.s32 $0xffff, v11  }
0x63e: {  	v7 =	vadd.s32 v7, v12;
	(xrf0) =	vadd.scan.msk.s32 $0xffff, v13  }
0x63f: {  	v8 =	vadd.s32 v8, v14;
	_ =	sdelay $0x3  }
0x640: {  	v11, _, _ =	vpop (xrf0)  }
.Ltmp24:
0x641: {  	v11 =	vadd.s32 v11, v10;
	v12, _, _ =	vpop (xrf0);
	v10 =	vmov v7;
	(pc) =	sbr.rel @p0 .LBB2_46-.Ltmp24, $4  }
0x642: {  	v11 =	vadd.s32 $0xFFFFFFFF, v11;
	v12 =	vadd.s32 v12, v9;
	v9 =	vmov v8  }
0x643: {  	v13 =	vadd.s32 $0xFFFFFFFF, v12  }
0x644: {  	s3 =	sadd.s32 $0x10, s3;
	v14 =	vor.u32 s5, v3  }
0x645: {  	s0 =	sadd.s32 s25, s3;
	s5 =	sadd.s32 $0x40, s5;
	v12 =	vor.u32 s1, v1  }
0x646: {  	_ =	sdelay $0x3  }
0x647: {  	v15 =	vor.u32 s0, v0  }
0x648: {  	v16 =	vor.u32 s1, v4;
	[tilespmem:v11+s4+$0x0] =	vst.idx.msk vm0, v15  }
0x649: {  	[tilespmem:v13+s2+$0x0] =	vst.idx.msk vm1, v15  }
0x64a: {  	v13 =	vor.u32 s1, v5;
	v11 =	vld.idx.msk [tilespmem:v14+s31+$0x0], $0xffff  }
0x64b: {  	v12 =	vld.idx.msk [tilespmem:v12+s31+$0x0], $0xffff;
	_ =	sdelay $0x1  }
0x64c: {  	v14 =	vld.idx.msk [tilespmem:v16+s31+$0x0], $0xffff;
	_ =	sdelay $0x1  }
0x64d: {  	v13 =	vld.idx.msk [tilespmem:v13+s31+$0x0], $0xffff  }
0x64e: {  	v12 =	vmul.f32 v12, v12;
	v11 =	vmul.f32 v11, v11;
	_ =	sdelay $0x1  }
0x64f: {  	v11 =	vadd.f32 v11, v12;
	v12 =	vmul.f32 v14, v14;
	_ =	sdelay $0x1  }
0x650: {  	v11 =	vadd.f32 v12, v11;
	v12 =	vmul.f32 v13, v13;
	_ =	sdelay $0x1  }
0x651: {  	v11 =	vadd.f32 v12, v11;
	_ =	sdelay $0x1  }
0x652: {  	vm2 =	vge.f32 v11, $4.000000000e+00  }
0x653: {  	vm3 =	vmneg vm2;
	v11 =	vsel vm2, $0x1, v6  }
0x654: {  	v12 =	vsel vm3, $0x1, v6;
	(xrf0) =	vadd.scan.msk.s32 $0xffff, v11  }
0x655: {  	(xrf0) =	vadd.scan.msk.s32 $0xffff, v12;
	_ =	sdelay $0x4  }
0x656: {  	v11, _, _ =	vpop (xrf0)  }
0x657: {  	v10 =	vadd.s32 v11, v10;
	v11, _, _ =	vpop (xrf0)  }
0x658: {  	v10 =	vadd.s32 $0xFFFFFFFF, v10;
	v9 =	vadd.s32 v11, v9  }
0x659: {  	v9 =	vadd.s32 $0xFFFFFFFF, v9  }
0x65a: {  	s5 =	sadd.s32 $0x10, s3  }
0x65b: {  	s0 =	sadd.s32 s25, s5  }
0x65c: {  	v11 =	vor.u32 s0, v0  }
0x65d: {  	s3 =	simm.s32 $0x0;
	[tilespmem:v10+s4+$0x0] =	vst.idx.msk vm2, v11  }
0x65e: {  	s7 =	rddreg [dreg:$0x1d];
	s8 =	simm.s32 $0x6;
	[tilespmem:v9+s2+$0x0] =	vst.idx.msk vm3, v11;
	v9 =	vor.u32 s3, v3  }
0x65f: {  	v10 =	vor.u32 s3, v1;
	[tilespmem:s31], [sflag:$0x7] =	stream.linear.gather [hbm4b:s7+s3], $0x640, $0x38;
	[tilespmem:$0x11D00] =	vst v63  }
0x660: {  	_ =	swait.ge [sflag:s8], $0x640  }
0x661: {  	v11 =	vor.u32 s3, v4;
	[sflag:s8] =	ssyncset.done $0x0  }
0x662: {  	[sflag:s8] =	ssyncadd.s32 $0xFFFFF9C0  }
0x663: {  	v12 =	vor.u32 s3, v5;
	v9 =	vld.idx.msk [tilespmem:v9+s30+$0x0], $0xffff  }
0x664: {  	v10 =	vld.idx.msk [tilespmem:v10+s30+$0x0], $0xffff;
	_ =	sdelay $0x1  }
0x665: {  	v11 =	vld.idx.msk [tilespmem:v11+s30+$0x0], $0xffff;
	_ =	sdelay $0x1  }
0x666: {  	v12 =	vld.idx.msk [tilespmem:v12+s30+$0x0], $0xffff  }
0x667: {  	v10 =	vmul.f32 v10, v10;
	v9 =	vmul.f32 v9, v9;
	_ =	sdelay $0x1  }
0x668: {  	v9 =	vadd.f32 v9, v10;
	v10 =	vmul.f32 v11, v11;
	_ =	sdelay $0x1  }
0x669: {  	v9 =	vadd.f32 v10, v9;
	v10 =	vmul.f32 v12, v12;
	_ =	sdelay $0x1  }
0x66a: {  	v9 =	vadd.f32 v10, v9;
	_ =	sdelay $0x1  }
0x66b: {  	vm0 =	vge.f32 v9, $4.000000000e+00  }
0x66c: {  	vm1 =	vmneg vm0;
	v9 =	vsel vm0, $0x1, v6  }
0x66d: {  	v10 =	vsel vm1, $0x1, v6;
	(xrf0) =	vadd.scan.msk.s32 $0xffff, v9  }
0x66e: {  	(xrf0) =	vadd.scan.msk.s32 $0xffff, v10;
	_ =	sdelay $0x2  }
0x66f: {  	v9 =	vmpcnt.ones.xlane vm2  }
0x670: {  	v11 =	vmpcnt.ones.xlane vm0;
	v10 =	vmpcnt.ones.xlane vm3  }
0x671: {  	v9 =	vadd.s32 v7, v9;
	v13, _, _ =	vpop (xrf0)  }
0x672: {  	v10 =	vadd.s32 v8, v10;
	v7 =	vadd.s32 v9, v11;
	v9 =	vadd.s32 v13, v9;
	v13, _, _ =	vpop (xrf0)  }
0x673: {  	v12 =	vmpcnt.ones.xlane vm1;
	v11 =	vadd.s32 $0xFFFFFFFF, v9;
	v9 =	vadd.s32 v13, v10  }
0x674: {  	s1 =	simm.s32 $0x40;
	v13 =	vadd.s32 $0xFFFFFFFF, v9  }
0x675: {  	v14 =	vor.u32 s1, v3;
	v8 =	vadd.s32 v10, v12  }
0x676: {  	s5 =	simm.s32 $0x80;
	s0 =	sadd.s32 $0x0, s26;
	v12 =	vor.u32 s1, v1;
	v10 =	vmov v7;
	v9 =	vmov v8  }
.LBB2_48:
0x677: {  	p0 =	sne.s32 s5, $0x600;
	v15 =	vor.u32 s0, v0  }
0x678: {  	v16 =	vor.u32 s1, v4;
	[tilespmem:v11+s4+$0x0] =	vst.idx.msk vm0, v15  }
0x679: {  	[tilespmem:v13+s2+$0x0] =	vst.idx.msk vm1, v15  }
0x67a: {  	v13 =	vor.u32 s1, v5;
	s1 =	smov.u32 s5;
	v11 =	vld.idx.msk [tilespmem:v14+s30+$0x0], $0xffff  }
0x67b: {  	v12 =	vld.idx.msk [tilespmem:v12+s30+$0x0], $0xffff;
	_ =	sdelay $0x1  }
0x67c: {  	v14 =	vld.idx.msk [tilespmem:v16+s30+$0x0], $0xffff;
	_ =	sdelay $0x1  }
0x67d: {  	v13 =	vld.idx.msk [tilespmem:v13+s30+$0x0], $0xffff;
	_ =	sdelay $0x1  }
0x67e: {  	v11 =	vmul.f32 v11, v11;
	v12 =	vmul.f32 v12, v12;
	_ =	sdelay $0x1  }
0x67f: {  	v11 =	vadd.f32 v11, v12;
	v12 =	vmul.f32 v14, v14;
	_ =	sdelay $0x1  }
0x680: {  	v11 =	vadd.f32 v12, v11;
	v12 =	vmul.f32 v13, v13;
	_ =	sdelay $0x1  }
0x681: {  	v11 =	vadd.f32 v12, v11;
	_ =	sdelay $0x1  }
0x682: {  	vm0 =	vge.f32 v11, $4.000000000e+00  }
0x683: {  	vm1 =	vmneg vm0;
	v11 =	vsel vm0, $0x1, v6;
	v12 =	vmpcnt.ones.xlane vm0  }
0x684: {  	v13 =	vsel vm1, $0x1, v6;
	v14 =	vmpcnt.ones.xlane vm1;
	(xrf0) =	vadd.scan.msk.s32 $0xffff, v11  }
0x685: {  	v7 =	vadd.s32 v7, v12;
	(xrf0) =	vadd.scan.msk.s32 $0xffff, v13  }
0x686: {  	v8 =	vadd.s32 v8, v14;
	_ =	sdelay $0x3  }
0x687: {  	v11, _, _ =	vpop (xrf0)  }
.Ltmp25:
0x688: {  	v11 =	vadd.s32 v11, v10;
	v12, _, _ =	vpop (xrf0);
	v10 =	vmov v7;
	(pc) =	sbr.rel @p0 .LBB2_48-.Ltmp25, $4  }
0x689: {  	v11 =	vadd.s32 $0xFFFFFFFF, v11;
	v12 =	vadd.s32 v12, v9;
	v9 =	vmov v8  }
0x68a: {  	v13 =	vadd.s32 $0xFFFFFFFF, v12  }
0x68b: {  	s3 =	sadd.s32 $0x10, s3;
	v14 =	vor.u32 s5, v3  }
0x68c: {  	s0 =	sadd.s32 s26, s3;
	s5 =	sadd.s32 $0x40, s5;
	v12 =	vor.u32 s1, v1  }
0x68d: {  	_ =	sdelay $0x3  }
0x68e: {  	v15 =	vor.u32 s0, v0  }
0x68f: {  	v16 =	vor.u32 s1, v4;
	[tilespmem:v11+s4+$0x0] =	vst.idx.msk vm0, v15  }
0x690: {  	[tilespmem:v13+s2+$0x0] =	vst.idx.msk vm1, v15  }
0x691: {  	v13 =	vor.u32 s1, v5;
	v11 =	vld.idx.msk [tilespmem:v14+s30+$0x0], $0xffff  }
0x692: {  	v12 =	vld.idx.msk [tilespmem:v12+s30+$0x0], $0xffff;
	_ =	sdelay $0x1  }
0x693: {  	v14 =	vld.idx.msk [tilespmem:v16+s30+$0x0], $0xffff;
	_ =	sdelay $0x1  }
0x694: {  	v13 =	vld.idx.msk [tilespmem:v13+s30+$0x0], $0xffff  }
0x695: {  	v12 =	vmul.f32 v12, v12;
	v11 =	vmul.f32 v11, v11;
	_ =	sdelay $0x1  }
0x696: {  	v11 =	vadd.f32 v11, v12;
	v12 =	vmul.f32 v14, v14;
	_ =	sdelay $0x1  }
0x697: {  	v11 =	vadd.f32 v12, v11;
	v12 =	vmul.f32 v13, v13;
	_ =	sdelay $0x1  }
0x698: {  	v11 =	vadd.f32 v12, v11;
	_ =	sdelay $0x1  }
0x699: {  	vm2 =	vge.f32 v11, $4.000000000e+00  }
0x69a: {  	vm3 =	vmneg vm2;
	v11 =	vsel vm2, $0x1, v6  }
0x69b: {  	v12 =	vsel vm3, $0x1, v6;
	(xrf0) =	vadd.scan.msk.s32 $0xffff, v11  }
0x69c: {  	(xrf0) =	vadd.scan.msk.s32 $0xffff, v12;
	_ =	sdelay $0x4  }
0x69d: {  	v11, _, _ =	vpop (xrf0)  }
0x69e: {  	v10 =	vadd.s32 v11, v10;
	v11, _, _ =	vpop (xrf0)  }
0x69f: {  	v10 =	vadd.s32 $0xFFFFFFFF, v10;
	v9 =	vadd.s32 v11, v9  }
0x6a0: {  	v9 =	vadd.s32 $0xFFFFFFFF, v9  }
0x6a1: {  	s5 =	sadd.s32 $0x10, s3  }
0x6a2: {  	s0 =	sadd.s32 s26, s5  }
0x6a3: {  	v11 =	vor.u32 s0, v0  }
0x6a4: {  	s3 =	simm.s32 $0x0;
	[tilespmem:v10+s4+$0x0] =	vst.idx.msk vm2, v11  }
0x6a5: {  	s7 =	rddreg [dreg:$0x1e];
	s8 =	simm.s32 $0x7;
	[tilespmem:v9+s2+$0x0] =	vst.idx.msk vm3, v11;
	v9 =	vor.u32 s3, v3  }
0x6a6: {  	v10 =	vor.u32 s3, v1;
	[tilespmem:s30], [sflag:$0x6] =	stream.linear.gather [hbm4b:s7+s3], $0x640, $0x38;
	[tilespmem:$0x11D00] =	vst v63  }
0x6a7: {  	_ =	swait.ge [sflag:s8], $0x640  }
0x6a8: {  	v11 =	vor.u32 s3, v4;
	[sflag:s8] =	ssyncset.done $0x0  }
0x6a9: {  	[sflag:s8] =	ssyncadd.s32 $0xFFFFF9C0  }
0x6aa: {  	v12 =	vor.u32 s3, v5;
	v9 =	vld.idx.msk [tilespmem:v9+s31+$0x0], $0xffff  }
0x6ab: {  	v10 =	vld.idx.msk [tilespmem:v10+s31+$0x0], $0xffff;
	_ =	sdelay $0x1  }
0x6ac: {  	v11 =	vld.idx.msk [tilespmem:v11+s31+$0x0], $0xffff;
	_ =	sdelay $0x1  }
0x6ad: {  	v12 =	vld.idx.msk [tilespmem:v12+s31+$0x0], $0xffff  }
0x6ae: {  	v10 =	vmul.f32 v10, v10;
	v9 =	vmul.f32 v9, v9;
	_ =	sdelay $0x1  }
0x6af: {  	v9 =	vadd.f32 v9, v10;
	v10 =	vmul.f32 v11, v11;
	_ =	sdelay $0x1  }
0x6b0: {  	v9 =	vadd.f32 v10, v9;
	v10 =	vmul.f32 v12, v12;
	_ =	sdelay $0x1  }
0x6b1: {  	v9 =	vadd.f32 v10, v9;
	_ =	sdelay $0x1  }
0x6b2: {  	vm0 =	vge.f32 v9, $4.000000000e+00  }
0x6b3: {  	vm1 =	vmneg vm0;
	v9 =	vsel vm0, $0x1, v6  }
0x6b4: {  	v10 =	vsel vm1, $0x1, v6;
	(xrf0) =	vadd.scan.msk.s32 $0xffff, v9  }
0x6b5: {  	(xrf0) =	vadd.scan.msk.s32 $0xffff, v10;
	_ =	sdelay $0x2  }
0x6b6: {  	v9 =	vmpcnt.ones.xlane vm2  }
0x6b7: {  	v11 =	vmpcnt.ones.xlane vm0;
	v10 =	vmpcnt.ones.xlane vm3  }
0x6b8: {  	v9 =	vadd.s32 v7, v9;
	v13, _, _ =	vpop (xrf0)  }
0x6b9: {  	v10 =	vadd.s32 v8, v10;
	v7 =	vadd.s32 v9, v11;
	v9 =	vadd.s32 v13, v9;
	v13, _, _ =	vpop (xrf0)  }
0x6ba: {  	v12 =	vmpcnt.ones.xlane vm1;
	v11 =	vadd.s32 $0xFFFFFFFF, v9;
	v9 =	vadd.s32 v13, v10  }
0x6bb: {  	s1 =	simm.s32 $0x40;
	v13 =	vadd.s32 $0xFFFFFFFF, v9  }
0x6bc: {  	v14 =	vor.u32 s1, v3;
	v8 =	vadd.s32 v10, v12  }
0x6bd: {  	s5 =	simm.s32 $0x80;
	s0 =	sadd.s32 $0x0, s28;
	v12 =	vor.u32 s1, v1;
	v10 =	vmov v7;
	v9 =	vmov v8  }
.LBB2_50:
0x6be: {  	p0 =	sne.s32 s5, $0x600;
	v15 =	vor.u32 s0, v0  }
0x6bf: {  	v16 =	vor.u32 s1, v4;
	[tilespmem:v11+s4+$0x0] =	vst.idx.msk vm0, v15  }
0x6c0: {  	[tilespmem:v13+s2+$0x0] =	vst.idx.msk vm1, v15  }
0x6c1: {  	v13 =	vor.u32 s1, v5;
	s1 =	smov.u32 s5;
	v11 =	vld.idx.msk [tilespmem:v14+s31+$0x0], $0xffff  }
0x6c2: {  	v12 =	vld.idx.msk [tilespmem:v12+s31+$0x0], $0xffff;
	_ =	sdelay $0x1  }
0x6c3: {  	v14 =	vld.idx.msk [tilespmem:v16+s31+$0x0], $0xffff;
	_ =	sdelay $0x1  }
0x6c4: {  	v13 =	vld.idx.msk [tilespmem:v13+s31+$0x0], $0xffff;
	_ =	sdelay $0x1  }
0x6c5: {  	v11 =	vmul.f32 v11, v11;
	v12 =	vmul.f32 v12, v12;
	_ =	sdelay $0x1  }
0x6c6: {  	v11 =	vadd.f32 v11, v12;
	v12 =	vmul.f32 v14, v14;
	_ =	sdelay $0x1  }
0x6c7: {  	v11 =	vadd.f32 v12, v11;
	v12 =	vmul.f32 v13, v13;
	_ =	sdelay $0x1  }
0x6c8: {  	v11 =	vadd.f32 v12, v11;
	_ =	sdelay $0x1  }
0x6c9: {  	vm0 =	vge.f32 v11, $4.000000000e+00  }
0x6ca: {  	vm1 =	vmneg vm0;
	v11 =	vsel vm0, $0x1, v6;
	v12 =	vmpcnt.ones.xlane vm0  }
0x6cb: {  	v13 =	vsel vm1, $0x1, v6;
	v14 =	vmpcnt.ones.xlane vm1;
	(xrf0) =	vadd.scan.msk.s32 $0xffff, v11  }
0x6cc: {  	v7 =	vadd.s32 v7, v12;
	(xrf0) =	vadd.scan.msk.s32 $0xffff, v13  }
0x6cd: {  	v8 =	vadd.s32 v8, v14;
	_ =	sdelay $0x3  }
0x6ce: {  	v11, _, _ =	vpop (xrf0)  }
.Ltmp26:
0x6cf: {  	v11 =	vadd.s32 v11, v10;
	v12, _, _ =	vpop (xrf0);
	v10 =	vmov v7;
	(pc) =	sbr.rel @p0 .LBB2_50-.Ltmp26, $4  }
0x6d0: {  	v11 =	vadd.s32 $0xFFFFFFFF, v11;
	v12 =	vadd.s32 v12, v9;
	v9 =	vmov v8  }
0x6d1: {  	v13 =	vadd.s32 $0xFFFFFFFF, v12  }
0x6d2: {  	s3 =	sadd.s32 $0x10, s3;
	v14 =	vor.u32 s5, v3  }
0x6d3: {  	s0 =	sadd.s32 s28, s3;
	s5 =	sadd.s32 $0x40, s5;
	v12 =	vor.u32 s1, v1  }
0x6d4: {  	_ =	sdelay $0x3  }
0x6d5: {  	v15 =	vor.u32 s0, v0  }
0x6d6: {  	v16 =	vor.u32 s1, v4;
	[tilespmem:v11+s4+$0x0] =	vst.idx.msk vm0, v15  }
0x6d7: {  	[tilespmem:v13+s2+$0x0] =	vst.idx.msk vm1, v15  }
0x6d8: {  	v13 =	vor.u32 s1, v5;
	v11 =	vld.idx.msk [tilespmem:v14+s31+$0x0], $0xffff  }
0x6d9: {  	v12 =	vld.idx.msk [tilespmem:v12+s31+$0x0], $0xffff;
	_ =	sdelay $0x1  }
0x6da: {  	v14 =	vld.idx.msk [tilespmem:v16+s31+$0x0], $0xffff;
	_ =	sdelay $0x1  }
0x6db: {  	v13 =	vld.idx.msk [tilespmem:v13+s31+$0x0], $0xffff  }
0x6dc: {  	v12 =	vmul.f32 v12, v12;
	v11 =	vmul.f32 v11, v11;
	_ =	sdelay $0x1  }
0x6dd: {  	v11 =	vadd.f32 v11, v12;
	v12 =	vmul.f32 v14, v14;
	_ =	sdelay $0x1  }
0x6de: {  	v11 =	vadd.f32 v12, v11;
	v12 =	vmul.f32 v13, v13;
	_ =	sdelay $0x1  }
0x6df: {  	v11 =	vadd.f32 v12, v11;
	_ =	sdelay $0x1  }
0x6e0: {  	vm2 =	vge.f32 v11, $4.000000000e+00  }
0x6e1: {  	vm3 =	vmneg vm2;
	v11 =	vsel vm2, $0x1, v6  }
0x6e2: {  	v12 =	vsel vm3, $0x1, v6;
	(xrf0) =	vadd.scan.msk.s32 $0xffff, v11  }
0x6e3: {  	(xrf0) =	vadd.scan.msk.s32 $0xffff, v12;
	_ =	sdelay $0x4  }
0x6e4: {  	v11, _, _ =	vpop (xrf0)  }
0x6e5: {  	v10 =	vadd.s32 v11, v10;
	v11, _, _ =	vpop (xrf0)  }
0x6e6: {  	v10 =	vadd.s32 $0xFFFFFFFF, v10;
	v9 =	vadd.s32 v11, v9  }
0x6e7: {  	v9 =	vadd.s32 $0xFFFFFFFF, v9  }
0x6e8: {  	s7 =	sadd.s32 $0x10, s3  }
0x6e9: {  	s0 =	sadd.s32 s28, s7  }
0x6ea: {  	s3 =	simm.s32 $0x0;
	v11 =	vor.u32 s0, v0  }
0x6eb: {  	[tilespmem:v10+s4+$0x0] =	vst.idx.msk vm2, v11;
	v10 =	vor.u32 s3, v3  }
0x6ec: {  	s8 =	simm.s32 $0x6;
	[tilespmem:v9+s2+$0x0] =	vst.idx.msk vm3, v11;
	v9 =	vor.u32 s3, v1  }
0x6ed: {  	_ =	swait.ge [sflag:s8], $0x640  }
0x6ee: {  	v11 =	vor.u32 s3, v4;
	[sflag:s8] =	ssyncset.done $0x0  }
0x6ef: {  	[sflag:s8] =	ssyncadd.s32 $0xFFFFF9C0  }
0x6f0: {  	v12 =	vor.u32 s3, v5;
	v10 =	vld.idx.msk [tilespmem:v10+s30+$0x0], $0xffff  }
0x6f1: {  	v9 =	vld.idx.msk [tilespmem:v9+s30+$0x0], $0xffff;
	_ =	sdelay $0x1  }
0x6f2: {  	v11 =	vld.idx.msk [tilespmem:v11+s30+$0x0], $0xffff;
	_ =	sdelay $0x1  }
0x6f3: {  	v12 =	vld.idx.msk [tilespmem:v12+s30+$0x0], $0xffff  }
0x6f4: {  	v10 =	vmul.f32 v10, v10;
	v9 =	vmul.f32 v9, v9;
	_ =	sdelay $0x1  }
0x6f5: {  	v9 =	vadd.f32 v10, v9;
	v10 =	vmul.f32 v11, v11;
	_ =	sdelay $0x1  }
0x6f6: {  	v9 =	vadd.f32 v10, v9;
	v10 =	vmul.f32 v12, v12;
	_ =	sdelay $0x1  }
0x6f7: {  	v9 =	vadd.f32 v10, v9;
	_ =	sdelay $0x1  }
0x6f8: {  	vm0 =	vge.f32 v9, $4.000000000e+00  }
0x6f9: {  	vm1 =	vmneg vm0;
	v9 =	vsel vm0, $0x1, v6  }
0x6fa: {  	v10 =	vsel vm1, $0x1, v6;
	(xrf0) =	vadd.scan.msk.s32 $0xffff, v9  }
0x6fb: {  	(xrf0) =	vadd.scan.msk.s32 $0xffff, v10;
	_ =	sdelay $0x2  }
0x6fc: {  	v9 =	vmpcnt.ones.xlane vm2  }
0x6fd: {  	v11 =	vmpcnt.ones.xlane vm0;
	v10 =	vmpcnt.ones.xlane vm3  }
0x6fe: {  	v7 =	vadd.s32 v7, v9;
	v9 =	vmpcnt.ones.xlane vm1;
	v12, _, _ =	vpop (xrf0)  }
0x6ff: {  	v13 =	vadd.s32 v8, v10;
	v8 =	vadd.s32 v7, v11;
	v7 =	vadd.s32 v12, v7;
	v12, _, _ =	vpop (xrf0)  }
0x700: {  	v11 =	vadd.s32 $0xFFFFFFFF, v7;
	v7 =	vadd.s32 v12, v13  }
0x701: {  	s1 =	simm.s32 $0x40;
	v10 =	vadd.s32 v13, v9;
	v13 =	vadd.s32 $0xFFFFFFFF, v7  }
0x702: {  	v14 =	vor.u32 s1, v3  }
0x703: {  	s5 =	simm.s32 $0x80;
	s0 =	sadd.s32 $0x0, s29;
	v9 =	vmov v8;
	v12 =	vor.u32 s1, v1;
	v7 =	vmov v10  }
.LBB2_52:
0x704: {  	p0 =	sne.s32 s5, $0x600;
	v15 =	vor.u32 s0, v0  }
0x705: {  	v16 =	vor.u32 s1, v4;
	[tilespmem:v11+s4+$0x0] =	vst.idx.msk vm0, v15  }
0x706: {  	[tilespmem:v13+s2+$0x0] =	vst.idx.msk vm1, v15  }
0x707: {  	v13 =	vor.u32 s1, v5;
	s1 =	smov.u32 s5;
	v11 =	vld.idx.msk [tilespmem:v14+s30+$0x0], $0xffff  }
0x708: {  	v12 =	vld.idx.msk [tilespmem:v12+s30+$0x0], $0xffff;
	_ =	sdelay $0x1  }
0x709: {  	v14 =	vld.idx.msk [tilespmem:v16+s30+$0x0], $0xffff;
	_ =	sdelay $0x1  }
0x70a: {  	v13 =	vld.idx.msk [tilespmem:v13+s30+$0x0], $0xffff;
	_ =	sdelay $0x1  }
0x70b: {  	v11 =	vmul.f32 v11, v11;
	v12 =	vmul.f32 v12, v12;
	_ =	sdelay $0x1  }
0x70c: {  	v11 =	vadd.f32 v11, v12;
	v12 =	vmul.f32 v14, v14;
	_ =	sdelay $0x1  }
0x70d: {  	v11 =	vadd.f32 v12, v11;
	v12 =	vmul.f32 v13, v13;
	_ =	sdelay $0x1  }
0x70e: {  	v11 =	vadd.f32 v12, v11;
	_ =	sdelay $0x1  }
0x70f: {  	vm0 =	vge.f32 v11, $4.000000000e+00  }
0x710: {  	vm1 =	vmneg vm0;
	v11 =	vsel vm0, $0x1, v6;
	v12 =	vmpcnt.ones.xlane vm0  }
0x711: {  	v13 =	vsel vm1, $0x1, v6;
	v14 =	vmpcnt.ones.xlane vm1;
	(xrf0) =	vadd.scan.msk.s32 $0xffff, v11  }
0x712: {  	v8 =	vadd.s32 v8, v12;
	(xrf0) =	vadd.scan.msk.s32 $0xffff, v13  }
0x713: {  	v10 =	vadd.s32 v10, v14;
	_ =	sdelay $0x3  }
0x714: {  	v11, _, _ =	vpop (xrf0)  }
.Ltmp27:
0x715: {  	v11 =	vadd.s32 v11, v9;
	v12, _, _ =	vpop (xrf0);
	v9 =	vmov v8;
	(pc) =	sbr.rel @p0 .LBB2_52-.Ltmp27, $4  }
0x716: {  	v11 =	vadd.s32 $0xFFFFFFFF, v11;
	v12 =	vadd.s32 v12, v7;
	v7 =	vmov v10  }
0x717: {  	v13 =	vadd.s32 $0xFFFFFFFF, v12  }
0x718: {  	s3 =	sadd.s32 $0x10, s3;
	v14 =	vor.u32 s5, v3  }
0x719: {  	s0 =	sadd.s32 s29, s3;
	s5 =	sadd.s32 $0x40, s5;
	v12 =	vor.u32 s1, v1  }
0x71a: {  	_ =	sdelay $0x3  }
0x71b: {  	v15 =	vor.u32 s0, v0  }
0x71c: {  	v16 =	vor.u32 s1, v4;
	[tilespmem:v11+s4+$0x0] =	vst.idx.msk vm0, v15  }
0x71d: {  	[tilespmem:v13+s2+$0x0] =	vst.idx.msk vm1, v15  }
0x71e: {  	v35 =	vor.u32 s1, v5;
	v11 =	vld.idx.msk [tilespmem:v14+s30+$0x0], $0xffff  }
0x71f: {  	v12 =	vld.idx.msk [tilespmem:v12+s30+$0x0], $0xffff;
	_ =	sdelay $0x1  }
0x720: {  	v36 =	vld.idx.msk [tilespmem:v16+s30+$0x0], $0xffff;
	_ =	sdelay $0x1  }
0x721: {  	v13 =	vld.idx.msk [tilespmem:v35+s30+$0x0], $0xffff  }
0x722: {  	v12 =	vmul.f32 v12, v12;
	v11 =	vmul.f32 v11, v11;
	_ =	sdelay $0x1  }
0x723: {  	v11 =	vadd.f32 v11, v12;
	v37 =	vmul.f32 v36, v36;
	_ =	sdelay $0x1  }
0x724: {  	v38 =	vmul.f32 v13, v13;
	v11 =	vadd.f32 v37, v11;
	_ =	sdelay $0x1  }
0x725: {  	v11 =	vadd.f32 v38, v11;
	_ =	sdelay $0x1  }
0x726: {  	vm10 =	vge.f32 v11, $4.000000000e+00  }
0x727: {  	vm11 =	vmneg vm10;
	v11 =	vmpcnt.ones.xlane vm10  }
0x728: {  	v39 =	vsel vm10, $0x1, v6;
	v40 =	vmpcnt.ones.xlane vm11  }
0x729: {  	v41 =	vsel vm11, $0x1, v6;
	(xrf0) =	vadd.scan.msk.s32 $0xffff, v39;
	v8 =	vadd.s32 v8, v11  }
0x72a: {  	(xrf0) =	vadd.scan.msk.s32 $0xffff, v41;
	v10 =	vadd.s32 v10, v40;
	v11 =	vxor.u32 $0x80000000, v8  }
0x72b: {  	(xrf0) =	vmax.scan.msk.u32 $0xffff, v11;
	v42 =	vxor.u32 $0x80000000, v10  }
0x72c: {  	(xrf0) =	vmax.scan.msk.u32 $0xffff, v42;
	_ =	sdelay $0x2  }
0x72d: {  	v43, _, _ =	vpop (xrf0)  }
0x72e: {  	v44, _, _ =	vpop (xrf0)  }
0x72f: {  	v45, _, _ =	vpop (xrf0)  }
0x730: {  	(v2sf) =	vpush v45, $0xF;
	v46, _, _ =	vpop (xrf0)  }
0x731: {  	(v2sf) =	vpush v46, $0xF;
	_ =	sdelay $0x9  }
0x732: {  	v9 =	vadd.s32 v43, v9  }
0x733: {  	v9 =	vadd.s32 $0xFFFFFFFF, v9;
	v7 =	vadd.s32 v44, v7  }
0x734: {  	v7 =	vadd.s32 $0xFFFFFFFF, v7  }
0x735: {  	s3 =	sadd.s32 $0x10, s3  }
0x736: {  	s0 =	sadd.s32 s29, s3;
	s5 =	spop (v2sf)  }
0x737: {  	v47 =	vor.u32 s0, v0;
	s7 =	spop (v2sf);
	s1 =	sadd.s32 $0x8000007F, s5  }
0x738: {  	v48 =	vadd.s32 v0, v8;
	[tilespmem:v9+s4+$0x0] =	vst.idx.msk vm10, v47;
	s0 =	sadd.s32 $0x8000007F, s7;
	s8 =	sand.u32 $0xFFFFFF80, s1  }
0x739: {  	v49 =	vor.u32 $0x10, v0;
	[tilespmem:v7+s2+$0x0] =	vst.idx.msk vm11, v47;
	v7 =	vadd.s32 v0, v10;
	s5 =	sand.u32 $0xFFFFFF80, s0;
	vm12 =	vlt.s32 v48, s8  }
0x73a: {  	v51 =	vadd.s32 v49, v8;
	v50 =	vld.msk [tilespmem:s4+$0x0], $0xffff;
	[smem:$0x7F6] =	sst s1;
	s1 =	simm.s32 $0x2800;
	vm13 =	vlt.s32 v7, s5  }
0x73b: {  	v53 =	vor.u32 $0x20, v0;
	v11 =	vadd.s32 v49, v10;
	v52 =	vld.msk [tilespmem:s1+$0x0], $0xffff;
	vm2 =	vlt.s32 v51, s8  }
0x73c: {  	v54 =	vadd.s32 v53, v8;
	vm3 =	vlt.s32 v11, s5  }
0x73d: {  	v17 =	vor.u32 $0x30, v0;
	v15 =	vadd.s32 v53, v10;
	vm4 =	vlt.s32 v54, s8  }
0x73e: {  	v18 =	vadd.s32 v17, v8;
	vm5 =	vlt.s32 v15, s5  }
0x73f: {  	v56 =	vor.u32 $0x40, v0;
	v55 =	vadd.s32 v17, v10;
	vm14 =	vlt.s32 v18, s8;
	[tilespmem:v48+s4+$0x0] =	vst.idx.msk vm12, v50  }
0x740: {  	vm15 =	vlt.s32 v55, s5;
	[tilespmem:v7+s1+$0x0] =	vst.idx.msk vm13, v52;
	v7 =	vadd.s32 v56, v8  }
0x741: {  	v58 =	vor.u32 $0x50, v0;
	v57 =	vadd.s32 v56, v10;
	[tilespmem:v51+s4+$0x0] =	vst.idx.msk vm2, v50;
	vm8 =	vlt.s32 v7, s8  }
0x742: {  	v59 =	vadd.s32 v58, v8;
	vm9 =	vlt.s32 v57, s5;
	[tilespmem:v11+s1+$0x0] =	vst.idx.msk vm3, v52  }
0x743: {  	v61 =	vor.u32 $0x60, v0;
	v60 =	vadd.s32 v58, v10;
	vm10 =	vlt.s32 v59, s8;
	[tilespmem:v54+s4+$0x0] =	vst.idx.msk vm4, v50  }
0x744: {  	v62 =	vadd.s32 v61, v8;
	vm11 =	vlt.s32 v60, s5;
	[tilespmem:v15+s1+$0x0] =	vst.idx.msk vm5, v52  }
0x745: {  	v63 =	vor.u32 $0x70, v0;
	v17 =	vadd.s32 v61, v10;
	vm12 =	vlt.s32 v62, s8;
	[tilespmem:v18+s4+$0x0] =	vst.idx.msk vm14, v50  }
0x746: {  	vm13 =	vlt.s32 v17, s5;
	v8 =	vadd.s32 v63, v8;
	[tilespmem:v55+s1+$0x0] =	vst.idx.msk vm15, v52  }
0x747: {  	vm14 =	vlt.s32 v8, s8;
	[tilespmem:v7+s4+$0x0] =	vst.idx.msk vm8, v50;
	v7 =	vadd.s32 v63, v10  }
0x748: {  	s0 =	sshrl.u32 s0, $0x7;
	[tilespmem:v57+s1+$0x0] =	vst.idx.msk vm9, v52;
	vm15 =	vlt.s32 v7, s5  }
0x749: {  	p0 =	seq.s32 s0, $0x0;
	[tilespmem:v59+s4+$0x0] =	vst.idx.msk vm10, v50  }
.Ltmp28:
0x74a: {  	[tilespmem:v60+s1+$0x0] =	vst.idx.msk vm11, v52;
	(pc) =	sbr.rel @p0 .LBB2_56-.Ltmp28, $4  }
0x74b: {  	[tilespmem:v62+s4+$0x0] =	vst.idx.msk vm12, v50  }
0x74c: {  	[tilespmem:v17+s1+$0x0] =	vst.idx.msk vm13, v52  }
0x74d: {  	[tilespmem:v8+s4+$0x0] =	vst.idx.msk vm14, v50  }
0x74e: {  	[smem:$0x7F7] =	sst s0;
	[tilespmem:v7+s1+$0x0] =	vst.idx.msk vm15, v52  }
0x74f: {  	s3 =	sld [smem:$0x7F7];
	_ =	sdelay $0x2  }
0x750: {  	p1 =	sne.s32 s3, $0x1  }
.Ltmp29:
0x751: {  	_ = 	snop;
	(pc) =	sbr.rel @!p1 .LBB2_56-.Ltmp29, $4  }
0x752: {  	_ = 	snop  }
0x753: {  	s0 =	simm.s32 $0x80;
	s5 =	simm.s32 $0xD000  }
0x754: {  	[hbm4b:s6+s0] =	stream.indirect.scatter [tilespmem:s5], [sflag:$0x5], $0x80, s1, s0, $0xb8;
	[tilespmem:$0x11D00] =	vst v63  }
0x755: {  	s3 =	sadd.s32 $0xFFFFFFFF, s3  }
.LBB2_55:
0x756: {  	p1 =	sne.s32 s3, $0x1  }
.Ltmp30:
0x757: {  	_ = 	snop;
	(pc) =	sbr.rel @p1 .LBB2_55-.Ltmp30, $3  }
0x758: {  	_ = 	snop  }
0x759: {  	s3 =	sadd.s32 $0xFFFFFFFF, s3;
	s1 =	sadd.s32 $0x80, s1;
	_ =	sdelay $0x1  }
0x75a: {  	[hbm4b:s6+s0] =	stream.indirect.scatter [tilespmem:s5], [sflag:$0x5], $0x80, s1, s0, $0xb8;
	[tilespmem:$0x11D00] =	vst v63  }
.LBB2_56:
0x75b: {  	s0 =	sld [smem:$0x7F6];
	_ =	sdelay $0x2  }
0x75c: {  	s1 =	sshrl.u32 s0, $0x7  }
0x75d: {  	p1 =	seq.s32 s1, $0x0  }
0x75e: {  	s6 =	rddreg [dreg:$0x1];
	s5 =	simm.s32 @!p1 $0x80  }
0x75f: {  	s8 =	simm.s32 @!p1 $0x0;
	s0 =	simm.s32 @!p1 $0x5000;
	p2 =	seq.s32 @!p1 s1, $0x1  }
0x760: {  	[tilespmem:s0], [sflag:$0x1] =	stream.indirect.gather @!p1 [hbm4b:s6+s5], $0x80, s8, s5, $0xb8;
	[tilespmem:$0x11D00] =	vst v63  }
0x761: {  	p3 =	por p2, p1  }
0x762: {  	p2 =	por p1, p2;
	s3 =	simm.s32 @!p3 $0x9000;
	s8 =	simm.s32 @!p3 $0x80  }
0x763: {  	[tilespmem:s3], [sflag:$0x2] =	stream.indirect.gather @!p3 [hbm4b:s6+s8], $0x80, s8, s8, $0xb8;
	[tilespmem:$0x11D00] =	vst v63  }
.Ltmp31:
0x764: {  	s3 =	simm.s32 @!p1 $0x1;
	(pc) =	sbr.rel @!p2 .LBB2_57-.Ltmp31, $4  }
0x765: {  	s6 =	rddreg [dreg:$0x2];
	_ =	swait.ge @!p1 [sflag:s3], $0x4000  }
0x766: {  	[sflag:s3] =	ssyncset.done @!p1 $0x0  }
0x767: {  	s8 =	simm.s32 @!p1 $0x0;
	[sflag:s3] =	ssyncadd.s32 @!p1 $0xFFFFC000  }
0x768: {  	[hbm4b:s6+s5] =	stream.indirect.scatter @!p1 [tilespmem:s0], [sflag:$0x3], $0x80, s8, s5, $0xb8;
	[tilespmem:$0x11D00] =	vst v63  }
.LBB2_65:
0x769: {  	s0 =	sld [smem:$0x7F6];
	_ =	sdelay $0x2  }
0x76a: {  	p2 =	slt.u32 s0, $0x100  }
.Ltmp32:
0x76b: {  	_ = 	snop;
	(pc) =	sbr.rel @p2 .LBB2_68-.Ltmp32, $2  }
0x76c: {  	_ =	sdelay $0x2  }
0x76d: {  	s6 =	simm.s32 $0x5  }
0x76e: {  	s0 =	sand.u32 $0x1, s1  }
0x76f: {  	p2 =	seq.s32 s0, $0x1  }
.Ltmp33:
0x770: {  	_ = 	snop;
	(pc) =	sbr.rel @!p2 .LBB2_67-.Ltmp33, $1  }
0x771: {  	_ =	sdelay $0x3  }
.Ltmp34:
0x772: {  	(pc) =	sbr.rel .LBB2_70-.Ltmp34, $4  }
0x773: {  	s0 =	simm.s32 $0x4  }
0x774: {  	_ =	swait.ge [sflag:s0], $0x4000  }
0x775: {  	[sflag:s0] =	ssyncset.done $0x0  }
0x776: {  	[sflag:s0] =	ssyncadd.s32 $0xFFFFC000;
	s0 =	simm.s32 $0x3  }
.LBB2_62:
0x777: {  	s0 =	simm.s32 $0x4  }
0x778: {  	_ =	swait.ge [sflag:s0], $0x4000  }
0x779: {  	[sflag:s0] =	ssyncset.done $0x0  }
0x77a: {  	s9 =	sadd.s32 $0x80, s5;
	[sflag:s0] =	ssyncadd.s32 $0xFFFFC000  }
0x77b: {  	s8 =	simm.s32 $0x80;
	s29 =	simm.s32 $0x9000;
	s6 =	rddreg [dreg:$0x1]  }
0x77c: {  	[tilespmem:s29], [sflag:$0x2] =	stream.indirect.gather [hbm4b:s6+s8], $0x80, s9, s8, $0xb8;
	[tilespmem:$0x11D00] =	vst v63  }
0x77d: {  	s6 =	rddreg [dreg:$0x2];
	s9 =	smov.u32 s10  }
0x77e: {  	s10 =	smov.u32 s11;
	s11 =	smov.u32 s12;
	s12 =	smov.u32 s13  }
0x77f: {  	s13 =	smov.u32 s14;
	s14 =	smov.u32 s15;
	s15 =	smov.u32 s16  }
0x780: {  	s16 =	smov.u32 s17;
	s17 =	smov.u32 s18;
	s18 =	smov.u32 s19  }
0x781: {  	s19 =	smov.u32 s20;
	s20 =	smov.u32 s21;
	s21 =	smov.u32 s22  }
0x782: {  	s22 =	smov.u32 s23;
	s23 =	smov.u32 s24;
	s24 =	smov.u32 s25  }
0x783: {  	s25 =	smov.u32 s26;
	s26 =	smov.u32 s28;
	s28 =	sld [smem:$0x7FD]  }
0x784: {  	s0 =	simm.s32 $0x80;
	s29 =	sld [smem:$0x7FC]  }
.LBB2_63:
0x785: {  	s8 =	simm.s32 $0x1  }
0x786: {  	_ =	swait.ge [sflag:s8], $0x4000  }
0x787: {  	[sflag:s8] =	ssyncset.done $0x0  }
0x788: {  	s7 =	simm.s32 $0x5000;
	[sflag:s8] =	ssyncadd.s32 $0xFFFFC000  }
0x789: {  	[hbm4b:s6+s0] =	stream.indirect.scatter [tilespmem:s7], [sflag:$0x3], $0x80, s5, s0, $0xb8;
	[tilespmem:$0x11D00] =	vst v63  }
.LBB2_64:
0x78a: {  	p2 =	sne.s32 s1, s3  }
.Ltmp35:
0x78b: {  	_ = 	snop;
	(pc) =	sbr.rel @!p2 .LBB2_65-.Ltmp35, $2  }
0x78c: {  	_ =	sdelay $0x2  }
0x78d: {  	s5 =	sadd.s32 $0x80, s5  }
.LBB2_57:
0x78e: {  	s0 =	smov.u32 s3;
	s3 =	sadd.s32 $0x1, s3  }
0x78f: {  	p3 =	slt.u32 s3, s1  }
.Ltmp36:
0x790: {  	_ = 	snop;
	(pc) =	sbr.rel @!p3 .LBB2_58-.Ltmp36, $3  }
0x791: {  	_ =	sdelay $0x1  }
0x792: {  	s0 =	sand.u32 $0x1, s0  }
0x793: {  	p2 =	seq.s32 s0, $0x1  }
0x794: {  	s28 =	smov.u32 s26  }
0x795: {  	s26 =	smov.u32 s25;
	s25 =	smov.u32 s24;
	s24 =	smov.u32 s23  }
.Ltmp37:
0x796: {  	s23 =	smov.u32 s22;
	s22 =	smov.u32 s21;
	(pc) =	sbr.rel @!p2 .LBB2_62-.Ltmp37, $4  }
0x797: {  	s21 =	smov.u32 s20;
	s20 =	smov.u32 s19;
	s19 =	smov.u32 s18  }
0x798: {  	s18 =	smov.u32 s17;
	s17 =	smov.u32 s16;
	s16 =	smov.u32 s15  }
0x799: {  	s15 =	smov.u32 s14;
	s14 =	smov.u32 s13;
	s13 =	smov.u32 s12  }
0x79a: {  	s12 =	smov.u32 s11;
	s11 =	smov.u32 s10;
	s10 =	smov.u32 s9  }
0x79b: {  	s0 =	simm.s32 $0x3  }
0x79c: {  	_ =	swait.ge [sflag:s0], $0x4000  }
0x79d: {  	[sflag:s0] =	ssyncset.done $0x0  }
0x79e: {  	s9 =	sadd.s32 $0x80, s5;
	[sflag:s0] =	ssyncadd.s32 $0xFFFFC000  }
0x79f: {  	s8 =	simm.s32 $0x80;
	s29 =	simm.s32 $0x5000;
	s6 =	rddreg [dreg:$0x1]  }
0x7a0: {  	[tilespmem:s29], [sflag:$0x1] =	stream.indirect.gather [hbm4b:s6+s8], $0x80, s9, s8, $0xb8;
	[tilespmem:$0x11D00] =	vst v63  }
0x7a1: {  	s6 =	rddreg [dreg:$0x2];
	s9 =	smov.u32 s10;
	s10 =	smov.u32 s11  }
0x7a2: {  	s11 =	smov.u32 s12;
	s12 =	smov.u32 s13;
	s13 =	smov.u32 s14  }
0x7a3: {  	s14 =	smov.u32 s15;
	s15 =	smov.u32 s16;
	s16 =	smov.u32 s17  }
.Ltmp38:
0x7a4: {  	s17 =	smov.u32 s18;
	s18 =	smov.u32 s19;
	(pc) =	sbr.rel .LBB2_59-.Ltmp38, $4  }
0x7a5: {  	s19 =	smov.u32 s20;
	s20 =	smov.u32 s21;
	s21 =	smov.u32 s22  }
0x7a6: {  	s22 =	smov.u32 s23;
	s23 =	smov.u32 s24;
	s24 =	smov.u32 s25  }
0x7a7: {  	s25 =	smov.u32 s26;
	s26 =	smov.u32 s28;
	s28 =	sld [smem:$0x7FD]  }
0x7a8: {  	s0 =	simm.s32 $0x80;
	s29 =	sld [smem:$0x7FC]  }
.LBB2_58:
.Ltmp39:
0x7a9: {  	(pc) =	sbr.rel @!p2 .LBB2_63-.Ltmp39, $2  }
0x7aa: {  	_ =	sdelay $0x2  }
0x7ab: {  	s0 =	simm.s32 $0x80  }
.LBB2_59:
.Ltmp40:
0x7ac: {  	s8 =	simm.s32 $0x2;
	(pc) =	sbr.rel .LBB2_64-.Ltmp40, $4  }
0x7ad: {  	_ =	swait.ge [sflag:s8], $0x4000  }
0x7ae: {  	[sflag:s8] =	ssyncset.done $0x0  }
0x7af: {  	s7 =	simm.s32 $0x9000;
	[sflag:s8] =	ssyncadd.s32 $0xFFFFC000  }
0x7b0: {  	[hbm4b:s6+s0] =	stream.indirect.scatter [tilespmem:s7], [sflag:$0x4], $0x80, s5, s0, $0xb8;
	[tilespmem:$0x11D00] =	vst v63  }
.LBB2_67:
0x7b1: {  	s0 =	simm.s32 $0x3  }
0x7b2: {  	_ =	swait.ge [sflag:s0], $0x4000  }
0x7b3: {  	[sflag:s0] =	ssyncset.done $0x0  }
0x7b4: {  	[sflag:s0] =	ssyncadd.s32 $0xFFFFC000  }
.LBB2_68:
.Ltmp41:
0x7b5: {  	(pc) =	sbr.rel @p1 .LBB2_71-.Ltmp41, $1  }
0x7b6: {  	_ =	sdelay $0x3  }
0x7b7: {  	s0 =	sand.u32 $0x1, s1  }
0x7b8: {  	p1 =	seq.s32 s0, $0x1;
	s0 =	simm.s32 $0x3  }
0x7b9: {  	s0 =	simm.s32 @!p1 $0x4  }
.LBB2_70:
0x7ba: {  	_ =	swait.ge [sflag:s0], $0x4000  }
0x7bb: {  	[sflag:s0] =	ssyncset.done $0x0  }
0x7bc: {  	[sflag:s0] =	ssyncadd.s32 $0xFFFFC000  }
.LBB2_71:
.Ltmp42:
0x7bd: {  	(pc) =	sbr.rel @p0 .LBB2_75-.Ltmp42, $3  }
0x7be: {  	_ =	sdelay $0x1  }
0x7bf: {  	s0 =	rddreg [dreg:$0x5]  }
0x7c0: {  	s8 =	sld [smem:$0x7F8]  }
0x7c1: {  	s1 =	sld [smem:$0x7F7];
	_ =	sdelay $0x2  }
0x7c2: {  	p0 =	sne.s32 s1, $0x1  }
.Ltmp43:
0x7c3: {  	_ = 	snop;
	(pc) =	sbr.rel @!p0 .LBB2_74-.Ltmp43, $3  }
0x7c4: {  	_ =	sdelay $0x1  }
0x7c5: {  	_ =	swait.ge [sflag:s6], $0x4000  }
0x7c6: {  	[sflag:s6] =	ssyncset.done $0x0;
	s1 =	sadd.s32 $0xFFFFFFFF, s1  }
.LBB2_73:
0x7c7: {  	p0 =	sne.s32 s1, $0x1;
	s1 =	sadd.s32 $0xFFFFFFFF, s1;
	[sflag:s6] =	ssyncadd.s32 $0xFFFFC000  }
.Ltmp44:
0x7c8: {  	(pc) =	sbr.rel @p0 .LBB2_73-.Ltmp44, $3  }
0x7c9: {  	_ =	sdelay $0x1  }
0x7ca: {  	_ =	swait.ge [sflag:s6], $0x4000  }
0x7cb: {  	[sflag:s6] =	ssyncset.done $0x0  }
.Ltmp45:
0x7cc: {  	_ = 	snop;
	(pc) =	sbr.rel .LBB2_74-.Ltmp45, $1  }
0x7cd: {  	_ =	sdelay $0x3  }
.LBB2_76:
0x7ce: {  	_ =	sfence.sel $0x180000  }
0x7cf: {  	[bflag:$0x0] =	sbarrier.arrive $0xFFFF  }
0x7d0: {  	_ =	strace $0x90000047  }
0x7d1: {  	s0 =	stileid.u32;
	[bflag:$0x2] =	sbarrier.arrive $0xFFFF  }
0x7d2: {  	p0 =	sne.s32 s0, $0x0;
	s0 =	rddreg [dreg:$0x3]  }
0x7d3: {  	s0 =	sadd.s32 @!p0 $0x100000, s0  }
0x7d4: {  	[sflag:s0] =	ssyncadd.tile.s32 @!p0 $0x1;
	_ =	shalt  }
.Lfunc_end2:
_tile_overlayer_lowered:
.L_overlay_start_2:
0x7d5: {  	(tag) =	ssettag $0x2  }
0x7d6: {  	s0 =	rddreg [dreg:$0x0];
	s2 =	stileid.u32  }
0x7d7: {  	s1 =	rddreg [dreg:$0x1];
	p0 =	sne.s32 s2, $0x0  }
0x7d8: {  	s3 =	rddreg [dreg:$0x2];
	[bflag:$0x3] =	sbarrier.arrive $0xFFFF;
	s2 =	simm.s32 @!p0 $0x1C08  }
0x7d9: {  	[timem:s3], [sflag:s2] =	dma.local @!p0 [hbm:s0], s1  }
0x7da: {  	s0 =	simm.s32 @!p0 $0x8  }
0x7db: {  	_ =	swait.ge @!p0 [sflag:s0], s1  }
0x7dc: {  	s1 =	ssub.s32 @!p0 $0x0, s1;
	[sflag:s0] =	ssyncset.done @!p0 $0x0  }
0x7dd: {  	[sflag:s0] =	ssyncadd.s32 @!p0 s1  }
0x7de: {  	[bflag:$0x3] =	sbarrier.arrive $0xFFFF  }
0x7df: {  	_ =	shalt  }

</sc_bundles>
